<compile_context>
chip_gen: v7x
topology: tpu7x:2x2x1
jax: 0.10.2.dev20260603
libtpu: 0.0.44.dev20260713+nightly
codegen_flags: <defaults>
</compile_context>

<pallas_src>
import functools

import jax
import jax.numpy as jnp
from jax import lax
from jax.experimental import pallas as pl
from jax.experimental.pallas import tpu as pltpu
from jax.experimental.pallas import tpu_sc as plsc

P = 7
H = 32
W = 32
C = 192
CH = 96
CW = 128
NLVL = 9
TROWS = NLVL * H * W
NZROWS = 256
ZROW = TROWS
TPAD = TROWS + NZROWS
RPB = 4 * P * P
RPB_PAD = 208
GCH = 104
NW = 32
BPT = 33
DEPTH = 6
NOB = DEPTH // 2


def _idx_math(rb, boxn, slot, ph, pw, jj, n):
    rsw = rb[:, 0:1]
    rsh = rb[:, 1:2]
    rew = rb[:, 2:3]
    reh = rb[:, 3:4]
    roi_w = jnp.maximum(rew - rsw + 1, 1)
    roi_h = jnp.maximum(reh - rsh + 1, 1)
    inv7 = jnp.float32(1.0 / 7.0)

    def fdiv7(x):
        return jnp.floor((x.astype(jnp.float32) + 0.5) * inv7).astype(jnp.int32)

    def seg(pb, rs, roi, lim):
        start = jnp.clip(fdiv7(pb * roi) + rs, 0, lim)
        end = jnp.clip(fdiv7((pb + 1) * roi - 1) + 1 + rs, 0, lim)
        ln = end - start
        pw2 = jnp.where(ln >= 4, 4, jnp.where(ln >= 2, 2, 1))
        k = jnp.where(ln >= 4, 2, jnp.where(ln >= 2, 1, 0))
        return start, end - pw2, k, ln <= 0

    ha, hb, kh, eh = seg(ph, rsh, roi_h, H)
    wa, wb, kw, ew = seg(pw, rsw, roi_w, W)

    base = (kh * 3 + kw) * (H * W)
    ih = jnp.where(jj >= 2, hb, ha) * W
    iw = jnp.where((jj & 1) == 1, wb, wa)
    idx = base + ih + iw
    zspread = ZROW + ((boxn * 83 + slot) & (NZROWS - 1))
    bad = eh | ew | (boxn >= n) | (slot >= RPB)
    return jnp.clip(jnp.where(bad, zspread, idx), 0, TPAD - 1)


def _pack(wk):
    lo = lax.bitcast_convert_type(wk[:, :CH].astype(jnp.bfloat16), jnp.uint16)
    hi = lax.bitcast_convert_type(wk[:, CH:C].astype(jnp.bfloat16), jnp.uint16)
    w = (hi.astype(jnp.uint32) << 16) | lo.astype(jnp.uint32)
    w = lax.bitcast_convert_type(w, jnp.float32)
    return jnp.concatenate(
        [w, jnp.zeros((wk.shape[0], CW - CH), jnp.float32)], axis=1
    )


def _build_tables_and_idx(fmap, rbox, cols, n, npad):

    nslot = 256

    def body(f_ref, b_ref, c_ref, out_ref, idx_ref):
        rb = jnp.concatenate(
            [b_ref[...], jnp.zeros((npad - n, 4), jnp.int32)], axis=0
        )
        cc = c_ref[...]
        ph = jnp.broadcast_to(cc[0:1, :], (npad, nslot))
        pw = jnp.broadcast_to(cc[1:2, :], (npad, nslot))
        jj = jnp.broadcast_to(cc[2:3, :], (npad, nslot))
        boxn = lax.broadcasted_iota(jnp.int32, (npad, nslot), 0)
        slot = lax.broadcasted_iota(jnp.int32, (npad, nslot), 1)
        idx = _idx_math(rb, boxn, slot, ph, pw, jj, n)
        idx_ref[...] = idx[:, :RPB_PAD]

        _tables_body(f_ref, out_ref)

    return pl.pallas_call(
        body,
        out_shape=(
            jax.ShapeDtypeStruct((TPAD, CW), jnp.float32),
            jax.ShapeDtypeStruct((npad, RPB_PAD), jnp.int32),
        ),
    )(fmap, rbox, cols)


def _tables_body(f_ref, out_ref):
    x = f_ref[...]
    xt = jnp.transpose(x.reshape(C, H * W))
    x3 = xt.reshape(H, W, C)

    def shift_h(a, d):
        tail = jnp.broadcast_to(a[H - 1 :], (d, W, C))
        return jnp.concatenate([a[d:], tail], axis=0)

    def shift_w(a, d):
        tail = jnp.broadcast_to(a[:, W - 1 :], (H, d, C))
        return jnp.concatenate([a[:, d:], tail], axis=1)

    h0 = x3
    h1 = jnp.maximum(h0, shift_h(h0, 1))
    h2 = jnp.maximum(h1, shift_h(h1, 2))
    for kh, hk in enumerate((h0, h1, h2)):
        w0 = hk
        w1 = jnp.maximum(w0, shift_w(w0, 1))
        w2 = jnp.maximum(w1, shift_w(w1, 2))
        for kw, wk in enumerate((w0, w1, w2)):
            lvl = kh * 3 + kw
            out_ref[pl.ds(lvl * H * W, H * W), :] = _pack(wk.reshape(H * W, C))
    out_ref[pl.ds(TROWS, NZROWS), :] = jnp.zeros((NZROWS, CW), jnp.float32)


def _sc_gather_max(table, idx, npad):
    mesh = plsc.VectorSubcoreMesh(core_axis_name="c", subcore_axis_name="s")

    @functools.partial(
        pl.kernel,
        mesh=mesh,
        compiler_params=pltpu.CompilerParams(needs_layout_passes=False),
        out_type=jax.ShapeDtypeStruct((npad, P * P, CW), jnp.float32),
        scratch_types=(
            [pltpu.VMEM((BPT, 2, GCH), jnp.int32)]
            + [pltpu.VMEM((GCH, CW), jnp.float32)] * DEPTH
            + [pltpu.VMEM((P * P, CW), jnp.float32)] * NOB
            + [pltpu.SemaphoreType.DMA] * (DEPTH + NOB)
        ),
    )
    def k(table_hbm, idx_hbm, out_hbm, idx_v, *bufs):
        wid = lax.axis_index("s") * 2 + lax.axis_index("c")
        slots = bufs[:DEPTH]
        obufs = bufs[DEPTH : DEPTH + NOB]
        gsems = bufs[DEPTH + NOB : 2 * DEPTH + NOB]
        osems = bufs[2 * DEPTH + NOB :]
        base_box = wid * BPT

        pltpu.sync_copy(idx_hbm.at[pl.ds(base_box, BPT)], idx_v)

        def issue(slot_i, box_local, half):
            pltpu.async_copy(
                table_hbm.at[idx_v.at[box_local, half]],
                slots[slot_i],
                gsems[slot_i],
            )

        for i in range(DEPTH):
            issue(i, i // 2, i % 2)

        def compute_chunk(slot_i, obuf_i, half):
            nbins = 26 if half == 0 else P * P - 26
            soff = 26 * half

            sbuf = slots[slot_i]
            obuf = obufs[obuf_i]

            def bin_body(sl, carry):
                rr = sl * 4
                for hh in range(CH // 16):
                    cs = pl.ds(hh * 16, 16)
                    g0 = plsc.bitcast(sbuf[rr, cs], jnp.bfloat16)
                    g1 = plsc.bitcast(sbuf[rr + 1, cs], jnp.bfloat16)
                    g2 = plsc.bitcast(sbuf[rr + 2, cs], jnp.bfloat16)
                    g3 = plsc.bitcast(sbuf[rr + 3, cs], jnp.bfloat16)
                    m = jnp.maximum(jnp.maximum(g0, g1), jnp.maximum(g2, g3))
                    obuf[soff + sl, cs] = plsc.bitcast(m, jnp.float32)
                return carry

            lax.fori_loop(0, nbins, bin_body, 0)

        nsteps = 2 * BPT // DEPTH

        def step_body(g, carry):
            for i in range(DEPTH):
                obuf_i = i // 2
                pltpu.make_async_copy(
                    table_hbm.at[idx_v.at[0, 0]], slots[i], gsems[i]
                ).wait()
                if i % 2 == 0:
                    @pl.when(g > 0)
                    def _():
                        pltpu.make_async_copy(
                            obufs[obuf_i], out_hbm.at[0], osems[obuf_i]
                        ).wait()

                compute_chunk(i, obuf_i, i % 2)

                @pl.when(g < nsteps - 1)
                def _():
                    issue(i, (g + 1) * NOB + i // 2, i % 2)

                if i % 2 == 1:
                    box = base_box + g * NOB + obuf_i
                    pltpu.async_copy(
                        obufs[obuf_i], out_hbm.at[box], osems[obuf_i]
                    )
            return carry

        lax.fori_loop(0, nsteps, step_body, 0)
        for obuf_i in range(NOB):
            pltpu.make_async_copy(
                obufs[obuf_i], out_hbm.at[0], osems[obuf_i]
            ).wait()

    return k(table, idx)


def _transpose_out(gathered, n):
    blk = 128

    def body(in_ref, out_ref):
        for s in range(P * P):
            xs = jnp.transpose(in_ref[:, s, :])
            xi = lax.bitcast_convert_type(xs, jnp.int32)
            lo = lax.bitcast_convert_type(xi << 16, jnp.float32)
            hi = lax.bitcast_convert_type(xi & jnp.int32(-65536), jnp.float32)
            out_ref[s, 0:CH, :] = lo[0:CH, :]
            out_ref[s, CH:C, :] = hi[0:CH, :]

    nblk = -(-n // blk)
    return pl.pallas_call(
        body,
        grid=(nblk,),
        in_specs=[pl.BlockSpec((blk, P * P, CW), lambda i: (i, 0, 0))],
        out_specs=pl.BlockSpec((P * P, C, blk), lambda i: (0, 0, i)),
        out_shape=jax.ShapeDtypeStruct((P * P, C, n), jnp.float32),
    )(gathered)


_COLS = None


def _slot_cols():
    global _COLS
    if _COLS is None:
        import numpy as np

        s = np.arange(256)
        b = s >> 2
        _COLS = np.stack([b // P, b % P, s & 3]).astype(np.int32)
    return _COLS


def kernel(feature, boxes, image_size):
    n = boxes.shape[0]
    ih = image_size[0].astype(jnp.float32)
    iw = image_size[1].astype(jnp.float32)
    scale = jnp.minimum(jnp.float32(H), jnp.float32(W)) / jnp.minimum(ih, iw)

    npad = NW * BPT
    rbox = jnp.round(boxes * scale).astype(jnp.int32)

    table, idx = _build_tables_and_idx(
        feature[0], rbox, jnp.asarray(_slot_cols()), n, npad
    )
    gathered = _sc_gather_max(table, idx.reshape(npad, 2, GCH), npad)
    out = _transpose_out(gathered, n)
    return jnp.transpose(out, (2, 1, 0)).reshape(n, C, P, P)

# --- scband reference (transcript-rebuilt; emitter-appended) ---
"""Pipeline reference for scband-ro-ipool-25967372272005 (READ-ONLY COPY).

The authoritative reference and input builder live on the scoring server;
editing this copy changes nothing except your own understanding.
"""

import jax, jax.numpy as jnp
import numpy as np

P = 7  # output_size


def setup_inputs(seed: int = 0) -> dict:
    key = jax.random.key(seed)
    k1, k2 = jax.random.split(key)
    feature = jax.random.normal(k1, (1, 192, 32, 32), dtype=jnp.float32)
    # boxes in normalized [0,1) coords (x1, y1, x2, y2); image_size=(1,1) so
    # spatial_scale = min(32,32)/min(1,1) = 32 maps them onto the feature map.
    boxes = jax.random.uniform(k2, (1000, 4), dtype=jnp.float32)
    image_size = jnp.ones((2,), dtype=jnp.int32)
    return {"feature": feature, "boxes": boxes, "image_size": image_size}


def reference(feature, boxes, image_size):
    # RoIPool.forward: scale = min(feat_h, feat_w) / min(img_h, img_w);
    # batch idx column is all zeros (single image), then torchvision.ops.roi_pool.
    C, H, W = feature.shape[1], feature.shape[2], feature.shape[3]
    ih = image_size[0].astype(jnp.float32)
    iw = image_size[1].astype(jnp.float32)
    scale = jnp.minimum(jnp.float32(H), jnp.float32(W)) / jnp.minimum(ih, iw)
    fmap = feature[0]  # all rois reference batch element 0
    neg = jnp.float32(-jnp.inf)
    hh = jnp.arange(H)
    ww = jnp.arange(W)
    bins = jnp.arange(P)

    def pool_one(box):
        # torchvision roi_pool semantics: round coords, width/height = max(end-start+1, 1)
        rsw = jnp.round(box[0] * scale).astype(jnp.int32)
        rsh = jnp.round(box[1] * scale).astype(jnp.int32)
        rew = jnp.round(box[2] * scale).astype(jnp.int32)
        reh = jnp.round(box[3] * scale).astype(jnp.int32)
        roi_w = jnp.maximum(rew - rsw + 1, 1)
        roi_h = jnp.maximum(reh - rsh + 1, 1)
        hstart = jnp.clip((bins * roi_h) // P + rsh, 0, H)
        hend = jnp.clip(-((-(bins + 1) * roi_h) // P) + rsh, 0, H)  # ceil div
        wstart = jnp.clip((bins * roi_w) // P + rsw, 0, W)
        wend = jnp.clip(-((-(bins + 1) * roi_w) // P) + rsw, 0, W)
        mh = (hh[None, :] >= hstart[:, None]) & (hh[None, :] < hend[:, None])  # [P,H]
        mw = (ww[None, :] >= wstart[:, None]) & (ww[None, :] < wend[:, None])  # [P,W]
        tmp = jnp.max(jnp.where(mh[None, :, :, None], fmap[:, None, :, :], neg), axis=2)  # [C,P,W]
        out = jnp.max(jnp.where(mw[None, None, :, :], tmp[:, :, None, :], neg), axis=3)  # [C,P,P]
        empty = (hend <= hstart)[:, None] | (wend <= wstart)[None, :]
        return jnp.where(empty[None, :, :], jnp.float32(0.0), out)

    rois = jax.lax.map(pool_one, boxes)  # [N, C, P, P]
    return rois

if __name__ == "__main__":
    import jax
    _d = setup_inputs()
    print(jax.jit(kernel)(*tuple(_d.values())))

</pallas_src>

<mosaic_0001>
#map = affine_map<(d0, d1) -> (0, 0)>
#map1 = affine_map<(d0, d1) -> (0, 0, 0)>
module attributes {stable_mosaic.version = 14 : i64} {
  func.func @k(%arg0: i32, %arg1: i32, %arg2: memref<9472x128xf32, #tpu.memory_space<hbm>>, %arg3: memref<1056x2x104xi32, #tpu.memory_space<hbm>>, %arg4: memref<1056x49x128xf32, #tpu.memory_space<hbm>>, %arg5: memref<33x2x104xi32, #tpu.memory_space<vmem>>, %arg6: memref<104x128xf32, #tpu.memory_space<vmem>>, %arg7: memref<104x128xf32, #tpu.memory_space<vmem>>, %arg8: memref<104x128xf32, #tpu.memory_space<vmem>>, %arg9: memref<104x128xf32, #tpu.memory_space<vmem>>, %arg10: memref<104x128xf32, #tpu.memory_space<vmem>>, %arg11: memref<104x128xf32, #tpu.memory_space<vmem>>, %arg12: memref<49x128xf32, #tpu.memory_space<vmem>>, %arg13: memref<49x128xf32, #tpu.memory_space<vmem>>, %arg14: memref<49x128xf32, #tpu.memory_space<vmem>>, %arg15: memref<!tpu.dma_semaphore, #tpu.memory_space<semaphore_mem>>, %arg16: memref<!tpu.dma_semaphore, #tpu.memory_space<semaphore_mem>>, %arg17: memref<!tpu.dma_semaphore, #tpu.memory_space<semaphore_mem>>, %arg18: memref<!tpu.dma_semaphore, #tpu.memory_space<semaphore_mem>>, %arg19: memref<!tpu.dma_semaphore, #tpu.memory_space<semaphore_mem>>, %arg20: memref<!tpu.dma_semaphore, #tpu.memory_space<semaphore_mem>>, %arg21: memref<!tpu.dma_semaphore, #tpu.memory_space<semaphore_mem>>, %arg22: memref<!tpu.dma_semaphore, #tpu.memory_space<semaphore_mem>>, %arg23: memref<!tpu.dma_semaphore, #tpu.memory_space<semaphore_mem>>) attributes {dimension_semantics = [#tpu.dimension_semantics<core_parallel>, #tpu.dimension_semantics<subcore_parallel>], iteration_bounds = array<i64: 2, 16>, scalar_prefetch = 0 : i64, scratch_operands = 19 : i64, tpu.core_type = #tpu.core_type<sc_vector_subcore>, window_params = [{transform_indices = #map}, {transform_indices = #map1}, {transform_indices = #map1}]} {
    %mul3A = arith.constant 2 : i32
    %mul3A_0 = arith.muli %arg1, %mul3A : i32
    %add3A = arith.addi %mul3A_0, %arg0 : i32
    %mul3A_1 = arith.constant 33 : i32
    %mul3A_2 = arith.muli %add3A, %mul3A_1 : i32
    "tpu.region"() ({
      %run_scoped3A = tpu.sem_alloc : memref<!tpu.dma_semaphore, #tpu.memory_space<semaphore_mem>>
      %dma_start3A_81 = arith.constant 0 : i32
      %dma_start3A_82 = arith.constant 0 : i32
      %dma_start3A_83 = tpu.memref_slice %arg3[%mul3A_2, %dma_start3A_81, %dma_start3A_82] : memref<1056x2x104xi32, #tpu.memory_space<hbm>> -> memref<33x2x104xi32, #tpu.memory_space<hbm>>
      %dma_start3A_84 = arith.constant 0 : i32
      %dma_start3A_85 = arith.constant 0 : i32
      %dma_start3A_86 = tpu.memref_slice %arg3[%mul3A_2, %dma_start3A_84, %dma_start3A_85] : memref<1056x2x104xi32, #tpu.memory_space<hbm>> -> memref<33x2x104xi32, #tpu.memory_space<hbm>>
      tpu.enqueue_dma source(%dma_start3A_86 : memref<33x2x104xi32, #tpu.memory_space<hbm>>) target(%arg5 : memref<33x2x104xi32, #tpu.memory_space<vmem>>) target_semaphore(%run_scoped3A : memref<!tpu.dma_semaphore, #tpu.memory_space<semaphore_mem>>)
      %dma_wait3A_87 = arith.constant 0 : i32
      %dma_wait3A_88 = arith.constant 0 : i32
      %dma_wait3A_89 = tpu.memref_slice %arg3[%mul3A_2, %dma_wait3A_87, %dma_wait3A_88] : memref<1056x2x104xi32, #tpu.memory_space<hbm>> -> memref<33x2x104xi32, #tpu.memory_space<hbm>>
      %dma_wait3A_90 = arith.constant 0 : i32
      %dma_wait3A_91 = arith.constant 0 : i32
      %dma_wait3A_92 = tpu.memref_slice %arg3[%mul3A_2, %dma_wait3A_90, %dma_wait3A_91] : memref<1056x2x104xi32, #tpu.memory_space<hbm>> -> memref<33x2x104xi32, #tpu.memory_space<hbm>>
      tpu.wait_dma2 semaphore(%run_scoped3A : memref<!tpu.dma_semaphore, #tpu.memory_space<semaphore_mem>>) src(%dma_wait3A_92 : memref<33x2x104xi32, #tpu.memory_space<hbm>>) dst(%arg5 : memref<33x2x104xi32, #tpu.memory_space<vmem>>)
      tpu.yield
    }) : () -> ()
    %dma_start3A = arith.constant 0 : i32
    %dma_start3A_3 = arith.constant 0 : i32
    %dma_start3A_4 = arith.constant 0 : i32
    %dma_start3A_5 = tpu.memref_slice %arg5[%dma_start3A, %dma_start3A_3, %dma_start3A_4] : memref<33x2x104xi32, #tpu.memory_space<vmem>> -> memref<1x1x104xi32, #tpu.memory_space<vmem>>
    %dma_start3A_6 = tpu.memref_squeeze %dma_start3A_5 : memref<1x1x104xi32, #tpu.memory_space<vmem>> -> memref<104xi32, #tpu.memory_space<vmem>>
    %dma_start3A_7 = arith.constant 0 : i32
    %dma_start3A_8 = arith.constant 0 : i32
    %dma_start3A_9 = tpu.memref_slice %arg2[%dma_start3A_7, %dma_start3A_8] : memref<9472x128xf32, #tpu.memory_space<hbm>> -> memref<9472x128xf32, #tpu.memory_space<hbm>>
    tpu.enqueue_indirect_dma source(%dma_start3A_9 : memref<9472x128xf32, #tpu.memory_space<hbm>>) target(%arg6 : memref<104x128xf32, #tpu.memory_space<vmem>>) offsets(%dma_start3A_6 : memref<104xi32, #tpu.memory_space<vmem>>) semaphore(%arg15 : memref<!tpu.dma_semaphore, #tpu.memory_space<semaphore_mem>>)
    %dma_start3A_10 = arith.constant 0 : i32
    %dma_start3A_11 = arith.constant 1 : i32
    %dma_start3A_12 = arith.constant 0 : i32
    %dma_start3A_13 = tpu.memref_slice %arg5[%dma_start3A_10, %dma_start3A_11, %dma_start3A_12] : memref<33x2x104xi32, #tpu.memory_space<vmem>> -> memref<1x1x104xi32, #tpu.memory_space<vmem>>
    %dma_start3A_14 = tpu.memref_squeeze %dma_start3A_13 : memref<1x1x104xi32, #tpu.memory_space<vmem>> -> memref<104xi32, #tpu.memory_space<vmem>>
    %dma_start3A_15 = arith.constant 0 : i32
    %dma_start3A_16 = arith.constant 0 : i32
    %dma_start3A_17 = tpu.memref_slice %arg2[%dma_start3A_15, %dma_start3A_16] : memref<9472x128xf32, #tpu.memory_space<hbm>> -> memref<9472x128xf32, #tpu.memory_space<hbm>>
    tpu.enqueue_indirect_dma source(%dma_start3A_17 : memref<9472x128xf32, #tpu.memory_space<hbm>>) target(%arg7 : memref<104x128xf32, #tpu.memory_space<vmem>>) offsets(%dma_start3A_14 : memref<104xi32, #tpu.memory_space<vmem>>) semaphore(%arg16 : memref<!tpu.dma_semaphore, #tpu.memory_space<semaphore_mem>>)
    %dma_start3A_18 = arith.constant 1 : i32
    %dma_start3A_19 = arith.constant 0 : i32
    %dma_start3A_20 = arith.constant 0 : i32
    %dma_start3A_21 = tpu.memref_slice %arg5[%dma_start3A_18, %dma_start3A_19, %dma_start3A_20] : memref<33x2x104xi32, #tpu.memory_space<vmem>> -> memref<1x1x104xi32, #tpu.memory_space<vmem>>
    %dma_start3A_22 = tpu.memref_squeeze %dma_start3A_21 : memref<1x1x104xi32, #tpu.memory_space<vmem>> -> memref<104xi32, #tpu.memory_space<vmem>>
    %dma_start3A_23 = arith.constant 0 : i32
    %dma_start3A_24 = arith.constant 0 : i32
    %dma_start3A_25 = tpu.memref_slice %arg2[%dma_start3A_23, %dma_start3A_24] : memref<9472x128xf32, #tpu.memory_space<hbm>> -> memref<9472x128xf32, #tpu.memory_space<hbm>>
    tpu.enqueue_indirect_dma source(%dma_start3A_25 : memref<9472x128xf32, #tpu.memory_space<hbm>>) target(%arg8 : memref<104x128xf32, #tpu.memory_space<vmem>>) offsets(%dma_start3A_22 : memref<104xi32, #tpu.memory_space<vmem>>) semaphore(%arg17 : memref<!tpu.dma_semaphore, #tpu.memory_space<semaphore_mem>>)
    %dma_start3A_26 = arith.constant 1 : i32
    %dma_start3A_27 = arith.constant 1 : i32
    %dma_start3A_28 = arith.constant 0 : i32
    %dma_start3A_29 = tpu.memref_slice %arg5[%dma_start3A_26, %dma_start3A_27, %dma_start3A_28] : memref<33x2x104xi32, #tpu.memory_space<vmem>> -> memref<1x1x104xi32, #tpu.memory_space<vmem>>
    %dma_start3A_30 = tpu.memref_squeeze %dma_start3A_29 : memref<1x1x104xi32, #tpu.memory_space<vmem>> -> memref<104xi32, #tpu.memory_space<vmem>>
    %dma_start3A_31 = arith.constant 0 : i32
    %dma_start3A_32 = arith.constant 0 : i32
    %dma_start3A_33 = tpu.memref_slice %arg2[%dma_start3A_31, %dma_start3A_32] : memref<9472x128xf32, #tpu.memory_space<hbm>> -> memref<9472x128xf32, #tpu.memory_space<hbm>>
    tpu.enqueue_indirect_dma source(%dma_start3A_33 : memref<9472x128xf32, #tpu.memory_space<hbm>>) target(%arg9 : memref<104x128xf32, #tpu.memory_space<vmem>>) offsets(%dma_start3A_30 : memref<104xi32, #tpu.memory_space<vmem>>) semaphore(%arg18 : memref<!tpu.dma_semaphore, #tpu.memory_space<semaphore_mem>>)
    %dma_start3A_34 = arith.constant 2 : i32
    %dma_start3A_35 = arith.constant 0 : i32
    %dma_start3A_36 = arith.constant 0 : i32
    %dma_start3A_37 = tpu.memref_slice %arg5[%dma_start3A_34, %dma_start3A_35, %dma_start3A_36] : memref<33x2x104xi32, #tpu.memory_space<vmem>> -> memref<1x1x104xi32, #tpu.memory_space<vmem>>
    %dma_start3A_38 = tpu.memref_squeeze %dma_start3A_37 : memref<1x1x104xi32, #tpu.memory_space<vmem>> -> memref<104xi32, #tpu.memory_space<vmem>>
    %dma_start3A_39 = arith.constant 0 : i32
    %dma_start3A_40 = arith.constant 0 : i32
    %dma_start3A_41 = tpu.memref_slice %arg2[%dma_start3A_39, %dma_start3A_40] : memref<9472x128xf32, #tpu.memory_space<hbm>> -> memref<9472x128xf32, #tpu.memory_space<hbm>>
    tpu.enqueue_indirect_dma source(%dma_start3A_41 : memref<9472x128xf32, #tpu.memory_space<hbm>>) target(%arg10 : memref<104x128xf32, #tpu.memory_space<vmem>>) offsets(%dma_start3A_38 : memref<104xi32, #tpu.memory_space<vmem>>) semaphore(%arg19 : memref<!tpu.dma_semaphore, #tpu.memory_space<semaphore_mem>>)
    %dma_start3A_42 = arith.constant 2 : i32
    %dma_start3A_43 = arith.constant 1 : i32
    %dma_start3A_44 = arith.constant 0 : i32
    %dma_start3A_45 = tpu.memref_slice %arg5[%dma_start3A_42, %dma_start3A_43, %dma_start3A_44] : memref<33x2x104xi32, #tpu.memory_space<vmem>> -> memref<1x1x104xi32, #tpu.memory_space<vmem>>
    %dma_start3A_46 = tpu.memref_squeeze %dma_start3A_45 : memref<1x1x104xi32, #tpu.memory_space<vmem>> -> memref<104xi32, #tpu.memory_space<vmem>>
    %dma_start3A_47 = arith.constant 0 : i32
    %dma_start3A_48 = arith.constant 0 : i32
    %dma_start3A_49 = tpu.memref_slice %arg2[%dma_start3A_47, %dma_start3A_48] : memref<9472x128xf32, #tpu.memory_space<hbm>> -> memref<9472x128xf32, #tpu.memory_space<hbm>>
    tpu.enqueue_indirect_dma source(%dma_start3A_49 : memref<9472x128xf32, #tpu.memory_space<hbm>>) target(%arg11 : memref<104x128xf32, #tpu.memory_space<vmem>>) offsets(%dma_start3A_46 : memref<104xi32, #tpu.memory_space<vmem>>) semaphore(%arg20 : memref<!tpu.dma_semaphore, #tpu.memory_space<semaphore_mem>>)
    %scan3A = arith.constant 0 : i32
    %scan3A_50 = arith.constant 0 : i32
    %scan3A_51 = arith.constant 11 : i32
    %scan3A_52 = arith.addi %scan3A_50, %scan3A_51 : i32
    %scan3A_53 = arith.constant 1 : i32
    scf.for %scan3A_81 = %scan3A_50 to %scan3A_52 step %scan3A_53  : i32 {
      %dma_wait3A_82 = arith.constant 0 : i32
      %dma_wait3A_83 = arith.constant 0 : i32
      %dma_wait3A_84 = arith.constant 0 : i32
      %dma_wait3A_85 = tpu.memref_slice %arg5[%dma_wait3A_82, %dma_wait3A_83, %dma_wait3A_84] : memref<33x2x104xi32, #tpu.memory_space<vmem>> -> memref<1x1x104xi32, #tpu.memory_space<vmem>>
      %dma_wait3A_86 = tpu.memref_squeeze %dma_wait3A_85 : memref<1x1x104xi32, #tpu.memory_space<vmem>> -> memref<104xi32, #tpu.memory_space<vmem>>
      %dma_wait3A_87 = arith.constant 0 : i32
      %dma_wait3A_88 = arith.constant 0 : i32
      %dma_wait3A_89 = tpu.memref_slice %arg2[%dma_wait3A_87, %dma_wait3A_88] : memref<9472x128xf32, #tpu.memory_space<hbm>> -> memref<9472x128xf32, #tpu.memory_space<hbm>>
      tpu.wait_indirect_dma semaphore(%arg15 : memref<!tpu.dma_semaphore, #tpu.memory_space<semaphore_mem>>) src(%dma_wait3A_89 : memref<9472x128xf32, #tpu.memory_space<hbm>>) dst(%arg6 : memref<104x128xf32, #tpu.memory_space<vmem>>)
      %gt3A = arith.constant 0 : i32
      %gt3A_90 = arith.cmpi sgt, %scan3A_81, %gt3A : i32
      %convert_element_type3A = arith.extui %gt3A_90 : i1 to i32
      %cond3A = arith.constant 0 : i32
      %cond3A_91 = arith.cmpi ne, %convert_element_type3A, %cond3A : i32
      scf.if %cond3A_91 {
        %dma_wait3A_246 = arith.constant 0 : i32
        %dma_wait3A_247 = arith.constant 0 : i32
        %dma_wait3A_248 = arith.constant 0 : i32
        %dma_wait3A_249 = tpu.memref_slice %arg4[%dma_wait3A_246, %dma_wait3A_247, %dma_wait3A_248] : memref<1056x49x128xf32, #tpu.memory_space<hbm>> -> memref<1x49x128xf32, #tpu.memory_space<hbm>>
        %dma_wait3A_250 = tpu.memref_squeeze %dma_wait3A_249 : memref<1x49x128xf32, #tpu.memory_space<hbm>> -> memref<49x128xf32, #tpu.memory_space<hbm>>
        %dma_wait3A_251 = arith.constant 0 : i32
        %dma_wait3A_252 = arith.constant 0 : i32
        %dma_wait3A_253 = tpu.memref_slice %arg4[%dma_wait3A_246, %dma_wait3A_251, %dma_wait3A_252] : memref<1056x49x128xf32, #tpu.memory_space<hbm>> -> memref<1x49x128xf32, #tpu.memory_space<hbm>>
        %dma_wait3A_254 = tpu.memref_squeeze %dma_wait3A_253 : memref<1x49x128xf32, #tpu.memory_space<hbm>> -> memref<49x128xf32, #tpu.memory_space<hbm>>
        tpu.wait_dma2 semaphore(%arg21 : memref<!tpu.dma_semaphore, #tpu.memory_space<semaphore_mem>>) src(%arg12 : memref<49x128xf32, #tpu.memory_space<vmem>>) dst(%dma_wait3A_254 : memref<49x128xf32, #tpu.memory_space<hbm>>)
      } else {
      }
      %scan3A_92 = arith.constant 0 : i32
      %scan3A_93 = arith.constant 0 : i32
      %scan3A_94 = arith.constant 26 : i32
      %scan3A_95 = arith.addi %scan3A_93, %scan3A_94 : i32
      %scan3A_96 = arith.constant 1 : i32
      scf.for %scan3A_246 = %scan3A_93 to %scan3A_95 step %scan3A_96  : i32 {
        %mul3A_247 = arith.constant 4 : i32
        %mul3A_248 = arith.muli %scan3A_246, %mul3A_247 : i32
        %get3A = arith.index_cast %mul3A_248 : i32 to index
        %get3A_249 = arith.constant 0 : index
        %get3A_250 = tpu.vector_load %arg6[%get3A, %get3A_249] {strides = array<i32>} : memref<104x128xf32, #tpu.memory_space<vmem>>, vector<16xf32>,
        %bitcast3A = vector.bitcast %get3A_250 : vector<16xf32> to vector<32xbf16>
        %add3A_251 = arith.constant 1 : i32
        %add3A_252 = arith.addi %mul3A_248, %add3A_251 : i32
        %get3A_253 = arith.index_cast %add3A_252 : i32 to index
        %get3A_254 = arith.constant 0 : index
        %get3A_255 = tpu.vector_load %arg6[%get3A_253, %get3A_254] {strides = array<i32>} : memref<104x128xf32, #tpu.memory_space<vmem>>, vector<16xf32>,
        %bitcast3A_256 = vector.bitcast %get3A_255 : vector<16xf32> to vector<32xbf16>
        %add3A_257 = arith.constant 2 : i32
        %add3A_258 = arith.addi %mul3A_248, %add3A_257 : i32
        %get3A_259 = arith.index_cast %add3A_258 : i32 to index
        %get3A_260 = arith.constant 0 : index
        %get3A_261 = tpu.vector_load %arg6[%get3A_259, %get3A_260] {strides = array<i32>} : memref<104x128xf32, #tpu.memory_space<vmem>>, vector<16xf32>,
        %bitcast3A_262 = vector.bitcast %get3A_261 : vector<16xf32> to vector<32xbf16>
        %add3A_263 = arith.constant 3 : i32
        %add3A_264 = arith.addi %mul3A_248, %add3A_263 : i32
        %get3A_265 = arith.index_cast %add3A_264 : i32 to index
        %get3A_266 = arith.constant 0 : index
        %get3A_267 = tpu.vector_load %arg6[%get3A_265, %get3A_266] {strides = array<i32>} : memref<104x128xf32, #tpu.memory_space<vmem>>, vector<16xf32>,
        %bitcast3A_268 = vector.bitcast %get3A_267 : vector<16xf32> to vector<32xbf16>
        %max3A = arith.maximumf %bitcast3A, %bitcast3A_256 : vector<32xbf16>
        %max3A_269 = arith.maximumf %bitcast3A_262, %bitcast3A_268 : vector<32xbf16>
        %max3A_270 = arith.maximumf %max3A, %max3A_269 : vector<32xbf16>
        %bitcast3A_271 = vector.bitcast %max3A_270 : vector<32xbf16> to vector<16xf32>
        %add3A_272 = arith.constant 0 : i32
        %add3A_273 = arith.addi %add3A_272, %scan3A_246 : i32
        %swap3A = arith.index_cast %add3A_273 : i32 to index
        %swap3A_274 = arith.constant 0 : index
        %swap3A_275 = tpu.vector_load %arg12[%swap3A, %swap3A_274] {strides = array<i32>} : memref<49x128xf32, #tpu.memory_space<vmem>>, vector<16xf32>,
        tpu.vector_store %arg12[%swap3A, %swap3A_274], %bitcast3A_271 {strides = array<i32>} : memref<49x128xf32, #tpu.memory_space<vmem>>, vector<16xf32>,
        %get3A_276 = arith.index_cast %mul3A_248 : i32 to index
        %get3A_277 = arith.constant 16 : index
        %get3A_278 = tpu.vector_load %arg6[%get3A_276, %get3A_277] {strides = array<i32>} : memref<104x128xf32, #tpu.memory_space<vmem>>, vector<16xf32>,
        %bitcast3A_279 = vector.bitcast %get3A_278 : vector<16xf32> to vector<32xbf16>
        %add3A_280 = arith.constant 1 : i32
        %add3A_281 = arith.addi %mul3A_248, %add3A_280 : i32
        %get3A_282 = arith.index_cast %add3A_281 : i32 to index
        %get3A_283 = arith.constant 16 : index
        %get3A_284 = tpu.vector_load %arg6[%get3A_282, %get3A_283] {strides = array<i32>} : memref<104x128xf32, #tpu.memory_space<vmem>>, vector<16xf32>,
        %bitcast3A_285 = vector.bitcast %get3A_284 : vector<16xf32> to vector<32xbf16>
        %add3A_286 = arith.constant 2 : i32
        %add3A_287 = arith.addi %mul3A_248, %add3A_286 : i32
        %get3A_288 = arith.index_cast %add3A_287 : i32 to index
        %get3A_289 = arith.constant 16 : index
        %get3A_290 = tpu.vector_load %arg6[%get3A_288, %get3A_289] {strides = array<i32>} : memref<104x128xf32, #tpu.memory_space<vmem>>, vector<16xf32>,
        %bitcast3A_291 = vector.bitcast %get3A_290 : vector<16xf32> to vector<32xbf16>
        %add3A_292 = arith.constant 3 : i32
        %add3A_293 = arith.addi %mul3A_248, %add3A_292 : i32
        %get3A_294 = arith.index_cast %add3A_293 : i32 to index
        %get3A_295 = arith.constant 16 : index
        %get3A_296 = tpu.vector_load %arg6[%get3A_294, %get3A_295] {strides = array<i32>} : memref<104x128xf32, #tpu.memory_space<vmem>>, vector<16xf32>,
        %bitcast3A_297 = vector.bitcast %get3A_296 : vector<16xf32> to vector<32xbf16>
        %max3A_298 = arith.maximumf %bitcast3A_279, %bitcast3A_285 : vector<32xbf16>
        %max3A_299 = arith.maximumf %bitcast3A_291, %bitcast3A_297 : vector<32xbf16>
        %max3A_300 = arith.maximumf %max3A_298, %max3A_299 : vector<32xbf16>
        %bitcast3A_301 = vector.bitcast %max3A_300 : vector<32xbf16> to vector<16xf32>
        %add3A_302 = arith.constant 0 : i32
        %add3A_303 = arith.addi %add3A_302, %scan3A_246 : i32
        %swap3A_304 = arith.index_cast %add3A_303 : i32 to index
        %swap3A_305 = arith.constant 16 : index
        %swap3A_306 = tpu.vector_load %arg12[%swap3A_304, %swap3A_305] {strides = array<i32>} : memref<49x128xf32, #tpu.memory_space<vmem>>, vector<16xf32>,
        tpu.vector_store %arg12[%swap3A_304, %swap3A_305], %bitcast3A_301 {strides = array<i32>} : memref<49x128xf32, #tpu.memory_space<vmem>>, vector<16xf32>,
        %get3A_307 = arith.index_cast %mul3A_248 : i32 to index
        %get3A_308 = arith.constant 32 : index
        %get3A_309 = tpu.vector_load %arg6[%get3A_307, %get3A_308] {strides = array<i32>} : memref<104x128xf32, #tpu.memory_space<vmem>>, vector<16xf32>,
        %bitcast3A_310 = vector.bitcast %get3A_309 : vector<16xf32> to vector<32xbf16>
        %add3A_311 = arith.constant 1 : i32
        %add3A_312 = arith.addi %mul3A_248, %add3A_311 : i32
        %get3A_313 = arith.index_cast %add3A_312 : i32 to index
        %get3A_314 = arith.constant 32 : index
        %get3A_315 = tpu.vector_load %arg6[%get3A_313, %get3A_314] {strides = array<i32>} : memref<104x128xf32, #tpu.memory_space<vmem>>, vector<16xf32>,
        %bitcast3A_316 = vector.bitcast %get3A_315 : vector<16xf32> to vector<32xbf16>
        %add3A_317 = arith.constant 2 : i32
        %add3A_318 = arith.addi %mul3A_248, %add3A_317 : i32
        %get3A_319 = arith.index_cast %add3A_318 : i32 to index
        %get3A_320 = arith.constant 32 : index
        %get3A_321 = tpu.vector_load %arg6[%get3A_319, %get3A_320] {strides = array<i32>} : memref<104x128xf32, #tpu.memory_space<vmem>>, vector<16xf32>,
        %bitcast3A_322 = vector.bitcast %get3A_321 : vector<16xf32> to vector<32xbf16>
        %add3A_323 = arith.constant 3 : i32
        %add3A_324 = arith.addi %mul3A_248, %add3A_323 : i32
        %get3A_325 = arith.index_cast %add3A_324 : i32 to index
        %get3A_326 = arith.constant 32 : index
        %get3A_327 = tpu.vector_load %arg6[%get3A_325, %get3A_326] {strides = array<i32>} : memref<104x128xf32, #tpu.memory_space<vmem>>, vector<16xf32>,
        %bitcast3A_328 = vector.bitcast %get3A_327 : vector<16xf32> to vector<32xbf16>
        %max3A_329 = arith.maximumf %bitcast3A_310, %bitcast3A_316 : vector<32xbf16>
        %max3A_330 = arith.maximumf %bitcast3A_322, %bitcast3A_328 : vector<32xbf16>
        %max3A_331 = arith.maximumf %max3A_329, %max3A_330 : vector<32xbf16>
        %bitcast3A_332 = vector.bitcast %max3A_331 : vector<32xbf16> to vector<16xf32>
        %add3A_333 = arith.constant 0 : i32
        %add3A_334 = arith.addi %add3A_333, %scan3A_246 : i32
        %swap3A_335 = arith.index_cast %add3A_334 : i32 to index
        %swap3A_336 = arith.constant 32 : index
        %swap3A_337 = tpu.vector_load %arg12[%swap3A_335, %swap3A_336] {strides = array<i32>} : memref<49x128xf32, #tpu.memory_space<vmem>>, vector<16xf32>,
        tpu.vector_store %arg12[%swap3A_335, %swap3A_336], %bitcast3A_332 {strides = array<i32>} : memref<49x128xf32, #tpu.memory_space<vmem>>, vector<16xf32>,
        %get3A_338 = arith.index_cast %mul3A_248 : i32 to index
        %get3A_339 = arith.constant 48 : index
        %get3A_340 = tpu.vector_load %arg6[%get3A_338, %get3A_339] {strides = array<i32>} : memref<104x128xf32, #tpu.memory_space<vmem>>, vector<16xf32>,
        %bitcast3A_341 = vector.bitcast %get3A_340 : vector<16xf32> to vector<32xbf16>
        %add3A_342 = arith.constant 1 : i32
        %add3A_343 = arith.addi %mul3A_248, %add3A_342 : i32
        %get3A_344 = arith.index_cast %add3A_343 : i32 to index
        %get3A_345 = arith.constant 48 : index
        %get3A_346 = tpu.vector_load %arg6[%get3A_344, %get3A_345] {strides = array<i32>} : memref<104x128xf32, #tpu.memory_space<vmem>>, vector<16xf32>,
        %bitcast3A_347 = vector.bitcast %get3A_346 : vector<16xf32> to vector<32xbf16>
        %add3A_348 = arith.constant 2 : i32
        %add3A_349 = arith.addi %mul3A_248, %add3A_348 : i32
        %get3A_350 = arith.index_cast %add3A_349 : i32 to index
        %get3A_351 = arith.constant 48 : index
        %get3A_352 = tpu.vector_load %arg6[%get3A_350, %get3A_351] {strides = array<i32>} : memref<104x128xf32, #tpu.memory_space<vmem>>, vector<16xf32>,
        %bitcast3A_353 = vector.bitcast %get3A_352 : vector<16xf32> to vector<32xbf16>
        %add3A_354 = arith.constant 3 : i32
        %add3A_355 = arith.addi %mul3A_248, %add3A_354 : i32
        %get3A_356 = arith.index_cast %add3A_355 : i32 to index
        %get3A_357 = arith.constant 48 : index
        %get3A_358 = tpu.vector_load %arg6[%get3A_356, %get3A_357] {strides = array<i32>} : memref<104x128xf32, #tpu.memory_space<vmem>>, vector<16xf32>,
        %bitcast3A_359 = vector.bitcast %get3A_358 : vector<16xf32> to vector<32xbf16>
        %max3A_360 = arith.maximumf %bitcast3A_341, %bitcast3A_347 : vector<32xbf16>
        %max3A_361 = arith.maximumf %bitcast3A_353, %bitcast3A_359 : vector<32xbf16>
        %max3A_362 = arith.maximumf %max3A_360, %max3A_361 : vector<32xbf16>
        %bitcast3A_363 = vector.bitcast %max3A_362 : vector<32xbf16> to vector<16xf32>
        %add3A_364 = arith.constant 0 : i32
        %add3A_365 = arith.addi %add3A_364, %scan3A_246 : i32
        %swap3A_366 = arith.index_cast %add3A_365 : i32 to index
        %swap3A_367 = arith.constant 48 : index
        %swap3A_368 = tpu.vector_load %arg12[%swap3A_366, %swap3A_367] {strides = array<i32>} : memref<49x128xf32, #tpu.memory_space<vmem>>, vector<16xf32>,
        tpu.vector_store %arg12[%swap3A_366, %swap3A_367], %bitcast3A_363 {strides = array<i32>} : memref<49x128xf32, #tpu.memory_space<vmem>>, vector<16xf32>,
        %get3A_369 = arith.index_cast %mul3A_248 : i32 to index
        %get3A_370 = arith.constant 64 : index
        %get3A_371 = tpu.vector_load %arg6[%get3A_369, %get3A_370] {strides = array<i32>} : memref<104x128xf32, #tpu.memory_space<vmem>>, vector<16xf32>,
        %bitcast3A_372 = vector.bitcast %get3A_371 : vector<16xf32> to vector<32xbf16>
        %add3A_373 = arith.constant 1 : i32
        %add3A_374 = arith.addi %mul3A_248, %add3A_373 : i32
        %get3A_375 = arith.index_cast %add3A_374 : i32 to index
        %get3A_376 = arith.constant 64 : index
        %get3A_377 = tpu.vector_load %arg6[%get3A_375, %get3A_376] {strides = array<i32>} : memref<104x128xf32, #tpu.memory_space<vmem>>, vector<16xf32>,
        %bitcast3A_378 = vector.bitcast %get3A_377 : vector<16xf32> to vector<32xbf16>
        %add3A_379 = arith.constant 2 : i32
        %add3A_380 = arith.addi %mul3A_248, %add3A_379 : i32
        %get3A_381 = arith.index_cast %add3A_380 : i32 to index
        %get3A_382 = arith.constant 64 : index
        %get3A_383 = tpu.vector_load %arg6[%get3A_381, %get3A_382] {strides = array<i32>} : memref<104x128xf32, #tpu.memory_space<vmem>>, vector<16xf32>,
        %bitcast3A_384 = vector.bitcast %get3A_383 : vector<16xf32> to vector<32xbf16>
        %add3A_385 = arith.constant 3 : i32
        %add3A_386 = arith.addi %mul3A_248, %add3A_385 : i32
        %get3A_387 = arith.index_cast %add3A_386 : i32 to index
        %get3A_388 = arith.constant 64 : index
        %get3A_389 = tpu.vector_load %arg6[%get3A_387, %get3A_388] {strides = array<i32>} : memref<104x128xf32, #tpu.memory_space<vmem>>, vector<16xf32>,
        %bitcast3A_390 = vector.bitcast %get3A_389 : vector<16xf32> to vector<32xbf16>
        %max3A_391 = arith.maximumf %bitcast3A_372, %bitcast3A_378 : vector<32xbf16>
        %max3A_392 = arith.maximumf %bitcast3A_384, %bitcast3A_390 : vector<32xbf16>
        %max3A_393 = arith.maximumf %max3A_391, %max3A_392 : vector<32xbf16>
        %bitcast3A_394 = vector.bitcast %max3A_393 : vector<32xbf16> to vector<16xf32>
        %add3A_395 = arith.constant 0 : i32
        %add3A_396 = arith.addi %add3A_395, %scan3A_246 : i32
        %swap3A_397 = arith.index_cast %add3A_396 : i32 to index
        %swap3A_398 = arith.constant 64 : index
        %swap3A_399 = tpu.vector_load %arg12[%swap3A_397, %swap3A_398] {strides = array<i32>} : memref<49x128xf32, #tpu.memory_space<vmem>>, vector<16xf32>,
        tpu.vector_store %arg12[%swap3A_397, %swap3A_398], %bitcast3A_394 {strides = array<i32>} : memref<49x128xf32, #tpu.memory_space<vmem>>, vector<16xf32>,
        %get3A_400 = arith.index_cast %mul3A_248 : i32 to index
        %get3A_401 = arith.constant 80 : index
        %get3A_402 = tpu.vector_load %arg6[%get3A_400, %get3A_401] {strides = array<i32>} : memref<104x128xf32, #tpu.memory_space<vmem>>, vector<16xf32>,
        %bitcast3A_403 = vector.bitcast %get3A_402 : vector<16xf32> to vector<32xbf16>
        %add3A_404 = arith.constant 1 : i32
        %add3A_405 = arith.addi %mul3A_248, %add3A_404 : i32
        %get3A_406 = arith.index_cast %add3A_405 : i32 to index
        %get3A_407 = arith.constant 80 : index
        %get3A_408 = tpu.vector_load %arg6[%get3A_406, %get3A_407] {strides = array<i32>} : memref<104x128xf32, #tpu.memory_space<vmem>>, vector<16xf32>,
        %bitcast3A_409 = vector.bitcast %get3A_408 : vector<16xf32> to vector<32xbf16>
        %add3A_410 = arith.constant 2 : i32
        %add3A_411 = arith.addi %mul3A_248, %add3A_410 : i32
        %get3A_412 = arith.index_cast %add3A_411 : i32 to index
        %get3A_413 = arith.constant 80 : index
        %get3A_414 = tpu.vector_load %arg6[%get3A_412, %get3A_413] {strides = array<i32>} : memref<104x128xf32, #tpu.memory_space<vmem>>, vector<16xf32>,
        %bitcast3A_415 = vector.bitcast %get3A_414 : vector<16xf32> to vector<32xbf16>
        %add3A_416 = arith.constant 3 : i32
        %add3A_417 = arith.addi %mul3A_248, %add3A_416 : i32
        %get3A_418 = arith.index_cast %add3A_417 : i32 to index
        %get3A_419 = arith.constant 80 : index
        %get3A_420 = tpu.vector_load %arg6[%get3A_418, %get3A_419] {strides = array<i32>} : memref<104x128xf32, #tpu.memory_space<vmem>>, vector<16xf32>,
        %bitcast3A_421 = vector.bitcast %get3A_420 : vector<16xf32> to vector<32xbf16>
        %max3A_422 = arith.maximumf %bitcast3A_403, %bitcast3A_409 : vector<32xbf16>
        %max3A_423 = arith.maximumf %bitcast3A_415, %bitcast3A_421 : vector<32xbf16>
        %max3A_424 = arith.maximumf %max3A_422, %max3A_423 : vector<32xbf16>
        %bitcast3A_425 = vector.bitcast %max3A_424 : vector<32xbf16> to vector<16xf32>
        %add3A_426 = arith.constant 0 : i32
        %add3A_427 = arith.addi %add3A_426, %scan3A_246 : i32
        %swap3A_428 = arith.index_cast %add3A_427 : i32 to index
        %swap3A_429 = arith.constant 80 : index
        %swap3A_430 = tpu.vector_load %arg12[%swap3A_428, %swap3A_429] {strides = array<i32>} : memref<49x128xf32, #tpu.memory_space<vmem>>, vector<16xf32>,
        tpu.vector_store %arg12[%swap3A_428, %swap3A_429], %bitcast3A_425 {strides = array<i32>} : memref<49x128xf32, #tpu.memory_space<vmem>>, vector<16xf32>,
      }
      %scan3A_97 = arith.constant 26 : i32
      %lt3A = arith.constant 10 : i32
      %lt3A_98 = arith.cmpi slt, %scan3A_81, %lt3A : i32
      %convert_element_type3A_99 = arith.extui %lt3A_98 : i1 to i32
      %cond3A_100 = arith.constant 0 : i32
      %cond3A_101 = arith.cmpi ne, %convert_element_type3A_99, %cond3A_100 : i32
      scf.if %cond3A_101 {
        %add3A_246 = arith.constant 1 : i32
        %add3A_247 = arith.addi %scan3A_81, %add3A_246 : i32
        %mul3A_248 = arith.constant 3 : i32
        %mul3A_249 = arith.muli %add3A_247, %mul3A_248 : i32
        %add3A_250 = arith.constant 0 : i32
        %add3A_251 = arith.addi %mul3A_249, %add3A_250 : i32
        %dma_start3A_252 = arith.constant 0 : i32
        %dma_start3A_253 = arith.constant 0 : i32
        %dma_start3A_254 = tpu.memref_slice %arg5[%add3A_251, %dma_start3A_252, %dma_start3A_253] : memref<33x2x104xi32, #tpu.memory_space<vmem>> -> memref<1x1x104xi32, #tpu.memory_space<vmem>>
        %dma_start3A_255 = tpu.memref_squeeze %dma_start3A_254 : memref<1x1x104xi32, #tpu.memory_space<vmem>> -> memref<104xi32, #tpu.memory_space<vmem>>
        %dma_start3A_256 = arith.constant 0 : i32
        %dma_start3A_257 = arith.constant 0 : i32
        %dma_start3A_258 = tpu.memref_slice %arg2[%dma_start3A_256, %dma_start3A_257] : memref<9472x128xf32, #tpu.memory_space<hbm>> -> memref<9472x128xf32, #tpu.memory_space<hbm>>
        tpu.enqueue_indirect_dma source(%dma_start3A_258 : memref<9472x128xf32, #tpu.memory_space<hbm>>) target(%arg6 : memref<104x128xf32, #tpu.memory_space<vmem>>) offsets(%dma_start3A_255 : memref<104xi32, #tpu.memory_space<vmem>>) semaphore(%arg15 : memref<!tpu.dma_semaphore, #tpu.memory_space<semaphore_mem>>)
      } else {
      }
      %dma_wait3A_102 = arith.constant 0 : i32
      %dma_wait3A_103 = arith.constant 0 : i32
      %dma_wait3A_104 = arith.constant 0 : i32
      %dma_wait3A_105 = tpu.memref_slice %arg5[%dma_wait3A_102, %dma_wait3A_103, %dma_wait3A_104] : memref<33x2x104xi32, #tpu.memory_space<vmem>> -> memref<1x1x104xi32, #tpu.memory_space<vmem>>
      %dma_wait3A_106 = tpu.memref_squeeze %dma_wait3A_105 : memref<1x1x104xi32, #tpu.memory_space<vmem>> -> memref<104xi32, #tpu.memory_space<vmem>>
      %dma_wait3A_107 = arith.constant 0 : i32
      %dma_wait3A_108 = arith.constant 0 : i32
      %dma_wait3A_109 = tpu.memref_slice %arg2[%dma_wait3A_107, %dma_wait3A_108] : memref<9472x128xf32, #tpu.memory_space<hbm>> -> memref<9472x128xf32, #tpu.memory_space<hbm>>
      tpu.wait_indirect_dma semaphore(%arg16 : memref<!tpu.dma_semaphore, #tpu.memory_space<semaphore_mem>>) src(%dma_wait3A_109 : memref<9472x128xf32, #tpu.memory_space<hbm>>) dst(%arg7 : memref<104x128xf32, #tpu.memory_space<vmem>>)
      %scan3A_110 = arith.constant 0 : i32
      %scan3A_111 = arith.constant 0 : i32
      %scan3A_112 = arith.constant 23 : i32
      %scan3A_113 = arith.addi %scan3A_111, %scan3A_112 : i32
      %scan3A_114 = arith.constant 1 : i32
      scf.for %scan3A_246 = %scan3A_111 to %scan3A_113 step %scan3A_114  : i32 {
        %mul3A_247 = arith.constant 4 : i32
        %mul3A_248 = arith.muli %scan3A_246, %mul3A_247 : i32
        %get3A = arith.index_cast %mul3A_248 : i32 to index
        %get3A_249 = arith.constant 0 : index
        %get3A_250 = tpu.vector_load %arg7[%get3A, %get3A_249] {strides = array<i32>} : memref<104x128xf32, #tpu.memory_space<vmem>>, vector<16xf32>,
        %bitcast3A = vector.bitcast %get3A_250 : vector<16xf32> to vector<32xbf16>
        %add3A_251 = arith.constant 1 : i32
        %add3A_252 = arith.addi %mul3A_248, %add3A_251 : i32
        %get3A_253 = arith.index_cast %add3A_252 : i32 to index
        %get3A_254 = arith.constant 0 : index
        %get3A_255 = tpu.vector_load %arg7[%get3A_253, %get3A_254] {strides = array<i32>} : memref<104x128xf32, #tpu.memory_space<vmem>>, vector<16xf32>,
        %bitcast3A_256 = vector.bitcast %get3A_255 : vector<16xf32> to vector<32xbf16>
        %add3A_257 = arith.constant 2 : i32
        %add3A_258 = arith.addi %mul3A_248, %add3A_257 : i32
        %get3A_259 = arith.index_cast %add3A_258 : i32 to index
        %get3A_260 = arith.constant 0 : index
        %get3A_261 = tpu.vector_load %arg7[%get3A_259, %get3A_260] {strides = array<i32>} : memref<104x128xf32, #tpu.memory_space<vmem>>, vector<16xf32>,
        %bitcast3A_262 = vector.bitcast %get3A_261 : vector<16xf32> to vector<32xbf16>
        %add3A_263 = arith.constant 3 : i32
        %add3A_264 = arith.addi %mul3A_248, %add3A_263 : i32
        %get3A_265 = arith.index_cast %add3A_264 : i32 to index
        %get3A_266 = arith.constant 0 : index
        %get3A_267 = tpu.vector_load %arg7[%get3A_265, %get3A_266] {strides = array<i32>} : memref<104x128xf32, #tpu.memory_space<vmem>>, vector<16xf32>,
        %bitcast3A_268 = vector.bitcast %get3A_267 : vector<16xf32> to vector<32xbf16>
        %max3A = arith.maximumf %bitcast3A, %bitcast3A_256 : vector<32xbf16>
        %max3A_269 = arith.maximumf %bitcast3A_262, %bitcast3A_268 : vector<32xbf16>
        %max3A_270 = arith.maximumf %max3A, %max3A_269 : vector<32xbf16>
        %bitcast3A_271 = vector.bitcast %max3A_270 : vector<32xbf16> to vector<16xf32>
        %add3A_272 = arith.constant 26 : i32
        %add3A_273 = arith.addi %add3A_272, %scan3A_246 : i32
        %swap3A = arith.index_cast %add3A_273 : i32 to index
        %swap3A_274 = arith.constant 0 : index
        %swap3A_275 = tpu.vector_load %arg12[%swap3A, %swap3A_274] {strides = array<i32>} : memref<49x128xf32, #tpu.memory_space<vmem>>, vector<16xf32>,
        tpu.vector_store %arg12[%swap3A, %swap3A_274], %bitcast3A_271 {strides = array<i32>} : memref<49x128xf32, #tpu.memory_space<vmem>>, vector<16xf32>,
        %get3A_276 = arith.index_cast %mul3A_248 : i32 to index
        %get3A_277 = arith.constant 16 : index
        %get3A_278 = tpu.vector_load %arg7[%get3A_276, %get3A_277] {strides = array<i32>} : memref<104x128xf32, #tpu.memory_space<vmem>>, vector<16xf32>,
        %bitcast3A_279 = vector.bitcast %get3A_278 : vector<16xf32> to vector<32xbf16>
        %add3A_280 = arith.constant 1 : i32
        %add3A_281 = arith.addi %mul3A_248, %add3A_280 : i32
        %get3A_282 = arith.index_cast %add3A_281 : i32 to index
        %get3A_283 = arith.constant 16 : index
        %get3A_284 = tpu.vector_load %arg7[%get3A_282, %get3A_283] {strides = array<i32>} : memref<104x128xf32, #tpu.memory_space<vmem>>, vector<16xf32>,
        %bitcast3A_285 = vector.bitcast %get3A_284 : vector<16xf32> to vector<32xbf16>
        %add3A_286 = arith.constant 2 : i32
        %add3A_287 = arith.addi %mul3A_248, %add3A_286 : i32
        %get3A_288 = arith.index_cast %add3A_287 : i32 to index
        %get3A_289 = arith.constant 16 : index
        %get3A_290 = tpu.vector_load %arg7[%get3A_288, %get3A_289] {strides = array<i32>} : memref<104x128xf32, #tpu.memory_space<vmem>>, vector<16xf32>,
        %bitcast3A_291 = vector.bitcast %get3A_290 : vector<16xf32> to vector<32xbf16>
        %add3A_292 = arith.constant 3 : i32
        %add3A_293 = arith.addi %mul3A_248, %add3A_292 : i32
        %get3A_294 = arith.index_cast %add3A_293 : i32 to index
        %get3A_295 = arith.constant 16 : index
        %get3A_296 = tpu.vector_load %arg7[%get3A_294, %get3A_295] {strides = array<i32>} : memref<104x128xf32, #tpu.memory_space<vmem>>, vector<16xf32>,
        %bitcast3A_297 = vector.bitcast %get3A_296 : vector<16xf32> to vector<32xbf16>
        %max3A_298 = arith.maximumf %bitcast3A_279, %bitcast3A_285 : vector<32xbf16>
        %max3A_299 = arith.maximumf %bitcast3A_291, %bitcast3A_297 : vector<32xbf16>
        %max3A_300 = arith.maximumf %max3A_298, %max3A_299 : vector<32xbf16>
        %bitcast3A_301 = vector.bitcast %max3A_300 : vector<32xbf16> to vector<16xf32>
        %add3A_302 = arith.constant 26 : i32
        %add3A_303 = arith.addi %add3A_302, %scan3A_246 : i32
        %swap3A_304 = arith.index_cast %add3A_303 : i32 to index
        %swap3A_305 = arith.constant 16 : index
        %swap3A_306 = tpu.vector_load %arg12[%swap3A_304, %swap3A_305] {strides = array<i32>} : memref<49x128xf32, #tpu.memory_space<vmem>>, vector<16xf32>,
        tpu.vector_store %arg12[%swap3A_304, %swap3A_305], %bitcast3A_301 {strides = array<i32>} : memref<49x128xf32, #tpu.memory_space<vmem>>, vector<16xf32>,
        %get3A_307 = arith.index_cast %mul3A_248 : i32 to index
        %get3A_308 = arith.constant 32 : index
        %get3A_309 = tpu.vector_load %arg7[%get3A_307, %get3A_308] {strides = array<i32>} : memref<104x128xf32, #tpu.memory_space<vmem>>, vector<16xf32>,
        %bitcast3A_310 = vector.bitcast %get3A_309 : vector<16xf32> to vector<32xbf16>
        %add3A_311 = arith.constant 1 : i32
        %add3A_312 = arith.addi %mul3A_248, %add3A_311 : i32
        %get3A_313 = arith.index_cast %add3A_312 : i32 to index
        %get3A_314 = arith.constant 32 : index
        %get3A_315 = tpu.vector_load %arg7[%get3A_313, %get3A_314] {strides = array<i32>} : memref<104x128xf32, #tpu.memory_space<vmem>>, vector<16xf32>,
        %bitcast3A_316 = vector.bitcast %get3A_315 : vector<16xf32> to vector<32xbf16>
        %add3A_317 = arith.constant 2 : i32
        %add3A_318 = arith.addi %mul3A_248, %add3A_317 : i32
        %get3A_319 = arith.index_cast %add3A_318 : i32 to index
        %get3A_320 = arith.constant 32 : index
        %get3A_321 = tpu.vector_load %arg7[%get3A_319, %get3A_320] {strides = array<i32>} : memref<104x128xf32, #tpu.memory_space<vmem>>, vector<16xf32>,
        %bitcast3A_322 = vector.bitcast %get3A_321 : vector<16xf32> to vector<32xbf16>
        %add3A_323 = arith.constant 3 : i32
        %add3A_324 = arith.addi %mul3A_248, %add3A_323 : i32
        %get3A_325 = arith.index_cast %add3A_324 : i32 to index
        %get3A_326 = arith.constant 32 : index
        %get3A_327 = tpu.vector_load %arg7[%get3A_325, %get3A_326] {strides = array<i32>} : memref<104x128xf32, #tpu.memory_space<vmem>>, vector<16xf32>,
        %bitcast3A_328 = vector.bitcast %get3A_327 : vector<16xf32> to vector<32xbf16>
        %max3A_329 = arith.maximumf %bitcast3A_310, %bitcast3A_316 : vector<32xbf16>
        %max3A_330 = arith.maximumf %bitcast3A_322, %bitcast3A_328 : vector<32xbf16>
        %max3A_331 = arith.maximumf %max3A_329, %max3A_330 : vector<32xbf16>
        %bitcast3A_332 = vector.bitcast %max3A_331 : vector<32xbf16> to vector<16xf32>
        %add3A_333 = arith.constant 26 : i32
        %add3A_334 = arith.addi %add3A_333, %scan3A_246 : i32
        %swap3A_335 = arith.index_cast %add3A_334 : i32 to index
        %swap3A_336 = arith.constant 32 : index
        %swap3A_337 = tpu.vector_load %arg12[%swap3A_335, %swap3A_336] {strides = array<i32>} : memref<49x128xf32, #tpu.memory_space<vmem>>, vector<16xf32>,
        tpu.vector_store %arg12[%swap3A_335, %swap3A_336], %bitcast3A_332 {strides = array<i32>} : memref<49x128xf32, #tpu.memory_space<vmem>>, vector<16xf32>,
        %get3A_338 = arith.index_cast %mul3A_248 : i32 to index
        %get3A_339 = arith.constant 48 : index
        %get3A_340 = tpu.vector_load %arg7[%get3A_338, %get3A_339] {strides = array<i32>} : memref<104x128xf32, #tpu.memory_space<vmem>>, vector<16xf32>,
        %bitcast3A_341 = vector.bitcast %get3A_340 : vector<16xf32> to vector<32xbf16>
        %add3A_342 = arith.constant 1 : i32
        %add3A_343 = arith.addi %mul3A_248, %add3A_342 : i32
        %get3A_344 = arith.index_cast %add3A_343 : i32 to index
        %get3A_345 = arith.constant 48 : index
        %get3A_346 = tpu.vector_load %arg7[%get3A_344, %get3A_345] {strides = array<i32>} : memref<104x128xf32, #tpu.memory_space<vmem>>, vector<16xf32>,
        %bitcast3A_347 = vector.bitcast %get3A_346 : vector<16xf32> to vector<32xbf16>
        %add3A_348 = arith.constant 2 : i32
        %add3A_349 = arith.addi %mul3A_248, %add3A_348 : i32
        %get3A_350 = arith.index_cast %add3A_349 : i32 to index
        %get3A_351 = arith.constant 48 : index
        %get3A_352 = tpu.vector_load %arg7[%get3A_350, %get3A_351] {strides = array<i32>} : memref<104x128xf32, #tpu.memory_space<vmem>>, vector<16xf32>,
        %bitcast3A_353 = vector.bitcast %get3A_352 : vector<16xf32> to vector<32xbf16>
        %add3A_354 = arith.constant 3 : i32
        %add3A_355 = arith.addi %mul3A_248, %add3A_354 : i32
        %get3A_356 = arith.index_cast %add3A_355 : i32 to index
        %get3A_357 = arith.constant 48 : index
        %get3A_358 = tpu.vector_load %arg7[%get3A_356, %get3A_357] {strides = array<i32>} : memref<104x128xf32, #tpu.memory_space<vmem>>, vector<16xf32>,
        %bitcast3A_359 = vector.bitcast %get3A_358 : vector<16xf32> to vector<32xbf16>
        %max3A_360 = arith.maximumf %bitcast3A_341, %bitcast3A_347 : vector<32xbf16>
        %max3A_361 = arith.maximumf %bitcast3A_353, %bitcast3A_359 : vector<32xbf16>
        %max3A_362 = arith.maximumf %max3A_360, %max3A_361 : vector<32xbf16>
        %bitcast3A_363 = vector.bitcast %max3A_362 : vector<32xbf16> to vector<16xf32>
        %add3A_364 = arith.constant 26 : i32
        %add3A_365 = arith.addi %add3A_364, %scan3A_246 : i32
        %swap3A_366 = arith.index_cast %add3A_365 : i32 to index
        %swap3A_367 = arith.constant 48 : index
        %swap3A_368 = tpu.vector_load %arg12[%swap3A_366, %swap3A_367] {strides = array<i32>} : memref<49x128xf32, #tpu.memory_space<vmem>>, vector<16xf32>,
        tpu.vector_store %arg12[%swap3A_366, %swap3A_367], %bitcast3A_363 {strides = array<i32>} : memref<49x128xf32, #tpu.memory_space<vmem>>, vector<16xf32>,
        %get3A_369 = arith.index_cast %mul3A_248 : i32 to index
        %get3A_370 = arith.constant 64 : index
        %get3A_371 = tpu.vector_load %arg7[%get3A_369, %get3A_370] {strides = array<i32>} : memref<104x128xf32, #tpu.memory_space<vmem>>, vector<16xf32>,
        %bitcast3A_372 = vector.bitcast %get3A_371 : vector<16xf32> to vector<32xbf16>
        %add3A_373 = arith.constant 1 : i32
        %add3A_374 = arith.addi %mul3A_248, %add3A_373 : i32
        %get3A_375 = arith.index_cast %add3A_374 : i32 to index
        %get3A_376 = arith.constant 64 : index
        %get3A_377 = tpu.vector_load %arg7[%get3A_375, %get3A_376] {strides = array<i32>} : memref<104x128xf32, #tpu.memory_space<vmem>>, vector<16xf32>,
        %bitcast3A_378 = vector.bitcast %get3A_377 : vector<16xf32> to vector<32xbf16>
        %add3A_379 = arith.constant 2 : i32
        %add3A_380 = arith.addi %mul3A_248, %add3A_379 : i32
        %get3A_381 = arith.index_cast %add3A_380 : i32 to index
        %get3A_382 = arith.constant 64 : index
        %get3A_383 = tpu.vector_load %arg7[%get3A_381, %get3A_382] {strides = array<i32>} : memref<104x128xf32, #tpu.memory_space<vmem>>, vector<16xf32>,
        %bitcast3A_384 = vector.bitcast %get3A_383 : vector<16xf32> to vector<32xbf16>
        %add3A_385 = arith.constant 3 : i32
        %add3A_386 = arith.addi %mul3A_248, %add3A_385 : i32
        %get3A_387 = arith.index_cast %add3A_386 : i32 to index
        %get3A_388 = arith.constant 64 : index
        %get3A_389 = tpu.vector_load %arg7[%get3A_387, %get3A_388] {strides = array<i32>} : memref<104x128xf32, #tpu.memory_space<vmem>>, vector<16xf32>,
        %bitcast3A_390 = vector.bitcast %get3A_389 : vector<16xf32> to vector<32xbf16>
        %max3A_391 = arith.maximumf %bitcast3A_372, %bitcast3A_378 : vector<32xbf16>
        %max3A_392 = arith.maximumf %bitcast3A_384, %bitcast3A_390 : vector<32xbf16>
        %max3A_393 = arith.maximumf %max3A_391, %max3A_392 : vector<32xbf16>
        %bitcast3A_394 = vector.bitcast %max3A_393 : vector<32xbf16> to vector<16xf32>
        %add3A_395 = arith.constant 26 : i32
        %add3A_396 = arith.addi %add3A_395, %scan3A_246 : i32
        %swap3A_397 = arith.index_cast %add3A_396 : i32 to index
        %swap3A_398 = arith.constant 64 : index
        %swap3A_399 = tpu.vector_load %arg12[%swap3A_397, %swap3A_398] {strides = array<i32>} : memref<49x128xf32, #tpu.memory_space<vmem>>, vector<16xf32>,
        tpu.vector_store %arg12[%swap3A_397, %swap3A_398], %bitcast3A_394 {strides = array<i32>} : memref<49x128xf32, #tpu.memory_space<vmem>>, vector<16xf32>,
        %get3A_400 = arith.index_cast %mul3A_248 : i32 to index
        %get3A_401 = arith.constant 80 : index
        %get3A_402 = tpu.vector_load %arg7[%get3A_400, %get3A_401] {strides = array<i32>} : memref<104x128xf32, #tpu.memory_space<vmem>>, vector<16xf32>,
        %bitcast3A_403 = vector.bitcast %get3A_402 : vector<16xf32> to vector<32xbf16>
        %add3A_404 = arith.constant 1 : i32
        %add3A_405 = arith.addi %mul3A_248, %add3A_404 : i32
        %get3A_406 = arith.index_cast %add3A_405 : i32 to index
        %get3A_407 = arith.constant 80 : index
        %get3A_408 = tpu.vector_load %arg7[%get3A_406, %get3A_407] {strides = array<i32>} : memref<104x128xf32, #tpu.memory_space<vmem>>, vector<16xf32>,
        %bitcast3A_409 = vector.bitcast %get3A_408 : vector<16xf32> to vector<32xbf16>
        %add3A_410 = arith.constant 2 : i32
        %add3A_411 = arith.addi %mul3A_248, %add3A_410 : i32
        %get3A_412 = arith.index_cast %add3A_411 : i32 to index
        %get3A_413 = arith.constant 80 : index
        %get3A_414 = tpu.vector_load %arg7[%get3A_412, %get3A_413] {strides = array<i32>} : memref<104x128xf32, #tpu.memory_space<vmem>>, vector<16xf32>,
        %bitcast3A_415 = vector.bitcast %get3A_414 : vector<16xf32> to vector<32xbf16>
        %add3A_416 = arith.constant 3 : i32
        %add3A_417 = arith.addi %mul3A_248, %add3A_416 : i32
        %get3A_418 = arith.index_cast %add3A_417 : i32 to index
        %get3A_419 = arith.constant 80 : index
        %get3A_420 = tpu.vector_load %arg7[%get3A_418, %get3A_419] {strides = array<i32>} : memref<104x128xf32, #tpu.memory_space<vmem>>, vector<16xf32>,
        %bitcast3A_421 = vector.bitcast %get3A_420 : vector<16xf32> to vector<32xbf16>
        %max3A_422 = arith.maximumf %bitcast3A_403, %bitcast3A_409 : vector<32xbf16>
        %max3A_423 = arith.maximumf %bitcast3A_415, %bitcast3A_421 : vector<32xbf16>
        %max3A_424 = arith.maximumf %max3A_422, %max3A_423 : vector<32xbf16>
        %bitcast3A_425 = vector.bitcast %max3A_424 : vector<32xbf16> to vector<16xf32>
        %add3A_426 = arith.constant 26 : i32
        %add3A_427 = arith.addi %add3A_426, %scan3A_246 : i32
        %swap3A_428 = arith.index_cast %add3A_427 : i32 to index
        %swap3A_429 = arith.constant 80 : index
        %swap3A_430 = tpu.vector_load %arg12[%swap3A_428, %swap3A_429] {strides = array<i32>} : memref<49x128xf32, #tpu.memory_space<vmem>>, vector<16xf32>,
        tpu.vector_store %arg12[%swap3A_428, %swap3A_429], %bitcast3A_425 {strides = array<i32>} : memref<49x128xf32, #tpu.memory_space<vmem>>, vector<16xf32>,
      }
      %scan3A_115 = arith.constant 23 : i32
      %lt3A_116 = arith.constant 10 : i32
      %lt3A_117 = arith.cmpi slt, %scan3A_81, %lt3A_116 : i32
      %convert_element_type3A_118 = arith.extui %lt3A_117 : i1 to i32
      %cond3A_119 = arith.constant 0 : i32
      %cond3A_120 = arith.cmpi ne, %convert_element_type3A_118, %cond3A_119 : i32
      scf.if %cond3A_120 {
        %add3A_246 = arith.constant 1 : i32
        %add3A_247 = arith.addi %scan3A_81, %add3A_246 : i32
        %mul3A_248 = arith.constant 3 : i32
        %mul3A_249 = arith.muli %add3A_247, %mul3A_248 : i32
        %add3A_250 = arith.constant 0 : i32
        %add3A_251 = arith.addi %mul3A_249, %add3A_250 : i32
        %dma_start3A_252 = arith.constant 1 : i32
        %dma_start3A_253 = arith.constant 0 : i32
        %dma_start3A_254 = tpu.memref_slice %arg5[%add3A_251, %dma_start3A_252, %dma_start3A_253] : memref<33x2x104xi32, #tpu.memory_space<vmem>> -> memref<1x1x104xi32, #tpu.memory_space<vmem>>
        %dma_start3A_255 = tpu.memref_squeeze %dma_start3A_254 : memref<1x1x104xi32, #tpu.memory_space<vmem>> -> memref<104xi32, #tpu.memory_space<vmem>>
        %dma_start3A_256 = arith.constant 0 : i32
        %dma_start3A_257 = arith.constant 0 : i32
        %dma_start3A_258 = tpu.memref_slice %arg2[%dma_start3A_256, %dma_start3A_257] : memref<9472x128xf32, #tpu.memory_space<hbm>> -> memref<9472x128xf32, #tpu.memory_space<hbm>>
        tpu.enqueue_indirect_dma source(%dma_start3A_258 : memref<9472x128xf32, #tpu.memory_space<hbm>>) target(%arg7 : memref<104x128xf32, #tpu.memory_space<vmem>>) offsets(%dma_start3A_255 : memref<104xi32, #tpu.memory_space<vmem>>) semaphore(%arg16 : memref<!tpu.dma_semaphore, #tpu.memory_space<semaphore_mem>>)
      } else {
      }
      %mul3A_121 = arith.constant 3 : i32
      %mul3A_122 = arith.muli %scan3A_81, %mul3A_121 : i32
      %add3A_123 = arith.addi %mul3A_2, %mul3A_122 : i32
      %add3A_124 = arith.constant 0 : i32
      %add3A_125 = arith.addi %add3A_123, %add3A_124 : i32
      %dma_start3A_126 = arith.constant 0 : i32
      %dma_start3A_127 = arith.constant 0 : i32
      %dma_start3A_128 = tpu.memref_slice %arg4[%add3A_125, %dma_start3A_126, %dma_start3A_127] : memref<1056x49x128xf32, #tpu.memory_space<hbm>> -> memref<1x49x128xf32, #tpu.memory_space<hbm>>
      %dma_start3A_129 = tpu.memref_squeeze %dma_start3A_128 : memref<1x49x128xf32, #tpu.memory_space<hbm>> -> memref<49x128xf32, #tpu.memory_space<hbm>>
      %dma_start3A_130 = arith.constant 0 : i32
      %dma_start3A_131 = arith.constant 0 : i32
      %dma_start3A_132 = tpu.memref_slice %arg4[%add3A_125, %dma_start3A_130, %dma_start3A_131] : memref<1056x49x128xf32, #tpu.memory_space<hbm>> -> memref<1x49x128xf32, #tpu.memory_space<hbm>>
      %dma_start3A_133 = tpu.memref_squeeze %dma_start3A_132 : memref<1x49x128xf32, #tpu.memory_space<hbm>> -> memref<49x128xf32, #tpu.memory_space<hbm>>
      tpu.enqueue_dma source(%arg12 : memref<49x128xf32, #tpu.memory_space<vmem>>) target(%dma_start3A_133 : memref<49x128xf32, #tpu.memory_space<hbm>>) target_semaphore(%arg21 : memref<!tpu.dma_semaphore, #tpu.memory_space<semaphore_mem>>)
      %dma_wait3A_134 = arith.constant 0 : i32
      %dma_wait3A_135 = arith.constant 0 : i32
      %dma_wait3A_136 = arith.constant 0 : i32
      %dma_wait3A_137 = tpu.memref_slice %arg5[%dma_wait3A_134, %dma_wait3A_135, %dma_wait3A_136] : memref<33x2x104xi32, #tpu.memory_space<vmem>> -> memref<1x1x104xi32, #tpu.memory_space<vmem>>
      %dma_wait3A_138 = tpu.memref_squeeze %dma_wait3A_137 : memref<1x1x104xi32, #tpu.memory_space<vmem>> -> memref<104xi32, #tpu.memory_space<vmem>>
      %dma_wait3A_139 = arith.constant 0 : i32
      %dma_wait3A_140 = arith.constant 0 : i32
      %dma_wait3A_141 = tpu.memref_slice %arg2[%dma_wait3A_139, %dma_wait3A_140] : memref<9472x128xf32, #tpu.memory_space<hbm>> -> memref<9472x128xf32, #tpu.memory_space<hbm>>
      tpu.wait_indirect_dma semaphore(%arg17 : memref<!tpu.dma_semaphore, #tpu.memory_space<semaphore_mem>>) src(%dma_wait3A_141 : memref<9472x128xf32, #tpu.memory_space<hbm>>) dst(%arg8 : memref<104x128xf32, #tpu.memory_space<vmem>>)
      %gt3A_142 = arith.constant 0 : i32
      %gt3A_143 = arith.cmpi sgt, %scan3A_81, %gt3A_142 : i32
      %convert_element_type3A_144 = arith.extui %gt3A_143 : i1 to i32
      %cond3A_145 = arith.constant 0 : i32
      %cond3A_146 = arith.cmpi ne, %convert_element_type3A_144, %cond3A_145 : i32
      scf.if %cond3A_146 {
        %dma_wait3A_246 = arith.constant 0 : i32
        %dma_wait3A_247 = arith.constant 0 : i32
        %dma_wait3A_248 = arith.constant 0 : i32
        %dma_wait3A_249 = tpu.memref_slice %arg4[%dma_wait3A_246, %dma_wait3A_247, %dma_wait3A_248] : memref<1056x49x128xf32, #tpu.memory_space<hbm>> -> memref<1x49x128xf32, #tpu.memory_space<hbm>>
        %dma_wait3A_250 = tpu.memref_squeeze %dma_wait3A_249 : memref<1x49x128xf32, #tpu.memory_space<hbm>> -> memref<49x128xf32, #tpu.memory_space<hbm>>
        %dma_wait3A_251 = arith.constant 0 : i32
        %dma_wait3A_252 = arith.constant 0 : i32
        %dma_wait3A_253 = tpu.memref_slice %arg4[%dma_wait3A_246, %dma_wait3A_251, %dma_wait3A_252] : memref<1056x49x128xf32, #tpu.memory_space<hbm>> -> memref<1x49x128xf32, #tpu.memory_space<hbm>>
        %dma_wait3A_254 = tpu.memref_squeeze %dma_wait3A_253 : memref<1x49x128xf32, #tpu.memory_space<hbm>> -> memref<49x128xf32, #tpu.memory_space<hbm>>
        tpu.wait_dma2 semaphore(%arg22 : memref<!tpu.dma_semaphore, #tpu.memory_space<semaphore_mem>>) src(%arg13 : memref<49x128xf32, #tpu.memory_space<vmem>>) dst(%dma_wait3A_254 : memref<49x128xf32, #tpu.memory_space<hbm>>)
      } else {
      }
      %scan3A_147 = arith.constant 0 : i32
      %scan3A_148 = arith.constant 0 : i32
      %scan3A_149 = arith.constant 26 : i32
      %scan3A_150 = arith.addi %scan3A_148, %scan3A_149 : i32
      %scan3A_151 = arith.constant 1 : i32
      scf.for %scan3A_246 = %scan3A_148 to %scan3A_150 step %scan3A_151  : i32 {
        %mul3A_247 = arith.constant 4 : i32
        %mul3A_248 = arith.muli %scan3A_246, %mul3A_247 : i32
        %get3A = arith.index_cast %mul3A_248 : i32 to index
        %get3A_249 = arith.constant 0 : index
        %get3A_250 = tpu.vector_load %arg8[%get3A, %get3A_249] {strides = array<i32>} : memref<104x128xf32, #tpu.memory_space<vmem>>, vector<16xf32>,
        %bitcast3A = vector.bitcast %get3A_250 : vector<16xf32> to vector<32xbf16>
        %add3A_251 = arith.constant 1 : i32
        %add3A_252 = arith.addi %mul3A_248, %add3A_251 : i32
        %get3A_253 = arith.index_cast %add3A_252 : i32 to index
        %get3A_254 = arith.constant 0 : index
        %get3A_255 = tpu.vector_load %arg8[%get3A_253, %get3A_254] {strides = array<i32>} : memref<104x128xf32, #tpu.memory_space<vmem>>, vector<16xf32>,
        %bitcast3A_256 = vector.bitcast %get3A_255 : vector<16xf32> to vector<32xbf16>
        %add3A_257 = arith.constant 2 : i32
        %add3A_258 = arith.addi %mul3A_248, %add3A_257 : i32
        %get3A_259 = arith.index_cast %add3A_258 : i32 to index
        %get3A_260 = arith.constant 0 : index
        %get3A_261 = tpu.vector_load %arg8[%get3A_259, %get3A_260] {strides = array<i32>} : memref<104x128xf32, #tpu.memory_space<vmem>>, vector<16xf32>,
        %bitcast3A_262 = vector.bitcast %get3A_261 : vector<16xf32> to vector<32xbf16>
        %add3A_263 = arith.constant 3 : i32
        %add3A_264 = arith.addi %mul3A_248, %add3A_263 : i32
        %get3A_265 = arith.index_cast %add3A_264 : i32 to index
        %get3A_266 = arith.constant 0 : index
        %get3A_267 = tpu.vector_load %arg8[%get3A_265, %get3A_266] {strides = array<i32>} : memref<104x128xf32, #tpu.memory_space<vmem>>, vector<16xf32>,
        %bitcast3A_268 = vector.bitcast %get3A_267 : vector<16xf32> to vector<32xbf16>
        %max3A = arith.maximumf %bitcast3A, %bitcast3A_256 : vector<32xbf16>
        %max3A_269 = arith.maximumf %bitcast3A_262, %bitcast3A_268 : vector<32xbf16>
        %max3A_270 = arith.maximumf %max3A, %max3A_269 : vector<32xbf16>
        %bitcast3A_271 = vector.bitcast %max3A_270 : vector<32xbf16> to vector<16xf32>
        %add3A_272 = arith.constant 0 : i32
        %add3A_273 = arith.addi %add3A_272, %scan3A_246 : i32
        %swap3A = arith.index_cast %add3A_273 : i32 to index
        %swap3A_274 = arith.constant 0 : index
        %swap3A_275 = tpu.vector_load %arg13[%swap3A, %swap3A_274] {strides = array<i32>} : memref<49x128xf32, #tpu.memory_space<vmem>>, vector<16xf32>,
        tpu.vector_store %arg13[%swap3A, %swap3A_274], %bitcast3A_271 {strides = array<i32>} : memref<49x128xf32, #tpu.memory_space<vmem>>, vector<16xf32>,
        %get3A_276 = arith.index_cast %mul3A_248 : i32 to index
        %get3A_277 = arith.constant 16 : index
        %get3A_278 = tpu.vector_load %arg8[%get3A_276, %get3A_277] {strides = array<i32>} : memref<104x128xf32, #tpu.memory_space<vmem>>, vector<16xf32>,
        %bitcast3A_279 = vector.bitcast %get3A_278 : vector<16xf32> to vector<32xbf16>
        %add3A_280 = arith.constant 1 : i32
        %add3A_281 = arith.addi %mul3A_248, %add3A_280 : i32
        %get3A_282 = arith.index_cast %add3A_281 : i32 to index
        %get3A_283 = arith.constant 16 : index
        %get3A_284 = tpu.vector_load %arg8[%get3A_282, %get3A_283] {strides = array<i32>} : memref<104x128xf32, #tpu.memory_space<vmem>>, vector<16xf32>,
        %bitcast3A_285 = vector.bitcast %get3A_284 : vector<16xf32> to vector<32xbf16>
        %add3A_286 = arith.constant 2 : i32
        %add3A_287 = arith.addi %mul3A_248, %add3A_286 : i32
        %get3A_288 = arith.index_cast %add3A_287 : i32 to index
        %get3A_289 = arith.constant 16 : index
        %get3A_290 = tpu.vector_load %arg8[%get3A_288, %get3A_289] {strides = array<i32>} : memref<104x128xf32, #tpu.memory_space<vmem>>, vector<16xf32>,
        %bitcast3A_291 = vector.bitcast %get3A_290 : vector<16xf32> to vector<32xbf16>
        %add3A_292 = arith.constant 3 : i32
        %add3A_293 = arith.addi %mul3A_248, %add3A_292 : i32
        %get3A_294 = arith.index_cast %add3A_293 : i32 to index
        %get3A_295 = arith.constant 16 : index
        %get3A_296 = tpu.vector_load %arg8[%get3A_294, %get3A_295] {strides = array<i32>} : memref<104x128xf32, #tpu.memory_space<vmem>>, vector<16xf32>,
        %bitcast3A_297 = vector.bitcast %get3A_296 : vector<16xf32> to vector<32xbf16>
        %max3A_298 = arith.maximumf %bitcast3A_279, %bitcast3A_285 : vector<32xbf16>
        %max3A_299 = arith.maximumf %bitcast3A_291, %bitcast3A_297 : vector<32xbf16>
        %max3A_300 = arith.maximumf %max3A_298, %max3A_299 : vector<32xbf16>
        %bitcast3A_301 = vector.bitcast %max3A_300 : vector<32xbf16> to vector<16xf32>
        %add3A_302 = arith.constant 0 : i32
        %add3A_303 = arith.addi %add3A_302, %scan3A_246 : i32
        %swap3A_304 = arith.index_cast %add3A_303 : i32 to index
        %swap3A_305 = arith.constant 16 : index
        %swap3A_306 = tpu.vector_load %arg13[%swap3A_304, %swap3A_305] {strides = array<i32>} : memref<49x128xf32, #tpu.memory_space<vmem>>, vector<16xf32>,
        tpu.vector_store %arg13[%swap3A_304, %swap3A_305], %bitcast3A_301 {strides = array<i32>} : memref<49x128xf32, #tpu.memory_space<vmem>>, vector<16xf32>,
        %get3A_307 = arith.index_cast %mul3A_248 : i32 to index
        %get3A_308 = arith.constant 32 : index
        %get3A_309 = tpu.vector_load %arg8[%get3A_307, %get3A_308] {strides = array<i32>} : memref<104x128xf32, #tpu.memory_space<vmem>>, vector<16xf32>,
        %bitcast3A_310 = vector.bitcast %get3A_309 : vector<16xf32> to vector<32xbf16>
        %add3A_311 = arith.constant 1 : i32
        %add3A_312 = arith.addi %mul3A_248, %add3A_311 : i32
        %get3A_313 = arith.index_cast %add3A_312 : i32 to index
        %get3A_314 = arith.constant 32 : index
        %get3A_315 = tpu.vector_load %arg8[%get3A_313, %get3A_314] {strides = array<i32>} : memref<104x128xf32, #tpu.memory_space<vmem>>, vector<16xf32>,
        %bitcast3A_316 = vector.bitcast %get3A_315 : vector<16xf32> to vector<32xbf16>
        %add3A_317 = arith.constant 2 : i32
        %add3A_318 = arith.addi %mul3A_248, %add3A_317 : i32
        %get3A_319 = arith.index_cast %add3A_318 : i32 to index
        %get3A_320 = arith.constant 32 : index
        %get3A_321 = tpu.vector_load %arg8[%get3A_319, %get3A_320] {strides = array<i32>} : memref<104x128xf32, #tpu.memory_space<vmem>>, vector<16xf32>,
        %bitcast3A_322 = vector.bitcast %get3A_321 : vector<16xf32> to vector<32xbf16>
        %add3A_323 = arith.constant 3 : i32
        %add3A_324 = arith.addi %mul3A_248, %add3A_323 : i32
        %get3A_325 = arith.index_cast %add3A_324 : i32 to index
        %get3A_326 = arith.constant 32 : index
        %get3A_327 = tpu.vector_load %arg8[%get3A_325, %get3A_326] {strides = array<i32>} : memref<104x128xf32, #tpu.memory_space<vmem>>, vector<16xf32>,
        %bitcast3A_328 = vector.bitcast %get3A_327 : vector<16xf32> to vector<32xbf16>
        %max3A_329 = arith.maximumf %bitcast3A_310, %bitcast3A_316 : vector<32xbf16>
        %max3A_330 = arith.maximumf %bitcast3A_322, %bitcast3A_328 : vector<32xbf16>
        %max3A_331 = arith.maximumf %max3A_329, %max3A_330 : vector<32xbf16>
        %bitcast3A_332 = vector.bitcast %max3A_331 : vector<32xbf16> to vector<16xf32>
        %add3A_333 = arith.constant 0 : i32
        %add3A_334 = arith.addi %add3A_333, %scan3A_246 : i32
        %swap3A_335 = arith.index_cast %add3A_334 : i32 to index
        %swap3A_336 = arith.constant 32 : index
        %swap3A_337 = tpu.vector_load %arg13[%swap3A_335, %swap3A_336] {strides = array<i32>} : memref<49x128xf32, #tpu.memory_space<vmem>>, vector<16xf32>,
        tpu.vector_store %arg13[%swap3A_335, %swap3A_336], %bitcast3A_332 {strides = array<i32>} : memref<49x128xf32, #tpu.memory_space<vmem>>, vector<16xf32>,
        %get3A_338 = arith.index_cast %mul3A_248 : i32 to index
        %get3A_339 = arith.constant 48 : index
        %get3A_340 = tpu.vector_load %arg8[%get3A_338, %get3A_339] {strides = array<i32>} : memref<104x128xf32, #tpu.memory_space<vmem>>, vector<16xf32>,
        %bitcast3A_341 = vector.bitcast %get3A_340 : vector<16xf32> to vector<32xbf16>
        %add3A_342 = arith.constant 1 : i32
        %add3A_343 = arith.addi %mul3A_248, %add3A_342 : i32
        %get3A_344 = arith.index_cast %add3A_343 : i32 to index
        %get3A_345 = arith.constant 48 : index
        %get3A_346 = tpu.vector_load %arg8[%get3A_344, %get3A_345] {strides = array<i32>} : memref<104x128xf32, #tpu.memory_space<vmem>>, vector<16xf32>,
        %bitcast3A_347 = vector.bitcast %get3A_346 : vector<16xf32> to vector<32xbf16>
        %add3A_348 = arith.constant 2 : i32
        %add3A_349 = arith.addi %mul3A_248, %add3A_348 : i32
        %get3A_350 = arith.index_cast %add3A_349 : i32 to index
        %get3A_351 = arith.constant 48 : index
        %get3A_352 = tpu.vector_load %arg8[%get3A_350, %get3A_351] {strides = array<i32>} : memref<104x128xf32, #tpu.memory_space<vmem>>, vector<16xf32>,
        %bitcast3A_353 = vector.bitcast %get3A_352 : vector<16xf32> to vector<32xbf16>
        %add3A_354 = arith.constant 3 : i32
        %add3A_355 = arith.addi %mul3A_248, %add3A_354 : i32
        %get3A_356 = arith.index_cast %add3A_355 : i32 to index
        %get3A_357 = arith.constant 48 : index
        %get3A_358 = tpu.vector_load %arg8[%get3A_356, %get3A_357] {strides = array<i32>} : memref<104x128xf32, #tpu.memory_space<vmem>>, vector<16xf32>,
        %bitcast3A_359 = vector.bitcast %get3A_358 : vector<16xf32> to vector<32xbf16>
        %max3A_360 = arith.maximumf %bitcast3A_341, %bitcast3A_347 : vector<32xbf16>
        %max3A_361 = arith.maximumf %bitcast3A_353, %bitcast3A_359 : vector<32xbf16>
        %max3A_362 = arith.maximumf %max3A_360, %max3A_361 : vector<32xbf16>
        %bitcast3A_363 = vector.bitcast %max3A_362 : vector<32xbf16> to vector<16xf32>
        %add3A_364 = arith.constant 0 : i32
        %add3A_365 = arith.addi %add3A_364, %scan3A_246 : i32
        %swap3A_366 = arith.index_cast %add3A_365 : i32 to index
        %swap3A_367 = arith.constant 48 : index
        %swap3A_368 = tpu.vector_load %arg13[%swap3A_366, %swap3A_367] {strides = array<i32>} : memref<49x128xf32, #tpu.memory_space<vmem>>, vector<16xf32>,
        tpu.vector_store %arg13[%swap3A_366, %swap3A_367], %bitcast3A_363 {strides = array<i32>} : memref<49x128xf32, #tpu.memory_space<vmem>>, vector<16xf32>,
        %get3A_369 = arith.index_cast %mul3A_248 : i32 to index
        %get3A_370 = arith.constant 64 : index
        %get3A_371 = tpu.vector_load %arg8[%get3A_369, %get3A_370] {strides = array<i32>} : memref<104x128xf32, #tpu.memory_space<vmem>>, vector<16xf32>,
        %bitcast3A_372 = vector.bitcast %get3A_371 : vector<16xf32> to vector<32xbf16>
        %add3A_373 = arith.constant 1 : i32
        %add3A_374 = arith.addi %mul3A_248, %add3A_373 : i32
        %get3A_375 = arith.index_cast %add3A_374 : i32 to index
        %get3A_376 = arith.constant 64 : index
        %get3A_377 = tpu.vector_load %arg8[%get3A_375, %get3A_376] {strides = array<i32>} : memref<104x128xf32, #tpu.memory_space<vmem>>, vector<16xf32>,
        %bitcast3A_378 = vector.bitcast %get3A_377 : vector<16xf32> to vector<32xbf16>
        %add3A_379 = arith.constant 2 : i32
        %add3A_380 = arith.addi %mul3A_248, %add3A_379 : i32
        %get3A_381 = arith.index_cast %add3A_380 : i32 to index
        %get3A_382 = arith.constant 64 : index
        %get3A_383 = tpu.vector_load %arg8[%get3A_381, %get3A_382] {strides = array<i32>} : memref<104x128xf32, #tpu.memory_space<vmem>>, vector<16xf32>,
        %bitcast3A_384 = vector.bitcast %get3A_383 : vector<16xf32> to vector<32xbf16>
        %add3A_385 = arith.constant 3 : i32
        %add3A_386 = arith.addi %mul3A_248, %add3A_385 : i32
        %get3A_387 = arith.index_cast %add3A_386 : i32 to index
        %get3A_388 = arith.constant 64 : index
        %get3A_389 = tpu.vector_load %arg8[%get3A_387, %get3A_388] {strides = array<i32>} : memref<104x128xf32, #tpu.memory_space<vmem>>, vector<16xf32>,
        %bitcast3A_390 = vector.bitcast %get3A_389 : vector<16xf32> to vector<32xbf16>
        %max3A_391 = arith.maximumf %bitcast3A_372, %bitcast3A_378 : vector<32xbf16>
        %max3A_392 = arith.maximumf %bitcast3A_384, %bitcast3A_390 : vector<32xbf16>
        %max3A_393 = arith.maximumf %max3A_391, %max3A_392 : vector<32xbf16>
        %bitcast3A_394 = vector.bitcast %max3A_393 : vector<32xbf16> to vector<16xf32>
        %add3A_395 = arith.constant 0 : i32
        %add3A_396 = arith.addi %add3A_395, %scan3A_246 : i32
        %swap3A_397 = arith.index_cast %add3A_396 : i32 to index
        %swap3A_398 = arith.constant 64 : index
        %swap3A_399 = tpu.vector_load %arg13[%swap3A_397, %swap3A_398] {strides = array<i32>} : memref<49x128xf32, #tpu.memory_space<vmem>>, vector<16xf32>,
        tpu.vector_store %arg13[%swap3A_397, %swap3A_398], %bitcast3A_394 {strides = array<i32>} : memref<49x128xf32, #tpu.memory_space<vmem>>, vector<16xf32>,
        %get3A_400 = arith.index_cast %mul3A_248 : i32 to index
        %get3A_401 = arith.constant 80 : index
        %get3A_402 = tpu.vector_load %arg8[%get3A_400, %get3A_401] {strides = array<i32>} : memref<104x128xf32, #tpu.memory_space<vmem>>, vector<16xf32>,
        %bitcast3A_403 = vector.bitcast %get3A_402 : vector<16xf32> to vector<32xbf16>
        %add3A_404 = arith.constant 1 : i32
        %add3A_405 = arith.addi %mul3A_248, %add3A_404 : i32
        %get3A_406 = arith.index_cast %add3A_405 : i32 to index
        %get3A_407 = arith.constant 80 : index
        %get3A_408 = tpu.vector_load %arg8[%get3A_406, %get3A_407] {strides = array<i32>} : memref<104x128xf32, #tpu.memory_space<vmem>>, vector<16xf32>,
        %bitcast3A_409 = vector.bitcast %get3A_408 : vector<16xf32> to vector<32xbf16>
        %add3A_410 = arith.constant 2 : i32
        %add3A_411 = arith.addi %mul3A_248, %add3A_410 : i32
        %get3A_412 = arith.index_cast %add3A_411 : i32 to index
        %get3A_413 = arith.constant 80 : index
        %get3A_414 = tpu.vector_load %arg8[%get3A_412, %get3A_413] {strides = array<i32>} : memref<104x128xf32, #tpu.memory_space<vmem>>, vector<16xf32>,
        %bitcast3A_415 = vector.bitcast %get3A_414 : vector<16xf32> to vector<32xbf16>
        %add3A_416 = arith.constant 3 : i32
        %add3A_417 = arith.addi %mul3A_248, %add3A_416 : i32
        %get3A_418 = arith.index_cast %add3A_417 : i32 to index
        %get3A_419 = arith.constant 80 : index
        %get3A_420 = tpu.vector_load %arg8[%get3A_418, %get3A_419] {strides = array<i32>} : memref<104x128xf32, #tpu.memory_space<vmem>>, vector<16xf32>,
        %bitcast3A_421 = vector.bitcast %get3A_420 : vector<16xf32> to vector<32xbf16>
        %max3A_422 = arith.maximumf %bitcast3A_403, %bitcast3A_409 : vector<32xbf16>
        %max3A_423 = arith.maximumf %bitcast3A_415, %bitcast3A_421 : vector<32xbf16>
        %max3A_424 = arith.maximumf %max3A_422, %max3A_423 : vector<32xbf16>
        %bitcast3A_425 = vector.bitcast %max3A_424 : vector<32xbf16> to vector<16xf32>
        %add3A_426 = arith.constant 0 : i32
        %add3A_427 = arith.addi %add3A_426, %scan3A_246 : i32
        %swap3A_428 = arith.index_cast %add3A_427 : i32 to index
        %swap3A_429 = arith.constant 80 : index
        %swap3A_430 = tpu.vector_load %arg13[%swap3A_428, %swap3A_429] {strides = array<i32>} : memref<49x128xf32, #tpu.memory_space<vmem>>, vector<16xf32>,
        tpu.vector_store %arg13[%swap3A_428, %swap3A_429], %bitcast3A_425 {strides = array<i32>} : memref<49x128xf32, #tpu.memory_space<vmem>>, vector<16xf32>,
      }
      %scan3A_152 = arith.constant 26 : i32
      %lt3A_153 = arith.constant 10 : i32
      %lt3A_154 = arith.cmpi slt, %scan3A_81, %lt3A_153 : i32
      %convert_element_type3A_155 = arith.extui %lt3A_154 : i1 to i32
      %cond3A_156 = arith.constant 0 : i32
      %cond3A_157 = arith.cmpi ne, %convert_element_type3A_155, %cond3A_156 : i32
      scf.if %cond3A_157 {
        %add3A_246 = arith.constant 1 : i32
        %add3A_247 = arith.addi %scan3A_81, %add3A_246 : i32
        %mul3A_248 = arith.constant 3 : i32
        %mul3A_249 = arith.muli %add3A_247, %mul3A_248 : i32
        %add3A_250 = arith.constant 1 : i32
        %add3A_251 = arith.addi %mul3A_249, %add3A_250 : i32
        %dma_start3A_252 = arith.constant 0 : i32
        %dma_start3A_253 = arith.constant 0 : i32
        %dma_start3A_254 = tpu.memref_slice %arg5[%add3A_251, %dma_start3A_252, %dma_start3A_253] : memref<33x2x104xi32, #tpu.memory_space<vmem>> -> memref<1x1x104xi32, #tpu.memory_space<vmem>>
        %dma_start3A_255 = tpu.memref_squeeze %dma_start3A_254 : memref<1x1x104xi32, #tpu.memory_space<vmem>> -> memref<104xi32, #tpu.memory_space<vmem>>
        %dma_start3A_256 = arith.constant 0 : i32
        %dma_start3A_257 = arith.constant 0 : i32
        %dma_start3A_258 = tpu.memref_slice %arg2[%dma_start3A_256, %dma_start3A_257] : memref<9472x128xf32, #tpu.memory_space<hbm>> -> memref<9472x128xf32, #tpu.memory_space<hbm>>
        tpu.enqueue_indirect_dma source(%dma_start3A_258 : memref<9472x128xf32, #tpu.memory_space<hbm>>) target(%arg8 : memref<104x128xf32, #tpu.memory_space<vmem>>) offsets(%dma_start3A_255 : memref<104xi32, #tpu.memory_space<vmem>>) semaphore(%arg17 : memref<!tpu.dma_semaphore, #tpu.memory_space<semaphore_mem>>)
      } else {
      }
      %dma_wait3A_158 = arith.constant 0 : i32
      %dma_wait3A_159 = arith.constant 0 : i32
      %dma_wait3A_160 = arith.constant 0 : i32
      %dma_wait3A_161 = tpu.memref_slice %arg5[%dma_wait3A_158, %dma_wait3A_159, %dma_wait3A_160] : memref<33x2x104xi32, #tpu.memory_space<vmem>> -> memref<1x1x104xi32, #tpu.memory_space<vmem>>
      %dma_wait3A_162 = tpu.memref_squeeze %dma_wait3A_161 : memref<1x1x104xi32, #tpu.memory_space<vmem>> -> memref<104xi32, #tpu.memory_space<vmem>>
      %dma_wait3A_163 = arith.constant 0 : i32
      %dma_wait3A_164 = arith.constant 0 : i32
      %dma_wait3A_165 = tpu.memref_slice %arg2[%dma_wait3A_163, %dma_wait3A_164] : memref<9472x128xf32, #tpu.memory_space<hbm>> -> memref<9472x128xf32, #tpu.memory_space<hbm>>
      tpu.wait_indirect_dma semaphore(%arg18 : memref<!tpu.dma_semaphore, #tpu.memory_space<semaphore_mem>>) src(%dma_wait3A_165 : memref<9472x128xf32, #tpu.memory_space<hbm>>) dst(%arg9 : memref<104x128xf32, #tpu.memory_space<vmem>>)
      %scan3A_166 = arith.constant 0 : i32
      %scan3A_167 = arith.constant 0 : i32
      %scan3A_168 = arith.constant 23 : i32
      %scan3A_169 = arith.addi %scan3A_167, %scan3A_168 : i32
      %scan3A_170 = arith.constant 1 : i32
      scf.for %scan3A_246 = %scan3A_167 to %scan3A_169 step %scan3A_170  : i32 {
        %mul3A_247 = arith.constant 4 : i32
        %mul3A_248 = arith.muli %scan3A_246, %mul3A_247 : i32
        %get3A = arith.index_cast %mul3A_248 : i32 to index
        %get3A_249 = arith.constant 0 : index
        %get3A_250 = tpu.vector_load %arg9[%get3A, %get3A_249] {strides = array<i32>} : memref<104x128xf32, #tpu.memory_space<vmem>>, vector<16xf32>,
        %bitcast3A = vector.bitcast %get3A_250 : vector<16xf32> to vector<32xbf16>
        %add3A_251 = arith.constant 1 : i32
        %add3A_252 = arith.addi %mul3A_248, %add3A_251 : i32
        %get3A_253 = arith.index_cast %add3A_252 : i32 to index
        %get3A_254 = arith.constant 0 : index
        %get3A_255 = tpu.vector_load %arg9[%get3A_253, %get3A_254] {strides = array<i32>} : memref<104x128xf32, #tpu.memory_space<vmem>>, vector<16xf32>,
        %bitcast3A_256 = vector.bitcast %get3A_255 : vector<16xf32> to vector<32xbf16>
        %add3A_257 = arith.constant 2 : i32
        %add3A_258 = arith.addi %mul3A_248, %add3A_257 : i32
        %get3A_259 = arith.index_cast %add3A_258 : i32 to index
        %get3A_260 = arith.constant 0 : index
        %get3A_261 = tpu.vector_load %arg9[%get3A_259, %get3A_260] {strides = array<i32>} : memref<104x128xf32, #tpu.memory_space<vmem>>, vector<16xf32>,
        %bitcast3A_262 = vector.bitcast %get3A_261 : vector<16xf32> to vector<32xbf16>
        %add3A_263 = arith.constant 3 : i32
        %add3A_264 = arith.addi %mul3A_248, %add3A_263 : i32
        %get3A_265 = arith.index_cast %add3A_264 : i32 to index
        %get3A_266 = arith.constant 0 : index
        %get3A_267 = tpu.vector_load %arg9[%get3A_265, %get3A_266] {strides = array<i32>} : memref<104x128xf32, #tpu.memory_space<vmem>>, vector<16xf32>,
        %bitcast3A_268 = vector.bitcast %get3A_267 : vector<16xf32> to vector<32xbf16>
        %max3A = arith.maximumf %bitcast3A, %bitcast3A_256 : vector<32xbf16>
        %max3A_269 = arith.maximumf %bitcast3A_262, %bitcast3A_268 : vector<32xbf16>
        %max3A_270 = arith.maximumf %max3A, %max3A_269 : vector<32xbf16>
        %bitcast3A_271 = vector.bitcast %max3A_270 : vector<32xbf16> to vector<16xf32>
        %add3A_272 = arith.constant 26 : i32
        %add3A_273 = arith.addi %add3A_272, %scan3A_246 : i32
        %swap3A = arith.index_cast %add3A_273 : i32 to index
        %swap3A_274 = arith.constant 0 : index
        %swap3A_275 = tpu.vector_load %arg13[%swap3A, %swap3A_274] {strides = array<i32>} : memref<49x128xf32, #tpu.memory_space<vmem>>, vector<16xf32>,
        tpu.vector_store %arg13[%swap3A, %swap3A_274], %bitcast3A_271 {strides = array<i32>} : memref<49x128xf32, #tpu.memory_space<vmem>>, vector<16xf32>,
        %get3A_276 = arith.index_cast %mul3A_248 : i32 to index
        %get3A_277 = arith.constant 16 : index
        %get3A_278 = tpu.vector_load %arg9[%get3A_276, %get3A_277] {strides = array<i32>} : memref<104x128xf32, #tpu.memory_space<vmem>>, vector<16xf32>,
        %bitcast3A_279 = vector.bitcast %get3A_278 : vector<16xf32> to vector<32xbf16>
        %add3A_280 = arith.constant 1 : i32
        %add3A_281 = arith.addi %mul3A_248, %add3A_280 : i32
        %get3A_282 = arith.index_cast %add3A_281 : i32 to index
        %get3A_283 = arith.constant 16 : index
        %get3A_284 = tpu.vector_load %arg9[%get3A_282, %get3A_283] {strides = array<i32>} : memref<104x128xf32, #tpu.memory_space<vmem>>, vector<16xf32>,
        %bitcast3A_285 = vector.bitcast %get3A_284 : vector<16xf32> to vector<32xbf16>
        %add3A_286 = arith.constant 2 : i32
        %add3A_287 = arith.addi %mul3A_248, %add3A_286 : i32
        %get3A_288 = arith.index_cast %add3A_287 : i32 to index
        %get3A_289 = arith.constant 16 : index
        %get3A_290 = tpu.vector_load %arg9[%get3A_288, %get3A_289] {strides = array<i32>} : memref<104x128xf32, #tpu.memory_space<vmem>>, vector<16xf32>,
        %bitcast3A_291 = vector.bitcast %get3A_290 : vector<16xf32> to vector<32xbf16>
        %add3A_292 = arith.constant 3 : i32
        %add3A_293 = arith.addi %mul3A_248, %add3A_292 : i32
        %get3A_294 = arith.index_cast %add3A_293 : i32 to index
        %get3A_295 = arith.constant 16 : index
        %get3A_296 = tpu.vector_load %arg9[%get3A_294, %get3A_295] {strides = array<i32>} : memref<104x128xf32, #tpu.memory_space<vmem>>, vector<16xf32>,
        %bitcast3A_297 = vector.bitcast %get3A_296 : vector<16xf32> to vector<32xbf16>
        %max3A_298 = arith.maximumf %bitcast3A_279, %bitcast3A_285 : vector<32xbf16>
        %max3A_299 = arith.maximumf %bitcast3A_291, %bitcast3A_297 : vector<32xbf16>
        %max3A_300 = arith.maximumf %max3A_298, %max3A_299 : vector<32xbf16>
        %bitcast3A_301 = vector.bitcast %max3A_300 : vector<32xbf16> to vector<16xf32>
        %add3A_302 = arith.constant 26 : i32
        %add3A_303 = arith.addi %add3A_302, %scan3A_246 : i32
        %swap3A_304 = arith.index_cast %add3A_303 : i32 to index
        %swap3A_305 = arith.constant 16 : index
        %swap3A_306 = tpu.vector_load %arg13[%swap3A_304, %swap3A_305] {strides = array<i32>} : memref<49x128xf32, #tpu.memory_space<vmem>>, vector<16xf32>,
        tpu.vector_store %arg13[%swap3A_304, %swap3A_305], %bitcast3A_301 {strides = array<i32>} : memref<49x128xf32, #tpu.memory_space<vmem>>, vector<16xf32>,
        %get3A_307 = arith.index_cast %mul3A_248 : i32 to index
        %get3A_308 = arith.constant 32 : index
        %get3A_309 = tpu.vector_load %arg9[%get3A_307, %get3A_308] {strides = array<i32>} : memref<104x128xf32, #tpu.memory_space<vmem>>, vector<16xf32>,
        %bitcast3A_310 = vector.bitcast %get3A_309 : vector<16xf32> to vector<32xbf16>
        %add3A_311 = arith.constant 1 : i32
        %add3A_312 = arith.addi %mul3A_248, %add3A_311 : i32
        %get3A_313 = arith.index_cast %add3A_312 : i32 to index
        %get3A_314 = arith.constant 32 : index
        %get3A_315 = tpu.vector_load %arg9[%get3A_313, %get3A_314] {strides = array<i32>} : memref<104x128xf32, #tpu.memory_space<vmem>>, vector<16xf32>,
        %bitcast3A_316 = vector.bitcast %get3A_315 : vector<16xf32> to vector<32xbf16>
        %add3A_317 = arith.constant 2 : i32
        %add3A_318 = arith.addi %mul3A_248, %add3A_317 : i32
        %get3A_319 = arith.index_cast %add3A_318 : i32 to index
        %get3A_320 = arith.constant 32 : index
        %get3A_321 = tpu.vector_load %arg9[%get3A_319, %get3A_320] {strides = array<i32>} : memref<104x128xf32, #tpu.memory_space<vmem>>, vector<16xf32>,
        %bitcast3A_322 = vector.bitcast %get3A_321 : vector<16xf32> to vector<32xbf16>
        %add3A_323 = arith.constant 3 : i32
        %add3A_324 = arith.addi %mul3A_248, %add3A_323 : i32
        %get3A_325 = arith.index_cast %add3A_324 : i32 to index
        %get3A_326 = arith.constant 32 : index
        %get3A_327 = tpu.vector_load %arg9[%get3A_325, %get3A_326] {strides = array<i32>} : memref<104x128xf32, #tpu.memory_space<vmem>>, vector<16xf32>,
        %bitcast3A_328 = vector.bitcast %get3A_327 : vector<16xf32> to vector<32xbf16>
        %max3A_329 = arith.maximumf %bitcast3A_310, %bitcast3A_316 : vector<32xbf16>
        %max3A_330 = arith.maximumf %bitcast3A_322, %bitcast3A_328 : vector<32xbf16>
        %max3A_331 = arith.maximumf %max3A_329, %max3A_330 : vector<32xbf16>
        %bitcast3A_332 = vector.bitcast %max3A_331 : vector<32xbf16> to vector<16xf32>
        %add3A_333 = arith.constant 26 : i32
        %add3A_334 = arith.addi %add3A_333, %scan3A_246 : i32
        %swap3A_335 = arith.index_cast %add3A_334 : i32 to index
        %swap3A_336 = arith.constant 32 : index
        %swap3A_337 = tpu.vector_load %arg13[%swap3A_335, %swap3A_336] {strides = array<i32>} : memref<49x128xf32, #tpu.memory_space<vmem>>, vector<16xf32>,
        tpu.vector_store %arg13[%swap3A_335, %swap3A_336], %bitcast3A_332 {strides = array<i32>} : memref<49x128xf32, #tpu.memory_space<vmem>>, vector<16xf32>,
        %get3A_338 = arith.index_cast %mul3A_248 : i32 to index
        %get3A_339 = arith.constant 48 : index
        %get3A_340 = tpu.vector_load %arg9[%get3A_338, %get3A_339] {strides = array<i32>} : memref<104x128xf32, #tpu.memory_space<vmem>>, vector<16xf32>,
        %bitcast3A_341 = vector.bitcast %get3A_340 : vector<16xf32> to vector<32xbf16>
        %add3A_342 = arith.constant 1 : i32
        %add3A_343 = arith.addi %mul3A_248, %add3A_342 : i32
        %get3A_344 = arith.index_cast %add3A_343 : i32 to index
        %get3A_345 = arith.constant 48 : index
        %get3A_346 = tpu.vector_load %arg9[%get3A_344, %get3A_345] {strides = array<i32>} : memref<104x128xf32, #tpu.memory_space<vmem>>, vector<16xf32>,
        %bitcast3A_347 = vector.bitcast %get3A_346 : vector<16xf32> to vector<32xbf16>
        %add3A_348 = arith.constant 2 : i32
        %add3A_349 = arith.addi %mul3A_248, %add3A_348 : i32
        %get3A_350 = arith.index_cast %add3A_349 : i32 to index
        %get3A_351 = arith.constant 48 : index
        %get3A_352 = tpu.vector_load %arg9[%get3A_350, %get3A_351] {strides = array<i32>} : memref<104x128xf32, #tpu.memory_space<vmem>>, vector<16xf32>,
        %bitcast3A_353 = vector.bitcast %get3A_352 : vector<16xf32> to vector<32xbf16>
        %add3A_354 = arith.constant 3 : i32
        %add3A_355 = arith.addi %mul3A_248, %add3A_354 : i32
        %get3A_356 = arith.index_cast %add3A_355 : i32 to index
        %get3A_357 = arith.constant 48 : index
        %get3A_358 = tpu.vector_load %arg9[%get3A_356, %get3A_357] {strides = array<i32>} : memref<104x128xf32, #tpu.memory_space<vmem>>, vector<16xf32>,
        %bitcast3A_359 = vector.bitcast %get3A_358 : vector<16xf32> to vector<32xbf16>
        %max3A_360 = arith.maximumf %bitcast3A_341, %bitcast3A_347 : vector<32xbf16>
        %max3A_361 = arith.maximumf %bitcast3A_353, %bitcast3A_359 : vector<32xbf16>
        %max3A_362 = arith.maximumf %max3A_360, %max3A_361 : vector<32xbf16>
        %bitcast3A_363 = vector.bitcast %max3A_362 : vector<32xbf16> to vector<16xf32>
        %add3A_364 = arith.constant 26 : i32
        %add3A_365 = arith.addi %add3A_364, %scan3A_246 : i32
        %swap3A_366 = arith.index_cast %add3A_365 : i32 to index
        %swap3A_367 = arith.constant 48 : index
        %swap3A_368 = tpu.vector_load %arg13[%swap3A_366, %swap3A_367] {strides = array<i32>} : memref<49x128xf32, #tpu.memory_space<vmem>>, vector<16xf32>,
        tpu.vector_store %arg13[%swap3A_366, %swap3A_367], %bitcast3A_363 {strides = array<i32>} : memref<49x128xf32, #tpu.memory_space<vmem>>, vector<16xf32>,
        %get3A_369 = arith.index_cast %mul3A_248 : i32 to index
        %get3A_370 = arith.constant 64 : index
        %get3A_371 = tpu.vector_load %arg9[%get3A_369, %get3A_370] {strides = array<i32>} : memref<104x128xf32, #tpu.memory_space<vmem>>, vector<16xf32>,
        %bitcast3A_372 = vector.bitcast %get3A_371 : vector<16xf32> to vector<32xbf16>
        %add3A_373 = arith.constant 1 : i32
        %add3A_374 = arith.addi %mul3A_248, %add3A_373 : i32
        %get3A_375 = arith.index_cast %add3A_374 : i32 to index
        %get3A_376 = arith.constant 64 : index
        %get3A_377 = tpu.vector_load %arg9[%get3A_375, %get3A_376] {strides = array<i32>} : memref<104x128xf32, #tpu.memory_space<vmem>>, vector<16xf32>,
        %bitcast3A_378 = vector.bitcast %get3A_377 : vector<16xf32> to vector<32xbf16>
        %add3A_379 = arith.constant 2 : i32
        %add3A_380 = arith.addi %mul3A_248, %add3A_379 : i32
        %get3A_381 = arith.index_cast %add3A_380 : i32 to index
        %get3A_382 = arith.constant 64 : index
        %get3A_383 = tpu.vector_load %arg9[%get3A_381, %get3A_382] {strides = array<i32>} : memref<104x128xf32, #tpu.memory_space<vmem>>, vector<16xf32>,
        %bitcast3A_384 = vector.bitcast %get3A_383 : vector<16xf32> to vector<32xbf16>
        %add3A_385 = arith.constant 3 : i32
        %add3A_386 = arith.addi %mul3A_248, %add3A_385 : i32
        %get3A_387 = arith.index_cast %add3A_386 : i32 to index
        %get3A_388 = arith.constant 64 : index
        %get3A_389 = tpu.vector_load %arg9[%get3A_387, %get3A_388] {strides = array<i32>} : memref<104x128xf32, #tpu.memory_space<vmem>>, vector<16xf32>,
        %bitcast3A_390 = vector.bitcast %get3A_389 : vector<16xf32> to vector<32xbf16>
        %max3A_391 = arith.maximumf %bitcast3A_372, %bitcast3A_378 : vector<32xbf16>
        %max3A_392 = arith.maximumf %bitcast3A_384, %bitcast3A_390 : vector<32xbf16>
        %max3A_393 = arith.maximumf %max3A_391, %max3A_392 : vector<32xbf16>
        %bitcast3A_394 = vector.bitcast %max3A_393 : vector<32xbf16> to vector<16xf32>
        %add3A_395 = arith.constant 26 : i32
        %add3A_396 = arith.addi %add3A_395, %scan3A_246 : i32
        %swap3A_397 = arith.index_cast %add3A_396 : i32 to index
        %swap3A_398 = arith.constant 64 : index
        %swap3A_399 = tpu.vector_load %arg13[%swap3A_397, %swap3A_398] {strides = array<i32>} : memref<49x128xf32, #tpu.memory_space<vmem>>, vector<16xf32>,
        tpu.vector_store %arg13[%swap3A_397, %swap3A_398], %bitcast3A_394 {strides = array<i32>} : memref<49x128xf32, #tpu.memory_space<vmem>>, vector<16xf32>,
        %get3A_400 = arith.index_cast %mul3A_248 : i32 to index
        %get3A_401 = arith.constant 80 : index
        %get3A_402 = tpu.vector_load %arg9[%get3A_400, %get3A_401] {strides = array<i32>} : memref<104x128xf32, #tpu.memory_space<vmem>>, vector<16xf32>,
        %bitcast3A_403 = vector.bitcast %get3A_402 : vector<16xf32> to vector<32xbf16>
        %add3A_404 = arith.constant 1 : i32
        %add3A_405 = arith.addi %mul3A_248, %add3A_404 : i32
        %get3A_406 = arith.index_cast %add3A_405 : i32 to index
        %get3A_407 = arith.constant 80 : index
        %get3A_408 = tpu.vector_load %arg9[%get3A_406, %get3A_407] {strides = array<i32>} : memref<104x128xf32, #tpu.memory_space<vmem>>, vector<16xf32>,
        %bitcast3A_409 = vector.bitcast %get3A_408 : vector<16xf32> to vector<32xbf16>
        %add3A_410 = arith.constant 2 : i32
        %add3A_411 = arith.addi %mul3A_248, %add3A_410 : i32
        %get3A_412 = arith.index_cast %add3A_411 : i32 to index
        %get3A_413 = arith.constant 80 : index
        %get3A_414 = tpu.vector_load %arg9[%get3A_412, %get3A_413] {strides = array<i32>} : memref<104x128xf32, #tpu.memory_space<vmem>>, vector<16xf32>,
        %bitcast3A_415 = vector.bitcast %get3A_414 : vector<16xf32> to vector<32xbf16>
        %add3A_416 = arith.constant 3 : i32
        %add3A_417 = arith.addi %mul3A_248, %add3A_416 : i32
        %get3A_418 = arith.index_cast %add3A_417 : i32 to index
        %get3A_419 = arith.constant 80 : index
        %get3A_420 = tpu.vector_load %arg9[%get3A_418, %get3A_419] {strides = array<i32>} : memref<104x128xf32, #tpu.memory_space<vmem>>, vector<16xf32>,
        %bitcast3A_421 = vector.bitcast %get3A_420 : vector<16xf32> to vector<32xbf16>
        %max3A_422 = arith.maximumf %bitcast3A_403, %bitcast3A_409 : vector<32xbf16>
        %max3A_423 = arith.maximumf %bitcast3A_415, %bitcast3A_421 : vector<32xbf16>
        %max3A_424 = arith.maximumf %max3A_422, %max3A_423 : vector<32xbf16>
        %bitcast3A_425 = vector.bitcast %max3A_424 : vector<32xbf16> to vector<16xf32>
        %add3A_426 = arith.constant 26 : i32
        %add3A_427 = arith.addi %add3A_426, %scan3A_246 : i32
        %swap3A_428 = arith.index_cast %add3A_427 : i32 to index
        %swap3A_429 = arith.constant 80 : index
        %swap3A_430 = tpu.vector_load %arg13[%swap3A_428, %swap3A_429] {strides = array<i32>} : memref<49x128xf32, #tpu.memory_space<vmem>>, vector<16xf32>,
        tpu.vector_store %arg13[%swap3A_428, %swap3A_429], %bitcast3A_425 {strides = array<i32>} : memref<49x128xf32, #tpu.memory_space<vmem>>, vector<16xf32>,
      }
      %scan3A_171 = arith.constant 23 : i32
      %lt3A_172 = arith.constant 10 : i32
      %lt3A_173 = arith.cmpi slt, %scan3A_81, %lt3A_172 : i32
      %convert_element_type3A_174 = arith.extui %lt3A_173 : i1 to i32
      %cond3A_175 = arith.constant 0 : i32
      %cond3A_176 = arith.cmpi ne, %convert_element_type3A_174, %cond3A_175 : i32
      scf.if %cond3A_176 {
        %add3A_246 = arith.constant 1 : i32
        %add3A_247 = arith.addi %scan3A_81, %add3A_246 : i32
        %mul3A_248 = arith.constant 3 : i32
        %mul3A_249 = arith.muli %add3A_247, %mul3A_248 : i32
        %add3A_250 = arith.constant 1 : i32
        %add3A_251 = arith.addi %mul3A_249, %add3A_250 : i32
        %dma_start3A_252 = arith.constant 1 : i32
        %dma_start3A_253 = arith.constant 0 : i32
        %dma_start3A_254 = tpu.memref_slice %arg5[%add3A_251, %dma_start3A_252, %dma_start3A_253] : memref<33x2x104xi32, #tpu.memory_space<vmem>> -> memref<1x1x104xi32, #tpu.memory_space<vmem>>
        %dma_start3A_255 = tpu.memref_squeeze %dma_start3A_254 : memref<1x1x104xi32, #tpu.memory_space<vmem>> -> memref<104xi32, #tpu.memory_space<vmem>>
        %dma_start3A_256 = arith.constant 0 : i32
        %dma_start3A_257 = arith.constant 0 : i32
        %dma_start3A_258 = tpu.memref_slice %arg2[%dma_start3A_256, %dma_start3A_257] : memref<9472x128xf32, #tpu.memory_space<hbm>> -> memref<9472x128xf32, #tpu.memory_space<hbm>>
        tpu.enqueue_indirect_dma source(%dma_start3A_258 : memref<9472x128xf32, #tpu.memory_space<hbm>>) target(%arg9 : memref<104x128xf32, #tpu.memory_space<vmem>>) offsets(%dma_start3A_255 : memref<104xi32, #tpu.memory_space<vmem>>) semaphore(%arg18 : memref<!tpu.dma_semaphore, #tpu.memory_space<semaphore_mem>>)
      } else {
      }
      %mul3A_177 = arith.constant 3 : i32
      %mul3A_178 = arith.muli %scan3A_81, %mul3A_177 : i32
      %add3A_179 = arith.addi %mul3A_2, %mul3A_178 : i32
      %add3A_180 = arith.constant 1 : i32
      %add3A_181 = arith.addi %add3A_179, %add3A_180 : i32
      %dma_start3A_182 = arith.constant 0 : i32
      %dma_start3A_183 = arith.constant 0 : i32
      %dma_start3A_184 = tpu.memref_slice %arg4[%add3A_181, %dma_start3A_182, %dma_start3A_183] : memref<1056x49x128xf32, #tpu.memory_space<hbm>> -> memref<1x49x128xf32, #tpu.memory_space<hbm>>
      %dma_start3A_185 = tpu.memref_squeeze %dma_start3A_184 : memref<1x49x128xf32, #tpu.memory_space<hbm>> -> memref<49x128xf32, #tpu.memory_space<hbm>>
      %dma_start3A_186 = arith.constant 0 : i32
      %dma_start3A_187 = arith.constant 0 : i32
      %dma_start3A_188 = tpu.memref_slice %arg4[%add3A_181, %dma_start3A_186, %dma_start3A_187] : memref<1056x49x128xf32, #tpu.memory_space<hbm>> -> memref<1x49x128xf32, #tpu.memory_space<hbm>>
      %dma_start3A_189 = tpu.memref_squeeze %dma_start3A_188 : memref<1x49x128xf32, #tpu.memory_space<hbm>> -> memref<49x128xf32, #tpu.memory_space<hbm>>
      tpu.enqueue_dma source(%arg13 : memref<49x128xf32, #tpu.memory_space<vmem>>) target(%dma_start3A_189 : memref<49x128xf32, #tpu.memory_space<hbm>>) target_semaphore(%arg22 : memref<!tpu.dma_semaphore, #tpu.memory_space<semaphore_mem>>)
      %dma_wait3A_190 = arith.constant 0 : i32
      %dma_wait3A_191 = arith.constant 0 : i32
      %dma_wait3A_192 = arith.constant 0 : i32
      %dma_wait3A_193 = tpu.memref_slice %arg5[%dma_wait3A_190, %dma_wait3A_191, %dma_wait3A_192] : memref<33x2x104xi32, #tpu.memory_space<vmem>> -> memref<1x1x104xi32, #tpu.memory_space<vmem>>
      %dma_wait3A_194 = tpu.memref_squeeze %dma_wait3A_193 : memref<1x1x104xi32, #tpu.memory_space<vmem>> -> memref<104xi32, #tpu.memory_space<vmem>>
      %dma_wait3A_195 = arith.constant 0 : i32
      %dma_wait3A_196 = arith.constant 0 : i32
      %dma_wait3A_197 = tpu.memref_slice %arg2[%dma_wait3A_195, %dma_wait3A_196] : memref<9472x128xf32, #tpu.memory_space<hbm>> -> memref<9472x128xf32, #tpu.memory_space<hbm>>
      tpu.wait_indirect_dma semaphore(%arg19 : memref<!tpu.dma_semaphore, #tpu.memory_space<semaphore_mem>>) src(%dma_wait3A_197 : memref<9472x128xf32, #tpu.memory_space<hbm>>) dst(%arg10 : memref<104x128xf32, #tpu.memory_space<vmem>>)
      %gt3A_198 = arith.constant 0 : i32
      %gt3A_199 = arith.cmpi sgt, %scan3A_81, %gt3A_198 : i32
      %convert_element_type3A_200 = arith.extui %gt3A_199 : i1 to i32
      %cond3A_201 = arith.constant 0 : i32
      %cond3A_202 = arith.cmpi ne, %convert_element_type3A_200, %cond3A_201 : i32
      scf.if %cond3A_202 {
        %dma_wait3A_246 = arith.constant 0 : i32
        %dma_wait3A_247 = arith.constant 0 : i32
        %dma_wait3A_248 = arith.constant 0 : i32
        %dma_wait3A_249 = tpu.memref_slice %arg4[%dma_wait3A_246, %dma_wait3A_247, %dma_wait3A_248] : memref<1056x49x128xf32, #tpu.memory_space<hbm>> -> memref<1x49x128xf32, #tpu.memory_space<hbm>>
        %dma_wait3A_250 = tpu.memref_squeeze %dma_wait3A_249 : memref<1x49x128xf32, #tpu.memory_space<hbm>> -> memref<49x128xf32, #tpu.memory_space<hbm>>
        %dma_wait3A_251 = arith.constant 0 : i32
        %dma_wait3A_252 = arith.constant 0 : i32
        %dma_wait3A_253 = tpu.memref_slice %arg4[%dma_wait3A_246, %dma_wait3A_251, %dma_wait3A_252] : memref<1056x49x128xf32, #tpu.memory_space<hbm>> -> memref<1x49x128xf32, #tpu.memory_space<hbm>>
        %dma_wait3A_254 = tpu.memref_squeeze %dma_wait3A_253 : memref<1x49x128xf32, #tpu.memory_space<hbm>> -> memref<49x128xf32, #tpu.memory_space<hbm>>
        tpu.wait_dma2 semaphore(%arg23 : memref<!tpu.dma_semaphore, #tpu.memory_space<semaphore_mem>>) src(%arg14 : memref<49x128xf32, #tpu.memory_space<vmem>>) dst(%dma_wait3A_254 : memref<49x128xf32, #tpu.memory_space<hbm>>)
      } else {
      }
      %scan3A_203 = arith.constant 0 : i32
      %scan3A_204 = arith.constant 0 : i32
      %scan3A_205 = arith.constant 26 : i32
      %scan3A_206 = arith.addi %scan3A_204, %scan3A_205 : i32
      %scan3A_207 = arith.constant 1 : i32
      scf.for %scan3A_246 = %scan3A_204 to %scan3A_206 step %scan3A_207  : i32 {
        %mul3A_247 = arith.constant 4 : i32
        %mul3A_248 = arith.muli %scan3A_246, %mul3A_247 : i32
        %get3A = arith.index_cast %mul3A_248 : i32 to index
        %get3A_249 = arith.constant 0 : index
        %get3A_250 = tpu.vector_load %arg10[%get3A, %get3A_249] {strides = array<i32>} : memref<104x128xf32, #tpu.memory_space<vmem>>, vector<16xf32>,
        %bitcast3A = vector.bitcast %get3A_250 : vector<16xf32> to vector<32xbf16>
        %add3A_251 = arith.constant 1 : i32
        %add3A_252 = arith.addi %mul3A_248, %add3A_251 : i32
        %get3A_253 = arith.index_cast %add3A_252 : i32 to index
        %get3A_254 = arith.constant 0 : index
        %get3A_255 = tpu.vector_load %arg10[%get3A_253, %get3A_254] {strides = array<i32>} : memref<104x128xf32, #tpu.memory_space<vmem>>, vector<16xf32>,
        %bitcast3A_256 = vector.bitcast %get3A_255 : vector<16xf32> to vector<32xbf16>
        %add3A_257 = arith.constant 2 : i32
        %add3A_258 = arith.addi %mul3A_248, %add3A_257 : i32
        %get3A_259 = arith.index_cast %add3A_258 : i32 to index
        %get3A_260 = arith.constant 0 : index
        %get3A_261 = tpu.vector_load %arg10[%get3A_259, %get3A_260] {strides = array<i32>} : memref<104x128xf32, #tpu.memory_space<vmem>>, vector<16xf32>,
        %bitcast3A_262 = vector.bitcast %get3A_261 : vector<16xf32> to vector<32xbf16>
        %add3A_263 = arith.constant 3 : i32
        %add3A_264 = arith.addi %mul3A_248, %add3A_263 : i32
        %get3A_265 = arith.index_cast %add3A_264 : i32 to index
        %get3A_266 = arith.constant 0 : index
        %get3A_267 = tpu.vector_load %arg10[%get3A_265, %get3A_266] {strides = array<i32>} : memref<104x128xf32, #tpu.memory_space<vmem>>, vector<16xf32>,
        %bitcast3A_268 = vector.bitcast %get3A_267 : vector<16xf32> to vector<32xbf16>
        %max3A = arith.maximumf %bitcast3A, %bitcast3A_256 : vector<32xbf16>
        %max3A_269 = arith.maximumf %bitcast3A_262, %bitcast3A_268 : vector<32xbf16>
        %max3A_270 = arith.maximumf %max3A, %max3A_269 : vector<32xbf16>
        %bitcast3A_271 = vector.bitcast %max3A_270 : vector<32xbf16> to vector<16xf32>
        %add3A_272 = arith.constant 0 : i32
        %add3A_273 = arith.addi %add3A_272, %scan3A_246 : i32
        %swap3A = arith.index_cast %add3A_273 : i32 to index
        %swap3A_274 = arith.constant 0 : index
        %swap3A_275 = tpu.vector_load %arg14[%swap3A, %swap3A_274] {strides = array<i32>} : memref<49x128xf32, #tpu.memory_space<vmem>>, vector<16xf32>,
        tpu.vector_store %arg14[%swap3A, %swap3A_274], %bitcast3A_271 {strides = array<i32>} : memref<49x128xf32, #tpu.memory_space<vmem>>, vector<16xf32>,
        %get3A_276 = arith.index_cast %mul3A_248 : i32 to index
        %get3A_277 = arith.constant 16 : index
        %get3A_278 = tpu.vector_load %arg10[%get3A_276, %get3A_277] {strides = array<i32>} : memref<104x128xf32, #tpu.memory_space<vmem>>, vector<16xf32>,
        %bitcast3A_279 = vector.bitcast %get3A_278 : vector<16xf32> to vector<32xbf16>
        %add3A_280 = arith.constant 1 : i32
        %add3A_281 = arith.addi %mul3A_248, %add3A_280 : i32
        %get3A_282 = arith.index_cast %add3A_281 : i32 to index
        %get3A_283 = arith.constant 16 : index
        %get3A_284 = tpu.vector_load %arg10[%get3A_282, %get3A_283] {strides = array<i32>} : memref<104x128xf32, #tpu.memory_space<vmem>>, vector<16xf32>,
        %bitcast3A_285 = vector.bitcast %get3A_284 : vector<16xf32> to vector<32xbf16>
        %add3A_286 = arith.constant 2 : i32
        %add3A_287 = arith.addi %mul3A_248, %add3A_286 : i32
        %get3A_288 = arith.index_cast %add3A_287 : i32 to index
        %get3A_289 = arith.constant 16 : index
        %get3A_290 = tpu.vector_load %arg10[%get3A_288, %get3A_289] {strides = array<i32>} : memref<104x128xf32, #tpu.memory_space<vmem>>, vector<16xf32>,
        %bitcast3A_291 = vector.bitcast %get3A_290 : vector<16xf32> to vector<32xbf16>
        %add3A_292 = arith.constant 3 : i32
        %add3A_293 = arith.addi %mul3A_248, %add3A_292 : i32
        %get3A_294 = arith.index_cast %add3A_293 : i32 to index
        %get3A_295 = arith.constant 16 : index
        %get3A_296 = tpu.vector_load %arg10[%get3A_294, %get3A_295] {strides = array<i32>} : memref<104x128xf32, #tpu.memory_space<vmem>>, vector<16xf32>,
        %bitcast3A_297 = vector.bitcast %get3A_296 : vector<16xf32> to vector<32xbf16>
        %max3A_298 = arith.maximumf %bitcast3A_279, %bitcast3A_285 : vector<32xbf16>
        %max3A_299 = arith.maximumf %bitcast3A_291, %bitcast3A_297 : vector<32xbf16>
        %max3A_300 = arith.maximumf %max3A_298, %max3A_299 : vector<32xbf16>
        %bitcast3A_301 = vector.bitcast %max3A_300 : vector<32xbf16> to vector<16xf32>
        %add3A_302 = arith.constant 0 : i32
        %add3A_303 = arith.addi %add3A_302, %scan3A_246 : i32
        %swap3A_304 = arith.index_cast %add3A_303 : i32 to index
        %swap3A_305 = arith.constant 16 : index
        %swap3A_306 = tpu.vector_load %arg14[%swap3A_304, %swap3A_305] {strides = array<i32>} : memref<49x128xf32, #tpu.memory_space<vmem>>, vector<16xf32>,
        tpu.vector_store %arg14[%swap3A_304, %swap3A_305], %bitcast3A_301 {strides = array<i32>} : memref<49x128xf32, #tpu.memory_space<vmem>>, vector<16xf32>,
        %get3A_307 = arith.index_cast %mul3A_248 : i32 to index
        %get3A_308 = arith.constant 32 : index
        %get3A_309 = tpu.vector_load %arg10[%get3A_307, %get3A_308] {strides = array<i32>} : memref<104x128xf32, #tpu.memory_space<vmem>>, vector<16xf32>,
        %bitcast3A_310 = vector.bitcast %get3A_309 : vector<16xf32> to vector<32xbf16>
        %add3A_311 = arith.constant 1 : i32
        %add3A_312 = arith.addi %mul3A_248, %add3A_311 : i32
        %get3A_313 = arith.index_cast %add3A_312 : i32 to index
        %get3A_314 = arith.constant 32 : index
        %get3A_315 = tpu.vector_load %arg10[%get3A_313, %get3A_314] {strides = array<i32>} : memref<104x128xf32, #tpu.memory_space<vmem>>, vector<16xf32>,
        %bitcast3A_316 = vector.bitcast %get3A_315 : vector<16xf32> to vector<32xbf16>
        %add3A_317 = arith.constant 2 : i32
        %add3A_318 = arith.addi %mul3A_248, %add3A_317 : i32
        %get3A_319 = arith.index_cast %add3A_318 : i32 to index
        %get3A_320 = arith.constant 32 : index
        %get3A_321 = tpu.vector_load %arg10[%get3A_319, %get3A_320] {strides = array<i32>} : memref<104x128xf32, #tpu.memory_space<vmem>>, vector<16xf32>,
        %bitcast3A_322 = vector.bitcast %get3A_321 : vector<16xf32> to vector<32xbf16>
        %add3A_323 = arith.constant 3 : i32
        %add3A_324 = arith.addi %mul3A_248, %add3A_323 : i32
        %get3A_325 = arith.index_cast %add3A_324 : i32 to index
        %get3A_326 = arith.constant 32 : index
        %get3A_327 = tpu.vector_load %arg10[%get3A_325, %get3A_326] {strides = array<i32>} : memref<104x128xf32, #tpu.memory_space<vmem>>, vector<16xf32>,
        %bitcast3A_328 = vector.bitcast %get3A_327 : vector<16xf32> to vector<32xbf16>
        %max3A_329 = arith.maximumf %bitcast3A_310, %bitcast3A_316 : vector<32xbf16>
        %max3A_330 = arith.maximumf %bitcast3A_322, %bitcast3A_328 : vector<32xbf16>
        %max3A_331 = arith.maximumf %max3A_329, %max3A_330 : vector<32xbf16>
        %bitcast3A_332 = vector.bitcast %max3A_331 : vector<32xbf16> to vector<16xf32>
        %add3A_333 = arith.constant 0 : i32
        %add3A_334 = arith.addi %add3A_333, %scan3A_246 : i32
        %swap3A_335 = arith.index_cast %add3A_334 : i32 to index
        %swap3A_336 = arith.constant 32 : index
        %swap3A_337 = tpu.vector_load %arg14[%swap3A_335, %swap3A_336] {strides = array<i32>} : memref<49x128xf32, #tpu.memory_space<vmem>>, vector<16xf32>,
        tpu.vector_store %arg14[%swap3A_335, %swap3A_336], %bitcast3A_332 {strides = array<i32>} : memref<49x128xf32, #tpu.memory_space<vmem>>, vector<16xf32>,
        %get3A_338 = arith.index_cast %mul3A_248 : i32 to index
        %get3A_339 = arith.constant 48 : index
        %get3A_340 = tpu.vector_load %arg10[%get3A_338, %get3A_339] {strides = array<i32>} : memref<104x128xf32, #tpu.memory_space<vmem>>, vector<16xf32>,
        %bitcast3A_341 = vector.bitcast %get3A_340 : vector<16xf32> to vector<32xbf16>
        %add3A_342 = arith.constant 1 : i32
        %add3A_343 = arith.addi %mul3A_248, %add3A_342 : i32
        %get3A_344 = arith.index_cast %add3A_343 : i32 to index
        %get3A_345 = arith.constant 48 : index
        %get3A_346 = tpu.vector_load %arg10[%get3A_344, %get3A_345] {strides = array<i32>} : memref<104x128xf32, #tpu.memory_space<vmem>>, vector<16xf32>,
        %bitcast3A_347 = vector.bitcast %get3A_346 : vector<16xf32> to vector<32xbf16>
        %add3A_348 = arith.constant 2 : i32
        %add3A_349 = arith.addi %mul3A_248, %add3A_348 : i32
        %get3A_350 = arith.index_cast %add3A_349 : i32 to index
        %get3A_351 = arith.constant 48 : index
        %get3A_352 = tpu.vector_load %arg10[%get3A_350, %get3A_351] {strides = array<i32>} : memref<104x128xf32, #tpu.memory_space<vmem>>, vector<16xf32>,
        %bitcast3A_353 = vector.bitcast %get3A_352 : vector<16xf32> to vector<32xbf16>
        %add3A_354 = arith.constant 3 : i32
        %add3A_355 = arith.addi %mul3A_248, %add3A_354 : i32
        %get3A_356 = arith.index_cast %add3A_355 : i32 to index
        %get3A_357 = arith.constant 48 : index
        %get3A_358 = tpu.vector_load %arg10[%get3A_356, %get3A_357] {strides = array<i32>} : memref<104x128xf32, #tpu.memory_space<vmem>>, vector<16xf32>,
        %bitcast3A_359 = vector.bitcast %get3A_358 : vector<16xf32> to vector<32xbf16>
        %max3A_360 = arith.maximumf %bitcast3A_341, %bitcast3A_347 : vector<32xbf16>
        %max3A_361 = arith.maximumf %bitcast3A_353, %bitcast3A_359 : vector<32xbf16>
        %max3A_362 = arith.maximumf %max3A_360, %max3A_361 : vector<32xbf16>
        %bitcast3A_363 = vector.bitcast %max3A_362 : vector<32xbf16> to vector<16xf32>
        %add3A_364 = arith.constant 0 : i32
        %add3A_365 = arith.addi %add3A_364, %scan3A_246 : i32
        %swap3A_366 = arith.index_cast %add3A_365 : i32 to index
        %swap3A_367 = arith.constant 48 : index
        %swap3A_368 = tpu.vector_load %arg14[%swap3A_366, %swap3A_367] {strides = array<i32>} : memref<49x128xf32, #tpu.memory_space<vmem>>, vector<16xf32>,
        tpu.vector_store %arg14[%swap3A_366, %swap3A_367], %bitcast3A_363 {strides = array<i32>} : memref<49x128xf32, #tpu.memory_space<vmem>>, vector<16xf32>,
        %get3A_369 = arith.index_cast %mul3A_248 : i32 to index
        %get3A_370 = arith.constant 64 : index
        %get3A_371 = tpu.vector_load %arg10[%get3A_369, %get3A_370] {strides = array<i32>} : memref<104x128xf32, #tpu.memory_space<vmem>>, vector<16xf32>,
        %bitcast3A_372 = vector.bitcast %get3A_371 : vector<16xf32> to vector<32xbf16>
        %add3A_373 = arith.constant 1 : i32
        %add3A_374 = arith.addi %mul3A_248, %add3A_373 : i32
        %get3A_375 = arith.index_cast %add3A_374 : i32 to index
        %get3A_376 = arith.constant 64 : index
        %get3A_377 = tpu.vector_load %arg10[%get3A_375, %get3A_376] {strides = array<i32>} : memref<104x128xf32, #tpu.memory_space<vmem>>, vector<16xf32>,
        %bitcast3A_378 = vector.bitcast %get3A_377 : vector<16xf32> to vector<32xbf16>
        %add3A_379 = arith.constant 2 : i32
        %add3A_380 = arith.addi %mul3A_248, %add3A_379 : i32
        %get3A_381 = arith.index_cast %add3A_380 : i32 to index
        %get3A_382 = arith.constant 64 : index
        %get3A_383 = tpu.vector_load %arg10[%get3A_381, %get3A_382] {strides = array<i32>} : memref<104x128xf32, #tpu.memory_space<vmem>>, vector<16xf32>,
        %bitcast3A_384 = vector.bitcast %get3A_383 : vector<16xf32> to vector<32xbf16>
        %add3A_385 = arith.constant 3 : i32
        %add3A_386 = arith.addi %mul3A_248, %add3A_385 : i32
        %get3A_387 = arith.index_cast %add3A_386 : i32 to index
        %get3A_388 = arith.constant 64 : index
        %get3A_389 = tpu.vector_load %arg10[%get3A_387, %get3A_388] {strides = array<i32>} : memref<104x128xf32, #tpu.memory_space<vmem>>, vector<16xf32>,
        %bitcast3A_390 = vector.bitcast %get3A_389 : vector<16xf32> to vector<32xbf16>
        %max3A_391 = arith.maximumf %bitcast3A_372, %bitcast3A_378 : vector<32xbf16>
        %max3A_392 = arith.maximumf %bitcast3A_384, %bitcast3A_390 : vector<32xbf16>
        %max3A_393 = arith.maximumf %max3A_391, %max3A_392 : vector<32xbf16>
        %bitcast3A_394 = vector.bitcast %max3A_393 : vector<32xbf16> to vector<16xf32>
        %add3A_395 = arith.constant 0 : i32
        %add3A_396 = arith.addi %add3A_395, %scan3A_246 : i32
        %swap3A_397 = arith.index_cast %add3A_396 : i32 to index
        %swap3A_398 = arith.constant 64 : index
        %swap3A_399 = tpu.vector_load %arg14[%swap3A_397, %swap3A_398] {strides = array<i32>} : memref<49x128xf32, #tpu.memory_space<vmem>>, vector<16xf32>,
        tpu.vector_store %arg14[%swap3A_397, %swap3A_398], %bitcast3A_394 {strides = array<i32>} : memref<49x128xf32, #tpu.memory_space<vmem>>, vector<16xf32>,
        %get3A_400 = arith.index_cast %mul3A_248 : i32 to index
        %get3A_401 = arith.constant 80 : index
        %get3A_402 = tpu.vector_load %arg10[%get3A_400, %get3A_401] {strides = array<i32>} : memref<104x128xf32, #tpu.memory_space<vmem>>, vector<16xf32>,
        %bitcast3A_403 = vector.bitcast %get3A_402 : vector<16xf32> to vector<32xbf16>
        %add3A_404 = arith.constant 1 : i32
        %add3A_405 = arith.addi %mul3A_248, %add3A_404 : i32
        %get3A_406 = arith.index_cast %add3A_405 : i32 to index
        %get3A_407 = arith.constant 80 : index
        %get3A_408 = tpu.vector_load %arg10[%get3A_406, %get3A_407] {strides = array<i32>} : memref<104x128xf32, #tpu.memory_space<vmem>>, vector<16xf32>,
        %bitcast3A_409 = vector.bitcast %get3A_408 : vector<16xf32> to vector<32xbf16>
        %add3A_410 = arith.constant 2 : i32
        %add3A_411 = arith.addi %mul3A_248, %add3A_410 : i32
        %get3A_412 = arith.index_cast %add3A_411 : i32 to index
        %get3A_413 = arith.constant 80 : index
        %get3A_414 = tpu.vector_load %arg10[%get3A_412, %get3A_413] {strides = array<i32>} : memref<104x128xf32, #tpu.memory_space<vmem>>, vector<16xf32>,
        %bitcast3A_415 = vector.bitcast %get3A_414 : vector<16xf32> to vector<32xbf16>
        %add3A_416 = arith.constant 3 : i32
        %add3A_417 = arith.addi %mul3A_248, %add3A_416 : i32
        %get3A_418 = arith.index_cast %add3A_417 : i32 to index
        %get3A_419 = arith.constant 80 : index
        %get3A_420 = tpu.vector_load %arg10[%get3A_418, %get3A_419] {strides = array<i32>} : memref<104x128xf32, #tpu.memory_space<vmem>>, vector<16xf32>,
        %bitcast3A_421 = vector.bitcast %get3A_420 : vector<16xf32> to vector<32xbf16>
        %max3A_422 = arith.maximumf %bitcast3A_403, %bitcast3A_409 : vector<32xbf16>
        %max3A_423 = arith.maximumf %bitcast3A_415, %bitcast3A_421 : vector<32xbf16>
        %max3A_424 = arith.maximumf %max3A_422, %max3A_423 : vector<32xbf16>
        %bitcast3A_425 = vector.bitcast %max3A_424 : vector<32xbf16> to vector<16xf32>
        %add3A_426 = arith.constant 0 : i32
        %add3A_427 = arith.addi %add3A_426, %scan3A_246 : i32
        %swap3A_428 = arith.index_cast %add3A_427 : i32 to index
        %swap3A_429 = arith.constant 80 : index
        %swap3A_430 = tpu.vector_load %arg14[%swap3A_428, %swap3A_429] {strides = array<i32>} : memref<49x128xf32, #tpu.memory_space<vmem>>, vector<16xf32>,
        tpu.vector_store %arg14[%swap3A_428, %swap3A_429], %bitcast3A_425 {strides = array<i32>} : memref<49x128xf32, #tpu.memory_space<vmem>>, vector<16xf32>,
      }
      %scan3A_208 = arith.constant 26 : i32
      %lt3A_209 = arith.constant 10 : i32
      %lt3A_210 = arith.cmpi slt, %scan3A_81, %lt3A_209 : i32
      %convert_element_type3A_211 = arith.extui %lt3A_210 : i1 to i32
      %cond3A_212 = arith.constant 0 : i32
      %cond3A_213 = arith.cmpi ne, %convert_element_type3A_211, %cond3A_212 : i32
      scf.if %cond3A_213 {
        %add3A_246 = arith.constant 1 : i32
        %add3A_247 = arith.addi %scan3A_81, %add3A_246 : i32
        %mul3A_248 = arith.constant 3 : i32
        %mul3A_249 = arith.muli %add3A_247, %mul3A_248 : i32
        %add3A_250 = arith.constant 2 : i32
        %add3A_251 = arith.addi %mul3A_249, %add3A_250 : i32
        %dma_start3A_252 = arith.constant 0 : i32
        %dma_start3A_253 = arith.constant 0 : i32
        %dma_start3A_254 = tpu.memref_slice %arg5[%add3A_251, %dma_start3A_252, %dma_start3A_253] : memref<33x2x104xi32, #tpu.memory_space<vmem>> -> memref<1x1x104xi32, #tpu.memory_space<vmem>>
        %dma_start3A_255 = tpu.memref_squeeze %dma_start3A_254 : memref<1x1x104xi32, #tpu.memory_space<vmem>> -> memref<104xi32, #tpu.memory_space<vmem>>
        %dma_start3A_256 = arith.constant 0 : i32
        %dma_start3A_257 = arith.constant 0 : i32
        %dma_start3A_258 = tpu.memref_slice %arg2[%dma_start3A_256, %dma_start3A_257] : memref<9472x128xf32, #tpu.memory_space<hbm>> -> memref<9472x128xf32, #tpu.memory_space<hbm>>
        tpu.enqueue_indirect_dma source(%dma_start3A_258 : memref<9472x128xf32, #tpu.memory_space<hbm>>) target(%arg10 : memref<104x128xf32, #tpu.memory_space<vmem>>) offsets(%dma_start3A_255 : memref<104xi32, #tpu.memory_space<vmem>>) semaphore(%arg19 : memref<!tpu.dma_semaphore, #tpu.memory_space<semaphore_mem>>)
      } else {
      }
      %dma_wait3A_214 = arith.constant 0 : i32
      %dma_wait3A_215 = arith.constant 0 : i32
      %dma_wait3A_216 = arith.constant 0 : i32
      %dma_wait3A_217 = tpu.memref_slice %arg5[%dma_wait3A_214, %dma_wait3A_215, %dma_wait3A_216] : memref<33x2x104xi32, #tpu.memory_space<vmem>> -> memref<1x1x104xi32, #tpu.memory_space<vmem>>
      %dma_wait3A_218 = tpu.memref_squeeze %dma_wait3A_217 : memref<1x1x104xi32, #tpu.memory_space<vmem>> -> memref<104xi32, #tpu.memory_space<vmem>>
      %dma_wait3A_219 = arith.constant 0 : i32
      %dma_wait3A_220 = arith.constant 0 : i32
      %dma_wait3A_221 = tpu.memref_slice %arg2[%dma_wait3A_219, %dma_wait3A_220] : memref<9472x128xf32, #tpu.memory_space<hbm>> -> memref<9472x128xf32, #tpu.memory_space<hbm>>
      tpu.wait_indirect_dma semaphore(%arg20 : memref<!tpu.dma_semaphore, #tpu.memory_space<semaphore_mem>>) src(%dma_wait3A_221 : memref<9472x128xf32, #tpu.memory_space<hbm>>) dst(%arg11 : memref<104x128xf32, #tpu.memory_space<vmem>>)
      %scan3A_222 = arith.constant 0 : i32
      %scan3A_223 = arith.constant 0 : i32
      %scan3A_224 = arith.constant 23 : i32
      %scan3A_225 = arith.addi %scan3A_223, %scan3A_224 : i32
      %scan3A_226 = arith.constant 1 : i32
      scf.for %scan3A_246 = %scan3A_223 to %scan3A_225 step %scan3A_226  : i32 {
        %mul3A_247 = arith.constant 4 : i32
        %mul3A_248 = arith.muli %scan3A_246, %mul3A_247 : i32
        %get3A = arith.index_cast %mul3A_248 : i32 to index
        %get3A_249 = arith.constant 0 : index
        %get3A_250 = tpu.vector_load %arg11[%get3A, %get3A_249] {strides = array<i32>} : memref<104x128xf32, #tpu.memory_space<vmem>>, vector<16xf32>,
        %bitcast3A = vector.bitcast %get3A_250 : vector<16xf32> to vector<32xbf16>
        %add3A_251 = arith.constant 1 : i32
        %add3A_252 = arith.addi %mul3A_248, %add3A_251 : i32
        %get3A_253 = arith.index_cast %add3A_252 : i32 to index
        %get3A_254 = arith.constant 0 : index
        %get3A_255 = tpu.vector_load %arg11[%get3A_253, %get3A_254] {strides = array<i32>} : memref<104x128xf32, #tpu.memory_space<vmem>>, vector<16xf32>,
        %bitcast3A_256 = vector.bitcast %get3A_255 : vector<16xf32> to vector<32xbf16>
        %add3A_257 = arith.constant 2 : i32
        %add3A_258 = arith.addi %mul3A_248, %add3A_257 : i32
        %get3A_259 = arith.index_cast %add3A_258 : i32 to index
        %get3A_260 = arith.constant 0 : index
        %get3A_261 = tpu.vector_load %arg11[%get3A_259, %get3A_260] {strides = array<i32>} : memref<104x128xf32, #tpu.memory_space<vmem>>, vector<16xf32>,
        %bitcast3A_262 = vector.bitcast %get3A_261 : vector<16xf32> to vector<32xbf16>
        %add3A_263 = arith.constant 3 : i32
        %add3A_264 = arith.addi %mul3A_248, %add3A_263 : i32
        %get3A_265 = arith.index_cast %add3A_264 : i32 to index
        %get3A_266 = arith.constant 0 : index
        %get3A_267 = tpu.vector_load %arg11[%get3A_265, %get3A_266] {strides = array<i32>} : memref<104x128xf32, #tpu.memory_space<vmem>>, vector<16xf32>,
        %bitcast3A_268 = vector.bitcast %get3A_267 : vector<16xf32> to vector<32xbf16>
        %max3A = arith.maximumf %bitcast3A, %bitcast3A_256 : vector<32xbf16>
        %max3A_269 = arith.maximumf %bitcast3A_262, %bitcast3A_268 : vector<32xbf16>
        %max3A_270 = arith.maximumf %max3A, %max3A_269 : vector<32xbf16>
        %bitcast3A_271 = vector.bitcast %max3A_270 : vector<32xbf16> to vector<16xf32>
        %add3A_272 = arith.constant 26 : i32
        %add3A_273 = arith.addi %add3A_272, %scan3A_246 : i32
        %swap3A = arith.index_cast %add3A_273 : i32 to index
        %swap3A_274 = arith.constant 0 : index
        %swap3A_275 = tpu.vector_load %arg14[%swap3A, %swap3A_274] {strides = array<i32>} : memref<49x128xf32, #tpu.memory_space<vmem>>, vector<16xf32>,
        tpu.vector_store %arg14[%swap3A, %swap3A_274], %bitcast3A_271 {strides = array<i32>} : memref<49x128xf32, #tpu.memory_space<vmem>>, vector<16xf32>,
        %get3A_276 = arith.index_cast %mul3A_248 : i32 to index
        %get3A_277 = arith.constant 16 : index
        %get3A_278 = tpu.vector_load %arg11[%get3A_276, %get3A_277] {strides = array<i32>} : memref<104x128xf32, #tpu.memory_space<vmem>>, vector<16xf32>,
        %bitcast3A_279 = vector.bitcast %get3A_278 : vector<16xf32> to vector<32xbf16>
        %add3A_280 = arith.constant 1 : i32
        %add3A_281 = arith.addi %mul3A_248, %add3A_280 : i32
        %get3A_282 = arith.index_cast %add3A_281 : i32 to index
        %get3A_283 = arith.constant 16 : index
        %get3A_284 = tpu.vector_load %arg11[%get3A_282, %get3A_283] {strides = array<i32>} : memref<104x128xf32, #tpu.memory_space<vmem>>, vector<16xf32>,
        %bitcast3A_285 = vector.bitcast %get3A_284 : vector<16xf32> to vector<32xbf16>
        %add3A_286 = arith.constant 2 : i32
        %add3A_287 = arith.addi %mul3A_248, %add3A_286 : i32
        %get3A_288 = arith.index_cast %add3A_287 : i32 to index
        %get3A_289 = arith.constant 16 : index
        %get3A_290 = tpu.vector_load %arg11[%get3A_288, %get3A_289] {strides = array<i32>} : memref<104x128xf32, #tpu.memory_space<vmem>>, vector<16xf32>,
        %bitcast3A_291 = vector.bitcast %get3A_290 : vector<16xf32> to vector<32xbf16>
        %add3A_292 = arith.constant 3 : i32
        %add3A_293 = arith.addi %mul3A_248, %add3A_292 : i32
        %get3A_294 = arith.index_cast %add3A_293 : i32 to index
        %get3A_295 = arith.constant 16 : index
        %get3A_296 = tpu.vector_load %arg11[%get3A_294, %get3A_295] {strides = array<i32>} : memref<104x128xf32, #tpu.memory_space<vmem>>, vector<16xf32>,
        %bitcast3A_297 = vector.bitcast %get3A_296 : vector<16xf32> to vector<32xbf16>
        %max3A_298 = arith.maximumf %bitcast3A_279, %bitcast3A_285 : vector<32xbf16>
        %max3A_299 = arith.maximumf %bitcast3A_291, %bitcast3A_297 : vector<32xbf16>
        %max3A_300 = arith.maximumf %max3A_298, %max3A_299 : vector<32xbf16>
        %bitcast3A_301 = vector.bitcast %max3A_300 : vector<32xbf16> to vector<16xf32>
        %add3A_302 = arith.constant 26 : i32
        %add3A_303 = arith.addi %add3A_302, %scan3A_246 : i32
        %swap3A_304 = arith.index_cast %add3A_303 : i32 to index
        %swap3A_305 = arith.constant 16 : index
        %swap3A_306 = tpu.vector_load %arg14[%swap3A_304, %swap3A_305] {strides = array<i32>} : memref<49x128xf32, #tpu.memory_space<vmem>>, vector<16xf32>,
        tpu.vector_store %arg14[%swap3A_304, %swap3A_305], %bitcast3A_301 {strides = array<i32>} : memref<49x128xf32, #tpu.memory_space<vmem>>, vector<16xf32>,
        %get3A_307 = arith.index_cast %mul3A_248 : i32 to index
        %get3A_308 = arith.constant 32 : index
        %get3A_309 = tpu.vector_load %arg11[%get3A_307, %get3A_308] {strides = array<i32>} : memref<104x128xf32, #tpu.memory_space<vmem>>, vector<16xf32>,
        %bitcast3A_310 = vector.bitcast %get3A_309 : vector<16xf32> to vector<32xbf16>
        %add3A_311 = arith.constant 1 : i32
        %add3A_312 = arith.addi %mul3A_248, %add3A_311 : i32
        %get3A_313 = arith.index_cast %add3A_312 : i32 to index
        %get3A_314 = arith.constant 32 : index
        %get3A_315 = tpu.vector_load %arg11[%get3A_313, %get3A_314] {strides = array<i32>} : memref<104x128xf32, #tpu.memory_space<vmem>>, vector<16xf32>,
        %bitcast3A_316 = vector.bitcast %get3A_315 : vector<16xf32> to vector<32xbf16>
        %add3A_317 = arith.constant 2 : i32
        %add3A_318 = arith.addi %mul3A_248, %add3A_317 : i32
        %get3A_319 = arith.index_cast %add3A_318 : i32 to index
        %get3A_320 = arith.constant 32 : index
        %get3A_321 = tpu.vector_load %arg11[%get3A_319, %get3A_320] {strides = array<i32>} : memref<104x128xf32, #tpu.memory_space<vmem>>, vector<16xf32>,
        %bitcast3A_322 = vector.bitcast %get3A_321 : vector<16xf32> to vector<32xbf16>
        %add3A_323 = arith.constant 3 : i32
        %add3A_324 = arith.addi %mul3A_248, %add3A_323 : i32
        %get3A_325 = arith.index_cast %add3A_324 : i32 to index
        %get3A_326 = arith.constant 32 : index
        %get3A_327 = tpu.vector_load %arg11[%get3A_325, %get3A_326] {strides = array<i32>} : memref<104x128xf32, #tpu.memory_space<vmem>>, vector<16xf32>,
        %bitcast3A_328 = vector.bitcast %get3A_327 : vector<16xf32> to vector<32xbf16>
        %max3A_329 = arith.maximumf %bitcast3A_310, %bitcast3A_316 : vector<32xbf16>
        %max3A_330 = arith.maximumf %bitcast3A_322, %bitcast3A_328 : vector<32xbf16>
        %max3A_331 = arith.maximumf %max3A_329, %max3A_330 : vector<32xbf16>
        %bitcast3A_332 = vector.bitcast %max3A_331 : vector<32xbf16> to vector<16xf32>
        %add3A_333 = arith.constant 26 : i32
        %add3A_334 = arith.addi %add3A_333, %scan3A_246 : i32
        %swap3A_335 = arith.index_cast %add3A_334 : i32 to index
        %swap3A_336 = arith.constant 32 : index
        %swap3A_337 = tpu.vector_load %arg14[%swap3A_335, %swap3A_336] {strides = array<i32>} : memref<49x128xf32, #tpu.memory_space<vmem>>, vector<16xf32>,
        tpu.vector_store %arg14[%swap3A_335, %swap3A_336], %bitcast3A_332 {strides = array<i32>} : memref<49x128xf32, #tpu.memory_space<vmem>>, vector<16xf32>,
        %get3A_338 = arith.index_cast %mul3A_248 : i32 to index
        %get3A_339 = arith.constant 48 : index
        %get3A_340 = tpu.vector_load %arg11[%get3A_338, %get3A_339] {strides = array<i32>} : memref<104x128xf32, #tpu.memory_space<vmem>>, vector<16xf32>,
        %bitcast3A_341 = vector.bitcast %get3A_340 : vector<16xf32> to vector<32xbf16>
        %add3A_342 = arith.constant 1 : i32
        %add3A_343 = arith.addi %mul3A_248, %add3A_342 : i32
        %get3A_344 = arith.index_cast %add3A_343 : i32 to index
        %get3A_345 = arith.constant 48 : index
        %get3A_346 = tpu.vector_load %arg11[%get3A_344, %get3A_345] {strides = array<i32>} : memref<104x128xf32, #tpu.memory_space<vmem>>, vector<16xf32>,
        %bitcast3A_347 = vector.bitcast %get3A_346 : vector<16xf32> to vector<32xbf16>
        %add3A_348 = arith.constant 2 : i32
        %add3A_349 = arith.addi %mul3A_248, %add3A_348 : i32
        %get3A_350 = arith.index_cast %add3A_349 : i32 to index
        %get3A_351 = arith.constant 48 : index
        %get3A_352 = tpu.vector_load %arg11[%get3A_350, %get3A_351] {strides = array<i32>} : memref<104x128xf32, #tpu.memory_space<vmem>>, vector<16xf32>,
        %bitcast3A_353 = vector.bitcast %get3A_352 : vector<16xf32> to vector<32xbf16>
        %add3A_354 = arith.constant 3 : i32
        %add3A_355 = arith.addi %mul3A_248, %add3A_354 : i32
        %get3A_356 = arith.index_cast %add3A_355 : i32 to index
        %get3A_357 = arith.constant 48 : index
        %get3A_358 = tpu.vector_load %arg11[%get3A_356, %get3A_357] {strides = array<i32>} : memref<104x128xf32, #tpu.memory_space<vmem>>, vector<16xf32>,
        %bitcast3A_359 = vector.bitcast %get3A_358 : vector<16xf32> to vector<32xbf16>
        %max3A_360 = arith.maximumf %bitcast3A_341, %bitcast3A_347 : vector<32xbf16>
        %max3A_361 = arith.maximumf %bitcast3A_353, %bitcast3A_359 : vector<32xbf16>
        %max3A_362 = arith.maximumf %max3A_360, %max3A_361 : vector<32xbf16>
        %bitcast3A_363 = vector.bitcast %max3A_362 : vector<32xbf16> to vector<16xf32>
        %add3A_364 = arith.constant 26 : i32
        %add3A_365 = arith.addi %add3A_364, %scan3A_246 : i32
        %swap3A_366 = arith.index_cast %add3A_365 : i32 to index
        %swap3A_367 = arith.constant 48 : index
        %swap3A_368 = tpu.vector_load %arg14[%swap3A_366, %swap3A_367] {strides = array<i32>} : memref<49x128xf32, #tpu.memory_space<vmem>>, vector<16xf32>,
        tpu.vector_store %arg14[%swap3A_366, %swap3A_367], %bitcast3A_363 {strides = array<i32>} : memref<49x128xf32, #tpu.memory_space<vmem>>, vector<16xf32>,
        %get3A_369 = arith.index_cast %mul3A_248 : i32 to index
        %get3A_370 = arith.constant 64 : index
        %get3A_371 = tpu.vector_load %arg11[%get3A_369, %get3A_370] {strides = array<i32>} : memref<104x128xf32, #tpu.memory_space<vmem>>, vector<16xf32>,
        %bitcast3A_372 = vector.bitcast %get3A_371 : vector<16xf32> to vector<32xbf16>
        %add3A_373 = arith.constant 1 : i32
        %add3A_374 = arith.addi %mul3A_248, %add3A_373 : i32
        %get3A_375 = arith.index_cast %add3A_374 : i32 to index
        %get3A_376 = arith.constant 64 : index
        %get3A_377 = tpu.vector_load %arg11[%get3A_375, %get3A_376] {strides = array<i32>} : memref<104x128xf32, #tpu.memory_space<vmem>>, vector<16xf32>,
        %bitcast3A_378 = vector.bitcast %get3A_377 : vector<16xf32> to vector<32xbf16>
        %add3A_379 = arith.constant 2 : i32
        %add3A_380 = arith.addi %mul3A_248, %add3A_379 : i32
        %get3A_381 = arith.index_cast %add3A_380 : i32 to index
        %get3A_382 = arith.constant 64 : index
        %get3A_383 = tpu.vector_load %arg11[%get3A_381, %get3A_382] {strides = array<i32>} : memref<104x128xf32, #tpu.memory_space<vmem>>, vector<16xf32>,
        %bitcast3A_384 = vector.bitcast %get3A_383 : vector<16xf32> to vector<32xbf16>
        %add3A_385 = arith.constant 3 : i32
        %add3A_386 = arith.addi %mul3A_248, %add3A_385 : i32
        %get3A_387 = arith.index_cast %add3A_386 : i32 to index
        %get3A_388 = arith.constant 64 : index
        %get3A_389 = tpu.vector_load %arg11[%get3A_387, %get3A_388] {strides = array<i32>} : memref<104x128xf32, #tpu.memory_space<vmem>>, vector<16xf32>,
        %bitcast3A_390 = vector.bitcast %get3A_389 : vector<16xf32> to vector<32xbf16>
        %max3A_391 = arith.maximumf %bitcast3A_372, %bitcast3A_378 : vector<32xbf16>
        %max3A_392 = arith.maximumf %bitcast3A_384, %bitcast3A_390 : vector<32xbf16>
        %max3A_393 = arith.maximumf %max3A_391, %max3A_392 : vector<32xbf16>
        %bitcast3A_394 = vector.bitcast %max3A_393 : vector<32xbf16> to vector<16xf32>
        %add3A_395 = arith.constant 26 : i32
        %add3A_396 = arith.addi %add3A_395, %scan3A_246 : i32
        %swap3A_397 = arith.index_cast %add3A_396 : i32 to index
        %swap3A_398 = arith.constant 64 : index
        %swap3A_399 = tpu.vector_load %arg14[%swap3A_397, %swap3A_398] {strides = array<i32>} : memref<49x128xf32, #tpu.memory_space<vmem>>, vector<16xf32>,
        tpu.vector_store %arg14[%swap3A_397, %swap3A_398], %bitcast3A_394 {strides = array<i32>} : memref<49x128xf32, #tpu.memory_space<vmem>>, vector<16xf32>,
        %get3A_400 = arith.index_cast %mul3A_248 : i32 to index
        %get3A_401 = arith.constant 80 : index
        %get3A_402 = tpu.vector_load %arg11[%get3A_400, %get3A_401] {strides = array<i32>} : memref<104x128xf32, #tpu.memory_space<vmem>>, vector<16xf32>,
        %bitcast3A_403 = vector.bitcast %get3A_402 : vector<16xf32> to vector<32xbf16>
        %add3A_404 = arith.constant 1 : i32
        %add3A_405 = arith.addi %mul3A_248, %add3A_404 : i32
        %get3A_406 = arith.index_cast %add3A_405 : i32 to index
        %get3A_407 = arith.constant 80 : index
        %get3A_408 = tpu.vector_load %arg11[%get3A_406, %get3A_407] {strides = array<i32>} : memref<104x128xf32, #tpu.memory_space<vmem>>, vector<16xf32>,
        %bitcast3A_409 = vector.bitcast %get3A_408 : vector<16xf32> to vector<32xbf16>
        %add3A_410 = arith.constant 2 : i32
        %add3A_411 = arith.addi %mul3A_248, %add3A_410 : i32
        %get3A_412 = arith.index_cast %add3A_411 : i32 to index
        %get3A_413 = arith.constant 80 : index
        %get3A_414 = tpu.vector_load %arg11[%get3A_412, %get3A_413] {strides = array<i32>} : memref<104x128xf32, #tpu.memory_space<vmem>>, vector<16xf32>,
        %bitcast3A_415 = vector.bitcast %get3A_414 : vector<16xf32> to vector<32xbf16>
        %add3A_416 = arith.constant 3 : i32
        %add3A_417 = arith.addi %mul3A_248, %add3A_416 : i32
        %get3A_418 = arith.index_cast %add3A_417 : i32 to index
        %get3A_419 = arith.constant 80 : index
        %get3A_420 = tpu.vector_load %arg11[%get3A_418, %get3A_419] {strides = array<i32>} : memref<104x128xf32, #tpu.memory_space<vmem>>, vector<16xf32>,
        %bitcast3A_421 = vector.bitcast %get3A_420 : vector<16xf32> to vector<32xbf16>
        %max3A_422 = arith.maximumf %bitcast3A_403, %bitcast3A_409 : vector<32xbf16>
        %max3A_423 = arith.maximumf %bitcast3A_415, %bitcast3A_421 : vector<32xbf16>
        %max3A_424 = arith.maximumf %max3A_422, %max3A_423 : vector<32xbf16>
        %bitcast3A_425 = vector.bitcast %max3A_424 : vector<32xbf16> to vector<16xf32>
        %add3A_426 = arith.constant 26 : i32
        %add3A_427 = arith.addi %add3A_426, %scan3A_246 : i32
        %swap3A_428 = arith.index_cast %add3A_427 : i32 to index
        %swap3A_429 = arith.constant 80 : index
        %swap3A_430 = tpu.vector_load %arg14[%swap3A_428, %swap3A_429] {strides = array<i32>} : memref<49x128xf32, #tpu.memory_space<vmem>>, vector<16xf32>,
        tpu.vector_store %arg14[%swap3A_428, %swap3A_429], %bitcast3A_425 {strides = array<i32>} : memref<49x128xf32, #tpu.memory_space<vmem>>, vector<16xf32>,
      }
      %scan3A_227 = arith.constant 23 : i32
      %lt3A_228 = arith.constant 10 : i32
      %lt3A_229 = arith.cmpi slt, %scan3A_81, %lt3A_228 : i32
      %convert_element_type3A_230 = arith.extui %lt3A_229 : i1 to i32
      %cond3A_231 = arith.constant 0 : i32
      %cond3A_232 = arith.cmpi ne, %convert_element_type3A_230, %cond3A_231 : i32
      scf.if %cond3A_232 {
        %add3A_246 = arith.constant 1 : i32
        %add3A_247 = arith.addi %scan3A_81, %add3A_246 : i32
        %mul3A_248 = arith.constant 3 : i32
        %mul3A_249 = arith.muli %add3A_247, %mul3A_248 : i32
        %add3A_250 = arith.constant 2 : i32
        %add3A_251 = arith.addi %mul3A_249, %add3A_250 : i32
        %dma_start3A_252 = arith.constant 1 : i32
        %dma_start3A_253 = arith.constant 0 : i32
        %dma_start3A_254 = tpu.memref_slice %arg5[%add3A_251, %dma_start3A_252, %dma_start3A_253] : memref<33x2x104xi32, #tpu.memory_space<vmem>> -> memref<1x1x104xi32, #tpu.memory_space<vmem>>
        %dma_start3A_255 = tpu.memref_squeeze %dma_start3A_254 : memref<1x1x104xi32, #tpu.memory_space<vmem>> -> memref<104xi32, #tpu.memory_space<vmem>>
        %dma_start3A_256 = arith.constant 0 : i32
        %dma_start3A_257 = arith.constant 0 : i32
        %dma_start3A_258 = tpu.memref_slice %arg2[%dma_start3A_256, %dma_start3A_257] : memref<9472x128xf32, #tpu.memory_space<hbm>> -> memref<9472x128xf32, #tpu.memory_space<hbm>>
        tpu.enqueue_indirect_dma source(%dma_start3A_258 : memref<9472x128xf32, #tpu.memory_space<hbm>>) target(%arg11 : memref<104x128xf32, #tpu.memory_space<vmem>>) offsets(%dma_start3A_255 : memref<104xi32, #tpu.memory_space<vmem>>) semaphore(%arg20 : memref<!tpu.dma_semaphore, #tpu.memory_space<semaphore_mem>>)
      } else {
      }
      %mul3A_233 = arith.constant 3 : i32
      %mul3A_234 = arith.muli %scan3A_81, %mul3A_233 : i32
      %add3A_235 = arith.addi %mul3A_2, %mul3A_234 : i32
      %add3A_236 = arith.constant 2 : i32
      %add3A_237 = arith.addi %add3A_235, %add3A_236 : i32
      %dma_start3A_238 = arith.constant 0 : i32
      %dma_start3A_239 = arith.constant 0 : i32
      %dma_start3A_240 = tpu.memref_slice %arg4[%add3A_237, %dma_start3A_238, %dma_start3A_239] : memref<1056x49x128xf32, #tpu.memory_space<hbm>> -> memref<1x49x128xf32, #tpu.memory_space<hbm>>
      %dma_start3A_241 = tpu.memref_squeeze %dma_start3A_240 : memref<1x49x128xf32, #tpu.memory_space<hbm>> -> memref<49x128xf32, #tpu.memory_space<hbm>>
      %dma_start3A_242 = arith.constant 0 : i32
      %dma_start3A_243 = arith.constant 0 : i32
      %dma_start3A_244 = tpu.memref_slice %arg4[%add3A_237, %dma_start3A_242, %dma_start3A_243] : memref<1056x49x128xf32, #tpu.memory_space<hbm>> -> memref<1x49x128xf32, #tpu.memory_space<hbm>>
      %dma_start3A_245 = tpu.memref_squeeze %dma_start3A_244 : memref<1x49x128xf32, #tpu.memory_space<hbm>> -> memref<49x128xf32, #tpu.memory_space<hbm>>
      tpu.enqueue_dma source(%arg14 : memref<49x128xf32, #tpu.memory_space<vmem>>) target(%dma_start3A_245 : memref<49x128xf32, #tpu.memory_space<hbm>>) target_semaphore(%arg23 : memref<!tpu.dma_semaphore, #tpu.memory_space<semaphore_mem>>)
    }
    %scan3A_54 = arith.constant 11 : i32
    %dma_wait3A = arith.constant 0 : i32
    %dma_wait3A_55 = arith.constant 0 : i32
    %dma_wait3A_56 = arith.constant 0 : i32
    %dma_wait3A_57 = tpu.memref_slice %arg4[%dma_wait3A, %dma_wait3A_55, %dma_wait3A_56] : memref<1056x49x128xf32, #tpu.memory_space<hbm>> -> memref<1x49x128xf32, #tpu.memory_space<hbm>>
    %dma_wait3A_58 = tpu.memref_squeeze %dma_wait3A_57 : memref<1x49x128xf32, #tpu.memory_space<hbm>> -> memref<49x128xf32, #tpu.memory_space<hbm>>
    %dma_wait3A_59 = arith.constant 0 : i32
    %dma_wait3A_60 = arith.constant 0 : i32
    %dma_wait3A_61 = tpu.memref_slice %arg4[%dma_wait3A, %dma_wait3A_59, %dma_wait3A_60] : memref<1056x49x128xf32, #tpu.memory_space<hbm>> -> memref<1x49x128xf32, #tpu.memory_space<hbm>>
    %dma_wait3A_62 = tpu.memref_squeeze %dma_wait3A_61 : memref<1x49x128xf32, #tpu.memory_space<hbm>> -> memref<49x128xf32, #tpu.memory_space<hbm>>
    tpu.wait_dma2 semaphore(%arg21 : memref<!tpu.dma_semaphore, #tpu.memory_space<semaphore_mem>>) src(%arg12 : memref<49x128xf32, #tpu.memory_space<vmem>>) dst(%dma_wait3A_62 : memref<49x128xf32, #tpu.memory_space<hbm>>)
    %dma_wait3A_63 = arith.constant 0 : i32
    %dma_wait3A_64 = arith.constant 0 : i32
    %dma_wait3A_65 = arith.constant 0 : i32
    %dma_wait3A_66 = tpu.memref_slice %arg4[%dma_wait3A_63, %dma_wait3A_64, %dma_wait3A_65] : memref<1056x49x128xf32, #tpu.memory_space<hbm>> -> memref<1x49x128xf32, #tpu.memory_space<hbm>>
    %dma_wait3A_67 = tpu.memref_squeeze %dma_wait3A_66 : memref<1x49x128xf32, #tpu.memory_space<hbm>> -> memref<49x128xf32, #tpu.memory_space<hbm>>
    %dma_wait3A_68 = arith.constant 0 : i32
    %dma_wait3A_69 = arith.constant 0 : i32
    %dma_wait3A_70 = tpu.memref_slice %arg4[%dma_wait3A_63, %dma_wait3A_68, %dma_wait3A_69] : memref<1056x49x128xf32, #tpu.memory_space<hbm>> -> memref<1x49x128xf32, #tpu.memory_space<hbm>>
    %dma_wait3A_71 = tpu.memref_squeeze %dma_wait3A_70 : memref<1x49x128xf32, #tpu.memory_space<hbm>> -> memref<49x128xf32, #tpu.memory_space<hbm>>
    tpu.wait_dma2 semaphore(%arg22 : memref<!tpu.dma_semaphore, #tpu.memory_space<semaphore_mem>>) src(%arg13 : memref<49x128xf32, #tpu.memory_space<vmem>>) dst(%dma_wait3A_71 : memref<49x128xf32, #tpu.memory_space<hbm>>)
    %dma_wait3A_72 = arith.constant 0 : i32
    %dma_wait3A_73 = arith.constant 0 : i32
    %dma_wait3A_74 = arith.constant 0 : i32
    %dma_wait3A_75 = tpu.memref_slice %arg4[%dma_wait3A_72, %dma_wait3A_73, %dma_wait3A_74] : memref<1056x49x128xf32, #tpu.memory_space<hbm>> -> memref<1x49x128xf32, #tpu.memory_space<hbm>>
    %dma_wait3A_76 = tpu.memref_squeeze %dma_wait3A_75 : memref<1x49x128xf32, #tpu.memory_space<hbm>> -> memref<49x128xf32, #tpu.memory_space<hbm>>
    %dma_wait3A_77 = arith.constant 0 : i32
    %dma_wait3A_78 = arith.constant 0 : i32
    %dma_wait3A_79 = tpu.memref_slice %arg4[%dma_wait3A_72, %dma_wait3A_77, %dma_wait3A_78] : memref<1056x49x128xf32, #tpu.memory_space<hbm>> -> memref<1x49x128xf32, #tpu.memory_space<hbm>>
    %dma_wait3A_80 = tpu.memref_squeeze %dma_wait3A_79 : memref<1x49x128xf32, #tpu.memory_space<hbm>> -> memref<49x128xf32, #tpu.memory_space<hbm>>
    tpu.wait_dma2 semaphore(%arg23 : memref<!tpu.dma_semaphore, #tpu.memory_space<semaphore_mem>>) src(%arg14 : memref<49x128xf32, #tpu.memory_space<vmem>>) dst(%dma_wait3A_80 : memref<49x128xf32, #tpu.memory_space<hbm>>)
    return
  }
}

module attributes {stable_mosaic.version = 14 : i64} {
  func.func @body(%arg0: memref<192x32x32xf32, #tpu.memory_space<vmem>>, %arg1: memref<1000x4xi32, #tpu.memory_space<vmem>>, %arg2: memref<3x256xi32, #tpu.memory_space<vmem>>, %arg3: memref<9472x128xf32, #tpu.memory_space<vmem>>, %arg4: memref<1056x208xi32, #tpu.memory_space<vmem>>) attributes {dimension_semantics = [], scalar_prefetch = 0 : i64, scratch_operands = 0 : i64, tpu.core_type = #tpu.core_type<tc>} {
    %get3A = arith.constant 0 : index
    %get3A_0 = arith.constant 0 : index
    %get3A_1 = vector.load %arg1[%get3A, %get3A_0] : memref<1000x4xi32, #tpu.memory_space<vmem>>, vector<1000x4xi32>
    %broadcast_in_dim3A = arith.constant 0 : i32
    %broadcast_in_dim3A_2 = vector.broadcast %broadcast_in_dim3A : i32 to vector<56x4xi32>
    %concatenate3A = tpu.concatenate %get3A_1, %broadcast_in_dim3A_2 in 0 : vector<1000x4xi32>, vector<56x4xi32> -> vector<1056x4xi32>
    %get3A_3 = arith.constant 0 : index
    %get3A_4 = arith.constant 0 : index
    %get3A_5 = vector.load %arg2[%get3A_3, %get3A_4] : memref<3x256xi32, #tpu.memory_space<vmem>>, vector<3x256xi32>
    %slice3A = vector.extract_strided_slice %get3A_5 {offsets = [0, 0], sizes = [1, 256], strides = [1, 1]} : vector<3x256xi32> to vector<1x256xi32>
    %broadcast_in_dim3A_6 = vector.shape_cast %slice3A : vector<1x256xi32> to vector<1x256xi32>
    %broadcast_in_dim3A_7 = vector.broadcast %broadcast_in_dim3A_6 : vector<1x256xi32> to vector<1056x256xi32>
    %slice3A_8 = vector.extract_strided_slice %get3A_5 {offsets = [1, 0], sizes = [1, 256], strides = [1, 1]} : vector<3x256xi32> to vector<1x256xi32>
    %broadcast_in_dim3A_9 = vector.shape_cast %slice3A_8 : vector<1x256xi32> to vector<1x256xi32>
    %broadcast_in_dim3A_10 = vector.broadcast %broadcast_in_dim3A_9 : vector<1x256xi32> to vector<1056x256xi32>
    %slice3A_11 = vector.extract_strided_slice %get3A_5 {offsets = [2, 0], sizes = [1, 256], strides = [1, 1]} : vector<3x256xi32> to vector<1x256xi32>
    %broadcast_in_dim3A_12 = vector.shape_cast %slice3A_11 : vector<1x256xi32> to vector<1x256xi32>
    %broadcast_in_dim3A_13 = vector.broadcast %broadcast_in_dim3A_12 : vector<1x256xi32> to vector<1056x256xi32>
    %iota3A = tpu.iota {dimensions = array<i32: 0>} : vector<1056x256xi32>
    %iota3A_14 = tpu.iota {dimensions = array<i32: 1>} : vector<1056x256xi32>
    %slice3A_15 = vector.extract_strided_slice %concatenate3A {offsets = [0, 0], sizes = [1056, 1], strides = [1, 1]} : vector<1056x4xi32> to vector<1056x1xi32>
    %slice3A_16 = vector.extract_strided_slice %concatenate3A {offsets = [0, 1], sizes = [1056, 1], strides = [1, 1]} : vector<1056x4xi32> to vector<1056x1xi32>
    %slice3A_17 = vector.extract_strided_slice %concatenate3A {offsets = [0, 2], sizes = [1056, 1], strides = [1, 1]} : vector<1056x4xi32> to vector<1056x1xi32>
    %slice3A_18 = vector.extract_strided_slice %concatenate3A {offsets = [0, 3], sizes = [1056, 1], strides = [1, 1]} : vector<1056x4xi32> to vector<1056x1xi32>
    %sub3A = arith.subi %slice3A_17, %slice3A_15 : vector<1056x1xi32>
    %add3A = arith.constant 1 : i32
    %add3A_19 = vector.broadcast %add3A : i32 to vector<1056x1xi32>
    %add3A_20 = arith.addi %sub3A, %add3A_19 : vector<1056x1xi32>
    %max3A = arith.constant 1 : i32
    %max3A_21 = vector.broadcast %max3A : i32 to vector<1056x1xi32>
    %max3A_22 = arith.maxsi %add3A_20, %max3A_21 : vector<1056x1xi32>
    %sub3A_23 = arith.subi %slice3A_18, %slice3A_16 : vector<1056x1xi32>
    %add3A_24 = arith.constant 1 : i32
    %add3A_25 = vector.broadcast %add3A_24 : i32 to vector<1056x1xi32>
    %add3A_26 = arith.addi %sub3A_23, %add3A_25 : vector<1056x1xi32>
    %max3A_27 = arith.constant 1 : i32
    %max3A_28 = vector.broadcast %max3A_27 : i32 to vector<1056x1xi32>
    %max3A_29 = arith.maxsi %add3A_26, %max3A_28 : vector<1056x1xi32>
    %mul3A = vector.broadcast %max3A_29 : vector<1056x1xi32> to vector<1056x256xi32>
    %mul3A_30 = arith.muli %broadcast_in_dim3A_7, %mul3A : vector<1056x256xi32>
    %convert_element_type3A = arith.sitofp %mul3A_30 : vector<1056x256xi32> to vector<1056x256xf32>
    %add3A_31 = arith.constant 5.000000e-01 : f32
    %add3A_32 = vector.broadcast %add3A_31 : f32 to vector<1056x256xf32>
    %add3A_33 = arith.addf %convert_element_type3A, %add3A_32 : vector<1056x256xf32>
    %mul3A_34 = arith.constant 0.142857149 : f32
    %mul3A_35 = vector.broadcast %mul3A_34 : f32 to vector<1056x256xf32>
    %mul3A_36 = arith.mulf %add3A_33, %mul3A_35 : vector<1056x256xf32>
    %floor3A = math.floor %mul3A_36 : vector<1056x256xf32>
    %convert_element_type3A_37 = arith.fptosi %floor3A : vector<1056x256xf32> to vector<1056x256xi32>
    %add3A_38 = vector.broadcast %slice3A_16 : vector<1056x1xi32> to vector<1056x256xi32>
    %add3A_39 = arith.addi %convert_element_type3A_37, %add3A_38 : vector<1056x256xi32>
    %jit3A = arith.constant 0 : i32
    %jit3A_40 = arith.constant 32 : i32
    %max3A_41 = vector.broadcast %jit3A : i32 to vector<1056x256xi32>
    %max3A_42 = arith.maxsi %max3A_41, %add3A_39 : vector<1056x256xi32>
    %min3A = vector.broadcast %jit3A_40 : i32 to vector<1056x256xi32>
    %min3A_43 = arith.minsi %min3A, %max3A_42 : vector<1056x256xi32>
    %add3A_44 = arith.constant 1 : i32
    %add3A_45 = vector.broadcast %add3A_44 : i32 to vector<1056x256xi32>
    %add3A_46 = arith.addi %broadcast_in_dim3A_7, %add3A_45 : vector<1056x256xi32>
    %mul3A_47 = vector.broadcast %max3A_29 : vector<1056x1xi32> to vector<1056x256xi32>
    %mul3A_48 = arith.muli %add3A_46, %mul3A_47 : vector<1056x256xi32>
    %sub3A_49 = arith.constant 1 : i32
    %sub3A_50 = vector.broadcast %sub3A_49 : i32 to vector<1056x256xi32>
    %sub3A_51 = arith.subi %mul3A_48, %sub3A_50 : vector<1056x256xi32>
    %convert_element_type3A_52 = arith.sitofp %sub3A_51 : vector<1056x256xi32> to vector<1056x256xf32>
    %add3A_53 = arith.constant 5.000000e-01 : f32
    %add3A_54 = vector.broadcast %add3A_53 : f32 to vector<1056x256xf32>
    %add3A_55 = arith.addf %convert_element_type3A_52, %add3A_54 : vector<1056x256xf32>
    %mul3A_56 = arith.constant 0.142857149 : f32
    %mul3A_57 = vector.broadcast %mul3A_56 : f32 to vector<1056x256xf32>
    %mul3A_58 = arith.mulf %add3A_55, %mul3A_57 : vector<1056x256xf32>
    %floor3A_59 = math.floor %mul3A_58 : vector<1056x256xf32>
    %convert_element_type3A_60 = arith.fptosi %floor3A_59 : vector<1056x256xf32> to vector<1056x256xi32>
    %add3A_61 = arith.constant 1 : i32
    %add3A_62 = vector.broadcast %add3A_61 : i32 to vector<1056x256xi32>
    %add3A_63 = arith.addi %convert_element_type3A_60, %add3A_62 : vector<1056x256xi32>
    %add3A_64 = vector.broadcast %slice3A_16 : vector<1056x1xi32> to vector<1056x256xi32>
    %add3A_65 = arith.addi %add3A_63, %add3A_64 : vector<1056x256xi32>
    %jit3A_66 = arith.constant 0 : i32
    %jit3A_67 = arith.constant 32 : i32
    %max3A_68 = vector.broadcast %jit3A_66 : i32 to vector<1056x256xi32>
    %max3A_69 = arith.maxsi %max3A_68, %add3A_65 : vector<1056x256xi32>
    %min3A_70 = vector.broadcast %jit3A_67 : i32 to vector<1056x256xi32>
    %min3A_71 = arith.minsi %min3A_70, %max3A_69 : vector<1056x256xi32>
    %sub3A_72 = arith.subi %min3A_71, %min3A_43 : vector<1056x256xi32>
    %ge3A = arith.constant 4 : i32
    %ge3A_73 = vector.broadcast %ge3A : i32 to vector<1056x256xi32>
    %ge3A_74 = arith.cmpi sge, %sub3A_72, %ge3A_73 : vector<1056x256xi32>
    %ge3A_75 = arith.constant 2 : i32
    %ge3A_76 = vector.broadcast %ge3A_75 : i32 to vector<1056x256xi32>
    %ge3A_77 = arith.cmpi sge, %sub3A_72, %ge3A_76 : vector<1056x256xi32>
    %jit3A_78 = arith.constant 2 : i32
    %jit3A_79 = arith.constant 1 : i32
    %broadcast_in_dim3A_80 = vector.broadcast %jit3A_78 : i32 to vector<1056x256xi32>
    %broadcast_in_dim3A_81 = vector.broadcast %jit3A_79 : i32 to vector<1056x256xi32>
    %select_n3A = arith.select %ge3A_77, %broadcast_in_dim3A_80, %broadcast_in_dim3A_81 : vector<1056x256xi1>, vector<1056x256xi32>
    %jit3A_82 = arith.constant 4 : i32
    %broadcast_in_dim3A_83 = vector.broadcast %jit3A_82 : i32 to vector<1056x256xi32>
    %select_n3A_84 = arith.select %ge3A_74, %broadcast_in_dim3A_83, %select_n3A : vector<1056x256xi1>, vector<1056x256xi32>
    %ge3A_85 = arith.constant 4 : i32
    %ge3A_86 = vector.broadcast %ge3A_85 : i32 to vector<1056x256xi32>
    %ge3A_87 = arith.cmpi sge, %sub3A_72, %ge3A_86 : vector<1056x256xi32>
    %ge3A_88 = arith.constant 2 : i32
    %ge3A_89 = vector.broadcast %ge3A_88 : i32 to vector<1056x256xi32>
    %ge3A_90 = arith.cmpi sge, %sub3A_72, %ge3A_89 : vector<1056x256xi32>
    %jit3A_91 = arith.constant 1 : i32
    %jit3A_92 = arith.constant 0 : i32
    %broadcast_in_dim3A_93 = vector.broadcast %jit3A_91 : i32 to vector<1056x256xi32>
    %broadcast_in_dim3A_94 = vector.broadcast %jit3A_92 : i32 to vector<1056x256xi32>
    %select_n3A_95 = arith.select %ge3A_90, %broadcast_in_dim3A_93, %broadcast_in_dim3A_94 : vector<1056x256xi1>, vector<1056x256xi32>
    %jit3A_96 = arith.constant 2 : i32
    %broadcast_in_dim3A_97 = vector.broadcast %jit3A_96 : i32 to vector<1056x256xi32>
    %select_n3A_98 = arith.select %ge3A_87, %broadcast_in_dim3A_97, %select_n3A_95 : vector<1056x256xi1>, vector<1056x256xi32>
    %sub3A_99 = arith.subi %min3A_71, %select_n3A_84 : vector<1056x256xi32>
    %le3A = arith.constant 0 : i32
    %le3A_100 = vector.broadcast %le3A : i32 to vector<1056x256xi32>
    %le3A_101 = arith.cmpi sle, %sub3A_72, %le3A_100 : vector<1056x256xi32>
    %mul3A_102 = vector.broadcast %max3A_22 : vector<1056x1xi32> to vector<1056x256xi32>
    %mul3A_103 = arith.muli %broadcast_in_dim3A_10, %mul3A_102 : vector<1056x256xi32>
    %convert_element_type3A_104 = arith.sitofp %mul3A_103 : vector<1056x256xi32> to vector<1056x256xf32>
    %add3A_105 = arith.constant 5.000000e-01 : f32
    %add3A_106 = vector.broadcast %add3A_105 : f32 to vector<1056x256xf32>
    %add3A_107 = arith.addf %convert_element_type3A_104, %add3A_106 : vector<1056x256xf32>
    %mul3A_108 = arith.constant 0.142857149 : f32
    %mul3A_109 = vector.broadcast %mul3A_108 : f32 to vector<1056x256xf32>
    %mul3A_110 = arith.mulf %add3A_107, %mul3A_109 : vector<1056x256xf32>
    %floor3A_111 = math.floor %mul3A_110 : vector<1056x256xf32>
    %convert_element_type3A_112 = arith.fptosi %floor3A_111 : vector<1056x256xf32> to vector<1056x256xi32>
    %add3A_113 = vector.broadcast %slice3A_15 : vector<1056x1xi32> to vector<1056x256xi32>
    %add3A_114 = arith.addi %convert_element_type3A_112, %add3A_113 : vector<1056x256xi32>
    %jit3A_115 = arith.constant 0 : i32
    %jit3A_116 = arith.constant 32 : i32
    %max3A_117 = vector.broadcast %jit3A_115 : i32 to vector<1056x256xi32>
    %max3A_118 = arith.maxsi %max3A_117, %add3A_114 : vector<1056x256xi32>
    %min3A_119 = vector.broadcast %jit3A_116 : i32 to vector<1056x256xi32>
    %min3A_120 = arith.minsi %min3A_119, %max3A_118 : vector<1056x256xi32>
    %add3A_121 = arith.constant 1 : i32
    %add3A_122 = vector.broadcast %add3A_121 : i32 to vector<1056x256xi32>
    %add3A_123 = arith.addi %broadcast_in_dim3A_10, %add3A_122 : vector<1056x256xi32>
    %mul3A_124 = vector.broadcast %max3A_22 : vector<1056x1xi32> to vector<1056x256xi32>
    %mul3A_125 = arith.muli %add3A_123, %mul3A_124 : vector<1056x256xi32>
    %sub3A_126 = arith.constant 1 : i32
    %sub3A_127 = vector.broadcast %sub3A_126 : i32 to vector<1056x256xi32>
    %sub3A_128 = arith.subi %mul3A_125, %sub3A_127 : vector<1056x256xi32>
    %convert_element_type3A_129 = arith.sitofp %sub3A_128 : vector<1056x256xi32> to vector<1056x256xf32>
    %add3A_130 = arith.constant 5.000000e-01 : f32
    %add3A_131 = vector.broadcast %add3A_130 : f32 to vector<1056x256xf32>
    %add3A_132 = arith.addf %convert_element_type3A_129, %add3A_131 : vector<1056x256xf32>
    %mul3A_133 = arith.constant 0.142857149 : f32
    %mul3A_134 = vector.broadcast %mul3A_133 : f32 to vector<1056x256xf32>
    %mul3A_135 = arith.mulf %add3A_132, %mul3A_134 : vector<1056x256xf32>
    %floor3A_136 = math.floor %mul3A_135 : vector<1056x256xf32>
    %convert_element_type3A_137 = arith.fptosi %floor3A_136 : vector<1056x256xf32> to vector<1056x256xi32>
    %add3A_138 = arith.constant 1 : i32
    %add3A_139 = vector.broadcast %add3A_138 : i32 to vector<1056x256xi32>
    %add3A_140 = arith.addi %convert_element_type3A_137, %add3A_139 : vector<1056x256xi32>
    %add3A_141 = vector.broadcast %slice3A_15 : vector<1056x1xi32> to vector<1056x256xi32>
    %add3A_142 = arith.addi %add3A_140, %add3A_141 : vector<1056x256xi32>
    %jit3A_143 = arith.constant 0 : i32
    %jit3A_144 = arith.constant 32 : i32
    %max3A_145 = vector.broadcast %jit3A_143 : i32 to vector<1056x256xi32>
    %max3A_146 = arith.maxsi %max3A_145, %add3A_142 : vector<1056x256xi32>
    %min3A_147 = vector.broadcast %jit3A_144 : i32 to vector<1056x256xi32>
    %min3A_148 = arith.minsi %min3A_147, %max3A_146 : vector<1056x256xi32>
    %sub3A_149 = arith.subi %min3A_148, %min3A_120 : vector<1056x256xi32>
    %ge3A_150 = arith.constant 4 : i32
    %ge3A_151 = vector.broadcast %ge3A_150 : i32 to vector<1056x256xi32>
    %ge3A_152 = arith.cmpi sge, %sub3A_149, %ge3A_151 : vector<1056x256xi32>
    %ge3A_153 = arith.constant 2 : i32
    %ge3A_154 = vector.broadcast %ge3A_153 : i32 to vector<1056x256xi32>
    %ge3A_155 = arith.cmpi sge, %sub3A_149, %ge3A_154 : vector<1056x256xi32>
    %jit3A_156 = arith.constant 2 : i32
    %jit3A_157 = arith.constant 1 : i32
    %broadcast_in_dim3A_158 = vector.broadcast %jit3A_156 : i32 to vector<1056x256xi32>
    %broadcast_in_dim3A_159 = vector.broadcast %jit3A_157 : i32 to vector<1056x256xi32>
    %select_n3A_160 = arith.select %ge3A_155, %broadcast_in_dim3A_158, %broadcast_in_dim3A_159 : vector<1056x256xi1>, vector<1056x256xi32>
    %jit3A_161 = arith.constant 4 : i32
    %broadcast_in_dim3A_162 = vector.broadcast %jit3A_161 : i32 to vector<1056x256xi32>
    %select_n3A_163 = arith.select %ge3A_152, %broadcast_in_dim3A_162, %select_n3A_160 : vector<1056x256xi1>, vector<1056x256xi32>
    %ge3A_164 = arith.constant 4 : i32
    %ge3A_165 = vector.broadcast %ge3A_164 : i32 to vector<1056x256xi32>
    %ge3A_166 = arith.cmpi sge, %sub3A_149, %ge3A_165 : vector<1056x256xi32>
    %ge3A_167 = arith.constant 2 : i32
    %ge3A_168 = vector.broadcast %ge3A_167 : i32 to vector<1056x256xi32>
    %ge3A_169 = arith.cmpi sge, %sub3A_149, %ge3A_168 : vector<1056x256xi32>
    %jit3A_170 = arith.constant 1 : i32
    %jit3A_171 = arith.constant 0 : i32
    %broadcast_in_dim3A_172 = vector.broadcast %jit3A_170 : i32 to vector<1056x256xi32>
    %broadcast_in_dim3A_173 = vector.broadcast %jit3A_171 : i32 to vector<1056x256xi32>
    %select_n3A_174 = arith.select %ge3A_169, %broadcast_in_dim3A_172, %broadcast_in_dim3A_173 : vector<1056x256xi1>, vector<1056x256xi32>
    %jit3A_175 = arith.constant 2 : i32
    %broadcast_in_dim3A_176 = vector.broadcast %jit3A_175 : i32 to vector<1056x256xi32>
    %select_n3A_177 = arith.select %ge3A_166, %broadcast_in_dim3A_176, %select_n3A_174 : vector<1056x256xi1>, vector<1056x256xi32>
    %sub3A_178 = arith.subi %min3A_148, %select_n3A_163 : vector<1056x256xi32>
    %le3A_179 = arith.constant 0 : i32
    %le3A_180 = vector.broadcast %le3A_179 : i32 to vector<1056x256xi32>
    %le3A_181 = arith.cmpi sle, %sub3A_149, %le3A_180 : vector<1056x256xi32>
    %mul3A_182 = arith.constant 3 : i32
    %mul3A_183 = vector.broadcast %mul3A_182 : i32 to vector<1056x256xi32>
    %mul3A_184 = arith.muli %select_n3A_98, %mul3A_183 : vector<1056x256xi32>
    %add3A_185 = arith.addi %mul3A_184, %select_n3A_177 : vector<1056x256xi32>
    %mul3A_186 = arith.constant 1024 : i32
    %mul3A_187 = vector.broadcast %mul3A_186 : i32 to vector<1056x256xi32>
    %mul3A_188 = arith.muli %add3A_185, %mul3A_187 : vector<1056x256xi32>
    %ge3A_189 = arith.constant 2 : i32
    %ge3A_190 = vector.broadcast %ge3A_189 : i32 to vector<1056x256xi32>
    %ge3A_191 = arith.cmpi sge, %broadcast_in_dim3A_13, %ge3A_190 : vector<1056x256xi32>
    %select_n3A_192 = arith.select %ge3A_191, %sub3A_99, %min3A_43 : vector<1056x256xi1>, vector<1056x256xi32>
    %mul3A_193 = arith.constant 32 : i32
    %mul3A_194 = vector.broadcast %mul3A_193 : i32 to vector<1056x256xi32>
    %mul3A_195 = arith.muli %select_n3A_192, %mul3A_194 : vector<1056x256xi32>
    %and3A = arith.constant 1 : i32
    %and3A_196 = vector.broadcast %and3A : i32 to vector<1056x256xi32>
    %and3A_197 = arith.andi %broadcast_in_dim3A_13, %and3A_196 : vector<1056x256xi32>
    %eq3A = arith.constant 1 : i32
    %eq3A_198 = vector.broadcast %eq3A : i32 to vector<1056x256xi32>
    %eq3A_199 = arith.cmpi eq, %and3A_197, %eq3A_198 : vector<1056x256xi32>
    %select_n3A_200 = arith.select %eq3A_199, %sub3A_178, %min3A_120 : vector<1056x256xi1>, vector<1056x256xi32>
    %add3A_201 = arith.addi %mul3A_188, %mul3A_195 : vector<1056x256xi32>
    %add3A_202 = arith.addi %add3A_201, %select_n3A_200 : vector<1056x256xi32>
    %mul3A_203 = arith.constant 83 : i32
    %mul3A_204 = vector.broadcast %mul3A_203 : i32 to vector<1056x256xi32>
    %mul3A_205 = arith.muli %iota3A, %mul3A_204 : vector<1056x256xi32>
    %add3A_206 = arith.addi %mul3A_205, %iota3A_14 : vector<1056x256xi32>
    %and3A_207 = arith.constant 255 : i32
    %and3A_208 = vector.broadcast %and3A_207 : i32 to vector<1056x256xi32>
    %and3A_209 = arith.andi %add3A_206, %and3A_208 : vector<1056x256xi32>
    %add3A_210 = arith.constant 9216 : i32
    %add3A_211 = vector.broadcast %add3A_210 : i32 to vector<1056x256xi32>
    %add3A_212 = arith.addi %add3A_211, %and3A_209 : vector<1056x256xi32>
    %or3A = arith.ori %le3A_101, %le3A_181 : vector<1056x256xi1>
    %ge3A_213 = arith.constant 1000 : i32
    %ge3A_214 = vector.broadcast %ge3A_213 : i32 to vector<1056x256xi32>
    %ge3A_215 = arith.cmpi sge, %iota3A, %ge3A_214 : vector<1056x256xi32>
    %or3A_216 = arith.ori %or3A, %ge3A_215 : vector<1056x256xi1>
    %ge3A_217 = arith.constant 196 : i32
    %ge3A_218 = vector.broadcast %ge3A_217 : i32 to vector<1056x256xi32>
    %ge3A_219 = arith.cmpi sge, %iota3A_14, %ge3A_218 : vector<1056x256xi32>
    %or3A_220 = arith.ori %or3A_216, %ge3A_219 : vector<1056x256xi1>
    %select_n3A_221 = arith.select %or3A_220, %add3A_212, %add3A_202 : vector<1056x256xi1>, vector<1056x256xi32>
    %jit3A_222 = arith.constant 0 : i32
    %jit3A_223 = arith.constant 9471 : i32
    %max3A_224 = vector.broadcast %jit3A_222 : i32 to vector<1056x256xi32>
    %max3A_225 = arith.maxsi %max3A_224, %select_n3A_221 : vector<1056x256xi32>
    %min3A_226 = vector.broadcast %jit3A_223 : i32 to vector<1056x256xi32>
    %min3A_227 = arith.minsi %min3A_226, %max3A_225 : vector<1056x256xi32>
    %slice3A_228 = vector.extract_strided_slice %min3A_227 {offsets = [0, 0], sizes = [1056, 208], strides = [1, 1]} : vector<1056x256xi32> to vector<1056x208xi32>
    %swap3A = arith.constant 0 : index
    %swap3A_229 = arith.constant 0 : index
    %swap3A_230 = vector.load %arg4[%swap3A, %swap3A_229] : memref<1056x208xi32, #tpu.memory_space<vmem>>, vector<1056x208xi32>
    tpu.vector_store %arg4[%swap3A, %swap3A_229], %slice3A_228 {strides = array<i32>} : memref<1056x208xi32, #tpu.memory_space<vmem>>, vector<1056x208xi32>,
    %get3A_231 = arith.constant 0 : index
    %get3A_232 = arith.constant 0 : index
    %get3A_233 = arith.constant 0 : index
    %get3A_234 = vector.load %arg0[%get3A_231, %get3A_232, %get3A_233] : memref<192x32x32xf32, #tpu.memory_space<vmem>>, vector<192x32x32xf32>
    %reshape3A = vector.shape_cast %get3A_234 : vector<192x32x32xf32> to vector<192x1024xf32>
    %transpose3A = tpu.transpose %reshape3A, [1, 0] : vector<192x1024xf32> -> vector<1024x192xf32>
    %reshape3A_235 = vector.shape_cast %transpose3A : vector<1024x192xf32> to vector<32x32x192xf32>
    %slice3A_236 = vector.extract_strided_slice %reshape3A_235 {offsets = [31, 0, 0], sizes = [1, 32, 192], strides = [1, 1, 1]} : vector<32x32x192xf32> to vector<1x32x192xf32>
    %slice3A_237 = vector.extract_strided_slice %reshape3A_235 {offsets = [1, 0, 0], sizes = [31, 32, 192], strides = [1, 1, 1]} : vector<32x32x192xf32> to vector<31x32x192xf32>
    %concatenate3A_238 = tpu.concatenate %slice3A_237, %slice3A_236 in 0 : vector<31x32x192xf32>, vector<1x32x192xf32> -> vector<32x32x192xf32>
    %max3A_239 = arith.maximumf %reshape3A_235, %concatenate3A_238 : vector<32x32x192xf32>
    %slice3A_240 = vector.extract_strided_slice %max3A_239 {offsets = [31, 0, 0], sizes = [1, 32, 192], strides = [1, 1, 1]} : vector<32x32x192xf32> to vector<1x32x192xf32>
    %broadcast_in_dim3A_241 = vector.shape_cast %slice3A_240 : vector<1x32x192xf32> to vector<1x32x192xf32>
    %broadcast_in_dim3A_242 = vector.broadcast %broadcast_in_dim3A_241 : vector<1x32x192xf32> to vector<2x32x192xf32>
    %slice3A_243 = vector.extract_strided_slice %max3A_239 {offsets = [2, 0, 0], sizes = [30, 32, 192], strides = [1, 1, 1]} : vector<32x32x192xf32> to vector<30x32x192xf32>
    %concatenate3A_244 = tpu.concatenate %slice3A_243, %broadcast_in_dim3A_242 in 0 : vector<30x32x192xf32>, vector<2x32x192xf32> -> vector<32x32x192xf32>
    %max3A_245 = arith.maximumf %max3A_239, %concatenate3A_244 : vector<32x32x192xf32>
    %slice3A_246 = vector.extract_strided_slice %reshape3A_235 {offsets = [0, 31, 0], sizes = [32, 1, 192], strides = [1, 1, 1]} : vector<32x32x192xf32> to vector<32x1x192xf32>
    %slice3A_247 = vector.extract_strided_slice %reshape3A_235 {offsets = [0, 1, 0], sizes = [32, 31, 192], strides = [1, 1, 1]} : vector<32x32x192xf32> to vector<32x31x192xf32>
    %concatenate3A_248 = tpu.concatenate %slice3A_247, %slice3A_246 in 1 : vector<32x31x192xf32>, vector<32x1x192xf32> -> vector<32x32x192xf32>
    %max3A_249 = arith.maximumf %reshape3A_235, %concatenate3A_248 : vector<32x32x192xf32>
    %slice3A_250 = vector.extract_strided_slice %max3A_249 {offsets = [0, 31, 0], sizes = [32, 1, 192], strides = [1, 1, 1]} : vector<32x32x192xf32> to vector<32x1x192xf32>
    %broadcast_in_dim3A_251 = vector.shape_cast %slice3A_250 : vector<32x1x192xf32> to vector<32x1x192xf32>
    %broadcast_in_dim3A_252 = vector.broadcast %broadcast_in_dim3A_251 : vector<32x1x192xf32> to vector<32x2x192xf32>
    %slice3A_253 = vector.extract_strided_slice %max3A_249 {offsets = [0, 2, 0], sizes = [32, 30, 192], strides = [1, 1, 1]} : vector<32x32x192xf32> to vector<32x30x192xf32>
    %concatenate3A_254 = tpu.concatenate %slice3A_253, %broadcast_in_dim3A_252 in 1 : vector<32x30x192xf32>, vector<32x2x192xf32> -> vector<32x32x192xf32>
    %max3A_255 = arith.maximumf %max3A_249, %concatenate3A_254 : vector<32x32x192xf32>
    %reshape3A_256 = vector.shape_cast %reshape3A_235 : vector<32x32x192xf32> to vector<1024x192xf32>
    %slice3A_257 = vector.extract_strided_slice %reshape3A_256 {offsets = [0, 0], sizes = [1024, 96], strides = [1, 1]} : vector<1024x192xf32> to vector<1024x96xf32>
    %convert_element_type3A_258 = arith.truncf %slice3A_257 : vector<1024x96xf32> to vector<1024x96xbf16>
    %bitcast_convert_type3A = tpu.bitcast %convert_element_type3A_258 : vector<1024x96xbf16> -> vector<1024x96xi16>
    %slice3A_259 = vector.extract_strided_slice %reshape3A_256 {offsets = [0, 96], sizes = [1024, 96], strides = [1, 1]} : vector<1024x192xf32> to vector<1024x96xf32>
    %convert_element_type3A_260 = arith.truncf %slice3A_259 : vector<1024x96xf32> to vector<1024x96xbf16>
    %bitcast_convert_type3A_261 = tpu.bitcast %convert_element_type3A_260 : vector<1024x96xbf16> -> vector<1024x96xi16>
    %convert_element_type3A_262 = arith.extui %bitcast_convert_type3A_261 : vector<1024x96xi16> to vector<1024x96xi32>
    %shift_left3A = arith.constant 16 : i32
    %shift_left3A_263 = vector.broadcast %shift_left3A : i32 to vector<1024x96xi32>
    %shift_left3A_264 = arith.shli %convert_element_type3A_262, %shift_left3A_263 : vector<1024x96xi32>
    %convert_element_type3A_265 = arith.extui %bitcast_convert_type3A : vector<1024x96xi16> to vector<1024x96xi32>
    %or3A_266 = arith.ori %shift_left3A_264, %convert_element_type3A_265 : vector<1024x96xi32>
    %bitcast_convert_type3A_267 = tpu.bitcast %or3A_266 : vector<1024x96xi32> -> vector<1024x96xf32>
    %broadcast_in_dim3A_268 = arith.constant 0.000000e+00 : f32
    %broadcast_in_dim3A_269 = vector.broadcast %broadcast_in_dim3A_268 : f32 to vector<1024x32xf32>
    %concatenate3A_270 = tpu.concatenate %bitcast_convert_type3A_267, %broadcast_in_dim3A_269 in 1 : vector<1024x96xf32>, vector<1024x32xf32> -> vector<1024x128xf32>
    %swap3A_271 = arith.constant 0 : index
    %swap3A_272 = arith.constant 0 : index
    %swap3A_273 = vector.load %arg3[%swap3A_271, %swap3A_272] : memref<9472x128xf32, #tpu.memory_space<vmem>>, vector<1024x128xf32>
    tpu.vector_store %arg3[%swap3A_271, %swap3A_272], %concatenate3A_270 {strides = array<i32>} : memref<9472x128xf32, #tpu.memory_space<vmem>>, vector<1024x128xf32>,
    %reshape3A_274 = vector.shape_cast %max3A_249 : vector<32x32x192xf32> to vector<1024x192xf32>
    %slice3A_275 = vector.extract_strided_slice %reshape3A_274 {offsets = [0, 0], sizes = [1024, 96], strides = [1, 1]} : vector<1024x192xf32> to vector<1024x96xf32>
    %convert_element_type3A_276 = arith.truncf %slice3A_275 : vector<1024x96xf32> to vector<1024x96xbf16>
    %bitcast_convert_type3A_277 = tpu.bitcast %convert_element_type3A_276 : vector<1024x96xbf16> -> vector<1024x96xi16>
    %slice3A_278 = vector.extract_strided_slice %reshape3A_274 {offsets = [0, 96], sizes = [1024, 96], strides = [1, 1]} : vector<1024x192xf32> to vector<1024x96xf32>
    %convert_element_type3A_279 = arith.truncf %slice3A_278 : vector<1024x96xf32> to vector<1024x96xbf16>
    %bitcast_convert_type3A_280 = tpu.bitcast %convert_element_type3A_279 : vector<1024x96xbf16> -> vector<1024x96xi16>
    %convert_element_type3A_281 = arith.extui %bitcast_convert_type3A_280 : vector<1024x96xi16> to vector<1024x96xi32>
    %shift_left3A_282 = arith.constant 16 : i32
    %shift_left3A_283 = vector.broadcast %shift_left3A_282 : i32 to vector<1024x96xi32>
    %shift_left3A_284 = arith.shli %convert_element_type3A_281, %shift_left3A_283 : vector<1024x96xi32>
    %convert_element_type3A_285 = arith.extui %bitcast_convert_type3A_277 : vector<1024x96xi16> to vector<1024x96xi32>
    %or3A_286 = arith.ori %shift_left3A_284, %convert_element_type3A_285 : vector<1024x96xi32>
    %bitcast_convert_type3A_287 = tpu.bitcast %or3A_286 : vector<1024x96xi32> -> vector<1024x96xf32>
    %broadcast_in_dim3A_288 = arith.constant 0.000000e+00 : f32
    %broadcast_in_dim3A_289 = vector.broadcast %broadcast_in_dim3A_288 : f32 to vector<1024x32xf32>
    %concatenate3A_290 = tpu.concatenate %bitcast_convert_type3A_287, %broadcast_in_dim3A_289 in 1 : vector<1024x96xf32>, vector<1024x32xf32> -> vector<1024x128xf32>
    %swap3A_291 = arith.constant 1024 : index
    %swap3A_292 = arith.constant 0 : index
    %swap3A_293 = vector.load %arg3[%swap3A_291, %swap3A_292] : memref<9472x128xf32, #tpu.memory_space<vmem>>, vector<1024x128xf32>
    tpu.vector_store %arg3[%swap3A_291, %swap3A_292], %concatenate3A_290 {strides = array<i32>} : memref<9472x128xf32, #tpu.memory_space<vmem>>, vector<1024x128xf32>,
    %reshape3A_294 = vector.shape_cast %max3A_255 : vector<32x32x192xf32> to vector<1024x192xf32>
    %slice3A_295 = vector.extract_strided_slice %reshape3A_294 {offsets = [0, 0], sizes = [1024, 96], strides = [1, 1]} : vector<1024x192xf32> to vector<1024x96xf32>
    %convert_element_type3A_296 = arith.truncf %slice3A_295 : vector<1024x96xf32> to vector<1024x96xbf16>
    %bitcast_convert_type3A_297 = tpu.bitcast %convert_element_type3A_296 : vector<1024x96xbf16> -> vector<1024x96xi16>
    %slice3A_298 = vector.extract_strided_slice %reshape3A_294 {offsets = [0, 96], sizes = [1024, 96], strides = [1, 1]} : vector<1024x192xf32> to vector<1024x96xf32>
    %convert_element_type3A_299 = arith.truncf %slice3A_298 : vector<1024x96xf32> to vector<1024x96xbf16>
    %bitcast_convert_type3A_300 = tpu.bitcast %convert_element_type3A_299 : vector<1024x96xbf16> -> vector<1024x96xi16>
    %convert_element_type3A_301 = arith.extui %bitcast_convert_type3A_300 : vector<1024x96xi16> to vector<1024x96xi32>
    %shift_left3A_302 = arith.constant 16 : i32
    %shift_left3A_303 = vector.broadcast %shift_left3A_302 : i32 to vector<1024x96xi32>
    %shift_left3A_304 = arith.shli %convert_element_type3A_301, %shift_left3A_303 : vector<1024x96xi32>
    %convert_element_type3A_305 = arith.extui %bitcast_convert_type3A_297 : vector<1024x96xi16> to vector<1024x96xi32>
    %or3A_306 = arith.ori %shift_left3A_304, %convert_element_type3A_305 : vector<1024x96xi32>
    %bitcast_convert_type3A_307 = tpu.bitcast %or3A_306 : vector<1024x96xi32> -> vector<1024x96xf32>
    %broadcast_in_dim3A_308 = arith.constant 0.000000e+00 : f32
    %broadcast_in_dim3A_309 = vector.broadcast %broadcast_in_dim3A_308 : f32 to vector<1024x32xf32>
    %concatenate3A_310 = tpu.concatenate %bitcast_convert_type3A_307, %broadcast_in_dim3A_309 in 1 : vector<1024x96xf32>, vector<1024x32xf32> -> vector<1024x128xf32>
    %swap3A_311 = arith.constant 2048 : index
    %swap3A_312 = arith.constant 0 : index
    %swap3A_313 = vector.load %arg3[%swap3A_311, %swap3A_312] : memref<9472x128xf32, #tpu.memory_space<vmem>>, vector<1024x128xf32>
    tpu.vector_store %arg3[%swap3A_311, %swap3A_312], %concatenate3A_310 {strides = array<i32>} : memref<9472x128xf32, #tpu.memory_space<vmem>>, vector<1024x128xf32>,
    %slice3A_314 = vector.extract_strided_slice %max3A_239 {offsets = [0, 31, 0], sizes = [32, 1, 192], strides = [1, 1, 1]} : vector<32x32x192xf32> to vector<32x1x192xf32>
    %slice3A_315 = vector.extract_strided_slice %max3A_239 {offsets = [0, 1, 0], sizes = [32, 31, 192], strides = [1, 1, 1]} : vector<32x32x192xf32> to vector<32x31x192xf32>
    %concatenate3A_316 = tpu.concatenate %slice3A_315, %slice3A_314 in 1 : vector<32x31x192xf32>, vector<32x1x192xf32> -> vector<32x32x192xf32>
    %max3A_317 = arith.maximumf %max3A_239, %concatenate3A_316 : vector<32x32x192xf32>
    %slice3A_318 = vector.extract_strided_slice %max3A_317 {offsets = [0, 31, 0], sizes = [32, 1, 192], strides = [1, 1, 1]} : vector<32x32x192xf32> to vector<32x1x192xf32>
    %broadcast_in_dim3A_319 = vector.shape_cast %slice3A_318 : vector<32x1x192xf32> to vector<32x1x192xf32>
    %broadcast_in_dim3A_320 = vector.broadcast %broadcast_in_dim3A_319 : vector<32x1x192xf32> to vector<32x2x192xf32>
    %slice3A_321 = vector.extract_strided_slice %max3A_317 {offsets = [0, 2, 0], sizes = [32, 30, 192], strides = [1, 1, 1]} : vector<32x32x192xf32> to vector<32x30x192xf32>
    %concatenate3A_322 = tpu.concatenate %slice3A_321, %broadcast_in_dim3A_320 in 1 : vector<32x30x192xf32>, vector<32x2x192xf32> -> vector<32x32x192xf32>
    %max3A_323 = arith.maximumf %max3A_317, %concatenate3A_322 : vector<32x32x192xf32>
    %reshape3A_324 = vector.shape_cast %max3A_239 : vector<32x32x192xf32> to vector<1024x192xf32>
    %slice3A_325 = vector.extract_strided_slice %reshape3A_324 {offsets = [0, 0], sizes = [1024, 96], strides = [1, 1]} : vector<1024x192xf32> to vector<1024x96xf32>
    %convert_element_type3A_326 = arith.truncf %slice3A_325 : vector<1024x96xf32> to vector<1024x96xbf16>
    %bitcast_convert_type3A_327 = tpu.bitcast %convert_element_type3A_326 : vector<1024x96xbf16> -> vector<1024x96xi16>
    %slice3A_328 = vector.extract_strided_slice %reshape3A_324 {offsets = [0, 96], sizes = [1024, 96], strides = [1, 1]} : vector<1024x192xf32> to vector<1024x96xf32>
    %convert_element_type3A_329 = arith.truncf %slice3A_328 : vector<1024x96xf32> to vector<1024x96xbf16>
    %bitcast_convert_type3A_330 = tpu.bitcast %convert_element_type3A_329 : vector<1024x96xbf16> -> vector<1024x96xi16>
    %convert_element_type3A_331 = arith.extui %bitcast_convert_type3A_330 : vector<1024x96xi16> to vector<1024x96xi32>
    %shift_left3A_332 = arith.constant 16 : i32
    %shift_left3A_333 = vector.broadcast %shift_left3A_332 : i32 to vector<1024x96xi32>
    %shift_left3A_334 = arith.shli %convert_element_type3A_331, %shift_left3A_333 : vector<1024x96xi32>
    %convert_element_type3A_335 = arith.extui %bitcast_convert_type3A_327 : vector<1024x96xi16> to vector<1024x96xi32>
    %or3A_336 = arith.ori %shift_left3A_334, %convert_element_type3A_335 : vector<1024x96xi32>
    %bitcast_convert_type3A_337 = tpu.bitcast %or3A_336 : vector<1024x96xi32> -> vector<1024x96xf32>
    %broadcast_in_dim3A_338 = arith.constant 0.000000e+00 : f32
    %broadcast_in_dim3A_339 = vector.broadcast %broadcast_in_dim3A_338 : f32 to vector<1024x32xf32>
    %concatenate3A_340 = tpu.concatenate %bitcast_convert_type3A_337, %broadcast_in_dim3A_339 in 1 : vector<1024x96xf32>, vector<1024x32xf32> -> vector<1024x128xf32>
    %swap3A_341 = arith.constant 3072 : index
    %swap3A_342 = arith.constant 0 : index
    %swap3A_343 = vector.load %arg3[%swap3A_341, %swap3A_342] : memref<9472x128xf32, #tpu.memory_space<vmem>>, vector<1024x128xf32>
    tpu.vector_store %arg3[%swap3A_341, %swap3A_342], %concatenate3A_340 {strides = array<i32>} : memref<9472x128xf32, #tpu.memory_space<vmem>>, vector<1024x128xf32>,
    %reshape3A_344 = vector.shape_cast %max3A_317 : vector<32x32x192xf32> to vector<1024x192xf32>
    %slice3A_345 = vector.extract_strided_slice %reshape3A_344 {offsets = [0, 0], sizes = [1024, 96], strides = [1, 1]} : vector<1024x192xf32> to vector<1024x96xf32>
    %convert_element_type3A_346 = arith.truncf %slice3A_345 : vector<1024x96xf32> to vector<1024x96xbf16>
    %bitcast_convert_type3A_347 = tpu.bitcast %convert_element_type3A_346 : vector<1024x96xbf16> -> vector<1024x96xi16>
    %slice3A_348 = vector.extract_strided_slice %reshape3A_344 {offsets = [0, 96], sizes = [1024, 96], strides = [1, 1]} : vector<1024x192xf32> to vector<1024x96xf32>
    %convert_element_type3A_349 = arith.truncf %slice3A_348 : vector<1024x96xf32> to vector<1024x96xbf16>
    %bitcast_convert_type3A_350 = tpu.bitcast %convert_element_type3A_349 : vector<1024x96xbf16> -> vector<1024x96xi16>
    %convert_element_type3A_351 = arith.extui %bitcast_convert_type3A_350 : vector<1024x96xi16> to vector<1024x96xi32>
    %shift_left3A_352 = arith.constant 16 : i32
    %shift_left3A_353 = vector.broadcast %shift_left3A_352 : i32 to vector<1024x96xi32>
    %shift_left3A_354 = arith.shli %convert_element_type3A_351, %shift_left3A_353 : vector<1024x96xi32>
    %convert_element_type3A_355 = arith.extui %bitcast_convert_type3A_347 : vector<1024x96xi16> to vector<1024x96xi32>
    %or3A_356 = arith.ori %shift_left3A_354, %convert_element_type3A_355 : vector<1024x96xi32>
    %bitcast_convert_type3A_357 = tpu.bitcast %or3A_356 : vector<1024x96xi32> -> vector<1024x96xf32>
    %broadcast_in_dim3A_358 = arith.constant 0.000000e+00 : f32
    %broadcast_in_dim3A_359 = vector.broadcast %broadcast_in_dim3A_358 : f32 to vector<1024x32xf32>
    %concatenate3A_360 = tpu.concatenate %bitcast_convert_type3A_357, %broadcast_in_dim3A_359 in 1 : vector<1024x96xf32>, vector<1024x32xf32> -> vector<1024x128xf32>
    %swap3A_361 = arith.constant 4096 : index
    %swap3A_362 = arith.constant 0 : index
    %swap3A_363 = vector.load %arg3[%swap3A_361, %swap3A_362] : memref<9472x128xf32, #tpu.memory_space<vmem>>, vector<1024x128xf32>
    tpu.vector_store %arg3[%swap3A_361, %swap3A_362], %concatenate3A_360 {strides = array<i32>} : memref<9472x128xf32, #tpu.memory_space<vmem>>, vector<1024x128xf32>,
    %reshape3A_364 = vector.shape_cast %max3A_323 : vector<32x32x192xf32> to vector<1024x192xf32>
    %slice3A_365 = vector.extract_strided_slice %reshape3A_364 {offsets = [0, 0], sizes = [1024, 96], strides = [1, 1]} : vector<1024x192xf32> to vector<1024x96xf32>
    %convert_element_type3A_366 = arith.truncf %slice3A_365 : vector<1024x96xf32> to vector<1024x96xbf16>
    %bitcast_convert_type3A_367 = tpu.bitcast %convert_element_type3A_366 : vector<1024x96xbf16> -> vector<1024x96xi16>
    %slice3A_368 = vector.extract_strided_slice %reshape3A_364 {offsets = [0, 96], sizes = [1024, 96], strides = [1, 1]} : vector<1024x192xf32> to vector<1024x96xf32>
    %convert_element_type3A_369 = arith.truncf %slice3A_368 : vector<1024x96xf32> to vector<1024x96xbf16>
    %bitcast_convert_type3A_370 = tpu.bitcast %convert_element_type3A_369 : vector<1024x96xbf16> -> vector<1024x96xi16>
    %convert_element_type3A_371 = arith.extui %bitcast_convert_type3A_370 : vector<1024x96xi16> to vector<1024x96xi32>
    %shift_left3A_372 = arith.constant 16 : i32
    %shift_left3A_373 = vector.broadcast %shift_left3A_372 : i32 to vector<1024x96xi32>
    %shift_left3A_374 = arith.shli %convert_element_type3A_371, %shift_left3A_373 : vector<1024x96xi32>
    %convert_element_type3A_375 = arith.extui %bitcast_convert_type3A_367 : vector<1024x96xi16> to vector<1024x96xi32>
    %or3A_376 = arith.ori %shift_left3A_374, %convert_element_type3A_375 : vector<1024x96xi32>
    %bitcast_convert_type3A_377 = tpu.bitcast %or3A_376 : vector<1024x96xi32> -> vector<1024x96xf32>
    %broadcast_in_dim3A_378 = arith.constant 0.000000e+00 : f32
    %broadcast_in_dim3A_379 = vector.broadcast %broadcast_in_dim3A_378 : f32 to vector<1024x32xf32>
    %concatenate3A_380 = tpu.concatenate %bitcast_convert_type3A_377, %broadcast_in_dim3A_379 in 1 : vector<1024x96xf32>, vector<1024x32xf32> -> vector<1024x128xf32>
    %swap3A_381 = arith.constant 5120 : index
    %swap3A_382 = arith.constant 0 : index
    %swap3A_383 = vector.load %arg3[%swap3A_381, %swap3A_382] : memref<9472x128xf32, #tpu.memory_space<vmem>>, vector<1024x128xf32>
    tpu.vector_store %arg3[%swap3A_381, %swap3A_382], %concatenate3A_380 {strides = array<i32>} : memref<9472x128xf32, #tpu.memory_space<vmem>>, vector<1024x128xf32>,
    %slice3A_384 = vector.extract_strided_slice %max3A_245 {offsets = [0, 31, 0], sizes = [32, 1, 192], strides = [1, 1, 1]} : vector<32x32x192xf32> to vector<32x1x192xf32>
    %slice3A_385 = vector.extract_strided_slice %max3A_245 {offsets = [0, 1, 0], sizes = [32, 31, 192], strides = [1, 1, 1]} : vector<32x32x192xf32> to vector<32x31x192xf32>
    %concatenate3A_386 = tpu.concatenate %slice3A_385, %slice3A_384 in 1 : vector<32x31x192xf32>, vector<32x1x192xf32> -> vector<32x32x192xf32>
    %max3A_387 = arith.maximumf %max3A_245, %concatenate3A_386 : vector<32x32x192xf32>
    %slice3A_388 = vector.extract_strided_slice %max3A_387 {offsets = [0, 31, 0], sizes = [32, 1, 192], strides = [1, 1, 1]} : vector<32x32x192xf32> to vector<32x1x192xf32>
    %broadcast_in_dim3A_389 = vector.shape_cast %slice3A_388 : vector<32x1x192xf32> to vector<32x1x192xf32>
    %broadcast_in_dim3A_390 = vector.broadcast %broadcast_in_dim3A_389 : vector<32x1x192xf32> to vector<32x2x192xf32>
    %slice3A_391 = vector.extract_strided_slice %max3A_387 {offsets = [0, 2, 0], sizes = [32, 30, 192], strides = [1, 1, 1]} : vector<32x32x192xf32> to vector<32x30x192xf32>
    %concatenate3A_392 = tpu.concatenate %slice3A_391, %broadcast_in_dim3A_390 in 1 : vector<32x30x192xf32>, vector<32x2x192xf32> -> vector<32x32x192xf32>
    %max3A_393 = arith.maximumf %max3A_387, %concatenate3A_392 : vector<32x32x192xf32>
    %reshape3A_394 = vector.shape_cast %max3A_245 : vector<32x32x192xf32> to vector<1024x192xf32>
    %slice3A_395 = vector.extract_strided_slice %reshape3A_394 {offsets = [0, 0], sizes = [1024, 96], strides = [1, 1]} : vector<1024x192xf32> to vector<1024x96xf32>
    %convert_element_type3A_396 = arith.truncf %slice3A_395 : vector<1024x96xf32> to vector<1024x96xbf16>
    %bitcast_convert_type3A_397 = tpu.bitcast %convert_element_type3A_396 : vector<1024x96xbf16> -> vector<1024x96xi16>
    %slice3A_398 = vector.extract_strided_slice %reshape3A_394 {offsets = [0, 96], sizes = [1024, 96], strides = [1, 1]} : vector<1024x192xf32> to vector<1024x96xf32>
    %convert_element_type3A_399 = arith.truncf %slice3A_398 : vector<1024x96xf32> to vector<1024x96xbf16>
    %bitcast_convert_type3A_400 = tpu.bitcast %convert_element_type3A_399 : vector<1024x96xbf16> -> vector<1024x96xi16>
    %convert_element_type3A_401 = arith.extui %bitcast_convert_type3A_400 : vector<1024x96xi16> to vector<1024x96xi32>
    %shift_left3A_402 = arith.constant 16 : i32
    %shift_left3A_403 = vector.broadcast %shift_left3A_402 : i32 to vector<1024x96xi32>
    %shift_left3A_404 = arith.shli %convert_element_type3A_401, %shift_left3A_403 : vector<1024x96xi32>
    %convert_element_type3A_405 = arith.extui %bitcast_convert_type3A_397 : vector<1024x96xi16> to vector<1024x96xi32>
    %or3A_406 = arith.ori %shift_left3A_404, %convert_element_type3A_405 : vector<1024x96xi32>
    %bitcast_convert_type3A_407 = tpu.bitcast %or3A_406 : vector<1024x96xi32> -> vector<1024x96xf32>
    %broadcast_in_dim3A_408 = arith.constant 0.000000e+00 : f32
    %broadcast_in_dim3A_409 = vector.broadcast %broadcast_in_dim3A_408 : f32 to vector<1024x32xf32>
    %concatenate3A_410 = tpu.concatenate %bitcast_convert_type3A_407, %broadcast_in_dim3A_409 in 1 : vector<1024x96xf32>, vector<1024x32xf32> -> vector<1024x128xf32>
    %swap3A_411 = arith.constant 6144 : index
    %swap3A_412 = arith.constant 0 : index
    %swap3A_413 = vector.load %arg3[%swap3A_411, %swap3A_412] : memref<9472x128xf32, #tpu.memory_space<vmem>>, vector<1024x128xf32>
    tpu.vector_store %arg3[%swap3A_411, %swap3A_412], %concatenate3A_410 {strides = array<i32>} : memref<9472x128xf32, #tpu.memory_space<vmem>>, vector<1024x128xf32>,
    %reshape3A_414 = vector.shape_cast %max3A_387 : vector<32x32x192xf32> to vector<1024x192xf32>
    %slice3A_415 = vector.extract_strided_slice %reshape3A_414 {offsets = [0, 0], sizes = [1024, 96], strides = [1, 1]} : vector<1024x192xf32> to vector<1024x96xf32>
    %convert_element_type3A_416 = arith.truncf %slice3A_415 : vector<1024x96xf32> to vector<1024x96xbf16>
    %bitcast_convert_type3A_417 = tpu.bitcast %convert_element_type3A_416 : vector<1024x96xbf16> -> vector<1024x96xi16>
    %slice3A_418 = vector.extract_strided_slice %reshape3A_414 {offsets = [0, 96], sizes = [1024, 96], strides = [1, 1]} : vector<1024x192xf32> to vector<1024x96xf32>
    %convert_element_type3A_419 = arith.truncf %slice3A_418 : vector<1024x96xf32> to vector<1024x96xbf16>
    %bitcast_convert_type3A_420 = tpu.bitcast %convert_element_type3A_419 : vector<1024x96xbf16> -> vector<1024x96xi16>
    %convert_element_type3A_421 = arith.extui %bitcast_convert_type3A_420 : vector<1024x96xi16> to vector<1024x96xi32>
    %shift_left3A_422 = arith.constant 16 : i32
    %shift_left3A_423 = vector.broadcast %shift_left3A_422 : i32 to vector<1024x96xi32>
    %shift_left3A_424 = arith.shli %convert_element_type3A_421, %shift_left3A_423 : vector<1024x96xi32>
    %convert_element_type3A_425 = arith.extui %bitcast_convert_type3A_417 : vector<1024x96xi16> to vector<1024x96xi32>
    %or3A_426 = arith.ori %shift_left3A_424, %convert_element_type3A_425 : vector<1024x96xi32>
    %bitcast_convert_type3A_427 = tpu.bitcast %or3A_426 : vector<1024x96xi32> -> vector<1024x96xf32>
    %broadcast_in_dim3A_428 = arith.constant 0.000000e+00 : f32
    %broadcast_in_dim3A_429 = vector.broadcast %broadcast_in_dim3A_428 : f32 to vector<1024x32xf32>
    %concatenate3A_430 = tpu.concatenate %bitcast_convert_type3A_427, %broadcast_in_dim3A_429 in 1 : vector<1024x96xf32>, vector<1024x32xf32> -> vector<1024x128xf32>
    %swap3A_431 = arith.constant 7168 : index
    %swap3A_432 = arith.constant 0 : index
    %swap3A_433 = vector.load %arg3[%swap3A_431, %swap3A_432] : memref<9472x128xf32, #tpu.memory_space<vmem>>, vector<1024x128xf32>
    tpu.vector_store %arg3[%swap3A_431, %swap3A_432], %concatenate3A_430 {strides = array<i32>} : memref<9472x128xf32, #tpu.memory_space<vmem>>, vector<1024x128xf32>,
    %reshape3A_434 = vector.shape_cast %max3A_393 : vector<32x32x192xf32> to vector<1024x192xf32>
    %slice3A_435 = vector.extract_strided_slice %reshape3A_434 {offsets = [0, 0], sizes = [1024, 96], strides = [1, 1]} : vector<1024x192xf32> to vector<1024x96xf32>
    %convert_element_type3A_436 = arith.truncf %slice3A_435 : vector<1024x96xf32> to vector<1024x96xbf16>
    %bitcast_convert_type3A_437 = tpu.bitcast %convert_element_type3A_436 : vector<1024x96xbf16> -> vector<1024x96xi16>
    %slice3A_438 = vector.extract_strided_slice %reshape3A_434 {offsets = [0, 96], sizes = [1024, 96], strides = [1, 1]} : vector<1024x192xf32> to vector<1024x96xf32>
    %convert_element_type3A_439 = arith.truncf %slice3A_438 : vector<1024x96xf32> to vector<1024x96xbf16>
    %bitcast_convert_type3A_440 = tpu.bitcast %convert_element_type3A_439 : vector<1024x96xbf16> -> vector<1024x96xi16>
    %convert_element_type3A_441 = arith.extui %bitcast_convert_type3A_440 : vector<1024x96xi16> to vector<1024x96xi32>
    %shift_left3A_442 = arith.constant 16 : i32
    %shift_left3A_443 = vector.broadcast %shift_left3A_442 : i32 to vector<1024x96xi32>
    %shift_left3A_444 = arith.shli %convert_element_type3A_441, %shift_left3A_443 : vector<1024x96xi32>
    %convert_element_type3A_445 = arith.extui %bitcast_convert_type3A_437 : vector<1024x96xi16> to vector<1024x96xi32>
    %or3A_446 = arith.ori %shift_left3A_444, %convert_element_type3A_445 : vector<1024x96xi32>
    %bitcast_convert_type3A_447 = tpu.bitcast %or3A_446 : vector<1024x96xi32> -> vector<1024x96xf32>
    %broadcast_in_dim3A_448 = arith.constant 0.000000e+00 : f32
    %broadcast_in_dim3A_449 = vector.broadcast %broadcast_in_dim3A_448 : f32 to vector<1024x32xf32>
    %concatenate3A_450 = tpu.concatenate %bitcast_convert_type3A_447, %broadcast_in_dim3A_449 in 1 : vector<1024x96xf32>, vector<1024x32xf32> -> vector<1024x128xf32>
    %swap3A_451 = arith.constant 8192 : index
    %swap3A_452 = arith.constant 0 : index
    %swap3A_453 = vector.load %arg3[%swap3A_451, %swap3A_452] : memref<9472x128xf32, #tpu.memory_space<vmem>>, vector<1024x128xf32>
    tpu.vector_store %arg3[%swap3A_451, %swap3A_452], %concatenate3A_450 {strides = array<i32>} : memref<9472x128xf32, #tpu.memory_space<vmem>>, vector<1024x128xf32>,
    %broadcast_in_dim3A_454 = arith.constant 0.000000e+00 : f32
    %broadcast_in_dim3A_455 = vector.broadcast %broadcast_in_dim3A_454 : f32 to vector<256x128xf32>
    %swap3A_456 = arith.constant 9216 : index
    %swap3A_457 = arith.constant 0 : index
    %swap3A_458 = vector.load %arg3[%swap3A_456, %swap3A_457] : memref<9472x128xf32, #tpu.memory_space<vmem>>, vector<256x128xf32>
    tpu.vector_store %arg3[%swap3A_456, %swap3A_457], %broadcast_in_dim3A_455 {strides = array<i32>} : memref<9472x128xf32, #tpu.memory_space<vmem>>, vector<256x128xf32>,
    return
  }
}

module attributes {stable_mosaic.version = 14 : i64} {
  func.func @body(%arg0: i32, %arg1: memref<128x49x128xf32, #tpu.memory_space<vmem>>, %arg2: memref<49x192x128xf32, #tpu.memory_space<vmem>>) attributes {dimension_semantics = [#tpu.dimension_semantics<arbitrary>], iteration_bounds = array<i64: 8>, scalar_prefetch = 0 : i64, scratch_operands = 0 : i64, tpu.core_type = #tpu.core_type<tc>, window_params = [{transform_indices = @transform_0, window_bounds = array<i64: 128, 49, 128>}, {transform_indices = @transform_1, window_bounds = array<i64: 49, 192, 128>}]} {
    %get3A = arith.constant 0 : index
    %get3A_0 = arith.constant 0 : index
    %get3A_1 = arith.constant 0 : index
    %get3A_2 = vector.load %arg1[%get3A, %get3A_0, %get3A_1] : memref<128x49x128xf32, #tpu.memory_space<vmem>>, vector<128x1x128xf32>
    %get3A_3 = vector.shape_cast %get3A_2 : vector<128x1x128xf32> to vector<128x128xf32>
    %transpose3A = tpu.transpose %get3A_3, [1, 0] : vector<128x128xf32> -> vector<128x128xf32>
    %bitcast_convert_type3A = tpu.bitcast %transpose3A : vector<128x128xf32> -> vector<128x128xi32>
    %shift_left3A = arith.constant 16 : i32
    %shift_left3A_4 = vector.broadcast %shift_left3A : i32 to vector<128x128xi32>
    %shift_left3A_5 = arith.shli %bitcast_convert_type3A, %shift_left3A_4 : vector<128x128xi32>
    %bitcast_convert_type3A_6 = tpu.bitcast %shift_left3A_5 : vector<128x128xi32> -> vector<128x128xf32>
    %and3A = arith.constant -65536 : i32
    %and3A_7 = vector.broadcast %and3A : i32 to vector<128x128xi32>
    %and3A_8 = arith.andi %bitcast_convert_type3A, %and3A_7 : vector<128x128xi32>
    %bitcast_convert_type3A_9 = tpu.bitcast %and3A_8 : vector<128x128xi32> -> vector<128x128xf32>
    %slice3A = vector.extract_strided_slice %bitcast_convert_type3A_6 {offsets = [0, 0], sizes = [96, 128], strides = [1, 1]} : vector<128x128xf32> to vector<96x128xf32>
    %swap3A = arith.constant 0 : index
    %swap3A_10 = arith.constant 0 : index
    %swap3A_11 = arith.constant 0 : index
    %swap3A_12 = vector.load %arg2[%swap3A, %swap3A_10, %swap3A_11] : memref<49x192x128xf32, #tpu.memory_space<vmem>>, vector<1x96x128xf32>
    %swap3A_13 = vector.shape_cast %swap3A_12 : vector<1x96x128xf32> to vector<96x128xf32>
    %swap3A_14 = vector.shape_cast %slice3A : vector<96x128xf32> to vector<1x96x128xf32>
    tpu.vector_store %arg2[%swap3A, %swap3A_10, %swap3A_11], %swap3A_14 {strides = array<i32>} : memref<49x192x128xf32, #tpu.memory_space<vmem>>, vector<1x96x128xf32>,
    %slice3A_15 = vector.extract_strided_slice %bitcast_convert_type3A_9 {offsets = [0, 0], sizes = [96, 128], strides = [1, 1]} : vector<128x128xf32> to vector<96x128xf32>
    %swap3A_16 = arith.constant 0 : index
    %swap3A_17 = arith.constant 96 : index
    %swap3A_18 = arith.constant 0 : index
    %swap3A_19 = vector.load %arg2[%swap3A_16, %swap3A_17, %swap3A_18] : memref<49x192x128xf32, #tpu.memory_space<vmem>>, vector<1x96x128xf32>
    %swap3A_20 = vector.shape_cast %swap3A_19 : vector<1x96x128xf32> to vector<96x128xf32>
    %swap3A_21 = vector.shape_cast %slice3A_15 : vector<96x128xf32> to vector<1x96x128xf32>
    tpu.vector_store %arg2[%swap3A_16, %swap3A_17, %swap3A_18], %swap3A_21 {strides = array<i32>} : memref<49x192x128xf32, #tpu.memory_space<vmem>>, vector<1x96x128xf32>,
    %get3A_22 = arith.constant 0 : index
    %get3A_23 = arith.constant 1 : index
    %get3A_24 = arith.constant 0 : index
    %get3A_25 = vector.load %arg1[%get3A_22, %get3A_23, %get3A_24] : memref<128x49x128xf32, #tpu.memory_space<vmem>>, vector<128x1x128xf32>
    %get3A_26 = vector.shape_cast %get3A_25 : vector<128x1x128xf32> to vector<128x128xf32>
    %transpose3A_27 = tpu.transpose %get3A_26, [1, 0] : vector<128x128xf32> -> vector<128x128xf32>
    %bitcast_convert_type3A_28 = tpu.bitcast %transpose3A_27 : vector<128x128xf32> -> vector<128x128xi32>
    %shift_left3A_29 = arith.constant 16 : i32
    %shift_left3A_30 = vector.broadcast %shift_left3A_29 : i32 to vector<128x128xi32>
    %shift_left3A_31 = arith.shli %bitcast_convert_type3A_28, %shift_left3A_30 : vector<128x128xi32>
    %bitcast_convert_type3A_32 = tpu.bitcast %shift_left3A_31 : vector<128x128xi32> -> vector<128x128xf32>
    %and3A_33 = arith.constant -65536 : i32
    %and3A_34 = vector.broadcast %and3A_33 : i32 to vector<128x128xi32>
    %and3A_35 = arith.andi %bitcast_convert_type3A_28, %and3A_34 : vector<128x128xi32>
    %bitcast_convert_type3A_36 = tpu.bitcast %and3A_35 : vector<128x128xi32> -> vector<128x128xf32>
    %slice3A_37 = vector.extract_strided_slice %bitcast_convert_type3A_32 {offsets = [0, 0], sizes = [96, 128], strides = [1, 1]} : vector<128x128xf32> to vector<96x128xf32>
    %swap3A_38 = arith.constant 1 : index
    %swap3A_39 = arith.constant 0 : index
    %swap3A_40 = arith.constant 0 : index
    %swap3A_41 = vector.load %arg2[%swap3A_38, %swap3A_39, %swap3A_40] : memref<49x192x128xf32, #tpu.memory_space<vmem>>, vector<1x96x128xf32>
    %swap3A_42 = vector.shape_cast %swap3A_41 : vector<1x96x128xf32> to vector<96x128xf32>
    %swap3A_43 = vector.shape_cast %slice3A_37 : vector<96x128xf32> to vector<1x96x128xf32>
    tpu.vector_store %arg2[%swap3A_38, %swap3A_39, %swap3A_40], %swap3A_43 {strides = array<i32>} : memref<49x192x128xf32, #tpu.memory_space<vmem>>, vector<1x96x128xf32>,
    %slice3A_44 = vector.extract_strided_slice %bitcast_convert_type3A_36 {offsets = [0, 0], sizes = [96, 128], strides = [1, 1]} : vector<128x128xf32> to vector<96x128xf32>
    %swap3A_45 = arith.constant 1 : index
    %swap3A_46 = arith.constant 96 : index
    %swap3A_47 = arith.constant 0 : index
    %swap3A_48 = vector.load %arg2[%swap3A_45, %swap3A_46, %swap3A_47] : memref<49x192x128xf32, #tpu.memory_space<vmem>>, vector<1x96x128xf32>
    %swap3A_49 = vector.shape_cast %swap3A_48 : vector<1x96x128xf32> to vector<96x128xf32>
    %swap3A_50 = vector.shape_cast %slice3A_44 : vector<96x128xf32> to vector<1x96x128xf32>
    tpu.vector_store %arg2[%swap3A_45, %swap3A_46, %swap3A_47], %swap3A_50 {strides = array<i32>} : memref<49x192x128xf32, #tpu.memory_space<vmem>>, vector<1x96x128xf32>,
    %get3A_51 = arith.constant 0 : index
    %get3A_52 = arith.constant 2 : index
    %get3A_53 = arith.constant 0 : index
    %get3A_54 = vector.load %arg1[%get3A_51, %get3A_52, %get3A_53] : memref<128x49x128xf32, #tpu.memory_space<vmem>>, vector<128x1x128xf32>
    %get3A_55 = vector.shape_cast %get3A_54 : vector<128x1x128xf32> to vector<128x128xf32>
    %transpose3A_56 = tpu.transpose %get3A_55, [1, 0] : vector<128x128xf32> -> vector<128x128xf32>
    %bitcast_convert_type3A_57 = tpu.bitcast %transpose3A_56 : vector<128x128xf32> -> vector<128x128xi32>
    %shift_left3A_58 = arith.constant 16 : i32
    %shift_left3A_59 = vector.broadcast %shift_left3A_58 : i32 to vector<128x128xi32>
    %shift_left3A_60 = arith.shli %bitcast_convert_type3A_57, %shift_left3A_59 : vector<128x128xi32>
    %bitcast_convert_type3A_61 = tpu.bitcast %shift_left3A_60 : vector<128x128xi32> -> vector<128x128xf32>
    %and3A_62 = arith.constant -65536 : i32
    %and3A_63 = vector.broadcast %and3A_62 : i32 to vector<128x128xi32>
    %and3A_64 = arith.andi %bitcast_convert_type3A_57, %and3A_63 : vector<128x128xi32>
    %bitcast_convert_type3A_65 = tpu.bitcast %and3A_64 : vector<128x128xi32> -> vector<128x128xf32>
    %slice3A_66 = vector.extract_strided_slice %bitcast_convert_type3A_61 {offsets = [0, 0], sizes = [96, 128], strides = [1, 1]} : vector<128x128xf32> to vector<96x128xf32>
    %swap3A_67 = arith.constant 2 : index
    %swap3A_68 = arith.constant 0 : index
    %swap3A_69 = arith.constant 0 : index
    %swap3A_70 = vector.load %arg2[%swap3A_67, %swap3A_68, %swap3A_69] : memref<49x192x128xf32, #tpu.memory_space<vmem>>, vector<1x96x128xf32>
    %swap3A_71 = vector.shape_cast %swap3A_70 : vector<1x96x128xf32> to vector<96x128xf32>
    %swap3A_72 = vector.shape_cast %slice3A_66 : vector<96x128xf32> to vector<1x96x128xf32>
    tpu.vector_store %arg2[%swap3A_67, %swap3A_68, %swap3A_69], %swap3A_72 {strides = array<i32>} : memref<49x192x128xf32, #tpu.memory_space<vmem>>, vector<1x96x128xf32>,
    %slice3A_73 = vector.extract_strided_slice %bitcast_convert_type3A_65 {offsets = [0, 0], sizes = [96, 128], strides = [1, 1]} : vector<128x128xf32> to vector<96x128xf32>
    %swap3A_74 = arith.constant 2 : index
    %swap3A_75 = arith.constant 96 : index
    %swap3A_76 = arith.constant 0 : index
    %swap3A_77 = vector.load %arg2[%swap3A_74, %swap3A_75, %swap3A_76] : memref<49x192x128xf32, #tpu.memory_space<vmem>>, vector<1x96x128xf32>
    %swap3A_78 = vector.shape_cast %swap3A_77 : vector<1x96x128xf32> to vector<96x128xf32>
    %swap3A_79 = vector.shape_cast %slice3A_73 : vector<96x128xf32> to vector<1x96x128xf32>
    tpu.vector_store %arg2[%swap3A_74, %swap3A_75, %swap3A_76], %swap3A_79 {strides = array<i32>} : memref<49x192x128xf32, #tpu.memory_space<vmem>>, vector<1x96x128xf32>,
    %get3A_80 = arith.constant 0 : index
    %get3A_81 = arith.constant 3 : index
    %get3A_82 = arith.constant 0 : index
    %get3A_83 = vector.load %arg1[%get3A_80, %get3A_81, %get3A_82] : memref<128x49x128xf32, #tpu.memory_space<vmem>>, vector<128x1x128xf32>
    %get3A_84 = vector.shape_cast %get3A_83 : vector<128x1x128xf32> to vector<128x128xf32>
    %transpose3A_85 = tpu.transpose %get3A_84, [1, 0] : vector<128x128xf32> -> vector<128x128xf32>
    %bitcast_convert_type3A_86 = tpu.bitcast %transpose3A_85 : vector<128x128xf32> -> vector<128x128xi32>
    %shift_left3A_87 = arith.constant 16 : i32
    %shift_left3A_88 = vector.broadcast %shift_left3A_87 : i32 to vector<128x128xi32>
    %shift_left3A_89 = arith.shli %bitcast_convert_type3A_86, %shift_left3A_88 : vector<128x128xi32>
    %bitcast_convert_type3A_90 = tpu.bitcast %shift_left3A_89 : vector<128x128xi32> -> vector<128x128xf32>
    %and3A_91 = arith.constant -65536 : i32
    %and3A_92 = vector.broadcast %and3A_91 : i32 to vector<128x128xi32>
    %and3A_93 = arith.andi %bitcast_convert_type3A_86, %and3A_92 : vector<128x128xi32>
    %bitcast_convert_type3A_94 = tpu.bitcast %and3A_93 : vector<128x128xi32> -> vector<128x128xf32>
    %slice3A_95 = vector.extract_strided_slice %bitcast_convert_type3A_90 {offsets = [0, 0], sizes = [96, 128], strides = [1, 1]} : vector<128x128xf32> to vector<96x128xf32>
    %swap3A_96 = arith.constant 3 : index
    %swap3A_97 = arith.constant 0 : index
    %swap3A_98 = arith.constant 0 : index
    %swap3A_99 = vector.load %arg2[%swap3A_96, %swap3A_97, %swap3A_98] : memref<49x192x128xf32, #tpu.memory_space<vmem>>, vector<1x96x128xf32>
    %swap3A_100 = vector.shape_cast %swap3A_99 : vector<1x96x128xf32> to vector<96x128xf32>
    %swap3A_101 = vector.shape_cast %slice3A_95 : vector<96x128xf32> to vector<1x96x128xf32>
    tpu.vector_store %arg2[%swap3A_96, %swap3A_97, %swap3A_98], %swap3A_101 {strides = array<i32>} : memref<49x192x128xf32, #tpu.memory_space<vmem>>, vector<1x96x128xf32>,
    %slice3A_102 = vector.extract_strided_slice %bitcast_convert_type3A_94 {offsets = [0, 0], sizes = [96, 128], strides = [1, 1]} : vector<128x128xf32> to vector<96x128xf32>
    %swap3A_103 = arith.constant 3 : index
    %swap3A_104 = arith.constant 96 : index
    %swap3A_105 = arith.constant 0 : index
    %swap3A_106 = vector.load %arg2[%swap3A_103, %swap3A_104, %swap3A_105] : memref<49x192x128xf32, #tpu.memory_space<vmem>>, vector<1x96x128xf32>
    %swap3A_107 = vector.shape_cast %swap3A_106 : vector<1x96x128xf32> to vector<96x128xf32>
    %swap3A_108 = vector.shape_cast %slice3A_102 : vector<96x128xf32> to vector<1x96x128xf32>
    tpu.vector_store %arg2[%swap3A_103, %swap3A_104, %swap3A_105], %swap3A_108 {strides = array<i32>} : memref<49x192x128xf32, #tpu.memory_space<vmem>>, vector<1x96x128xf32>,
    %get3A_109 = arith.constant 0 : index
    %get3A_110 = arith.constant 4 : index
    %get3A_111 = arith.constant 0 : index
    %get3A_112 = vector.load %arg1[%get3A_109, %get3A_110, %get3A_111] : memref<128x49x128xf32, #tpu.memory_space<vmem>>, vector<128x1x128xf32>
    %get3A_113 = vector.shape_cast %get3A_112 : vector<128x1x128xf32> to vector<128x128xf32>
    %transpose3A_114 = tpu.transpose %get3A_113, [1, 0] : vector<128x128xf32> -> vector<128x128xf32>
    %bitcast_convert_type3A_115 = tpu.bitcast %transpose3A_114 : vector<128x128xf32> -> vector<128x128xi32>
    %shift_left3A_116 = arith.constant 16 : i32
    %shift_left3A_117 = vector.broadcast %shift_left3A_116 : i32 to vector<128x128xi32>
    %shift_left3A_118 = arith.shli %bitcast_convert_type3A_115, %shift_left3A_117 : vector<128x128xi32>
    %bitcast_convert_type3A_119 = tpu.bitcast %shift_left3A_118 : vector<128x128xi32> -> vector<128x128xf32>
    %and3A_120 = arith.constant -65536 : i32
    %and3A_121 = vector.broadcast %and3A_120 : i32 to vector<128x128xi32>
    %and3A_122 = arith.andi %bitcast_convert_type3A_115, %and3A_121 : vector<128x128xi32>
    %bitcast_convert_type3A_123 = tpu.bitcast %and3A_122 : vector<128x128xi32> -> vector<128x128xf32>
    %slice3A_124 = vector.extract_strided_slice %bitcast_convert_type3A_119 {offsets = [0, 0], sizes = [96, 128], strides = [1, 1]} : vector<128x128xf32> to vector<96x128xf32>
    %swap3A_125 = arith.constant 4 : index
    %swap3A_126 = arith.constant 0 : index
    %swap3A_127 = arith.constant 0 : index
    %swap3A_128 = vector.load %arg2[%swap3A_125, %swap3A_126, %swap3A_127] : memref<49x192x128xf32, #tpu.memory_space<vmem>>, vector<1x96x128xf32>
    %swap3A_129 = vector.shape_cast %swap3A_128 : vector<1x96x128xf32> to vector<96x128xf32>
    %swap3A_130 = vector.shape_cast %slice3A_124 : vector<96x128xf32> to vector<1x96x128xf32>
    tpu.vector_store %arg2[%swap3A_125, %swap3A_126, %swap3A_127], %swap3A_130 {strides = array<i32>} : memref<49x192x128xf32, #tpu.memory_space<vmem>>, vector<1x96x128xf32>,
    %slice3A_131 = vector.extract_strided_slice %bitcast_convert_type3A_123 {offsets = [0, 0], sizes = [96, 128], strides = [1, 1]} : vector<128x128xf32> to vector<96x128xf32>
    %swap3A_132 = arith.constant 4 : index
    %swap3A_133 = arith.constant 96 : index
    %swap3A_134 = arith.constant 0 : index
    %swap3A_135 = vector.load %arg2[%swap3A_132, %swap3A_133, %swap3A_134] : memref<49x192x128xf32, #tpu.memory_space<vmem>>, vector<1x96x128xf32>
    %swap3A_136 = vector.shape_cast %swap3A_135 : vector<1x96x128xf32> to vector<96x128xf32>
    %swap3A_137 = vector.shape_cast %slice3A_131 : vector<96x128xf32> to vector<1x96x128xf32>
    tpu.vector_store %arg2[%swap3A_132, %swap3A_133, %swap3A_134], %swap3A_137 {strides = array<i32>} : memref<49x192x128xf32, #tpu.memory_space<vmem>>, vector<1x96x128xf32>,
    %get3A_138 = arith.constant 0 : index
    %get3A_139 = arith.constant 5 : index
    %get3A_140 = arith.constant 0 : index
    %get3A_141 = vector.load %arg1[%get3A_138, %get3A_139, %get3A_140] : memref<128x49x128xf32, #tpu.memory_space<vmem>>, vector<128x1x128xf32>
    %get3A_142 = vector.shape_cast %get3A_141 : vector<128x1x128xf32> to vector<128x128xf32>
    %transpose3A_143 = tpu.transpose %get3A_142, [1, 0] : vector<128x128xf32> -> vector<128x128xf32>
    %bitcast_convert_type3A_144 = tpu.bitcast %transpose3A_143 : vector<128x128xf32> -> vector<128x128xi32>
    %shift_left3A_145 = arith.constant 16 : i32
    %shift_left3A_146 = vector.broadcast %shift_left3A_145 : i32 to vector<128x128xi32>
    %shift_left3A_147 = arith.shli %bitcast_convert_type3A_144, %shift_left3A_146 : vector<128x128xi32>
    %bitcast_convert_type3A_148 = tpu.bitcast %shift_left3A_147 : vector<128x128xi32> -> vector<128x128xf32>
    %and3A_149 = arith.constant -65536 : i32
    %and3A_150 = vector.broadcast %and3A_149 : i32 to vector<128x128xi32>
    %and3A_151 = arith.andi %bitcast_convert_type3A_144, %and3A_150 : vector<128x128xi32>
    %bitcast_convert_type3A_152 = tpu.bitcast %and3A_151 : vector<128x128xi32> -> vector<128x128xf32>
    %slice3A_153 = vector.extract_strided_slice %bitcast_convert_type3A_148 {offsets = [0, 0], sizes = [96, 128], strides = [1, 1]} : vector<128x128xf32> to vector<96x128xf32>
    %swap3A_154 = arith.constant 5 : index
    %swap3A_155 = arith.constant 0 : index
    %swap3A_156 = arith.constant 0 : index
    %swap3A_157 = vector.load %arg2[%swap3A_154, %swap3A_155, %swap3A_156] : memref<49x192x128xf32, #tpu.memory_space<vmem>>, vector<1x96x128xf32>
    %swap3A_158 = vector.shape_cast %swap3A_157 : vector<1x96x128xf32> to vector<96x128xf32>
    %swap3A_159 = vector.shape_cast %slice3A_153 : vector<96x128xf32> to vector<1x96x128xf32>
    tpu.vector_store %arg2[%swap3A_154, %swap3A_155, %swap3A_156], %swap3A_159 {strides = array<i32>} : memref<49x192x128xf32, #tpu.memory_space<vmem>>, vector<1x96x128xf32>,
    %slice3A_160 = vector.extract_strided_slice %bitcast_convert_type3A_152 {offsets = [0, 0], sizes = [96, 128], strides = [1, 1]} : vector<128x128xf32> to vector<96x128xf32>
    %swap3A_161 = arith.constant 5 : index
    %swap3A_162 = arith.constant 96 : index
    %swap3A_163 = arith.constant 0 : index
    %swap3A_164 = vector.load %arg2[%swap3A_161, %swap3A_162, %swap3A_163] : memref<49x192x128xf32, #tpu.memory_space<vmem>>, vector<1x96x128xf32>
    %swap3A_165 = vector.shape_cast %swap3A_164 : vector<1x96x128xf32> to vector<96x128xf32>
    %swap3A_166 = vector.shape_cast %slice3A_160 : vector<96x128xf32> to vector<1x96x128xf32>
    tpu.vector_store %arg2[%swap3A_161, %swap3A_162, %swap3A_163], %swap3A_166 {strides = array<i32>} : memref<49x192x128xf32, #tpu.memory_space<vmem>>, vector<1x96x128xf32>,
    %get3A_167 = arith.constant 0 : index
    %get3A_168 = arith.constant 6 : index
    %get3A_169 = arith.constant 0 : index
    %get3A_170 = vector.load %arg1[%get3A_167, %get3A_168, %get3A_169] : memref<128x49x128xf32, #tpu.memory_space<vmem>>, vector<128x1x128xf32>
    %get3A_171 = vector.shape_cast %get3A_170 : vector<128x1x128xf32> to vector<128x128xf32>
    %transpose3A_172 = tpu.transpose %get3A_171, [1, 0] : vector<128x128xf32> -> vector<128x128xf32>
    %bitcast_convert_type3A_173 = tpu.bitcast %transpose3A_172 : vector<128x128xf32> -> vector<128x128xi32>
    %shift_left3A_174 = arith.constant 16 : i32
    %shift_left3A_175 = vector.broadcast %shift_left3A_174 : i32 to vector<128x128xi32>
    %shift_left3A_176 = arith.shli %bitcast_convert_type3A_173, %shift_left3A_175 : vector<128x128xi32>
    %bitcast_convert_type3A_177 = tpu.bitcast %shift_left3A_176 : vector<128x128xi32> -> vector<128x128xf32>
    %and3A_178 = arith.constant -65536 : i32
    %and3A_179 = vector.broadcast %and3A_178 : i32 to vector<128x128xi32>
    %and3A_180 = arith.andi %bitcast_convert_type3A_173, %and3A_179 : vector<128x128xi32>
    %bitcast_convert_type3A_181 = tpu.bitcast %and3A_180 : vector<128x128xi32> -> vector<128x128xf32>
    %slice3A_182 = vector.extract_strided_slice %bitcast_convert_type3A_177 {offsets = [0, 0], sizes = [96, 128], strides = [1, 1]} : vector<128x128xf32> to vector<96x128xf32>
    %swap3A_183 = arith.constant 6 : index
    %swap3A_184 = arith.constant 0 : index
    %swap3A_185 = arith.constant 0 : index
    %swap3A_186 = vector.load %arg2[%swap3A_183, %swap3A_184, %swap3A_185] : memref<49x192x128xf32, #tpu.memory_space<vmem>>, vector<1x96x128xf32>
    %swap3A_187 = vector.shape_cast %swap3A_186 : vector<1x96x128xf32> to vector<96x128xf32>
    %swap3A_188 = vector.shape_cast %slice3A_182 : vector<96x128xf32> to vector<1x96x128xf32>
    tpu.vector_store %arg2[%swap3A_183, %swap3A_184, %swap3A_185], %swap3A_188 {strides = array<i32>} : memref<49x192x128xf32, #tpu.memory_space<vmem>>, vector<1x96x128xf32>,
    %slice3A_189 = vector.extract_strided_slice %bitcast_convert_type3A_181 {offsets = [0, 0], sizes = [96, 128], strides = [1, 1]} : vector<128x128xf32> to vector<96x128xf32>
    %swap3A_190 = arith.constant 6 : index
    %swap3A_191 = arith.constant 96 : index
    %swap3A_192 = arith.constant 0 : index
    %swap3A_193 = vector.load %arg2[%swap3A_190, %swap3A_191, %swap3A_192] : memref<49x192x128xf32, #tpu.memory_space<vmem>>, vector<1x96x128xf32>
    %swap3A_194 = vector.shape_cast %swap3A_193 : vector<1x96x128xf32> to vector<96x128xf32>
    %swap3A_195 = vector.shape_cast %slice3A_189 : vector<96x128xf32> to vector<1x96x128xf32>
    tpu.vector_store %arg2[%swap3A_190, %swap3A_191, %swap3A_192], %swap3A_195 {strides = array<i32>} : memref<49x192x128xf32, #tpu.memory_space<vmem>>, vector<1x96x128xf32>,
    %get3A_196 = arith.constant 0 : index
    %get3A_197 = arith.constant 7 : index
    %get3A_198 = arith.constant 0 : index
    %get3A_199 = vector.load %arg1[%get3A_196, %get3A_197, %get3A_198] : memref<128x49x128xf32, #tpu.memory_space<vmem>>, vector<128x1x128xf32>
    %get3A_200 = vector.shape_cast %get3A_199 : vector<128x1x128xf32> to vector<128x128xf32>
    %transpose3A_201 = tpu.transpose %get3A_200, [1, 0] : vector<128x128xf32> -> vector<128x128xf32>
    %bitcast_convert_type3A_202 = tpu.bitcast %transpose3A_201 : vector<128x128xf32> -> vector<128x128xi32>
    %shift_left3A_203 = arith.constant 16 : i32
    %shift_left3A_204 = vector.broadcast %shift_left3A_203 : i32 to vector<128x128xi32>
    %shift_left3A_205 = arith.shli %bitcast_convert_type3A_202, %shift_left3A_204 : vector<128x128xi32>
    %bitcast_convert_type3A_206 = tpu.bitcast %shift_left3A_205 : vector<128x128xi32> -> vector<128x128xf32>
    %and3A_207 = arith.constant -65536 : i32
    %and3A_208 = vector.broadcast %and3A_207 : i32 to vector<128x128xi32>
    %and3A_209 = arith.andi %bitcast_convert_type3A_202, %and3A_208 : vector<128x128xi32>
    %bitcast_convert_type3A_210 = tpu.bitcast %and3A_209 : vector<128x128xi32> -> vector<128x128xf32>
    %slice3A_211 = vector.extract_strided_slice %bitcast_convert_type3A_206 {offsets = [0, 0], sizes = [96, 128], strides = [1, 1]} : vector<128x128xf32> to vector<96x128xf32>
    %swap3A_212 = arith.constant 7 : index
    %swap3A_213 = arith.constant 0 : index
    %swap3A_214 = arith.constant 0 : index
    %swap3A_215 = vector.load %arg2[%swap3A_212, %swap3A_213, %swap3A_214] : memref<49x192x128xf32, #tpu.memory_space<vmem>>, vector<1x96x128xf32>
    %swap3A_216 = vector.shape_cast %swap3A_215 : vector<1x96x128xf32> to vector<96x128xf32>
    %swap3A_217 = vector.shape_cast %slice3A_211 : vector<96x128xf32> to vector<1x96x128xf32>
    tpu.vector_store %arg2[%swap3A_212, %swap3A_213, %swap3A_214], %swap3A_217 {strides = array<i32>} : memref<49x192x128xf32, #tpu.memory_space<vmem>>, vector<1x96x128xf32>,
    %slice3A_218 = vector.extract_strided_slice %bitcast_convert_type3A_210 {offsets = [0, 0], sizes = [96, 128], strides = [1, 1]} : vector<128x128xf32> to vector<96x128xf32>
    %swap3A_219 = arith.constant 7 : index
    %swap3A_220 = arith.constant 96 : index
    %swap3A_221 = arith.constant 0 : index
    %swap3A_222 = vector.load %arg2[%swap3A_219, %swap3A_220, %swap3A_221] : memref<49x192x128xf32, #tpu.memory_space<vmem>>, vector<1x96x128xf32>
    %swap3A_223 = vector.shape_cast %swap3A_222 : vector<1x96x128xf32> to vector<96x128xf32>
    %swap3A_224 = vector.shape_cast %slice3A_218 : vector<96x128xf32> to vector<1x96x128xf32>
    tpu.vector_store %arg2[%swap3A_219, %swap3A_220, %swap3A_221], %swap3A_224 {strides = array<i32>} : memref<49x192x128xf32, #tpu.memory_space<vmem>>, vector<1x96x128xf32>,
    %get3A_225 = arith.constant 0 : index
    %get3A_226 = arith.constant 8 : index
    %get3A_227 = arith.constant 0 : index
    %get3A_228 = vector.load %arg1[%get3A_225, %get3A_226, %get3A_227] : memref<128x49x128xf32, #tpu.memory_space<vmem>>, vector<128x1x128xf32>
    %get3A_229 = vector.shape_cast %get3A_228 : vector<128x1x128xf32> to vector<128x128xf32>
    %transpose3A_230 = tpu.transpose %get3A_229, [1, 0] : vector<128x128xf32> -> vector<128x128xf32>
    %bitcast_convert_type3A_231 = tpu.bitcast %transpose3A_230 : vector<128x128xf32> -> vector<128x128xi32>
    %shift_left3A_232 = arith.constant 16 : i32
    %shift_left3A_233 = vector.broadcast %shift_left3A_232 : i32 to vector<128x128xi32>
    %shift_left3A_234 = arith.shli %bitcast_convert_type3A_231, %shift_left3A_233 : vector<128x128xi32>
    %bitcast_convert_type3A_235 = tpu.bitcast %shift_left3A_234 : vector<128x128xi32> -> vector<128x128xf32>
    %and3A_236 = arith.constant -65536 : i32
    %and3A_237 = vector.broadcast %and3A_236 : i32 to vector<128x128xi32>
    %and3A_238 = arith.andi %bitcast_convert_type3A_231, %and3A_237 : vector<128x128xi32>
    %bitcast_convert_type3A_239 = tpu.bitcast %and3A_238 : vector<128x128xi32> -> vector<128x128xf32>
    %slice3A_240 = vector.extract_strided_slice %bitcast_convert_type3A_235 {offsets = [0, 0], sizes = [96, 128], strides = [1, 1]} : vector<128x128xf32> to vector<96x128xf32>
    %swap3A_241 = arith.constant 8 : index
    %swap3A_242 = arith.constant 0 : index
    %swap3A_243 = arith.constant 0 : index
    %swap3A_244 = vector.load %arg2[%swap3A_241, %swap3A_242, %swap3A_243] : memref<49x192x128xf32, #tpu.memory_space<vmem>>, vector<1x96x128xf32>
    %swap3A_245 = vector.shape_cast %swap3A_244 : vector<1x96x128xf32> to vector<96x128xf32>
    %swap3A_246 = vector.shape_cast %slice3A_240 : vector<96x128xf32> to vector<1x96x128xf32>
    tpu.vector_store %arg2[%swap3A_241, %swap3A_242, %swap3A_243], %swap3A_246 {strides = array<i32>} : memref<49x192x128xf32, #tpu.memory_space<vmem>>, vector<1x96x128xf32>,
    %slice3A_247 = vector.extract_strided_slice %bitcast_convert_type3A_239 {offsets = [0, 0], sizes = [96, 128], strides = [1, 1]} : vector<128x128xf32> to vector<96x128xf32>
    %swap3A_248 = arith.constant 8 : index
    %swap3A_249 = arith.constant 96 : index
    %swap3A_250 = arith.constant 0 : index
    %swap3A_251 = vector.load %arg2[%swap3A_248, %swap3A_249, %swap3A_250] : memref<49x192x128xf32, #tpu.memory_space<vmem>>, vector<1x96x128xf32>
    %swap3A_252 = vector.shape_cast %swap3A_251 : vector<1x96x128xf32> to vector<96x128xf32>
    %swap3A_253 = vector.shape_cast %slice3A_247 : vector<96x128xf32> to vector<1x96x128xf32>
    tpu.vector_store %arg2[%swap3A_248, %swap3A_249, %swap3A_250], %swap3A_253 {strides = array<i32>} : memref<49x192x128xf32, #tpu.memory_space<vmem>>, vector<1x96x128xf32>,
    %get3A_254 = arith.constant 0 : index
    %get3A_255 = arith.constant 9 : index
    %get3A_256 = arith.constant 0 : index
    %get3A_257 = vector.load %arg1[%get3A_254, %get3A_255, %get3A_256] : memref<128x49x128xf32, #tpu.memory_space<vmem>>, vector<128x1x128xf32>
    %get3A_258 = vector.shape_cast %get3A_257 : vector<128x1x128xf32> to vector<128x128xf32>
    %transpose3A_259 = tpu.transpose %get3A_258, [1, 0] : vector<128x128xf32> -> vector<128x128xf32>
    %bitcast_convert_type3A_260 = tpu.bitcast %transpose3A_259 : vector<128x128xf32> -> vector<128x128xi32>
    %shift_left3A_261 = arith.constant 16 : i32
    %shift_left3A_262 = vector.broadcast %shift_left3A_261 : i32 to vector<128x128xi32>
    %shift_left3A_263 = arith.shli %bitcast_convert_type3A_260, %shift_left3A_262 : vector<128x128xi32>
    %bitcast_convert_type3A_264 = tpu.bitcast %shift_left3A_263 : vector<128x128xi32> -> vector<128x128xf32>
    %and3A_265 = arith.constant -65536 : i32
    %and3A_266 = vector.broadcast %and3A_265 : i32 to vector<128x128xi32>
    %and3A_267 = arith.andi %bitcast_convert_type3A_260, %and3A_266 : vector<128x128xi32>
    %bitcast_convert_type3A_268 = tpu.bitcast %and3A_267 : vector<128x128xi32> -> vector<128x128xf32>
    %slice3A_269 = vector.extract_strided_slice %bitcast_convert_type3A_264 {offsets = [0, 0], sizes = [96, 128], strides = [1, 1]} : vector<128x128xf32> to vector<96x128xf32>
    %swap3A_270 = arith.constant 9 : index
    %swap3A_271 = arith.constant 0 : index
    %swap3A_272 = arith.constant 0 : index
    %swap3A_273 = vector.load %arg2[%swap3A_270, %swap3A_271, %swap3A_272] : memref<49x192x128xf32, #tpu.memory_space<vmem>>, vector<1x96x128xf32>
    %swap3A_274 = vector.shape_cast %swap3A_273 : vector<1x96x128xf32> to vector<96x128xf32>
    %swap3A_275 = vector.shape_cast %slice3A_269 : vector<96x128xf32> to vector<1x96x128xf32>
    tpu.vector_store %arg2[%swap3A_270, %swap3A_271, %swap3A_272], %swap3A_275 {strides = array<i32>} : memref<49x192x128xf32, #tpu.memory_space<vmem>>, vector<1x96x128xf32>,
    %slice3A_276 = vector.extract_strided_slice %bitcast_convert_type3A_268 {offsets = [0, 0], sizes = [96, 128], strides = [1, 1]} : vector<128x128xf32> to vector<96x128xf32>
    %swap3A_277 = arith.constant 9 : index
    %swap3A_278 = arith.constant 96 : index
    %swap3A_279 = arith.constant 0 : index
    %swap3A_280 = vector.load %arg2[%swap3A_277, %swap3A_278, %swap3A_279] : memref<49x192x128xf32, #tpu.memory_space<vmem>>, vector<1x96x128xf32>
    %swap3A_281 = vector.shape_cast %swap3A_280 : vector<1x96x128xf32> to vector<96x128xf32>
    %swap3A_282 = vector.shape_cast %slice3A_276 : vector<96x128xf32> to vector<1x96x128xf32>
    tpu.vector_store %arg2[%swap3A_277, %swap3A_278, %swap3A_279], %swap3A_282 {strides = array<i32>} : memref<49x192x128xf32, #tpu.memory_space<vmem>>, vector<1x96x128xf32>,
    %get3A_283 = arith.constant 0 : index
    %get3A_284 = arith.constant 10 : index
    %get3A_285 = arith.constant 0 : index
    %get3A_286 = vector.load %arg1[%get3A_283, %get3A_284, %get3A_285] : memref<128x49x128xf32, #tpu.memory_space<vmem>>, vector<128x1x128xf32>
    %get3A_287 = vector.shape_cast %get3A_286 : vector<128x1x128xf32> to vector<128x128xf32>
    %transpose3A_288 = tpu.transpose %get3A_287, [1, 0] : vector<128x128xf32> -> vector<128x128xf32>
    %bitcast_convert_type3A_289 = tpu.bitcast %transpose3A_288 : vector<128x128xf32> -> vector<128x128xi32>
    %shift_left3A_290 = arith.constant 16 : i32
    %shift_left3A_291 = vector.broadcast %shift_left3A_290 : i32 to vector<128x128xi32>
    %shift_left3A_292 = arith.shli %bitcast_convert_type3A_289, %shift_left3A_291 : vector<128x128xi32>
    %bitcast_convert_type3A_293 = tpu.bitcast %shift_left3A_292 : vector<128x128xi32> -> vector<128x128xf32>
    %and3A_294 = arith.constant -65536 : i32
    %and3A_295 = vector.broadcast %and3A_294 : i32 to vector<128x128xi32>
    %and3A_296 = arith.andi %bitcast_convert_type3A_289, %and3A_295 : vector<128x128xi32>
    %bitcast_convert_type3A_297 = tpu.bitcast %and3A_296 : vector<128x128xi32> -> vector<128x128xf32>
    %slice3A_298 = vector.extract_strided_slice %bitcast_convert_type3A_293 {offsets = [0, 0], sizes = [96, 128], strides = [1, 1]} : vector<128x128xf32> to vector<96x128xf32>
    %swap3A_299 = arith.constant 10 : index
    %swap3A_300 = arith.constant 0 : index
    %swap3A_301 = arith.constant 0 : index
    %swap3A_302 = vector.load %arg2[%swap3A_299, %swap3A_300, %swap3A_301] : memref<49x192x128xf32, #tpu.memory_space<vmem>>, vector<1x96x128xf32>
    %swap3A_303 = vector.shape_cast %swap3A_302 : vector<1x96x128xf32> to vector<96x128xf32>
    %swap3A_304 = vector.shape_cast %slice3A_298 : vector<96x128xf32> to vector<1x96x128xf32>
    tpu.vector_store %arg2[%swap3A_299, %swap3A_300, %swap3A_301], %swap3A_304 {strides = array<i32>} : memref<49x192x128xf32, #tpu.memory_space<vmem>>, vector<1x96x128xf32>,
    %slice3A_305 = vector.extract_strided_slice %bitcast_convert_type3A_297 {offsets = [0, 0], sizes = [96, 128], strides = [1, 1]} : vector<128x128xf32> to vector<96x128xf32>
    %swap3A_306 = arith.constant 10 : index
    %swap3A_307 = arith.constant 96 : index
    %swap3A_308 = arith.constant 0 : index
    %swap3A_309 = vector.load %arg2[%swap3A_306, %swap3A_307, %swap3A_308] : memref<49x192x128xf32, #tpu.memory_space<vmem>>, vector<1x96x128xf32>
    %swap3A_310 = vector.shape_cast %swap3A_309 : vector<1x96x128xf32> to vector<96x128xf32>
    %swap3A_311 = vector.shape_cast %slice3A_305 : vector<96x128xf32> to vector<1x96x128xf32>
    tpu.vector_store %arg2[%swap3A_306, %swap3A_307, %swap3A_308], %swap3A_311 {strides = array<i32>} : memref<49x192x128xf32, #tpu.memory_space<vmem>>, vector<1x96x128xf32>,
    %get3A_312 = arith.constant 0 : index
    %get3A_313 = arith.constant 11 : index
    %get3A_314 = arith.constant 0 : index
    %get3A_315 = vector.load %arg1[%get3A_312, %get3A_313, %get3A_314] : memref<128x49x128xf32, #tpu.memory_space<vmem>>, vector<128x1x128xf32>
    %get3A_316 = vector.shape_cast %get3A_315 : vector<128x1x128xf32> to vector<128x128xf32>
    %transpose3A_317 = tpu.transpose %get3A_316, [1, 0] : vector<128x128xf32> -> vector<128x128xf32>
    %bitcast_convert_type3A_318 = tpu.bitcast %transpose3A_317 : vector<128x128xf32> -> vector<128x128xi32>
    %shift_left3A_319 = arith.constant 16 : i32
    %shift_left3A_320 = vector.broadcast %shift_left3A_319 : i32 to vector<128x128xi32>
    %shift_left3A_321 = arith.shli %bitcast_convert_type3A_318, %shift_left3A_320 : vector<128x128xi32>
    %bitcast_convert_type3A_322 = tpu.bitcast %shift_left3A_321 : vector<128x128xi32> -> vector<128x128xf32>
    %and3A_323 = arith.constant -65536 : i32
    %and3A_324 = vector.broadcast %and3A_323 : i32 to vector<128x128xi32>
    %and3A_325 = arith.andi %bitcast_convert_type3A_318, %and3A_324 : vector<128x128xi32>
    %bitcast_convert_type3A_326 = tpu.bitcast %and3A_325 : vector<128x128xi32> -> vector<128x128xf32>
    %slice3A_327 = vector.extract_strided_slice %bitcast_convert_type3A_322 {offsets = [0, 0], sizes = [96, 128], strides = [1, 1]} : vector<128x128xf32> to vector<96x128xf32>
    %swap3A_328 = arith.constant 11 : index
    %swap3A_329 = arith.constant 0 : index
    %swap3A_330 = arith.constant 0 : index
    %swap3A_331 = vector.load %arg2[%swap3A_328, %swap3A_329, %swap3A_330] : memref<49x192x128xf32, #tpu.memory_space<vmem>>, vector<1x96x128xf32>
    %swap3A_332 = vector.shape_cast %swap3A_331 : vector<1x96x128xf32> to vector<96x128xf32>
    %swap3A_333 = vector.shape_cast %slice3A_327 : vector<96x128xf32> to vector<1x96x128xf32>
    tpu.vector_store %arg2[%swap3A_328, %swap3A_329, %swap3A_330], %swap3A_333 {strides = array<i32>} : memref<49x192x128xf32, #tpu.memory_space<vmem>>, vector<1x96x128xf32>,
    %slice3A_334 = vector.extract_strided_slice %bitcast_convert_type3A_326 {offsets = [0, 0], sizes = [96, 128], strides = [1, 1]} : vector<128x128xf32> to vector<96x128xf32>
    %swap3A_335 = arith.constant 11 : index
    %swap3A_336 = arith.constant 96 : index
    %swap3A_337 = arith.constant 0 : index
    %swap3A_338 = vector.load %arg2[%swap3A_335, %swap3A_336, %swap3A_337] : memref<49x192x128xf32, #tpu.memory_space<vmem>>, vector<1x96x128xf32>
    %swap3A_339 = vector.shape_cast %swap3A_338 : vector<1x96x128xf32> to vector<96x128xf32>
    %swap3A_340 = vector.shape_cast %slice3A_334 : vector<96x128xf32> to vector<1x96x128xf32>
    tpu.vector_store %arg2[%swap3A_335, %swap3A_336, %swap3A_337], %swap3A_340 {strides = array<i32>} : memref<49x192x128xf32, #tpu.memory_space<vmem>>, vector<1x96x128xf32>,
    %get3A_341 = arith.constant 0 : index
    %get3A_342 = arith.constant 12 : index
    %get3A_343 = arith.constant 0 : index
    %get3A_344 = vector.load %arg1[%get3A_341, %get3A_342, %get3A_343] : memref<128x49x128xf32, #tpu.memory_space<vmem>>, vector<128x1x128xf32>
    %get3A_345 = vector.shape_cast %get3A_344 : vector<128x1x128xf32> to vector<128x128xf32>
    %transpose3A_346 = tpu.transpose %get3A_345, [1, 0] : vector<128x128xf32> -> vector<128x128xf32>
    %bitcast_convert_type3A_347 = tpu.bitcast %transpose3A_346 : vector<128x128xf32> -> vector<128x128xi32>
    %shift_left3A_348 = arith.constant 16 : i32
    %shift_left3A_349 = vector.broadcast %shift_left3A_348 : i32 to vector<128x128xi32>
    %shift_left3A_350 = arith.shli %bitcast_convert_type3A_347, %shift_left3A_349 : vector<128x128xi32>
    %bitcast_convert_type3A_351 = tpu.bitcast %shift_left3A_350 : vector<128x128xi32> -> vector<128x128xf32>
    %and3A_352 = arith.constant -65536 : i32
    %and3A_353 = vector.broadcast %and3A_352 : i32 to vector<128x128xi32>
    %and3A_354 = arith.andi %bitcast_convert_type3A_347, %and3A_353 : vector<128x128xi32>
    %bitcast_convert_type3A_355 = tpu.bitcast %and3A_354 : vector<128x128xi32> -> vector<128x128xf32>
    %slice3A_356 = vector.extract_strided_slice %bitcast_convert_type3A_351 {offsets = [0, 0], sizes = [96, 128], strides = [1, 1]} : vector<128x128xf32> to vector<96x128xf32>
    %swap3A_357 = arith.constant 12 : index
    %swap3A_358 = arith.constant 0 : index
    %swap3A_359 = arith.constant 0 : index
    %swap3A_360 = vector.load %arg2[%swap3A_357, %swap3A_358, %swap3A_359] : memref<49x192x128xf32, #tpu.memory_space<vmem>>, vector<1x96x128xf32>
    %swap3A_361 = vector.shape_cast %swap3A_360 : vector<1x96x128xf32> to vector<96x128xf32>
    %swap3A_362 = vector.shape_cast %slice3A_356 : vector<96x128xf32> to vector<1x96x128xf32>
    tpu.vector_store %arg2[%swap3A_357, %swap3A_358, %swap3A_359], %swap3A_362 {strides = array<i32>} : memref<49x192x128xf32, #tpu.memory_space<vmem>>, vector<1x96x128xf32>,
    %slice3A_363 = vector.extract_strided_slice %bitcast_convert_type3A_355 {offsets = [0, 0], sizes = [96, 128], strides = [1, 1]} : vector<128x128xf32> to vector<96x128xf32>
    %swap3A_364 = arith.constant 12 : index
    %swap3A_365 = arith.constant 96 : index
    %swap3A_366 = arith.constant 0 : index
    %swap3A_367 = vector.load %arg2[%swap3A_364, %swap3A_365, %swap3A_366] : memref<49x192x128xf32, #tpu.memory_space<vmem>>, vector<1x96x128xf32>
    %swap3A_368 = vector.shape_cast %swap3A_367 : vector<1x96x128xf32> to vector<96x128xf32>
    %swap3A_369 = vector.shape_cast %slice3A_363 : vector<96x128xf32> to vector<1x96x128xf32>
    tpu.vector_store %arg2[%swap3A_364, %swap3A_365, %swap3A_366], %swap3A_369 {strides = array<i32>} : memref<49x192x128xf32, #tpu.memory_space<vmem>>, vector<1x96x128xf32>,
    %get3A_370 = arith.constant 0 : index
    %get3A_371 = arith.constant 13 : index
    %get3A_372 = arith.constant 0 : index
    %get3A_373 = vector.load %arg1[%get3A_370, %get3A_371, %get3A_372] : memref<128x49x128xf32, #tpu.memory_space<vmem>>, vector<128x1x128xf32>
    %get3A_374 = vector.shape_cast %get3A_373 : vector<128x1x128xf32> to vector<128x128xf32>
    %transpose3A_375 = tpu.transpose %get3A_374, [1, 0] : vector<128x128xf32> -> vector<128x128xf32>
    %bitcast_convert_type3A_376 = tpu.bitcast %transpose3A_375 : vector<128x128xf32> -> vector<128x128xi32>
    %shift_left3A_377 = arith.constant 16 : i32
    %shift_left3A_378 = vector.broadcast %shift_left3A_377 : i32 to vector<128x128xi32>
    %shift_left3A_379 = arith.shli %bitcast_convert_type3A_376, %shift_left3A_378 : vector<128x128xi32>
    %bitcast_convert_type3A_380 = tpu.bitcast %shift_left3A_379 : vector<128x128xi32> -> vector<128x128xf32>
    %and3A_381 = arith.constant -65536 : i32
    %and3A_382 = vector.broadcast %and3A_381 : i32 to vector<128x128xi32>
    %and3A_383 = arith.andi %bitcast_convert_type3A_376, %and3A_382 : vector<128x128xi32>
    %bitcast_convert_type3A_384 = tpu.bitcast %and3A_383 : vector<128x128xi32> -> vector<128x128xf32>
    %slice3A_385 = vector.extract_strided_slice %bitcast_convert_type3A_380 {offsets = [0, 0], sizes = [96, 128], strides = [1, 1]} : vector<128x128xf32> to vector<96x128xf32>
    %swap3A_386 = arith.constant 13 : index
    %swap3A_387 = arith.constant 0 : index
    %swap3A_388 = arith.constant 0 : index
    %swap3A_389 = vector.load %arg2[%swap3A_386, %swap3A_387, %swap3A_388] : memref<49x192x128xf32, #tpu.memory_space<vmem>>, vector<1x96x128xf32>
    %swap3A_390 = vector.shape_cast %swap3A_389 : vector<1x96x128xf32> to vector<96x128xf32>
    %swap3A_391 = vector.shape_cast %slice3A_385 : vector<96x128xf32> to vector<1x96x128xf32>
    tpu.vector_store %arg2[%swap3A_386, %swap3A_387, %swap3A_388], %swap3A_391 {strides = array<i32>} : memref<49x192x128xf32, #tpu.memory_space<vmem>>, vector<1x96x128xf32>,
    %slice3A_392 = vector.extract_strided_slice %bitcast_convert_type3A_384 {offsets = [0, 0], sizes = [96, 128], strides = [1, 1]} : vector<128x128xf32> to vector<96x128xf32>
    %swap3A_393 = arith.constant 13 : index
    %swap3A_394 = arith.constant 96 : index
    %swap3A_395 = arith.constant 0 : index
    %swap3A_396 = vector.load %arg2[%swap3A_393, %swap3A_394, %swap3A_395] : memref<49x192x128xf32, #tpu.memory_space<vmem>>, vector<1x96x128xf32>
    %swap3A_397 = vector.shape_cast %swap3A_396 : vector<1x96x128xf32> to vector<96x128xf32>
    %swap3A_398 = vector.shape_cast %slice3A_392 : vector<96x128xf32> to vector<1x96x128xf32>
    tpu.vector_store %arg2[%swap3A_393, %swap3A_394, %swap3A_395], %swap3A_398 {strides = array<i32>} : memref<49x192x128xf32, #tpu.memory_space<vmem>>, vector<1x96x128xf32>,
    %get3A_399 = arith.constant 0 : index
    %get3A_400 = arith.constant 14 : index
    %get3A_401 = arith.constant 0 : index
    %get3A_402 = vector.load %arg1[%get3A_399, %get3A_400, %get3A_401] : memref<128x49x128xf32, #tpu.memory_space<vmem>>, vector<128x1x128xf32>
    %get3A_403 = vector.shape_cast %get3A_402 : vector<128x1x128xf32> to vector<128x128xf32>
    %transpose3A_404 = tpu.transpose %get3A_403, [1, 0] : vector<128x128xf32> -> vector<128x128xf32>
    %bitcast_convert_type3A_405 = tpu.bitcast %transpose3A_404 : vector<128x128xf32> -> vector<128x128xi32>
    %shift_left3A_406 = arith.constant 16 : i32
    %shift_left3A_407 = vector.broadcast %shift_left3A_406 : i32 to vector<128x128xi32>
    %shift_left3A_408 = arith.shli %bitcast_convert_type3A_405, %shift_left3A_407 : vector<128x128xi32>
    %bitcast_convert_type3A_409 = tpu.bitcast %shift_left3A_408 : vector<128x128xi32> -> vector<128x128xf32>
    %and3A_410 = arith.constant -65536 : i32
    %and3A_411 = vector.broadcast %and3A_410 : i32 to vector<128x128xi32>
    %and3A_412 = arith.andi %bitcast_convert_type3A_405, %and3A_411 : vector<128x128xi32>
    %bitcast_convert_type3A_413 = tpu.bitcast %and3A_412 : vector<128x128xi32> -> vector<128x128xf32>
    %slice3A_414 = vector.extract_strided_slice %bitcast_convert_type3A_409 {offsets = [0, 0], sizes = [96, 128], strides = [1, 1]} : vector<128x128xf32> to vector<96x128xf32>
    %swap3A_415 = arith.constant 14 : index
    %swap3A_416 = arith.constant 0 : index
    %swap3A_417 = arith.constant 0 : index
    %swap3A_418 = vector.load %arg2[%swap3A_415, %swap3A_416, %swap3A_417] : memref<49x192x128xf32, #tpu.memory_space<vmem>>, vector<1x96x128xf32>
    %swap3A_419 = vector.shape_cast %swap3A_418 : vector<1x96x128xf32> to vector<96x128xf32>
    %swap3A_420 = vector.shape_cast %slice3A_414 : vector<96x128xf32> to vector<1x96x128xf32>
    tpu.vector_store %arg2[%swap3A_415, %swap3A_416, %swap3A_417], %swap3A_420 {strides = array<i32>} : memref<49x192x128xf32, #tpu.memory_space<vmem>>, vector<1x96x128xf32>,
    %slice3A_421 = vector.extract_strided_slice %bitcast_convert_type3A_413 {offsets = [0, 0], sizes = [96, 128], strides = [1, 1]} : vector<128x128xf32> to vector<96x128xf32>
    %swap3A_422 = arith.constant 14 : index
    %swap3A_423 = arith.constant 96 : index
    %swap3A_424 = arith.constant 0 : index
    %swap3A_425 = vector.load %arg2[%swap3A_422, %swap3A_423, %swap3A_424] : memref<49x192x128xf32, #tpu.memory_space<vmem>>, vector<1x96x128xf32>
    %swap3A_426 = vector.shape_cast %swap3A_425 : vector<1x96x128xf32> to vector<96x128xf32>
    %swap3A_427 = vector.shape_cast %slice3A_421 : vector<96x128xf32> to vector<1x96x128xf32>
    tpu.vector_store %arg2[%swap3A_422, %swap3A_423, %swap3A_424], %swap3A_427 {strides = array<i32>} : memref<49x192x128xf32, #tpu.memory_space<vmem>>, vector<1x96x128xf32>,
    %get3A_428 = arith.constant 0 : index
    %get3A_429 = arith.constant 15 : index
    %get3A_430 = arith.constant 0 : index
    %get3A_431 = vector.load %arg1[%get3A_428, %get3A_429, %get3A_430] : memref<128x49x128xf32, #tpu.memory_space<vmem>>, vector<128x1x128xf32>
    %get3A_432 = vector.shape_cast %get3A_431 : vector<128x1x128xf32> to vector<128x128xf32>
    %transpose3A_433 = tpu.transpose %get3A_432, [1, 0] : vector<128x128xf32> -> vector<128x128xf32>
    %bitcast_convert_type3A_434 = tpu.bitcast %transpose3A_433 : vector<128x128xf32> -> vector<128x128xi32>
    %shift_left3A_435 = arith.constant 16 : i32
    %shift_left3A_436 = vector.broadcast %shift_left3A_435 : i32 to vector<128x128xi32>
    %shift_left3A_437 = arith.shli %bitcast_convert_type3A_434, %shift_left3A_436 : vector<128x128xi32>
    %bitcast_convert_type3A_438 = tpu.bitcast %shift_left3A_437 : vector<128x128xi32> -> vector<128x128xf32>
    %and3A_439 = arith.constant -65536 : i32
    %and3A_440 = vector.broadcast %and3A_439 : i32 to vector<128x128xi32>
    %and3A_441 = arith.andi %bitcast_convert_type3A_434, %and3A_440 : vector<128x128xi32>
    %bitcast_convert_type3A_442 = tpu.bitcast %and3A_441 : vector<128x128xi32> -> vector<128x128xf32>
    %slice3A_443 = vector.extract_strided_slice %bitcast_convert_type3A_438 {offsets = [0, 0], sizes = [96, 128], strides = [1, 1]} : vector<128x128xf32> to vector<96x128xf32>
    %swap3A_444 = arith.constant 15 : index
    %swap3A_445 = arith.constant 0 : index
    %swap3A_446 = arith.constant 0 : index
    %swap3A_447 = vector.load %arg2[%swap3A_444, %swap3A_445, %swap3A_446] : memref<49x192x128xf32, #tpu.memory_space<vmem>>, vector<1x96x128xf32>
    %swap3A_448 = vector.shape_cast %swap3A_447 : vector<1x96x128xf32> to vector<96x128xf32>
    %swap3A_449 = vector.shape_cast %slice3A_443 : vector<96x128xf32> to vector<1x96x128xf32>
    tpu.vector_store %arg2[%swap3A_444, %swap3A_445, %swap3A_446], %swap3A_449 {strides = array<i32>} : memref<49x192x128xf32, #tpu.memory_space<vmem>>, vector<1x96x128xf32>,
    %slice3A_450 = vector.extract_strided_slice %bitcast_convert_type3A_442 {offsets = [0, 0], sizes = [96, 128], strides = [1, 1]} : vector<128x128xf32> to vector<96x128xf32>
    %swap3A_451 = arith.constant 15 : index
    %swap3A_452 = arith.constant 96 : index
    %swap3A_453 = arith.constant 0 : index
    %swap3A_454 = vector.load %arg2[%swap3A_451, %swap3A_452, %swap3A_453] : memref<49x192x128xf32, #tpu.memory_space<vmem>>, vector<1x96x128xf32>
    %swap3A_455 = vector.shape_cast %swap3A_454 : vector<1x96x128xf32> to vector<96x128xf32>
    %swap3A_456 = vector.shape_cast %slice3A_450 : vector<96x128xf32> to vector<1x96x128xf32>
    tpu.vector_store %arg2[%swap3A_451, %swap3A_452, %swap3A_453], %swap3A_456 {strides = array<i32>} : memref<49x192x128xf32, #tpu.memory_space<vmem>>, vector<1x96x128xf32>,
    %get3A_457 = arith.constant 0 : index
    %get3A_458 = arith.constant 16 : index
    %get3A_459 = arith.constant 0 : index
    %get3A_460 = vector.load %arg1[%get3A_457, %get3A_458, %get3A_459] : memref<128x49x128xf32, #tpu.memory_space<vmem>>, vector<128x1x128xf32>
    %get3A_461 = vector.shape_cast %get3A_460 : vector<128x1x128xf32> to vector<128x128xf32>
    %transpose3A_462 = tpu.transpose %get3A_461, [1, 0] : vector<128x128xf32> -> vector<128x128xf32>
    %bitcast_convert_type3A_463 = tpu.bitcast %transpose3A_462 : vector<128x128xf32> -> vector<128x128xi32>
    %shift_left3A_464 = arith.constant 16 : i32
    %shift_left3A_465 = vector.broadcast %shift_left3A_464 : i32 to vector<128x128xi32>
    %shift_left3A_466 = arith.shli %bitcast_convert_type3A_463, %shift_left3A_465 : vector<128x128xi32>
    %bitcast_convert_type3A_467 = tpu.bitcast %shift_left3A_466 : vector<128x128xi32> -> vector<128x128xf32>
    %and3A_468 = arith.constant -65536 : i32
    %and3A_469 = vector.broadcast %and3A_468 : i32 to vector<128x128xi32>
    %and3A_470 = arith.andi %bitcast_convert_type3A_463, %and3A_469 : vector<128x128xi32>
    %bitcast_convert_type3A_471 = tpu.bitcast %and3A_470 : vector<128x128xi32> -> vector<128x128xf32>
    %slice3A_472 = vector.extract_strided_slice %bitcast_convert_type3A_467 {offsets = [0, 0], sizes = [96, 128], strides = [1, 1]} : vector<128x128xf32> to vector<96x128xf32>
    %swap3A_473 = arith.constant 16 : index
    %swap3A_474 = arith.constant 0 : index
    %swap3A_475 = arith.constant 0 : index
    %swap3A_476 = vector.load %arg2[%swap3A_473, %swap3A_474, %swap3A_475] : memref<49x192x128xf32, #tpu.memory_space<vmem>>, vector<1x96x128xf32>
    %swap3A_477 = vector.shape_cast %swap3A_476 : vector<1x96x128xf32> to vector<96x128xf32>
    %swap3A_478 = vector.shape_cast %slice3A_472 : vector<96x128xf32> to vector<1x96x128xf32>
    tpu.vector_store %arg2[%swap3A_473, %swap3A_474, %swap3A_475], %swap3A_478 {strides = array<i32>} : memref<49x192x128xf32, #tpu.memory_space<vmem>>, vector<1x96x128xf32>,
    %slice3A_479 = vector.extract_strided_slice %bitcast_convert_type3A_471 {offsets = [0, 0], sizes = [96, 128], strides = [1, 1]} : vector<128x128xf32> to vector<96x128xf32>
    %swap3A_480 = arith.constant 16 : index
    %swap3A_481 = arith.constant 96 : index
    %swap3A_482 = arith.constant 0 : index
    %swap3A_483 = vector.load %arg2[%swap3A_480, %swap3A_481, %swap3A_482] : memref<49x192x128xf32, #tpu.memory_space<vmem>>, vector<1x96x128xf32>
    %swap3A_484 = vector.shape_cast %swap3A_483 : vector<1x96x128xf32> to vector<96x128xf32>
    %swap3A_485 = vector.shape_cast %slice3A_479 : vector<96x128xf32> to vector<1x96x128xf32>
    tpu.vector_store %arg2[%swap3A_480, %swap3A_481, %swap3A_482], %swap3A_485 {strides = array<i32>} : memref<49x192x128xf32, #tpu.memory_space<vmem>>, vector<1x96x128xf32>,
    %get3A_486 = arith.constant 0 : index
    %get3A_487 = arith.constant 17 : index
    %get3A_488 = arith.constant 0 : index
    %get3A_489 = vector.load %arg1[%get3A_486, %get3A_487, %get3A_488] : memref<128x49x128xf32, #tpu.memory_space<vmem>>, vector<128x1x128xf32>
    %get3A_490 = vector.shape_cast %get3A_489 : vector<128x1x128xf32> to vector<128x128xf32>
    %transpose3A_491 = tpu.transpose %get3A_490, [1, 0] : vector<128x128xf32> -> vector<128x128xf32>
    %bitcast_convert_type3A_492 = tpu.bitcast %transpose3A_491 : vector<128x128xf32> -> vector<128x128xi32>
    %shift_left3A_493 = arith.constant 16 : i32
    %shift_left3A_494 = vector.broadcast %shift_left3A_493 : i32 to vector<128x128xi32>
    %shift_left3A_495 = arith.shli %bitcast_convert_type3A_492, %shift_left3A_494 : vector<128x128xi32>
    %bitcast_convert_type3A_496 = tpu.bitcast %shift_left3A_495 : vector<128x128xi32> -> vector<128x128xf32>
    %and3A_497 = arith.constant -65536 : i32
    %and3A_498 = vector.broadcast %and3A_497 : i32 to vector<128x128xi32>
    %and3A_499 = arith.andi %bitcast_convert_type3A_492, %and3A_498 : vector<128x128xi32>
    %bitcast_convert_type3A_500 = tpu.bitcast %and3A_499 : vector<128x128xi32> -> vector<128x128xf32>
    %slice3A_501 = vector.extract_strided_slice %bitcast_convert_type3A_496 {offsets = [0, 0], sizes = [96, 128], strides = [1, 1]} : vector<128x128xf32> to vector<96x128xf32>
    %swap3A_502 = arith.constant 17 : index
    %swap3A_503 = arith.constant 0 : index
    %swap3A_504 = arith.constant 0 : index
    %swap3A_505 = vector.load %arg2[%swap3A_502, %swap3A_503, %swap3A_504] : memref<49x192x128xf32, #tpu.memory_space<vmem>>, vector<1x96x128xf32>
    %swap3A_506 = vector.shape_cast %swap3A_505 : vector<1x96x128xf32> to vector<96x128xf32>
    %swap3A_507 = vector.shape_cast %slice3A_501 : vector<96x128xf32> to vector<1x96x128xf32>
    tpu.vector_store %arg2[%swap3A_502, %swap3A_503, %swap3A_504], %swap3A_507 {strides = array<i32>} : memref<49x192x128xf32, #tpu.memory_space<vmem>>, vector<1x96x128xf32>,
    %slice3A_508 = vector.extract_strided_slice %bitcast_convert_type3A_500 {offsets = [0, 0], sizes = [96, 128], strides = [1, 1]} : vector<128x128xf32> to vector<96x128xf32>
    %swap3A_509 = arith.constant 17 : index
    %swap3A_510 = arith.constant 96 : index
    %swap3A_511 = arith.constant 0 : index
    %swap3A_512 = vector.load %arg2[%swap3A_509, %swap3A_510, %swap3A_511] : memref<49x192x128xf32, #tpu.memory_space<vmem>>, vector<1x96x128xf32>
    %swap3A_513 = vector.shape_cast %swap3A_512 : vector<1x96x128xf32> to vector<96x128xf32>
    %swap3A_514 = vector.shape_cast %slice3A_508 : vector<96x128xf32> to vector<1x96x128xf32>
    tpu.vector_store %arg2[%swap3A_509, %swap3A_510, %swap3A_511], %swap3A_514 {strides = array<i32>} : memref<49x192x128xf32, #tpu.memory_space<vmem>>, vector<1x96x128xf32>,
    %get3A_515 = arith.constant 0 : index
    %get3A_516 = arith.constant 18 : index
    %get3A_517 = arith.constant 0 : index
    %get3A_518 = vector.load %arg1[%get3A_515, %get3A_516, %get3A_517] : memref<128x49x128xf32, #tpu.memory_space<vmem>>, vector<128x1x128xf32>
    %get3A_519 = vector.shape_cast %get3A_518 : vector<128x1x128xf32> to vector<128x128xf32>
    %transpose3A_520 = tpu.transpose %get3A_519, [1, 0] : vector<128x128xf32> -> vector<128x128xf32>
    %bitcast_convert_type3A_521 = tpu.bitcast %transpose3A_520 : vector<128x128xf32> -> vector<128x128xi32>
    %shift_left3A_522 = arith.constant 16 : i32
    %shift_left3A_523 = vector.broadcast %shift_left3A_522 : i32 to vector<128x128xi32>
    %shift_left3A_524 = arith.shli %bitcast_convert_type3A_521, %shift_left3A_523 : vector<128x128xi32>
    %bitcast_convert_type3A_525 = tpu.bitcast %shift_left3A_524 : vector<128x128xi32> -> vector<128x128xf32>
    %and3A_526 = arith.constant -65536 : i32
    %and3A_527 = vector.broadcast %and3A_526 : i32 to vector<128x128xi32>
    %and3A_528 = arith.andi %bitcast_convert_type3A_521, %and3A_527 : vector<128x128xi32>
    %bitcast_convert_type3A_529 = tpu.bitcast %and3A_528 : vector<128x128xi32> -> vector<128x128xf32>
    %slice3A_530 = vector.extract_strided_slice %bitcast_convert_type3A_525 {offsets = [0, 0], sizes = [96, 128], strides = [1, 1]} : vector<128x128xf32> to vector<96x128xf32>
    %swap3A_531 = arith.constant 18 : index
    %swap3A_532 = arith.constant 0 : index
    %swap3A_533 = arith.constant 0 : index
    %swap3A_534 = vector.load %arg2[%swap3A_531, %swap3A_532, %swap3A_533] : memref<49x192x128xf32, #tpu.memory_space<vmem>>, vector<1x96x128xf32>
    %swap3A_535 = vector.shape_cast %swap3A_534 : vector<1x96x128xf32> to vector<96x128xf32>
    %swap3A_536 = vector.shape_cast %slice3A_530 : vector<96x128xf32> to vector<1x96x128xf32>
    tpu.vector_store %arg2[%swap3A_531, %swap3A_532, %swap3A_533], %swap3A_536 {strides = array<i32>} : memref<49x192x128xf32, #tpu.memory_space<vmem>>, vector<1x96x128xf32>,
    %slice3A_537 = vector.extract_strided_slice %bitcast_convert_type3A_529 {offsets = [0, 0], sizes = [96, 128], strides = [1, 1]} : vector<128x128xf32> to vector<96x128xf32>
    %swap3A_538 = arith.constant 18 : index
    %swap3A_539 = arith.constant 96 : index
    %swap3A_540 = arith.constant 0 : index
    %swap3A_541 = vector.load %arg2[%swap3A_538, %swap3A_539, %swap3A_540] : memref<49x192x128xf32, #tpu.memory_space<vmem>>, vector<1x96x128xf32>
    %swap3A_542 = vector.shape_cast %swap3A_541 : vector<1x96x128xf32> to vector<96x128xf32>
    %swap3A_543 = vector.shape_cast %slice3A_537 : vector<96x128xf32> to vector<1x96x128xf32>
    tpu.vector_store %arg2[%swap3A_538, %swap3A_539, %swap3A_540], %swap3A_543 {strides = array<i32>} : memref<49x192x128xf32, #tpu.memory_space<vmem>>, vector<1x96x128xf32>,
    %get3A_544 = arith.constant 0 : index
    %get3A_545 = arith.constant 19 : index
    %get3A_546 = arith.constant 0 : index
    %get3A_547 = vector.load %arg1[%get3A_544, %get3A_545, %get3A_546] : memref<128x49x128xf32, #tpu.memory_space<vmem>>, vector<128x1x128xf32>
    %get3A_548 = vector.shape_cast %get3A_547 : vector<128x1x128xf32> to vector<128x128xf32>
    %transpose3A_549 = tpu.transpose %get3A_548, [1, 0] : vector<128x128xf32> -> vector<128x128xf32>
    %bitcast_convert_type3A_550 = tpu.bitcast %transpose3A_549 : vector<128x128xf32> -> vector<128x128xi32>
    %shift_left3A_551 = arith.constant 16 : i32
    %shift_left3A_552 = vector.broadcast %shift_left3A_551 : i32 to vector<128x128xi32>
    %shift_left3A_553 = arith.shli %bitcast_convert_type3A_550, %shift_left3A_552 : vector<128x128xi32>
    %bitcast_convert_type3A_554 = tpu.bitcast %shift_left3A_553 : vector<128x128xi32> -> vector<128x128xf32>
    %and3A_555 = arith.constant -65536 : i32
    %and3A_556 = vector.broadcast %and3A_555 : i32 to vector<128x128xi32>
    %and3A_557 = arith.andi %bitcast_convert_type3A_550, %and3A_556 : vector<128x128xi32>
    %bitcast_convert_type3A_558 = tpu.bitcast %and3A_557 : vector<128x128xi32> -> vector<128x128xf32>
    %slice3A_559 = vector.extract_strided_slice %bitcast_convert_type3A_554 {offsets = [0, 0], sizes = [96, 128], strides = [1, 1]} : vector<128x128xf32> to vector<96x128xf32>
    %swap3A_560 = arith.constant 19 : index
    %swap3A_561 = arith.constant 0 : index
    %swap3A_562 = arith.constant 0 : index
    %swap3A_563 = vector.load %arg2[%swap3A_560, %swap3A_561, %swap3A_562] : memref<49x192x128xf32, #tpu.memory_space<vmem>>, vector<1x96x128xf32>
    %swap3A_564 = vector.shape_cast %swap3A_563 : vector<1x96x128xf32> to vector<96x128xf32>
    %swap3A_565 = vector.shape_cast %slice3A_559 : vector<96x128xf32> to vector<1x96x128xf32>
    tpu.vector_store %arg2[%swap3A_560, %swap3A_561, %swap3A_562], %swap3A_565 {strides = array<i32>} : memref<49x192x128xf32, #tpu.memory_space<vmem>>, vector<1x96x128xf32>,
    %slice3A_566 = vector.extract_strided_slice %bitcast_convert_type3A_558 {offsets = [0, 0], sizes = [96, 128], strides = [1, 1]} : vector<128x128xf32> to vector<96x128xf32>
    %swap3A_567 = arith.constant 19 : index
    %swap3A_568 = arith.constant 96 : index
    %swap3A_569 = arith.constant 0 : index
    %swap3A_570 = vector.load %arg2[%swap3A_567, %swap3A_568, %swap3A_569] : memref<49x192x128xf32, #tpu.memory_space<vmem>>, vector<1x96x128xf32>
    %swap3A_571 = vector.shape_cast %swap3A_570 : vector<1x96x128xf32> to vector<96x128xf32>
    %swap3A_572 = vector.shape_cast %slice3A_566 : vector<96x128xf32> to vector<1x96x128xf32>
    tpu.vector_store %arg2[%swap3A_567, %swap3A_568, %swap3A_569], %swap3A_572 {strides = array<i32>} : memref<49x192x128xf32, #tpu.memory_space<vmem>>, vector<1x96x128xf32>,
    %get3A_573 = arith.constant 0 : index
    %get3A_574 = arith.constant 20 : index
    %get3A_575 = arith.constant 0 : index
    %get3A_576 = vector.load %arg1[%get3A_573, %get3A_574, %get3A_575] : memref<128x49x128xf32, #tpu.memory_space<vmem>>, vector<128x1x128xf32>
    %get3A_577 = vector.shape_cast %get3A_576 : vector<128x1x128xf32> to vector<128x128xf32>
    %transpose3A_578 = tpu.transpose %get3A_577, [1, 0] : vector<128x128xf32> -> vector<128x128xf32>
    %bitcast_convert_type3A_579 = tpu.bitcast %transpose3A_578 : vector<128x128xf32> -> vector<128x128xi32>
    %shift_left3A_580 = arith.constant 16 : i32
    %shift_left3A_581 = vector.broadcast %shift_left3A_580 : i32 to vector<128x128xi32>
    %shift_left3A_582 = arith.shli %bitcast_convert_type3A_579, %shift_left3A_581 : vector<128x128xi32>
    %bitcast_convert_type3A_583 = tpu.bitcast %shift_left3A_582 : vector<128x128xi32> -> vector<128x128xf32>
    %and3A_584 = arith.constant -65536 : i32
    %and3A_585 = vector.broadcast %and3A_584 : i32 to vector<128x128xi32>
    %and3A_586 = arith.andi %bitcast_convert_type3A_579, %and3A_585 : vector<128x128xi32>
    %bitcast_convert_type3A_587 = tpu.bitcast %and3A_586 : vector<128x128xi32> -> vector<128x128xf32>
    %slice3A_588 = vector.extract_strided_slice %bitcast_convert_type3A_583 {offsets = [0, 0], sizes = [96, 128], strides = [1, 1]} : vector<128x128xf32> to vector<96x128xf32>
    %swap3A_589 = arith.constant 20 : index
    %swap3A_590 = arith.constant 0 : index
    %swap3A_591 = arith.constant 0 : index
    %swap3A_592 = vector.load %arg2[%swap3A_589, %swap3A_590, %swap3A_591] : memref<49x192x128xf32, #tpu.memory_space<vmem>>, vector<1x96x128xf32>
    %swap3A_593 = vector.shape_cast %swap3A_592 : vector<1x96x128xf32> to vector<96x128xf32>
    %swap3A_594 = vector.shape_cast %slice3A_588 : vector<96x128xf32> to vector<1x96x128xf32>
    tpu.vector_store %arg2[%swap3A_589, %swap3A_590, %swap3A_591], %swap3A_594 {strides = array<i32>} : memref<49x192x128xf32, #tpu.memory_space<vmem>>, vector<1x96x128xf32>,
    %slice3A_595 = vector.extract_strided_slice %bitcast_convert_type3A_587 {offsets = [0, 0], sizes = [96, 128], strides = [1, 1]} : vector<128x128xf32> to vector<96x128xf32>
    %swap3A_596 = arith.constant 20 : index
    %swap3A_597 = arith.constant 96 : index
    %swap3A_598 = arith.constant 0 : index
    %swap3A_599 = vector.load %arg2[%swap3A_596, %swap3A_597, %swap3A_598] : memref<49x192x128xf32, #tpu.memory_space<vmem>>, vector<1x96x128xf32>
    %swap3A_600 = vector.shape_cast %swap3A_599 : vector<1x96x128xf32> to vector<96x128xf32>
    %swap3A_601 = vector.shape_cast %slice3A_595 : vector<96x128xf32> to vector<1x96x128xf32>
    tpu.vector_store %arg2[%swap3A_596, %swap3A_597, %swap3A_598], %swap3A_601 {strides = array<i32>} : memref<49x192x128xf32, #tpu.memory_space<vmem>>, vector<1x96x128xf32>,
    %get3A_602 = arith.constant 0 : index
    %get3A_603 = arith.constant 21 : index
    %get3A_604 = arith.constant 0 : index
    %get3A_605 = vector.load %arg1[%get3A_602, %get3A_603, %get3A_604] : memref<128x49x128xf32, #tpu.memory_space<vmem>>, vector<128x1x128xf32>
    %get3A_606 = vector.shape_cast %get3A_605 : vector<128x1x128xf32> to vector<128x128xf32>
    %transpose3A_607 = tpu.transpose %get3A_606, [1, 0] : vector<128x128xf32> -> vector<128x128xf32>
    %bitcast_convert_type3A_608 = tpu.bitcast %transpose3A_607 : vector<128x128xf32> -> vector<128x128xi32>
    %shift_left3A_609 = arith.constant 16 : i32
    %shift_left3A_610 = vector.broadcast %shift_left3A_609 : i32 to vector<128x128xi32>
    %shift_left3A_611 = arith.shli %bitcast_convert_type3A_608, %shift_left3A_610 : vector<128x128xi32>
    %bitcast_convert_type3A_612 = tpu.bitcast %shift_left3A_611 : vector<128x128xi32> -> vector<128x128xf32>
    %and3A_613 = arith.constant -65536 : i32
    %and3A_614 = vector.broadcast %and3A_613 : i32 to vector<128x128xi32>
    %and3A_615 = arith.andi %bitcast_convert_type3A_608, %and3A_614 : vector<128x128xi32>
    %bitcast_convert_type3A_616 = tpu.bitcast %and3A_615 : vector<128x128xi32> -> vector<128x128xf32>
    %slice3A_617 = vector.extract_strided_slice %bitcast_convert_type3A_612 {offsets = [0, 0], sizes = [96, 128], strides = [1, 1]} : vector<128x128xf32> to vector<96x128xf32>
    %swap3A_618 = arith.constant 21 : index
    %swap3A_619 = arith.constant 0 : index
    %swap3A_620 = arith.constant 0 : index
    %swap3A_621 = vector.load %arg2[%swap3A_618, %swap3A_619, %swap3A_620] : memref<49x192x128xf32, #tpu.memory_space<vmem>>, vector<1x96x128xf32>
    %swap3A_622 = vector.shape_cast %swap3A_621 : vector<1x96x128xf32> to vector<96x128xf32>
    %swap3A_623 = vector.shape_cast %slice3A_617 : vector<96x128xf32> to vector<1x96x128xf32>
    tpu.vector_store %arg2[%swap3A_618, %swap3A_619, %swap3A_620], %swap3A_623 {strides = array<i32>} : memref<49x192x128xf32, #tpu.memory_space<vmem>>, vector<1x96x128xf32>,
    %slice3A_624 = vector.extract_strided_slice %bitcast_convert_type3A_616 {offsets = [0, 0], sizes = [96, 128], strides = [1, 1]} : vector<128x128xf32> to vector<96x128xf32>
    %swap3A_625 = arith.constant 21 : index
    %swap3A_626 = arith.constant 96 : index
    %swap3A_627 = arith.constant 0 : index
    %swap3A_628 = vector.load %arg2[%swap3A_625, %swap3A_626, %swap3A_627] : memref<49x192x128xf32, #tpu.memory_space<vmem>>, vector<1x96x128xf32>
    %swap3A_629 = vector.shape_cast %swap3A_628 : vector<1x96x128xf32> to vector<96x128xf32>
    %swap3A_630 = vector.shape_cast %slice3A_624 : vector<96x128xf32> to vector<1x96x128xf32>
    tpu.vector_store %arg2[%swap3A_625, %swap3A_626, %swap3A_627], %swap3A_630 {strides = array<i32>} : memref<49x192x128xf32, #tpu.memory_space<vmem>>, vector<1x96x128xf32>,
    %get3A_631 = arith.constant 0 : index
    %get3A_632 = arith.constant 22 : index
    %get3A_633 = arith.constant 0 : index
    %get3A_634 = vector.load %arg1[%get3A_631, %get3A_632, %get3A_633] : memref<128x49x128xf32, #tpu.memory_space<vmem>>, vector<128x1x128xf32>
    %get3A_635 = vector.shape_cast %get3A_634 : vector<128x1x128xf32> to vector<128x128xf32>
    %transpose3A_636 = tpu.transpose %get3A_635, [1, 0] : vector<128x128xf32> -> vector<128x128xf32>
    %bitcast_convert_type3A_637 = tpu.bitcast %transpose3A_636 : vector<128x128xf32> -> vector<128x128xi32>
    %shift_left3A_638 = arith.constant 16 : i32
    %shift_left3A_639 = vector.broadcast %shift_left3A_638 : i32 to vector<128x128xi32>
    %shift_left3A_640 = arith.shli %bitcast_convert_type3A_637, %shift_left3A_639 : vector<128x128xi32>
    %bitcast_convert_type3A_641 = tpu.bitcast %shift_left3A_640 : vector<128x128xi32> -> vector<128x128xf32>
    %and3A_642 = arith.constant -65536 : i32
    %and3A_643 = vector.broadcast %and3A_642 : i32 to vector<128x128xi32>
    %and3A_644 = arith.andi %bitcast_convert_type3A_637, %and3A_643 : vector<128x128xi32>
    %bitcast_convert_type3A_645 = tpu.bitcast %and3A_644 : vector<128x128xi32> -> vector<128x128xf32>
    %slice3A_646 = vector.extract_strided_slice %bitcast_convert_type3A_641 {offsets = [0, 0], sizes = [96, 128], strides = [1, 1]} : vector<128x128xf32> to vector<96x128xf32>
    %swap3A_647 = arith.constant 22 : index
    %swap3A_648 = arith.constant 0 : index
    %swap3A_649 = arith.constant 0 : index
    %swap3A_650 = vector.load %arg2[%swap3A_647, %swap3A_648, %swap3A_649] : memref<49x192x128xf32, #tpu.memory_space<vmem>>, vector<1x96x128xf32>
    %swap3A_651 = vector.shape_cast %swap3A_650 : vector<1x96x128xf32> to vector<96x128xf32>
    %swap3A_652 = vector.shape_cast %slice3A_646 : vector<96x128xf32> to vector<1x96x128xf32>
    tpu.vector_store %arg2[%swap3A_647, %swap3A_648, %swap3A_649], %swap3A_652 {strides = array<i32>} : memref<49x192x128xf32, #tpu.memory_space<vmem>>, vector<1x96x128xf32>,
    %slice3A_653 = vector.extract_strided_slice %bitcast_convert_type3A_645 {offsets = [0, 0], sizes = [96, 128], strides = [1, 1]} : vector<128x128xf32> to vector<96x128xf32>
    %swap3A_654 = arith.constant 22 : index
    %swap3A_655 = arith.constant 96 : index
    %swap3A_656 = arith.constant 0 : index
    %swap3A_657 = vector.load %arg2[%swap3A_654, %swap3A_655, %swap3A_656] : memref<49x192x128xf32, #tpu.memory_space<vmem>>, vector<1x96x128xf32>
    %swap3A_658 = vector.shape_cast %swap3A_657 : vector<1x96x128xf32> to vector<96x128xf32>
    %swap3A_659 = vector.shape_cast %slice3A_653 : vector<96x128xf32> to vector<1x96x128xf32>
    tpu.vector_store %arg2[%swap3A_654, %swap3A_655, %swap3A_656], %swap3A_659 {strides = array<i32>} : memref<49x192x128xf32, #tpu.memory_space<vmem>>, vector<1x96x128xf32>,
    %get3A_660 = arith.constant 0 : index
    %get3A_661 = arith.constant 23 : index
    %get3A_662 = arith.constant 0 : index
    %get3A_663 = vector.load %arg1[%get3A_660, %get3A_661, %get3A_662] : memref<128x49x128xf32, #tpu.memory_space<vmem>>, vector<128x1x128xf32>
    %get3A_664 = vector.shape_cast %get3A_663 : vector<128x1x128xf32> to vector<128x128xf32>
    %transpose3A_665 = tpu.transpose %get3A_664, [1, 0] : vector<128x128xf32> -> vector<128x128xf32>
    %bitcast_convert_type3A_666 = tpu.bitcast %transpose3A_665 : vector<128x128xf32> -> vector<128x128xi32>
    %shift_left3A_667 = arith.constant 16 : i32
    %shift_left3A_668 = vector.broadcast %shift_left3A_667 : i32 to vector<128x128xi32>
    %shift_left3A_669 = arith.shli %bitcast_convert_type3A_666, %shift_left3A_668 : vector<128x128xi32>
    %bitcast_convert_type3A_670 = tpu.bitcast %shift_left3A_669 : vector<128x128xi32> -> vector<128x128xf32>
    %and3A_671 = arith.constant -65536 : i32
    %and3A_672 = vector.broadcast %and3A_671 : i32 to vector<128x128xi32>
    %and3A_673 = arith.andi %bitcast_convert_type3A_666, %and3A_672 : vector<128x128xi32>
    %bitcast_convert_type3A_674 = tpu.bitcast %and3A_673 : vector<128x128xi32> -> vector<128x128xf32>
    %slice3A_675 = vector.extract_strided_slice %bitcast_convert_type3A_670 {offsets = [0, 0], sizes = [96, 128], strides = [1, 1]} : vector<128x128xf32> to vector<96x128xf32>
    %swap3A_676 = arith.constant 23 : index
    %swap3A_677 = arith.constant 0 : index
    %swap3A_678 = arith.constant 0 : index
    %swap3A_679 = vector.load %arg2[%swap3A_676, %swap3A_677, %swap3A_678] : memref<49x192x128xf32, #tpu.memory_space<vmem>>, vector<1x96x128xf32>
    %swap3A_680 = vector.shape_cast %swap3A_679 : vector<1x96x128xf32> to vector<96x128xf32>
    %swap3A_681 = vector.shape_cast %slice3A_675 : vector<96x128xf32> to vector<1x96x128xf32>
    tpu.vector_store %arg2[%swap3A_676, %swap3A_677, %swap3A_678], %swap3A_681 {strides = array<i32>} : memref<49x192x128xf32, #tpu.memory_space<vmem>>, vector<1x96x128xf32>,
    %slice3A_682 = vector.extract_strided_slice %bitcast_convert_type3A_674 {offsets = [0, 0], sizes = [96, 128], strides = [1, 1]} : vector<128x128xf32> to vector<96x128xf32>
    %swap3A_683 = arith.constant 23 : index
    %swap3A_684 = arith.constant 96 : index
    %swap3A_685 = arith.constant 0 : index
    %swap3A_686 = vector.load %arg2[%swap3A_683, %swap3A_684, %swap3A_685] : memref<49x192x128xf32, #tpu.memory_space<vmem>>, vector<1x96x128xf32>
    %swap3A_687 = vector.shape_cast %swap3A_686 : vector<1x96x128xf32> to vector<96x128xf32>
    %swap3A_688 = vector.shape_cast %slice3A_682 : vector<96x128xf32> to vector<1x96x128xf32>
    tpu.vector_store %arg2[%swap3A_683, %swap3A_684, %swap3A_685], %swap3A_688 {strides = array<i32>} : memref<49x192x128xf32, #tpu.memory_space<vmem>>, vector<1x96x128xf32>,
    %get3A_689 = arith.constant 0 : index
    %get3A_690 = arith.constant 24 : index
    %get3A_691 = arith.constant 0 : index
    %get3A_692 = vector.load %arg1[%get3A_689, %get3A_690, %get3A_691] : memref<128x49x128xf32, #tpu.memory_space<vmem>>, vector<128x1x128xf32>
    %get3A_693 = vector.shape_cast %get3A_692 : vector<128x1x128xf32> to vector<128x128xf32>
    %transpose3A_694 = tpu.transpose %get3A_693, [1, 0] : vector<128x128xf32> -> vector<128x128xf32>
    %bitcast_convert_type3A_695 = tpu.bitcast %transpose3A_694 : vector<128x128xf32> -> vector<128x128xi32>
    %shift_left3A_696 = arith.constant 16 : i32
    %shift_left3A_697 = vector.broadcast %shift_left3A_696 : i32 to vector<128x128xi32>
    %shift_left3A_698 = arith.shli %bitcast_convert_type3A_695, %shift_left3A_697 : vector<128x128xi32>
    %bitcast_convert_type3A_699 = tpu.bitcast %shift_left3A_698 : vector<128x128xi32> -> vector<128x128xf32>
    %and3A_700 = arith.constant -65536 : i32
    %and3A_701 = vector.broadcast %and3A_700 : i32 to vector<128x128xi32>
    %and3A_702 = arith.andi %bitcast_convert_type3A_695, %and3A_701 : vector<128x128xi32>
    %bitcast_convert_type3A_703 = tpu.bitcast %and3A_702 : vector<128x128xi32> -> vector<128x128xf32>
    %slice3A_704 = vector.extract_strided_slice %bitcast_convert_type3A_699 {offsets = [0, 0], sizes = [96, 128], strides = [1, 1]} : vector<128x128xf32> to vector<96x128xf32>
    %swap3A_705 = arith.constant 24 : index
    %swap3A_706 = arith.constant 0 : index
    %swap3A_707 = arith.constant 0 : index
    %swap3A_708 = vector.load %arg2[%swap3A_705, %swap3A_706, %swap3A_707] : memref<49x192x128xf32, #tpu.memory_space<vmem>>, vector<1x96x128xf32>
    %swap3A_709 = vector.shape_cast %swap3A_708 : vector<1x96x128xf32> to vector<96x128xf32>
    %swap3A_710 = vector.shape_cast %slice3A_704 : vector<96x128xf32> to vector<1x96x128xf32>
    tpu.vector_store %arg2[%swap3A_705, %swap3A_706, %swap3A_707], %swap3A_710 {strides = array<i32>} : memref<49x192x128xf32, #tpu.memory_space<vmem>>, vector<1x96x128xf32>,
    %slice3A_711 = vector.extract_strided_slice %bitcast_convert_type3A_703 {offsets = [0, 0], sizes = [96, 128], strides = [1, 1]} : vector<128x128xf32> to vector<96x128xf32>
    %swap3A_712 = arith.constant 24 : index
    %swap3A_713 = arith.constant 96 : index
    %swap3A_714 = arith.constant 0 : index
    %swap3A_715 = vector.load %arg2[%swap3A_712, %swap3A_713, %swap3A_714] : memref<49x192x128xf32, #tpu.memory_space<vmem>>, vector<1x96x128xf32>
    %swap3A_716 = vector.shape_cast %swap3A_715 : vector<1x96x128xf32> to vector<96x128xf32>
    %swap3A_717 = vector.shape_cast %slice3A_711 : vector<96x128xf32> to vector<1x96x128xf32>
    tpu.vector_store %arg2[%swap3A_712, %swap3A_713, %swap3A_714], %swap3A_717 {strides = array<i32>} : memref<49x192x128xf32, #tpu.memory_space<vmem>>, vector<1x96x128xf32>,
    %get3A_718 = arith.constant 0 : index
    %get3A_719 = arith.constant 25 : index
    %get3A_720 = arith.constant 0 : index
    %get3A_721 = vector.load %arg1[%get3A_718, %get3A_719, %get3A_720] : memref<128x49x128xf32, #tpu.memory_space<vmem>>, vector<128x1x128xf32>
    %get3A_722 = vector.shape_cast %get3A_721 : vector<128x1x128xf32> to vector<128x128xf32>
    %transpose3A_723 = tpu.transpose %get3A_722, [1, 0] : vector<128x128xf32> -> vector<128x128xf32>
    %bitcast_convert_type3A_724 = tpu.bitcast %transpose3A_723 : vector<128x128xf32> -> vector<128x128xi32>
    %shift_left3A_725 = arith.constant 16 : i32
    %shift_left3A_726 = vector.broadcast %shift_left3A_725 : i32 to vector<128x128xi32>
    %shift_left3A_727 = arith.shli %bitcast_convert_type3A_724, %shift_left3A_726 : vector<128x128xi32>
    %bitcast_convert_type3A_728 = tpu.bitcast %shift_left3A_727 : vector<128x128xi32> -> vector<128x128xf32>
    %and3A_729 = arith.constant -65536 : i32
    %and3A_730 = vector.broadcast %and3A_729 : i32 to vector<128x128xi32>
    %and3A_731 = arith.andi %bitcast_convert_type3A_724, %and3A_730 : vector<128x128xi32>
    %bitcast_convert_type3A_732 = tpu.bitcast %and3A_731 : vector<128x128xi32> -> vector<128x128xf32>
    %slice3A_733 = vector.extract_strided_slice %bitcast_convert_type3A_728 {offsets = [0, 0], sizes = [96, 128], strides = [1, 1]} : vector<128x128xf32> to vector<96x128xf32>
    %swap3A_734 = arith.constant 25 : index
    %swap3A_735 = arith.constant 0 : index
    %swap3A_736 = arith.constant 0 : index
    %swap3A_737 = vector.load %arg2[%swap3A_734, %swap3A_735, %swap3A_736] : memref<49x192x128xf32, #tpu.memory_space<vmem>>, vector<1x96x128xf32>
    %swap3A_738 = vector.shape_cast %swap3A_737 : vector<1x96x128xf32> to vector<96x128xf32>
    %swap3A_739 = vector.shape_cast %slice3A_733 : vector<96x128xf32> to vector<1x96x128xf32>
    tpu.vector_store %arg2[%swap3A_734, %swap3A_735, %swap3A_736], %swap3A_739 {strides = array<i32>} : memref<49x192x128xf32, #tpu.memory_space<vmem>>, vector<1x96x128xf32>,
    %slice3A_740 = vector.extract_strided_slice %bitcast_convert_type3A_732 {offsets = [0, 0], sizes = [96, 128], strides = [1, 1]} : vector<128x128xf32> to vector<96x128xf32>
    %swap3A_741 = arith.constant 25 : index
    %swap3A_742 = arith.constant 96 : index
    %swap3A_743 = arith.constant 0 : index
    %swap3A_744 = vector.load %arg2[%swap3A_741, %swap3A_742, %swap3A_743] : memref<49x192x128xf32, #tpu.memory_space<vmem>>, vector<1x96x128xf32>
    %swap3A_745 = vector.shape_cast %swap3A_744 : vector<1x96x128xf32> to vector<96x128xf32>
    %swap3A_746 = vector.shape_cast %slice3A_740 : vector<96x128xf32> to vector<1x96x128xf32>
    tpu.vector_store %arg2[%swap3A_741, %swap3A_742, %swap3A_743], %swap3A_746 {strides = array<i32>} : memref<49x192x128xf32, #tpu.memory_space<vmem>>, vector<1x96x128xf32>,
    %get3A_747 = arith.constant 0 : index
    %get3A_748 = arith.constant 26 : index
    %get3A_749 = arith.constant 0 : index
    %get3A_750 = vector.load %arg1[%get3A_747, %get3A_748, %get3A_749] : memref<128x49x128xf32, #tpu.memory_space<vmem>>, vector<128x1x128xf32>
    %get3A_751 = vector.shape_cast %get3A_750 : vector<128x1x128xf32> to vector<128x128xf32>
    %transpose3A_752 = tpu.transpose %get3A_751, [1, 0] : vector<128x128xf32> -> vector<128x128xf32>
    %bitcast_convert_type3A_753 = tpu.bitcast %transpose3A_752 : vector<128x128xf32> -> vector<128x128xi32>
    %shift_left3A_754 = arith.constant 16 : i32
    %shift_left3A_755 = vector.broadcast %shift_left3A_754 : i32 to vector<128x128xi32>
    %shift_left3A_756 = arith.shli %bitcast_convert_type3A_753, %shift_left3A_755 : vector<128x128xi32>
    %bitcast_convert_type3A_757 = tpu.bitcast %shift_left3A_756 : vector<128x128xi32> -> vector<128x128xf32>
    %and3A_758 = arith.constant -65536 : i32
    %and3A_759 = vector.broadcast %and3A_758 : i32 to vector<128x128xi32>
    %and3A_760 = arith.andi %bitcast_convert_type3A_753, %and3A_759 : vector<128x128xi32>
    %bitcast_convert_type3A_761 = tpu.bitcast %and3A_760 : vector<128x128xi32> -> vector<128x128xf32>
    %slice3A_762 = vector.extract_strided_slice %bitcast_convert_type3A_757 {offsets = [0, 0], sizes = [96, 128], strides = [1, 1]} : vector<128x128xf32> to vector<96x128xf32>
    %swap3A_763 = arith.constant 26 : index
    %swap3A_764 = arith.constant 0 : index
    %swap3A_765 = arith.constant 0 : index
    %swap3A_766 = vector.load %arg2[%swap3A_763, %swap3A_764, %swap3A_765] : memref<49x192x128xf32, #tpu.memory_space<vmem>>, vector<1x96x128xf32>
    %swap3A_767 = vector.shape_cast %swap3A_766 : vector<1x96x128xf32> to vector<96x128xf32>
    %swap3A_768 = vector.shape_cast %slice3A_762 : vector<96x128xf32> to vector<1x96x128xf32>
    tpu.vector_store %arg2[%swap3A_763, %swap3A_764, %swap3A_765], %swap3A_768 {strides = array<i32>} : memref<49x192x128xf32, #tpu.memory_space<vmem>>, vector<1x96x128xf32>,
    %slice3A_769 = vector.extract_strided_slice %bitcast_convert_type3A_761 {offsets = [0, 0], sizes = [96, 128], strides = [1, 1]} : vector<128x128xf32> to vector<96x128xf32>
    %swap3A_770 = arith.constant 26 : index
    %swap3A_771 = arith.constant 96 : index
    %swap3A_772 = arith.constant 0 : index
    %swap3A_773 = vector.load %arg2[%swap3A_770, %swap3A_771, %swap3A_772] : memref<49x192x128xf32, #tpu.memory_space<vmem>>, vector<1x96x128xf32>
    %swap3A_774 = vector.shape_cast %swap3A_773 : vector<1x96x128xf32> to vector<96x128xf32>
    %swap3A_775 = vector.shape_cast %slice3A_769 : vector<96x128xf32> to vector<1x96x128xf32>
    tpu.vector_store %arg2[%swap3A_770, %swap3A_771, %swap3A_772], %swap3A_775 {strides = array<i32>} : memref<49x192x128xf32, #tpu.memory_space<vmem>>, vector<1x96x128xf32>,
    %get3A_776 = arith.constant 0 : index
    %get3A_777 = arith.constant 27 : index
    %get3A_778 = arith.constant 0 : index
    %get3A_779 = vector.load %arg1[%get3A_776, %get3A_777, %get3A_778] : memref<128x49x128xf32, #tpu.memory_space<vmem>>, vector<128x1x128xf32>
    %get3A_780 = vector.shape_cast %get3A_779 : vector<128x1x128xf32> to vector<128x128xf32>
    %transpose3A_781 = tpu.transpose %get3A_780, [1, 0] : vector<128x128xf32> -> vector<128x128xf32>
    %bitcast_convert_type3A_782 = tpu.bitcast %transpose3A_781 : vector<128x128xf32> -> vector<128x128xi32>
    %shift_left3A_783 = arith.constant 16 : i32
    %shift_left3A_784 = vector.broadcast %shift_left3A_783 : i32 to vector<128x128xi32>
    %shift_left3A_785 = arith.shli %bitcast_convert_type3A_782, %shift_left3A_784 : vector<128x128xi32>
    %bitcast_convert_type3A_786 = tpu.bitcast %shift_left3A_785 : vector<128x128xi32> -> vector<128x128xf32>
    %and3A_787 = arith.constant -65536 : i32
    %and3A_788 = vector.broadcast %and3A_787 : i32 to vector<128x128xi32>
    %and3A_789 = arith.andi %bitcast_convert_type3A_782, %and3A_788 : vector<128x128xi32>
    %bitcast_convert_type3A_790 = tpu.bitcast %and3A_789 : vector<128x128xi32> -> vector<128x128xf32>
    %slice3A_791 = vector.extract_strided_slice %bitcast_convert_type3A_786 {offsets = [0, 0], sizes = [96, 128], strides = [1, 1]} : vector<128x128xf32> to vector<96x128xf32>
    %swap3A_792 = arith.constant 27 : index
    %swap3A_793 = arith.constant 0 : index
    %swap3A_794 = arith.constant 0 : index
    %swap3A_795 = vector.load %arg2[%swap3A_792, %swap3A_793, %swap3A_794] : memref<49x192x128xf32, #tpu.memory_space<vmem>>, vector<1x96x128xf32>
    %swap3A_796 = vector.shape_cast %swap3A_795 : vector<1x96x128xf32> to vector<96x128xf32>
    %swap3A_797 = vector.shape_cast %slice3A_791 : vector<96x128xf32> to vector<1x96x128xf32>
    tpu.vector_store %arg2[%swap3A_792, %swap3A_793, %swap3A_794], %swap3A_797 {strides = array<i32>} : memref<49x192x128xf32, #tpu.memory_space<vmem>>, vector<1x96x128xf32>,
    %slice3A_798 = vector.extract_strided_slice %bitcast_convert_type3A_790 {offsets = [0, 0], sizes = [96, 128], strides = [1, 1]} : vector<128x128xf32> to vector<96x128xf32>
    %swap3A_799 = arith.constant 27 : index
    %swap3A_800 = arith.constant 96 : index
    %swap3A_801 = arith.constant 0 : index
    %swap3A_802 = vector.load %arg2[%swap3A_799, %swap3A_800, %swap3A_801] : memref<49x192x128xf32, #tpu.memory_space<vmem>>, vector<1x96x128xf32>
    %swap3A_803 = vector.shape_cast %swap3A_802 : vector<1x96x128xf32> to vector<96x128xf32>
    %swap3A_804 = vector.shape_cast %slice3A_798 : vector<96x128xf32> to vector<1x96x128xf32>
    tpu.vector_store %arg2[%swap3A_799, %swap3A_800, %swap3A_801], %swap3A_804 {strides = array<i32>} : memref<49x192x128xf32, #tpu.memory_space<vmem>>, vector<1x96x128xf32>,
    %get3A_805 = arith.constant 0 : index
    %get3A_806 = arith.constant 28 : index
    %get3A_807 = arith.constant 0 : index
    %get3A_808 = vector.load %arg1[%get3A_805, %get3A_806, %get3A_807] : memref<128x49x128xf32, #tpu.memory_space<vmem>>, vector<128x1x128xf32>
    %get3A_809 = vector.shape_cast %get3A_808 : vector<128x1x128xf32> to vector<128x128xf32>
    %transpose3A_810 = tpu.transpose %get3A_809, [1, 0] : vector<128x128xf32> -> vector<128x128xf32>
    %bitcast_convert_type3A_811 = tpu.bitcast %transpose3A_810 : vector<128x128xf32> -> vector<128x128xi32>
    %shift_left3A_812 = arith.constant 16 : i32
    %shift_left3A_813 = vector.broadcast %shift_left3A_812 : i32 to vector<128x128xi32>
    %shift_left3A_814 = arith.shli %bitcast_convert_type3A_811, %shift_left3A_813 : vector<128x128xi32>
    %bitcast_convert_type3A_815 = tpu.bitcast %shift_left3A_814 : vector<128x128xi32> -> vector<128x128xf32>
    %and3A_816 = arith.constant -65536 : i32
    %and3A_817 = vector.broadcast %and3A_816 : i32 to vector<128x128xi32>
    %and3A_818 = arith.andi %bitcast_convert_type3A_811, %and3A_817 : vector<128x128xi32>
    %bitcast_convert_type3A_819 = tpu.bitcast %and3A_818 : vector<128x128xi32> -> vector<128x128xf32>
    %slice3A_820 = vector.extract_strided_slice %bitcast_convert_type3A_815 {offsets = [0, 0], sizes = [96, 128], strides = [1, 1]} : vector<128x128xf32> to vector<96x128xf32>
    %swap3A_821 = arith.constant 28 : index
    %swap3A_822 = arith.constant 0 : index
    %swap3A_823 = arith.constant 0 : index
    %swap3A_824 = vector.load %arg2[%swap3A_821, %swap3A_822, %swap3A_823] : memref<49x192x128xf32, #tpu.memory_space<vmem>>, vector<1x96x128xf32>
    %swap3A_825 = vector.shape_cast %swap3A_824 : vector<1x96x128xf32> to vector<96x128xf32>
    %swap3A_826 = vector.shape_cast %slice3A_820 : vector<96x128xf32> to vector<1x96x128xf32>
    tpu.vector_store %arg2[%swap3A_821, %swap3A_822, %swap3A_823], %swap3A_826 {strides = array<i32>} : memref<49x192x128xf32, #tpu.memory_space<vmem>>, vector<1x96x128xf32>,
    %slice3A_827 = vector.extract_strided_slice %bitcast_convert_type3A_819 {offsets = [0, 0], sizes = [96, 128], strides = [1, 1]} : vector<128x128xf32> to vector<96x128xf32>
    %swap3A_828 = arith.constant 28 : index
    %swap3A_829 = arith.constant 96 : index
    %swap3A_830 = arith.constant 0 : index
    %swap3A_831 = vector.load %arg2[%swap3A_828, %swap3A_829, %swap3A_830] : memref<49x192x128xf32, #tpu.memory_space<vmem>>, vector<1x96x128xf32>
    %swap3A_832 = vector.shape_cast %swap3A_831 : vector<1x96x128xf32> to vector<96x128xf32>
    %swap3A_833 = vector.shape_cast %slice3A_827 : vector<96x128xf32> to vector<1x96x128xf32>
    tpu.vector_store %arg2[%swap3A_828, %swap3A_829, %swap3A_830], %swap3A_833 {strides = array<i32>} : memref<49x192x128xf32, #tpu.memory_space<vmem>>, vector<1x96x128xf32>,
    %get3A_834 = arith.constant 0 : index
    %get3A_835 = arith.constant 29 : index
    %get3A_836 = arith.constant 0 : index
    %get3A_837 = vector.load %arg1[%get3A_834, %get3A_835, %get3A_836] : memref<128x49x128xf32, #tpu.memory_space<vmem>>, vector<128x1x128xf32>
    %get3A_838 = vector.shape_cast %get3A_837 : vector<128x1x128xf32> to vector<128x128xf32>
    %transpose3A_839 = tpu.transpose %get3A_838, [1, 0] : vector<128x128xf32> -> vector<128x128xf32>
    %bitcast_convert_type3A_840 = tpu.bitcast %transpose3A_839 : vector<128x128xf32> -> vector<128x128xi32>
    %shift_left3A_841 = arith.constant 16 : i32
    %shift_left3A_842 = vector.broadcast %shift_left3A_841 : i32 to vector<128x128xi32>
    %shift_left3A_843 = arith.shli %bitcast_convert_type3A_840, %shift_left3A_842 : vector<128x128xi32>
    %bitcast_convert_type3A_844 = tpu.bitcast %shift_left3A_843 : vector<128x128xi32> -> vector<128x128xf32>
    %and3A_845 = arith.constant -65536 : i32
    %and3A_846 = vector.broadcast %and3A_845 : i32 to vector<128x128xi32>
    %and3A_847 = arith.andi %bitcast_convert_type3A_840, %and3A_846 : vector<128x128xi32>
    %bitcast_convert_type3A_848 = tpu.bitcast %and3A_847 : vector<128x128xi32> -> vector<128x128xf32>
    %slice3A_849 = vector.extract_strided_slice %bitcast_convert_type3A_844 {offsets = [0, 0], sizes = [96, 128], strides = [1, 1]} : vector<128x128xf32> to vector<96x128xf32>
    %swap3A_850 = arith.constant 29 : index
    %swap3A_851 = arith.constant 0 : index
    %swap3A_852 = arith.constant 0 : index
    %swap3A_853 = vector.load %arg2[%swap3A_850, %swap3A_851, %swap3A_852] : memref<49x192x128xf32, #tpu.memory_space<vmem>>, vector<1x96x128xf32>
    %swap3A_854 = vector.shape_cast %swap3A_853 : vector<1x96x128xf32> to vector<96x128xf32>
    %swap3A_855 = vector.shape_cast %slice3A_849 : vector<96x128xf32> to vector<1x96x128xf32>
    tpu.vector_store %arg2[%swap3A_850, %swap3A_851, %swap3A_852], %swap3A_855 {strides = array<i32>} : memref<49x192x128xf32, #tpu.memory_space<vmem>>, vector<1x96x128xf32>,
    %slice3A_856 = vector.extract_strided_slice %bitcast_convert_type3A_848 {offsets = [0, 0], sizes = [96, 128], strides = [1, 1]} : vector<128x128xf32> to vector<96x128xf32>
    %swap3A_857 = arith.constant 29 : index
    %swap3A_858 = arith.constant 96 : index
    %swap3A_859 = arith.constant 0 : index
    %swap3A_860 = vector.load %arg2[%swap3A_857, %swap3A_858, %swap3A_859] : memref<49x192x128xf32, #tpu.memory_space<vmem>>, vector<1x96x128xf32>
    %swap3A_861 = vector.shape_cast %swap3A_860 : vector<1x96x128xf32> to vector<96x128xf32>
    %swap3A_862 = vector.shape_cast %slice3A_856 : vector<96x128xf32> to vector<1x96x128xf32>
    tpu.vector_store %arg2[%swap3A_857, %swap3A_858, %swap3A_859], %swap3A_862 {strides = array<i32>} : memref<49x192x128xf32, #tpu.memory_space<vmem>>, vector<1x96x128xf32>,
    %get3A_863 = arith.constant 0 : index
    %get3A_864 = arith.constant 30 : index
    %get3A_865 = arith.constant 0 : index
    %get3A_866 = vector.load %arg1[%get3A_863, %get3A_864, %get3A_865] : memref<128x49x128xf32, #tpu.memory_space<vmem>>, vector<128x1x128xf32>
    %get3A_867 = vector.shape_cast %get3A_866 : vector<128x1x128xf32> to vector<128x128xf32>
    %transpose3A_868 = tpu.transpose %get3A_867, [1, 0] : vector<128x128xf32> -> vector<128x128xf32>
    %bitcast_convert_type3A_869 = tpu.bitcast %transpose3A_868 : vector<128x128xf32> -> vector<128x128xi32>
    %shift_left3A_870 = arith.constant 16 : i32
    %shift_left3A_871 = vector.broadcast %shift_left3A_870 : i32 to vector<128x128xi32>
    %shift_left3A_872 = arith.shli %bitcast_convert_type3A_869, %shift_left3A_871 : vector<128x128xi32>
    %bitcast_convert_type3A_873 = tpu.bitcast %shift_left3A_872 : vector<128x128xi32> -> vector<128x128xf32>
    %and3A_874 = arith.constant -65536 : i32
    %and3A_875 = vector.broadcast %and3A_874 : i32 to vector<128x128xi32>
    %and3A_876 = arith.andi %bitcast_convert_type3A_869, %and3A_875 : vector<128x128xi32>
    %bitcast_convert_type3A_877 = tpu.bitcast %and3A_876 : vector<128x128xi32> -> vector<128x128xf32>
    %slice3A_878 = vector.extract_strided_slice %bitcast_convert_type3A_873 {offsets = [0, 0], sizes = [96, 128], strides = [1, 1]} : vector<128x128xf32> to vector<96x128xf32>
    %swap3A_879 = arith.constant 30 : index
    %swap3A_880 = arith.constant 0 : index
    %swap3A_881 = arith.constant 0 : index
    %swap3A_882 = vector.load %arg2[%swap3A_879, %swap3A_880, %swap3A_881] : memref<49x192x128xf32, #tpu.memory_space<vmem>>, vector<1x96x128xf32>
    %swap3A_883 = vector.shape_cast %swap3A_882 : vector<1x96x128xf32> to vector<96x128xf32>
    %swap3A_884 = vector.shape_cast %slice3A_878 : vector<96x128xf32> to vector<1x96x128xf32>
    tpu.vector_store %arg2[%swap3A_879, %swap3A_880, %swap3A_881], %swap3A_884 {strides = array<i32>} : memref<49x192x128xf32, #tpu.memory_space<vmem>>, vector<1x96x128xf32>,
    %slice3A_885 = vector.extract_strided_slice %bitcast_convert_type3A_877 {offsets = [0, 0], sizes = [96, 128], strides = [1, 1]} : vector<128x128xf32> to vector<96x128xf32>
    %swap3A_886 = arith.constant 30 : index
    %swap3A_887 = arith.constant 96 : index
    %swap3A_888 = arith.constant 0 : index
    %swap3A_889 = vector.load %arg2[%swap3A_886, %swap3A_887, %swap3A_888] : memref<49x192x128xf32, #tpu.memory_space<vmem>>, vector<1x96x128xf32>
    %swap3A_890 = vector.shape_cast %swap3A_889 : vector<1x96x128xf32> to vector<96x128xf32>
    %swap3A_891 = vector.shape_cast %slice3A_885 : vector<96x128xf32> to vector<1x96x128xf32>
    tpu.vector_store %arg2[%swap3A_886, %swap3A_887, %swap3A_888], %swap3A_891 {strides = array<i32>} : memref<49x192x128xf32, #tpu.memory_space<vmem>>, vector<1x96x128xf32>,
    %get3A_892 = arith.constant 0 : index
    %get3A_893 = arith.constant 31 : index
    %get3A_894 = arith.constant 0 : index
    %get3A_895 = vector.load %arg1[%get3A_892, %get3A_893, %get3A_894] : memref<128x49x128xf32, #tpu.memory_space<vmem>>, vector<128x1x128xf32>
    %get3A_896 = vector.shape_cast %get3A_895 : vector<128x1x128xf32> to vector<128x128xf32>
    %transpose3A_897 = tpu.transpose %get3A_896, [1, 0] : vector<128x128xf32> -> vector<128x128xf32>
    %bitcast_convert_type3A_898 = tpu.bitcast %transpose3A_897 : vector<128x128xf32> -> vector<128x128xi32>
    %shift_left3A_899 = arith.constant 16 : i32
    %shift_left3A_900 = vector.broadcast %shift_left3A_899 : i32 to vector<128x128xi32>
    %shift_left3A_901 = arith.shli %bitcast_convert_type3A_898, %shift_left3A_900 : vector<128x128xi32>
    %bitcast_convert_type3A_902 = tpu.bitcast %shift_left3A_901 : vector<128x128xi32> -> vector<128x128xf32>
    %and3A_903 = arith.constant -65536 : i32
    %and3A_904 = vector.broadcast %and3A_903 : i32 to vector<128x128xi32>
    %and3A_905 = arith.andi %bitcast_convert_type3A_898, %and3A_904 : vector<128x128xi32>
    %bitcast_convert_type3A_906 = tpu.bitcast %and3A_905 : vector<128x128xi32> -> vector<128x128xf32>
    %slice3A_907 = vector.extract_strided_slice %bitcast_convert_type3A_902 {offsets = [0, 0], sizes = [96, 128], strides = [1, 1]} : vector<128x128xf32> to vector<96x128xf32>
    %swap3A_908 = arith.constant 31 : index
    %swap3A_909 = arith.constant 0 : index
    %swap3A_910 = arith.constant 0 : index
    %swap3A_911 = vector.load %arg2[%swap3A_908, %swap3A_909, %swap3A_910] : memref<49x192x128xf32, #tpu.memory_space<vmem>>, vector<1x96x128xf32>
    %swap3A_912 = vector.shape_cast %swap3A_911 : vector<1x96x128xf32> to vector<96x128xf32>
    %swap3A_913 = vector.shape_cast %slice3A_907 : vector<96x128xf32> to vector<1x96x128xf32>
    tpu.vector_store %arg2[%swap3A_908, %swap3A_909, %swap3A_910], %swap3A_913 {strides = array<i32>} : memref<49x192x128xf32, #tpu.memory_space<vmem>>, vector<1x96x128xf32>,
    %slice3A_914 = vector.extract_strided_slice %bitcast_convert_type3A_906 {offsets = [0, 0], sizes = [96, 128], strides = [1, 1]} : vector<128x128xf32> to vector<96x128xf32>
    %swap3A_915 = arith.constant 31 : index
    %swap3A_916 = arith.constant 96 : index
    %swap3A_917 = arith.constant 0 : index
    %swap3A_918 = vector.load %arg2[%swap3A_915, %swap3A_916, %swap3A_917] : memref<49x192x128xf32, #tpu.memory_space<vmem>>, vector<1x96x128xf32>
    %swap3A_919 = vector.shape_cast %swap3A_918 : vector<1x96x128xf32> to vector<96x128xf32>
    %swap3A_920 = vector.shape_cast %slice3A_914 : vector<96x128xf32> to vector<1x96x128xf32>
    tpu.vector_store %arg2[%swap3A_915, %swap3A_916, %swap3A_917], %swap3A_920 {strides = array<i32>} : memref<49x192x128xf32, #tpu.memory_space<vmem>>, vector<1x96x128xf32>,
    %get3A_921 = arith.constant 0 : index
    %get3A_922 = arith.constant 32 : index
    %get3A_923 = arith.constant 0 : index
    %get3A_924 = vector.load %arg1[%get3A_921, %get3A_922, %get3A_923] : memref<128x49x128xf32, #tpu.memory_space<vmem>>, vector<128x1x128xf32>
    %get3A_925 = vector.shape_cast %get3A_924 : vector<128x1x128xf32> to vector<128x128xf32>
    %transpose3A_926 = tpu.transpose %get3A_925, [1, 0] : vector<128x128xf32> -> vector<128x128xf32>
    %bitcast_convert_type3A_927 = tpu.bitcast %transpose3A_926 : vector<128x128xf32> -> vector<128x128xi32>
    %shift_left3A_928 = arith.constant 16 : i32
    %shift_left3A_929 = vector.broadcast %shift_left3A_928 : i32 to vector<128x128xi32>
    %shift_left3A_930 = arith.shli %bitcast_convert_type3A_927, %shift_left3A_929 : vector<128x128xi32>
    %bitcast_convert_type3A_931 = tpu.bitcast %shift_left3A_930 : vector<128x128xi32> -> vector<128x128xf32>
    %and3A_932 = arith.constant -65536 : i32
    %and3A_933 = vector.broadcast %and3A_932 : i32 to vector<128x128xi32>
    %and3A_934 = arith.andi %bitcast_convert_type3A_927, %and3A_933 : vector<128x128xi32>
    %bitcast_convert_type3A_935 = tpu.bitcast %and3A_934 : vector<128x128xi32> -> vector<128x128xf32>
    %slice3A_936 = vector.extract_strided_slice %bitcast_convert_type3A_931 {offsets = [0, 0], sizes = [96, 128], strides = [1, 1]} : vector<128x128xf32> to vector<96x128xf32>
    %swap3A_937 = arith.constant 32 : index
    %swap3A_938 = arith.constant 0 : index
    %swap3A_939 = arith.constant 0 : index
    %swap3A_940 = vector.load %arg2[%swap3A_937, %swap3A_938, %swap3A_939] : memref<49x192x128xf32, #tpu.memory_space<vmem>>, vector<1x96x128xf32>
    %swap3A_941 = vector.shape_cast %swap3A_940 : vector<1x96x128xf32> to vector<96x128xf32>
    %swap3A_942 = vector.shape_cast %slice3A_936 : vector<96x128xf32> to vector<1x96x128xf32>
    tpu.vector_store %arg2[%swap3A_937, %swap3A_938, %swap3A_939], %swap3A_942 {strides = array<i32>} : memref<49x192x128xf32, #tpu.memory_space<vmem>>, vector<1x96x128xf32>,
    %slice3A_943 = vector.extract_strided_slice %bitcast_convert_type3A_935 {offsets = [0, 0], sizes = [96, 128], strides = [1, 1]} : vector<128x128xf32> to vector<96x128xf32>
    %swap3A_944 = arith.constant 32 : index
    %swap3A_945 = arith.constant 96 : index
    %swap3A_946 = arith.constant 0 : index
    %swap3A_947 = vector.load %arg2[%swap3A_944, %swap3A_945, %swap3A_946] : memref<49x192x128xf32, #tpu.memory_space<vmem>>, vector<1x96x128xf32>
    %swap3A_948 = vector.shape_cast %swap3A_947 : vector<1x96x128xf32> to vector<96x128xf32>
    %swap3A_949 = vector.shape_cast %slice3A_943 : vector<96x128xf32> to vector<1x96x128xf32>
    tpu.vector_store %arg2[%swap3A_944, %swap3A_945, %swap3A_946], %swap3A_949 {strides = array<i32>} : memref<49x192x128xf32, #tpu.memory_space<vmem>>, vector<1x96x128xf32>,
    %get3A_950 = arith.constant 0 : index
    %get3A_951 = arith.constant 33 : index
    %get3A_952 = arith.constant 0 : index
    %get3A_953 = vector.load %arg1[%get3A_950, %get3A_951, %get3A_952] : memref<128x49x128xf32, #tpu.memory_space<vmem>>, vector<128x1x128xf32>
    %get3A_954 = vector.shape_cast %get3A_953 : vector<128x1x128xf32> to vector<128x128xf32>
    %transpose3A_955 = tpu.transpose %get3A_954, [1, 0] : vector<128x128xf32> -> vector<128x128xf32>
    %bitcast_convert_type3A_956 = tpu.bitcast %transpose3A_955 : vector<128x128xf32> -> vector<128x128xi32>
    %shift_left3A_957 = arith.constant 16 : i32
    %shift_left3A_958 = vector.broadcast %shift_left3A_957 : i32 to vector<128x128xi32>
    %shift_left3A_959 = arith.shli %bitcast_convert_type3A_956, %shift_left3A_958 : vector<128x128xi32>
    %bitcast_convert_type3A_960 = tpu.bitcast %shift_left3A_959 : vector<128x128xi32> -> vector<128x128xf32>
    %and3A_961 = arith.constant -65536 : i32
    %and3A_962 = vector.broadcast %and3A_961 : i32 to vector<128x128xi32>
    %and3A_963 = arith.andi %bitcast_convert_type3A_956, %and3A_962 : vector<128x128xi32>
    %bitcast_convert_type3A_964 = tpu.bitcast %and3A_963 : vector<128x128xi32> -> vector<128x128xf32>
    %slice3A_965 = vector.extract_strided_slice %bitcast_convert_type3A_960 {offsets = [0, 0], sizes = [96, 128], strides = [1, 1]} : vector<128x128xf32> to vector<96x128xf32>
    %swap3A_966 = arith.constant 33 : index
    %swap3A_967 = arith.constant 0 : index
    %swap3A_968 = arith.constant 0 : index
    %swap3A_969 = vector.load %arg2[%swap3A_966, %swap3A_967, %swap3A_968] : memref<49x192x128xf32, #tpu.memory_space<vmem>>, vector<1x96x128xf32>
    %swap3A_970 = vector.shape_cast %swap3A_969 : vector<1x96x128xf32> to vector<96x128xf32>
    %swap3A_971 = vector.shape_cast %slice3A_965 : vector<96x128xf32> to vector<1x96x128xf32>
    tpu.vector_store %arg2[%swap3A_966, %swap3A_967, %swap3A_968], %swap3A_971 {strides = array<i32>} : memref<49x192x128xf32, #tpu.memory_space<vmem>>, vector<1x96x128xf32>,
    %slice3A_972 = vector.extract_strided_slice %bitcast_convert_type3A_964 {offsets = [0, 0], sizes = [96, 128], strides = [1, 1]} : vector<128x128xf32> to vector<96x128xf32>
    %swap3A_973 = arith.constant 33 : index
    %swap3A_974 = arith.constant 96 : index
    %swap3A_975 = arith.constant 0 : index
    %swap3A_976 = vector.load %arg2[%swap3A_973, %swap3A_974, %swap3A_975] : memref<49x192x128xf32, #tpu.memory_space<vmem>>, vector<1x96x128xf32>
    %swap3A_977 = vector.shape_cast %swap3A_976 : vector<1x96x128xf32> to vector<96x128xf32>
    %swap3A_978 = vector.shape_cast %slice3A_972 : vector<96x128xf32> to vector<1x96x128xf32>
    tpu.vector_store %arg2[%swap3A_973, %swap3A_974, %swap3A_975], %swap3A_978 {strides = array<i32>} : memref<49x192x128xf32, #tpu.memory_space<vmem>>, vector<1x96x128xf32>,
    %get3A_979 = arith.constant 0 : index
    %get3A_980 = arith.constant 34 : index
    %get3A_981 = arith.constant 0 : index
    %get3A_982 = vector.load %arg1[%get3A_979, %get3A_980, %get3A_981] : memref<128x49x128xf32, #tpu.memory_space<vmem>>, vector<128x1x128xf32>
    %get3A_983 = vector.shape_cast %get3A_982 : vector<128x1x128xf32> to vector<128x128xf32>
    %transpose3A_984 = tpu.transpose %get3A_983, [1, 0] : vector<128x128xf32> -> vector<128x128xf32>
    %bitcast_convert_type3A_985 = tpu.bitcast %transpose3A_984 : vector<128x128xf32> -> vector<128x128xi32>
    %shift_left3A_986 = arith.constant 16 : i32
    %shift_left3A_987 = vector.broadcast %shift_left3A_986 : i32 to vector<128x128xi32>
    %shift_left3A_988 = arith.shli %bitcast_convert_type3A_985, %shift_left3A_987 : vector<128x128xi32>
    %bitcast_convert_type3A_989 = tpu.bitcast %shift_left3A_988 : vector<128x128xi32> -> vector<128x128xf32>
    %and3A_990 = arith.constant -65536 : i32
    %and3A_991 = vector.broadcast %and3A_990 : i32 to vector<128x128xi32>
    %and3A_992 = arith.andi %bitcast_convert_type3A_985, %and3A_991 : vector<128x128xi32>
    %bitcast_convert_type3A_993 = tpu.bitcast %and3A_992 : vector<128x128xi32> -> vector<128x128xf32>
    %slice3A_994 = vector.extract_strided_slice %bitcast_convert_type3A_989 {offsets = [0, 0], sizes = [96, 128], strides = [1, 1]} : vector<128x128xf32> to vector<96x128xf32>
    %swap3A_995 = arith.constant 34 : index
    %swap3A_996 = arith.constant 0 : index
    %swap3A_997 = arith.constant 0 : index
    %swap3A_998 = vector.load %arg2[%swap3A_995, %swap3A_996, %swap3A_997] : memref<49x192x128xf32, #tpu.memory_space<vmem>>, vector<1x96x128xf32>
    %swap3A_999 = vector.shape_cast %swap3A_998 : vector<1x96x128xf32> to vector<96x128xf32>
    %swap3A_1000 = vector.shape_cast %slice3A_994 : vector<96x128xf32> to vector<1x96x128xf32>
    tpu.vector_store %arg2[%swap3A_995, %swap3A_996, %swap3A_997], %swap3A_1000 {strides = array<i32>} : memref<49x192x128xf32, #tpu.memory_space<vmem>>, vector<1x96x128xf32>,
    %slice3A_1001 = vector.extract_strided_slice %bitcast_convert_type3A_993 {offsets = [0, 0], sizes = [96, 128], strides = [1, 1]} : vector<128x128xf32> to vector<96x128xf32>
    %swap3A_1002 = arith.constant 34 : index
    %swap3A_1003 = arith.constant 96 : index
    %swap3A_1004 = arith.constant 0 : index
    %swap3A_1005 = vector.load %arg2[%swap3A_1002, %swap3A_1003, %swap3A_1004] : memref<49x192x128xf32, #tpu.memory_space<vmem>>, vector<1x96x128xf32>
    %swap3A_1006 = vector.shape_cast %swap3A_1005 : vector<1x96x128xf32> to vector<96x128xf32>
    %swap3A_1007 = vector.shape_cast %slice3A_1001 : vector<96x128xf32> to vector<1x96x128xf32>
    tpu.vector_store %arg2[%swap3A_1002, %swap3A_1003, %swap3A_1004], %swap3A_1007 {strides = array<i32>} : memref<49x192x128xf32, #tpu.memory_space<vmem>>, vector<1x96x128xf32>,
    %get3A_1008 = arith.constant 0 : index
    %get3A_1009 = arith.constant 35 : index
    %get3A_1010 = arith.constant 0 : index
    %get3A_1011 = vector.load %arg1[%get3A_1008, %get3A_1009, %get3A_1010] : memref<128x49x128xf32, #tpu.memory_space<vmem>>, vector<128x1x128xf32>
    %get3A_1012 = vector.shape_cast %get3A_1011 : vector<128x1x128xf32> to vector<128x128xf32>
    %transpose3A_1013 = tpu.transpose %get3A_1012, [1, 0] : vector<128x128xf32> -> vector<128x128xf32>
    %bitcast_convert_type3A_1014 = tpu.bitcast %transpose3A_1013 : vector<128x128xf32> -> vector<128x128xi32>
    %shift_left3A_1015 = arith.constant 16 : i32
    %shift_left3A_1016 = vector.broadcast %shift_left3A_1015 : i32 to vector<128x128xi32>
    %shift_left3A_1017 = arith.shli %bitcast_convert_type3A_1014, %shift_left3A_1016 : vector<128x128xi32>
    %bitcast_convert_type3A_1018 = tpu.bitcast %shift_left3A_1017 : vector<128x128xi32> -> vector<128x128xf32>
    %and3A_1019 = arith.constant -65536 : i32
    %and3A_1020 = vector.broadcast %and3A_1019 : i32 to vector<128x128xi32>
    %and3A_1021 = arith.andi %bitcast_convert_type3A_1014, %and3A_1020 : vector<128x128xi32>
    %bitcast_convert_type3A_1022 = tpu.bitcast %and3A_1021 : vector<128x128xi32> -> vector<128x128xf32>
    %slice3A_1023 = vector.extract_strided_slice %bitcast_convert_type3A_1018 {offsets = [0, 0], sizes = [96, 128], strides = [1, 1]} : vector<128x128xf32> to vector<96x128xf32>
    %swap3A_1024 = arith.constant 35 : index
    %swap3A_1025 = arith.constant 0 : index
    %swap3A_1026 = arith.constant 0 : index
    %swap3A_1027 = vector.load %arg2[%swap3A_1024, %swap3A_1025, %swap3A_1026] : memref<49x192x128xf32, #tpu.memory_space<vmem>>, vector<1x96x128xf32>
    %swap3A_1028 = vector.shape_cast %swap3A_1027 : vector<1x96x128xf32> to vector<96x128xf32>
    %swap3A_1029 = vector.shape_cast %slice3A_1023 : vector<96x128xf32> to vector<1x96x128xf32>
    tpu.vector_store %arg2[%swap3A_1024, %swap3A_1025, %swap3A_1026], %swap3A_1029 {strides = array<i32>} : memref<49x192x128xf32, #tpu.memory_space<vmem>>, vector<1x96x128xf32>,
    %slice3A_1030 = vector.extract_strided_slice %bitcast_convert_type3A_1022 {offsets = [0, 0], sizes = [96, 128], strides = [1, 1]} : vector<128x128xf32> to vector<96x128xf32>
    %swap3A_1031 = arith.constant 35 : index
    %swap3A_1032 = arith.constant 96 : index
    %swap3A_1033 = arith.constant 0 : index
    %swap3A_1034 = vector.load %arg2[%swap3A_1031, %swap3A_1032, %swap3A_1033] : memref<49x192x128xf32, #tpu.memory_space<vmem>>, vector<1x96x128xf32>
    %swap3A_1035 = vector.shape_cast %swap3A_1034 : vector<1x96x128xf32> to vector<96x128xf32>
    %swap3A_1036 = vector.shape_cast %slice3A_1030 : vector<96x128xf32> to vector<1x96x128xf32>
    tpu.vector_store %arg2[%swap3A_1031, %swap3A_1032, %swap3A_1033], %swap3A_1036 {strides = array<i32>} : memref<49x192x128xf32, #tpu.memory_space<vmem>>, vector<1x96x128xf32>,
    %get3A_1037 = arith.constant 0 : index
    %get3A_1038 = arith.constant 36 : index
    %get3A_1039 = arith.constant 0 : index
    %get3A_1040 = vector.load %arg1[%get3A_1037, %get3A_1038, %get3A_1039] : memref<128x49x128xf32, #tpu.memory_space<vmem>>, vector<128x1x128xf32>
    %get3A_1041 = vector.shape_cast %get3A_1040 : vector<128x1x128xf32> to vector<128x128xf32>
    %transpose3A_1042 = tpu.transpose %get3A_1041, [1, 0] : vector<128x128xf32> -> vector<128x128xf32>
    %bitcast_convert_type3A_1043 = tpu.bitcast %transpose3A_1042 : vector<128x128xf32> -> vector<128x128xi32>
    %shift_left3A_1044 = arith.constant 16 : i32
    %shift_left3A_1045 = vector.broadcast %shift_left3A_1044 : i32 to vector<128x128xi32>
    %shift_left3A_1046 = arith.shli %bitcast_convert_type3A_1043, %shift_left3A_1045 : vector<128x128xi32>
    %bitcast_convert_type3A_1047 = tpu.bitcast %shift_left3A_1046 : vector<128x128xi32> -> vector<128x128xf32>
    %and3A_1048 = arith.constant -65536 : i32
    %and3A_1049 = vector.broadcast %and3A_1048 : i32 to vector<128x128xi32>
    %and3A_1050 = arith.andi %bitcast_convert_type3A_1043, %and3A_1049 : vector<128x128xi32>
    %bitcast_convert_type3A_1051 = tpu.bitcast %and3A_1050 : vector<128x128xi32> -> vector<128x128xf32>
    %slice3A_1052 = vector.extract_strided_slice %bitcast_convert_type3A_1047 {offsets = [0, 0], sizes = [96, 128], strides = [1, 1]} : vector<128x128xf32> to vector<96x128xf32>
    %swap3A_1053 = arith.constant 36 : index
    %swap3A_1054 = arith.constant 0 : index
    %swap3A_1055 = arith.constant 0 : index
    %swap3A_1056 = vector.load %arg2[%swap3A_1053, %swap3A_1054, %swap3A_1055] : memref<49x192x128xf32, #tpu.memory_space<vmem>>, vector<1x96x128xf32>
    %swap3A_1057 = vector.shape_cast %swap3A_1056 : vector<1x96x128xf32> to vector<96x128xf32>
    %swap3A_1058 = vector.shape_cast %slice3A_1052 : vector<96x128xf32> to vector<1x96x128xf32>
    tpu.vector_store %arg2[%swap3A_1053, %swap3A_1054, %swap3A_1055], %swap3A_1058 {strides = array<i32>} : memref<49x192x128xf32, #tpu.memory_space<vmem>>, vector<1x96x128xf32>,
    %slice3A_1059 = vector.extract_strided_slice %bitcast_convert_type3A_1051 {offsets = [0, 0], sizes = [96, 128], strides = [1, 1]} : vector<128x128xf32> to vector<96x128xf32>
    %swap3A_1060 = arith.constant 36 : index
    %swap3A_1061 = arith.constant 96 : index
    %swap3A_1062 = arith.constant 0 : index
    %swap3A_1063 = vector.load %arg2[%swap3A_1060, %swap3A_1061, %swap3A_1062] : memref<49x192x128xf32, #tpu.memory_space<vmem>>, vector<1x96x128xf32>
    %swap3A_1064 = vector.shape_cast %swap3A_1063 : vector<1x96x128xf32> to vector<96x128xf32>
    %swap3A_1065 = vector.shape_cast %slice3A_1059 : vector<96x128xf32> to vector<1x96x128xf32>
    tpu.vector_store %arg2[%swap3A_1060, %swap3A_1061, %swap3A_1062], %swap3A_1065 {strides = array<i32>} : memref<49x192x128xf32, #tpu.memory_space<vmem>>, vector<1x96x128xf32>,
    %get3A_1066 = arith.constant 0 : index
    %get3A_1067 = arith.constant 37 : index
    %get3A_1068 = arith.constant 0 : index
    %get3A_1069 = vector.load %arg1[%get3A_1066, %get3A_1067, %get3A_1068] : memref<128x49x128xf32, #tpu.memory_space<vmem>>, vector<128x1x128xf32>
    %get3A_1070 = vector.shape_cast %get3A_1069 : vector<128x1x128xf32> to vector<128x128xf32>
    %transpose3A_1071 = tpu.transpose %get3A_1070, [1, 0] : vector<128x128xf32> -> vector<128x128xf32>
    %bitcast_convert_type3A_1072 = tpu.bitcast %transpose3A_1071 : vector<128x128xf32> -> vector<128x128xi32>
    %shift_left3A_1073 = arith.constant 16 : i32
    %shift_left3A_1074 = vector.broadcast %shift_left3A_1073 : i32 to vector<128x128xi32>
    %shift_left3A_1075 = arith.shli %bitcast_convert_type3A_1072, %shift_left3A_1074 : vector<128x128xi32>
    %bitcast_convert_type3A_1076 = tpu.bitcast %shift_left3A_1075 : vector<128x128xi32> -> vector<128x128xf32>
    %and3A_1077 = arith.constant -65536 : i32
    %and3A_1078 = vector.broadcast %and3A_1077 : i32 to vector<128x128xi32>
    %and3A_1079 = arith.andi %bitcast_convert_type3A_1072, %and3A_1078 : vector<128x128xi32>
    %bitcast_convert_type3A_1080 = tpu.bitcast %and3A_1079 : vector<128x128xi32> -> vector<128x128xf32>
    %slice3A_1081 = vector.extract_strided_slice %bitcast_convert_type3A_1076 {offsets = [0, 0], sizes = [96, 128], strides = [1, 1]} : vector<128x128xf32> to vector<96x128xf32>
    %swap3A_1082 = arith.constant 37 : index
    %swap3A_1083 = arith.constant 0 : index
    %swap3A_1084 = arith.constant 0 : index
    %swap3A_1085 = vector.load %arg2[%swap3A_1082, %swap3A_1083, %swap3A_1084] : memref<49x192x128xf32, #tpu.memory_space<vmem>>, vector<1x96x128xf32>
    %swap3A_1086 = vector.shape_cast %swap3A_1085 : vector<1x96x128xf32> to vector<96x128xf32>
    %swap3A_1087 = vector.shape_cast %slice3A_1081 : vector<96x128xf32> to vector<1x96x128xf32>
    tpu.vector_store %arg2[%swap3A_1082, %swap3A_1083, %swap3A_1084], %swap3A_1087 {strides = array<i32>} : memref<49x192x128xf32, #tpu.memory_space<vmem>>, vector<1x96x128xf32>,
    %slice3A_1088 = vector.extract_strided_slice %bitcast_convert_type3A_1080 {offsets = [0, 0], sizes = [96, 128], strides = [1, 1]} : vector<128x128xf32> to vector<96x128xf32>
    %swap3A_1089 = arith.constant 37 : index
    %swap3A_1090 = arith.constant 96 : index
    %swap3A_1091 = arith.constant 0 : index
    %swap3A_1092 = vector.load %arg2[%swap3A_1089, %swap3A_1090, %swap3A_1091] : memref<49x192x128xf32, #tpu.memory_space<vmem>>, vector<1x96x128xf32>
    %swap3A_1093 = vector.shape_cast %swap3A_1092 : vector<1x96x128xf32> to vector<96x128xf32>
    %swap3A_1094 = vector.shape_cast %slice3A_1088 : vector<96x128xf32> to vector<1x96x128xf32>
    tpu.vector_store %arg2[%swap3A_1089, %swap3A_1090, %swap3A_1091], %swap3A_1094 {strides = array<i32>} : memref<49x192x128xf32, #tpu.memory_space<vmem>>, vector<1x96x128xf32>,
    %get3A_1095 = arith.constant 0 : index
    %get3A_1096 = arith.constant 38 : index
    %get3A_1097 = arith.constant 0 : index
    %get3A_1098 = vector.load %arg1[%get3A_1095, %get3A_1096, %get3A_1097] : memref<128x49x128xf32, #tpu.memory_space<vmem>>, vector<128x1x128xf32>
    %get3A_1099 = vector.shape_cast %get3A_1098 : vector<128x1x128xf32> to vector<128x128xf32>
    %transpose3A_1100 = tpu.transpose %get3A_1099, [1, 0] : vector<128x128xf32> -> vector<128x128xf32>
    %bitcast_convert_type3A_1101 = tpu.bitcast %transpose3A_1100 : vector<128x128xf32> -> vector<128x128xi32>
    %shift_left3A_1102 = arith.constant 16 : i32
    %shift_left3A_1103 = vector.broadcast %shift_left3A_1102 : i32 to vector<128x128xi32>
    %shift_left3A_1104 = arith.shli %bitcast_convert_type3A_1101, %shift_left3A_1103 : vector<128x128xi32>
    %bitcast_convert_type3A_1105 = tpu.bitcast %shift_left3A_1104 : vector<128x128xi32> -> vector<128x128xf32>
    %and3A_1106 = arith.constant -65536 : i32
    %and3A_1107 = vector.broadcast %and3A_1106 : i32 to vector<128x128xi32>
    %and3A_1108 = arith.andi %bitcast_convert_type3A_1101, %and3A_1107 : vector<128x128xi32>
    %bitcast_convert_type3A_1109 = tpu.bitcast %and3A_1108 : vector<128x128xi32> -> vector<128x128xf32>
    %slice3A_1110 = vector.extract_strided_slice %bitcast_convert_type3A_1105 {offsets = [0, 0], sizes = [96, 128], strides = [1, 1]} : vector<128x128xf32> to vector<96x128xf32>
    %swap3A_1111 = arith.constant 38 : index
    %swap3A_1112 = arith.constant 0 : index
    %swap3A_1113 = arith.constant 0 : index
    %swap3A_1114 = vector.load %arg2[%swap3A_1111, %swap3A_1112, %swap3A_1113] : memref<49x192x128xf32, #tpu.memory_space<vmem>>, vector<1x96x128xf32>
    %swap3A_1115 = vector.shape_cast %swap3A_1114 : vector<1x96x128xf32> to vector<96x128xf32>
    %swap3A_1116 = vector.shape_cast %slice3A_1110 : vector<96x128xf32> to vector<1x96x128xf32>
    tpu.vector_store %arg2[%swap3A_1111, %swap3A_1112, %swap3A_1113], %swap3A_1116 {strides = array<i32>} : memref<49x192x128xf32, #tpu.memory_space<vmem>>, vector<1x96x128xf32>,
    %slice3A_1117 = vector.extract_strided_slice %bitcast_convert_type3A_1109 {offsets = [0, 0], sizes = [96, 128], strides = [1, 1]} : vector<128x128xf32> to vector<96x128xf32>
    %swap3A_1118 = arith.constant 38 : index
    %swap3A_1119 = arith.constant 96 : index
    %swap3A_1120 = arith.constant 0 : index
    %swap3A_1121 = vector.load %arg2[%swap3A_1118, %swap3A_1119, %swap3A_1120] : memref<49x192x128xf32, #tpu.memory_space<vmem>>, vector<1x96x128xf32>
    %swap3A_1122 = vector.shape_cast %swap3A_1121 : vector<1x96x128xf32> to vector<96x128xf32>
    %swap3A_1123 = vector.shape_cast %slice3A_1117 : vector<96x128xf32> to vector<1x96x128xf32>
    tpu.vector_store %arg2[%swap3A_1118, %swap3A_1119, %swap3A_1120], %swap3A_1123 {strides = array<i32>} : memref<49x192x128xf32, #tpu.memory_space<vmem>>, vector<1x96x128xf32>,
    %get3A_1124 = arith.constant 0 : index
    %get3A_1125 = arith.constant 39 : index
    %get3A_1126 = arith.constant 0 : index
    %get3A_1127 = vector.load %arg1[%get3A_1124, %get3A_1125, %get3A_1126] : memref<128x49x128xf32, #tpu.memory_space<vmem>>, vector<128x1x128xf32>
    %get3A_1128 = vector.shape_cast %get3A_1127 : vector<128x1x128xf32> to vector<128x128xf32>
    %transpose3A_1129 = tpu.transpose %get3A_1128, [1, 0] : vector<128x128xf32> -> vector<128x128xf32>
    %bitcast_convert_type3A_1130 = tpu.bitcast %transpose3A_1129 : vector<128x128xf32> -> vector<128x128xi32>
    %shift_left3A_1131 = arith.constant 16 : i32
    %shift_left3A_1132 = vector.broadcast %shift_left3A_1131 : i32 to vector<128x128xi32>
    %shift_left3A_1133 = arith.shli %bitcast_convert_type3A_1130, %shift_left3A_1132 : vector<128x128xi32>
    %bitcast_convert_type3A_1134 = tpu.bitcast %shift_left3A_1133 : vector<128x128xi32> -> vector<128x128xf32>
    %and3A_1135 = arith.constant -65536 : i32
    %and3A_1136 = vector.broadcast %and3A_1135 : i32 to vector<128x128xi32>
    %and3A_1137 = arith.andi %bitcast_convert_type3A_1130, %and3A_1136 : vector<128x128xi32>
    %bitcast_convert_type3A_1138 = tpu.bitcast %and3A_1137 : vector<128x128xi32> -> vector<128x128xf32>
    %slice3A_1139 = vector.extract_strided_slice %bitcast_convert_type3A_1134 {offsets = [0, 0], sizes = [96, 128], strides = [1, 1]} : vector<128x128xf32> to vector<96x128xf32>
    %swap3A_1140 = arith.constant 39 : index
    %swap3A_1141 = arith.constant 0 : index
    %swap3A_1142 = arith.constant 0 : index
    %swap3A_1143 = vector.load %arg2[%swap3A_1140, %swap3A_1141, %swap3A_1142] : memref<49x192x128xf32, #tpu.memory_space<vmem>>, vector<1x96x128xf32>
    %swap3A_1144 = vector.shape_cast %swap3A_1143 : vector<1x96x128xf32> to vector<96x128xf32>
    %swap3A_1145 = vector.shape_cast %slice3A_1139 : vector<96x128xf32> to vector<1x96x128xf32>
    tpu.vector_store %arg2[%swap3A_1140, %swap3A_1141, %swap3A_1142], %swap3A_1145 {strides = array<i32>} : memref<49x192x128xf32, #tpu.memory_space<vmem>>, vector<1x96x128xf32>,
    %slice3A_1146 = vector.extract_strided_slice %bitcast_convert_type3A_1138 {offsets = [0, 0], sizes = [96, 128], strides = [1, 1]} : vector<128x128xf32> to vector<96x128xf32>
    %swap3A_1147 = arith.constant 39 : index
    %swap3A_1148 = arith.constant 96 : index
    %swap3A_1149 = arith.constant 0 : index
    %swap3A_1150 = vector.load %arg2[%swap3A_1147, %swap3A_1148, %swap3A_1149] : memref<49x192x128xf32, #tpu.memory_space<vmem>>, vector<1x96x128xf32>
    %swap3A_1151 = vector.shape_cast %swap3A_1150 : vector<1x96x128xf32> to vector<96x128xf32>
    %swap3A_1152 = vector.shape_cast %slice3A_1146 : vector<96x128xf32> to vector<1x96x128xf32>
    tpu.vector_store %arg2[%swap3A_1147, %swap3A_1148, %swap3A_1149], %swap3A_1152 {strides = array<i32>} : memref<49x192x128xf32, #tpu.memory_space<vmem>>, vector<1x96x128xf32>,
    %get3A_1153 = arith.constant 0 : index
    %get3A_1154 = arith.constant 40 : index
    %get3A_1155 = arith.constant 0 : index
    %get3A_1156 = vector.load %arg1[%get3A_1153, %get3A_1154, %get3A_1155] : memref<128x49x128xf32, #tpu.memory_space<vmem>>, vector<128x1x128xf32>
    %get3A_1157 = vector.shape_cast %get3A_1156 : vector<128x1x128xf32> to vector<128x128xf32>
    %transpose3A_1158 = tpu.transpose %get3A_1157, [1, 0] : vector<128x128xf32> -> vector<128x128xf32>
    %bitcast_convert_type3A_1159 = tpu.bitcast %transpose3A_1158 : vector<128x128xf32> -> vector<128x128xi32>
    %shift_left3A_1160 = arith.constant 16 : i32
    %shift_left3A_1161 = vector.broadcast %shift_left3A_1160 : i32 to vector<128x128xi32>
    %shift_left3A_1162 = arith.shli %bitcast_convert_type3A_1159, %shift_left3A_1161 : vector<128x128xi32>
    %bitcast_convert_type3A_1163 = tpu.bitcast %shift_left3A_1162 : vector<128x128xi32> -> vector<128x128xf32>
    %and3A_1164 = arith.constant -65536 : i32
    %and3A_1165 = vector.broadcast %and3A_1164 : i32 to vector<128x128xi32>
    %and3A_1166 = arith.andi %bitcast_convert_type3A_1159, %and3A_1165 : vector<128x128xi32>
    %bitcast_convert_type3A_1167 = tpu.bitcast %and3A_1166 : vector<128x128xi32> -> vector<128x128xf32>
    %slice3A_1168 = vector.extract_strided_slice %bitcast_convert_type3A_1163 {offsets = [0, 0], sizes = [96, 128], strides = [1, 1]} : vector<128x128xf32> to vector<96x128xf32>
    %swap3A_1169 = arith.constant 40 : index
    %swap3A_1170 = arith.constant 0 : index
    %swap3A_1171 = arith.constant 0 : index
    %swap3A_1172 = vector.load %arg2[%swap3A_1169, %swap3A_1170, %swap3A_1171] : memref<49x192x128xf32, #tpu.memory_space<vmem>>, vector<1x96x128xf32>
    %swap3A_1173 = vector.shape_cast %swap3A_1172 : vector<1x96x128xf32> to vector<96x128xf32>
    %swap3A_1174 = vector.shape_cast %slice3A_1168 : vector<96x128xf32> to vector<1x96x128xf32>
    tpu.vector_store %arg2[%swap3A_1169, %swap3A_1170, %swap3A_1171], %swap3A_1174 {strides = array<i32>} : memref<49x192x128xf32, #tpu.memory_space<vmem>>, vector<1x96x128xf32>,
    %slice3A_1175 = vector.extract_strided_slice %bitcast_convert_type3A_1167 {offsets = [0, 0], sizes = [96, 128], strides = [1, 1]} : vector<128x128xf32> to vector<96x128xf32>
    %swap3A_1176 = arith.constant 40 : index
    %swap3A_1177 = arith.constant 96 : index
    %swap3A_1178 = arith.constant 0 : index
    %swap3A_1179 = vector.load %arg2[%swap3A_1176, %swap3A_1177, %swap3A_1178] : memref<49x192x128xf32, #tpu.memory_space<vmem>>, vector<1x96x128xf32>
    %swap3A_1180 = vector.shape_cast %swap3A_1179 : vector<1x96x128xf32> to vector<96x128xf32>
    %swap3A_1181 = vector.shape_cast %slice3A_1175 : vector<96x128xf32> to vector<1x96x128xf32>
    tpu.vector_store %arg2[%swap3A_1176, %swap3A_1177, %swap3A_1178], %swap3A_1181 {strides = array<i32>} : memref<49x192x128xf32, #tpu.memory_space<vmem>>, vector<1x96x128xf32>,
    %get3A_1182 = arith.constant 0 : index
    %get3A_1183 = arith.constant 41 : index
    %get3A_1184 = arith.constant 0 : index
    %get3A_1185 = vector.load %arg1[%get3A_1182, %get3A_1183, %get3A_1184] : memref<128x49x128xf32, #tpu.memory_space<vmem>>, vector<128x1x128xf32>
    %get3A_1186 = vector.shape_cast %get3A_1185 : vector<128x1x128xf32> to vector<128x128xf32>
    %transpose3A_1187 = tpu.transpose %get3A_1186, [1, 0] : vector<128x128xf32> -> vector<128x128xf32>
    %bitcast_convert_type3A_1188 = tpu.bitcast %transpose3A_1187 : vector<128x128xf32> -> vector<128x128xi32>
    %shift_left3A_1189 = arith.constant 16 : i32
    %shift_left3A_1190 = vector.broadcast %shift_left3A_1189 : i32 to vector<128x128xi32>
    %shift_left3A_1191 = arith.shli %bitcast_convert_type3A_1188, %shift_left3A_1190 : vector<128x128xi32>
    %bitcast_convert_type3A_1192 = tpu.bitcast %shift_left3A_1191 : vector<128x128xi32> -> vector<128x128xf32>
    %and3A_1193 = arith.constant -65536 : i32
    %and3A_1194 = vector.broadcast %and3A_1193 : i32 to vector<128x128xi32>
    %and3A_1195 = arith.andi %bitcast_convert_type3A_1188, %and3A_1194 : vector<128x128xi32>
    %bitcast_convert_type3A_1196 = tpu.bitcast %and3A_1195 : vector<128x128xi32> -> vector<128x128xf32>
    %slice3A_1197 = vector.extract_strided_slice %bitcast_convert_type3A_1192 {offsets = [0, 0], sizes = [96, 128], strides = [1, 1]} : vector<128x128xf32> to vector<96x128xf32>
    %swap3A_1198 = arith.constant 41 : index
    %swap3A_1199 = arith.constant 0 : index
    %swap3A_1200 = arith.constant 0 : index
    %swap3A_1201 = vector.load %arg2[%swap3A_1198, %swap3A_1199, %swap3A_1200] : memref<49x192x128xf32, #tpu.memory_space<vmem>>, vector<1x96x128xf32>
    %swap3A_1202 = vector.shape_cast %swap3A_1201 : vector<1x96x128xf32> to vector<96x128xf32>
    %swap3A_1203 = vector.shape_cast %slice3A_1197 : vector<96x128xf32> to vector<1x96x128xf32>
    tpu.vector_store %arg2[%swap3A_1198, %swap3A_1199, %swap3A_1200], %swap3A_1203 {strides = array<i32>} : memref<49x192x128xf32, #tpu.memory_space<vmem>>, vector<1x96x128xf32>,
    %slice3A_1204 = vector.extract_strided_slice %bitcast_convert_type3A_1196 {offsets = [0, 0], sizes = [96, 128], strides = [1, 1]} : vector<128x128xf32> to vector<96x128xf32>
    %swap3A_1205 = arith.constant 41 : index
    %swap3A_1206 = arith.constant 96 : index
    %swap3A_1207 = arith.constant 0 : index
    %swap3A_1208 = vector.load %arg2[%swap3A_1205, %swap3A_1206, %swap3A_1207] : memref<49x192x128xf32, #tpu.memory_space<vmem>>, vector<1x96x128xf32>
    %swap3A_1209 = vector.shape_cast %swap3A_1208 : vector<1x96x128xf32> to vector<96x128xf32>
    %swap3A_1210 = vector.shape_cast %slice3A_1204 : vector<96x128xf32> to vector<1x96x128xf32>
    tpu.vector_store %arg2[%swap3A_1205, %swap3A_1206, %swap3A_1207], %swap3A_1210 {strides = array<i32>} : memref<49x192x128xf32, #tpu.memory_space<vmem>>, vector<1x96x128xf32>,
    %get3A_1211 = arith.constant 0 : index
    %get3A_1212 = arith.constant 42 : index
    %get3A_1213 = arith.constant 0 : index
    %get3A_1214 = vector.load %arg1[%get3A_1211, %get3A_1212, %get3A_1213] : memref<128x49x128xf32, #tpu.memory_space<vmem>>, vector<128x1x128xf32>
    %get3A_1215 = vector.shape_cast %get3A_1214 : vector<128x1x128xf32> to vector<128x128xf32>
    %transpose3A_1216 = tpu.transpose %get3A_1215, [1, 0] : vector<128x128xf32> -> vector<128x128xf32>
    %bitcast_convert_type3A_1217 = tpu.bitcast %transpose3A_1216 : vector<128x128xf32> -> vector<128x128xi32>
    %shift_left3A_1218 = arith.constant 16 : i32
    %shift_left3A_1219 = vector.broadcast %shift_left3A_1218 : i32 to vector<128x128xi32>
    %shift_left3A_1220 = arith.shli %bitcast_convert_type3A_1217, %shift_left3A_1219 : vector<128x128xi32>
    %bitcast_convert_type3A_1221 = tpu.bitcast %shift_left3A_1220 : vector<128x128xi32> -> vector<128x128xf32>
    %and3A_1222 = arith.constant -65536 : i32
    %and3A_1223 = vector.broadcast %and3A_1222 : i32 to vector<128x128xi32>
    %and3A_1224 = arith.andi %bitcast_convert_type3A_1217, %and3A_1223 : vector<128x128xi32>
    %bitcast_convert_type3A_1225 = tpu.bitcast %and3A_1224 : vector<128x128xi32> -> vector<128x128xf32>
    %slice3A_1226 = vector.extract_strided_slice %bitcast_convert_type3A_1221 {offsets = [0, 0], sizes = [96, 128], strides = [1, 1]} : vector<128x128xf32> to vector<96x128xf32>
    %swap3A_1227 = arith.constant 42 : index
    %swap3A_1228 = arith.constant 0 : index
    %swap3A_1229 = arith.constant 0 : index
    %swap3A_1230 = vector.load %arg2[%swap3A_1227, %swap3A_1228, %swap3A_1229] : memref<49x192x128xf32, #tpu.memory_space<vmem>>, vector<1x96x128xf32>
    %swap3A_1231 = vector.shape_cast %swap3A_1230 : vector<1x96x128xf32> to vector<96x128xf32>
    %swap3A_1232 = vector.shape_cast %slice3A_1226 : vector<96x128xf32> to vector<1x96x128xf32>
    tpu.vector_store %arg2[%swap3A_1227, %swap3A_1228, %swap3A_1229], %swap3A_1232 {strides = array<i32>} : memref<49x192x128xf32, #tpu.memory_space<vmem>>, vector<1x96x128xf32>,
    %slice3A_1233 = vector.extract_strided_slice %bitcast_convert_type3A_1225 {offsets = [0, 0], sizes = [96, 128], strides = [1, 1]} : vector<128x128xf32> to vector<96x128xf32>
    %swap3A_1234 = arith.constant 42 : index
    %swap3A_1235 = arith.constant 96 : index
    %swap3A_1236 = arith.constant 0 : index
    %swap3A_1237 = vector.load %arg2[%swap3A_1234, %swap3A_1235, %swap3A_1236] : memref<49x192x128xf32, #tpu.memory_space<vmem>>, vector<1x96x128xf32>
    %swap3A_1238 = vector.shape_cast %swap3A_1237 : vector<1x96x128xf32> to vector<96x128xf32>
    %swap3A_1239 = vector.shape_cast %slice3A_1233 : vector<96x128xf32> to vector<1x96x128xf32>
    tpu.vector_store %arg2[%swap3A_1234, %swap3A_1235, %swap3A_1236], %swap3A_1239 {strides = array<i32>} : memref<49x192x128xf32, #tpu.memory_space<vmem>>, vector<1x96x128xf32>,
    %get3A_1240 = arith.constant 0 : index
    %get3A_1241 = arith.constant 43 : index
    %get3A_1242 = arith.constant 0 : index
    %get3A_1243 = vector.load %arg1[%get3A_1240, %get3A_1241, %get3A_1242] : memref<128x49x128xf32, #tpu.memory_space<vmem>>, vector<128x1x128xf32>
    %get3A_1244 = vector.shape_cast %get3A_1243 : vector<128x1x128xf32> to vector<128x128xf32>
    %transpose3A_1245 = tpu.transpose %get3A_1244, [1, 0] : vector<128x128xf32> -> vector<128x128xf32>
    %bitcast_convert_type3A_1246 = tpu.bitcast %transpose3A_1245 : vector<128x128xf32> -> vector<128x128xi32>
    %shift_left3A_1247 = arith.constant 16 : i32
    %shift_left3A_1248 = vector.broadcast %shift_left3A_1247 : i32 to vector<128x128xi32>
    %shift_left3A_1249 = arith.shli %bitcast_convert_type3A_1246, %shift_left3A_1248 : vector<128x128xi32>
    %bitcast_convert_type3A_1250 = tpu.bitcast %shift_left3A_1249 : vector<128x128xi32> -> vector<128x128xf32>
    %and3A_1251 = arith.constant -65536 : i32
    %and3A_1252 = vector.broadcast %and3A_1251 : i32 to vector<128x128xi32>
    %and3A_1253 = arith.andi %bitcast_convert_type3A_1246, %and3A_1252 : vector<128x128xi32>
    %bitcast_convert_type3A_1254 = tpu.bitcast %and3A_1253 : vector<128x128xi32> -> vector<128x128xf32>
    %slice3A_1255 = vector.extract_strided_slice %bitcast_convert_type3A_1250 {offsets = [0, 0], sizes = [96, 128], strides = [1, 1]} : vector<128x128xf32> to vector<96x128xf32>
    %swap3A_1256 = arith.constant 43 : index
    %swap3A_1257 = arith.constant 0 : index
    %swap3A_1258 = arith.constant 0 : index
    %swap3A_1259 = vector.load %arg2[%swap3A_1256, %swap3A_1257, %swap3A_1258] : memref<49x192x128xf32, #tpu.memory_space<vmem>>, vector<1x96x128xf32>
    %swap3A_1260 = vector.shape_cast %swap3A_1259 : vector<1x96x128xf32> to vector<96x128xf32>
    %swap3A_1261 = vector.shape_cast %slice3A_1255 : vector<96x128xf32> to vector<1x96x128xf32>
    tpu.vector_store %arg2[%swap3A_1256, %swap3A_1257, %swap3A_1258], %swap3A_1261 {strides = array<i32>} : memref<49x192x128xf32, #tpu.memory_space<vmem>>, vector<1x96x128xf32>,
    %slice3A_1262 = vector.extract_strided_slice %bitcast_convert_type3A_1254 {offsets = [0, 0], sizes = [96, 128], strides = [1, 1]} : vector<128x128xf32> to vector<96x128xf32>
    %swap3A_1263 = arith.constant 43 : index
    %swap3A_1264 = arith.constant 96 : index
    %swap3A_1265 = arith.constant 0 : index
    %swap3A_1266 = vector.load %arg2[%swap3A_1263, %swap3A_1264, %swap3A_1265] : memref<49x192x128xf32, #tpu.memory_space<vmem>>, vector<1x96x128xf32>
    %swap3A_1267 = vector.shape_cast %swap3A_1266 : vector<1x96x128xf32> to vector<96x128xf32>
    %swap3A_1268 = vector.shape_cast %slice3A_1262 : vector<96x128xf32> to vector<1x96x128xf32>
    tpu.vector_store %arg2[%swap3A_1263, %swap3A_1264, %swap3A_1265], %swap3A_1268 {strides = array<i32>} : memref<49x192x128xf32, #tpu.memory_space<vmem>>, vector<1x96x128xf32>,
    %get3A_1269 = arith.constant 0 : index
    %get3A_1270 = arith.constant 44 : index
    %get3A_1271 = arith.constant 0 : index
    %get3A_1272 = vector.load %arg1[%get3A_1269, %get3A_1270, %get3A_1271] : memref<128x49x128xf32, #tpu.memory_space<vmem>>, vector<128x1x128xf32>
    %get3A_1273 = vector.shape_cast %get3A_1272 : vector<128x1x128xf32> to vector<128x128xf32>
    %transpose3A_1274 = tpu.transpose %get3A_1273, [1, 0] : vector<128x128xf32> -> vector<128x128xf32>
    %bitcast_convert_type3A_1275 = tpu.bitcast %transpose3A_1274 : vector<128x128xf32> -> vector<128x128xi32>
    %shift_left3A_1276 = arith.constant 16 : i32
    %shift_left3A_1277 = vector.broadcast %shift_left3A_1276 : i32 to vector<128x128xi32>
    %shift_left3A_1278 = arith.shli %bitcast_convert_type3A_1275, %shift_left3A_1277 : vector<128x128xi32>
    %bitcast_convert_type3A_1279 = tpu.bitcast %shift_left3A_1278 : vector<128x128xi32> -> vector<128x128xf32>
    %and3A_1280 = arith.constant -65536 : i32
    %and3A_1281 = vector.broadcast %and3A_1280 : i32 to vector<128x128xi32>
    %and3A_1282 = arith.andi %bitcast_convert_type3A_1275, %and3A_1281 : vector<128x128xi32>
    %bitcast_convert_type3A_1283 = tpu.bitcast %and3A_1282 : vector<128x128xi32> -> vector<128x128xf32>
    %slice3A_1284 = vector.extract_strided_slice %bitcast_convert_type3A_1279 {offsets = [0, 0], sizes = [96, 128], strides = [1, 1]} : vector<128x128xf32> to vector<96x128xf32>
    %swap3A_1285 = arith.constant 44 : index
    %swap3A_1286 = arith.constant 0 : index
    %swap3A_1287 = arith.constant 0 : index
    %swap3A_1288 = vector.load %arg2[%swap3A_1285, %swap3A_1286, %swap3A_1287] : memref<49x192x128xf32, #tpu.memory_space<vmem>>, vector<1x96x128xf32>
    %swap3A_1289 = vector.shape_cast %swap3A_1288 : vector<1x96x128xf32> to vector<96x128xf32>
    %swap3A_1290 = vector.shape_cast %slice3A_1284 : vector<96x128xf32> to vector<1x96x128xf32>
    tpu.vector_store %arg2[%swap3A_1285, %swap3A_1286, %swap3A_1287], %swap3A_1290 {strides = array<i32>} : memref<49x192x128xf32, #tpu.memory_space<vmem>>, vector<1x96x128xf32>,
    %slice3A_1291 = vector.extract_strided_slice %bitcast_convert_type3A_1283 {offsets = [0, 0], sizes = [96, 128], strides = [1, 1]} : vector<128x128xf32> to vector<96x128xf32>
    %swap3A_1292 = arith.constant 44 : index
    %swap3A_1293 = arith.constant 96 : index
    %swap3A_1294 = arith.constant 0 : index
    %swap3A_1295 = vector.load %arg2[%swap3A_1292, %swap3A_1293, %swap3A_1294] : memref<49x192x128xf32, #tpu.memory_space<vmem>>, vector<1x96x128xf32>
    %swap3A_1296 = vector.shape_cast %swap3A_1295 : vector<1x96x128xf32> to vector<96x128xf32>
    %swap3A_1297 = vector.shape_cast %slice3A_1291 : vector<96x128xf32> to vector<1x96x128xf32>
    tpu.vector_store %arg2[%swap3A_1292, %swap3A_1293, %swap3A_1294], %swap3A_1297 {strides = array<i32>} : memref<49x192x128xf32, #tpu.memory_space<vmem>>, vector<1x96x128xf32>,
    %get3A_1298 = arith.constant 0 : index
    %get3A_1299 = arith.constant 45 : index
    %get3A_1300 = arith.constant 0 : index
    %get3A_1301 = vector.load %arg1[%get3A_1298, %get3A_1299, %get3A_1300] : memref<128x49x128xf32, #tpu.memory_space<vmem>>, vector<128x1x128xf32>
    %get3A_1302 = vector.shape_cast %get3A_1301 : vector<128x1x128xf32> to vector<128x128xf32>
    %transpose3A_1303 = tpu.transpose %get3A_1302, [1, 0] : vector<128x128xf32> -> vector<128x128xf32>
    %bitcast_convert_type3A_1304 = tpu.bitcast %transpose3A_1303 : vector<128x128xf32> -> vector<128x128xi32>
    %shift_left3A_1305 = arith.constant 16 : i32
    %shift_left3A_1306 = vector.broadcast %shift_left3A_1305 : i32 to vector<128x128xi32>
    %shift_left3A_1307 = arith.shli %bitcast_convert_type3A_1304, %shift_left3A_1306 : vector<128x128xi32>
    %bitcast_convert_type3A_1308 = tpu.bitcast %shift_left3A_1307 : vector<128x128xi32> -> vector<128x128xf32>
    %and3A_1309 = arith.constant -65536 : i32
    %and3A_1310 = vector.broadcast %and3A_1309 : i32 to vector<128x128xi32>
    %and3A_1311 = arith.andi %bitcast_convert_type3A_1304, %and3A_1310 : vector<128x128xi32>
    %bitcast_convert_type3A_1312 = tpu.bitcast %and3A_1311 : vector<128x128xi32> -> vector<128x128xf32>
    %slice3A_1313 = vector.extract_strided_slice %bitcast_convert_type3A_1308 {offsets = [0, 0], sizes = [96, 128], strides = [1, 1]} : vector<128x128xf32> to vector<96x128xf32>
    %swap3A_1314 = arith.constant 45 : index
    %swap3A_1315 = arith.constant 0 : index
    %swap3A_1316 = arith.constant 0 : index
    %swap3A_1317 = vector.load %arg2[%swap3A_1314, %swap3A_1315, %swap3A_1316] : memref<49x192x128xf32, #tpu.memory_space<vmem>>, vector<1x96x128xf32>
    %swap3A_1318 = vector.shape_cast %swap3A_1317 : vector<1x96x128xf32> to vector<96x128xf32>
    %swap3A_1319 = vector.shape_cast %slice3A_1313 : vector<96x128xf32> to vector<1x96x128xf32>
    tpu.vector_store %arg2[%swap3A_1314, %swap3A_1315, %swap3A_1316], %swap3A_1319 {strides = array<i32>} : memref<49x192x128xf32, #tpu.memory_space<vmem>>, vector<1x96x128xf32>,
    %slice3A_1320 = vector.extract_strided_slice %bitcast_convert_type3A_1312 {offsets = [0, 0], sizes = [96, 128], strides = [1, 1]} : vector<128x128xf32> to vector<96x128xf32>
    %swap3A_1321 = arith.constant 45 : index
    %swap3A_1322 = arith.constant 96 : index
    %swap3A_1323 = arith.constant 0 : index
    %swap3A_1324 = vector.load %arg2[%swap3A_1321, %swap3A_1322, %swap3A_1323] : memref<49x192x128xf32, #tpu.memory_space<vmem>>, vector<1x96x128xf32>
    %swap3A_1325 = vector.shape_cast %swap3A_1324 : vector<1x96x128xf32> to vector<96x128xf32>
    %swap3A_1326 = vector.shape_cast %slice3A_1320 : vector<96x128xf32> to vector<1x96x128xf32>
    tpu.vector_store %arg2[%swap3A_1321, %swap3A_1322, %swap3A_1323], %swap3A_1326 {strides = array<i32>} : memref<49x192x128xf32, #tpu.memory_space<vmem>>, vector<1x96x128xf32>,
    %get3A_1327 = arith.constant 0 : index
    %get3A_1328 = arith.constant 46 : index
    %get3A_1329 = arith.constant 0 : index
    %get3A_1330 = vector.load %arg1[%get3A_1327, %get3A_1328, %get3A_1329] : memref<128x49x128xf32, #tpu.memory_space<vmem>>, vector<128x1x128xf32>
    %get3A_1331 = vector.shape_cast %get3A_1330 : vector<128x1x128xf32> to vector<128x128xf32>
    %transpose3A_1332 = tpu.transpose %get3A_1331, [1, 0] : vector<128x128xf32> -> vector<128x128xf32>
    %bitcast_convert_type3A_1333 = tpu.bitcast %transpose3A_1332 : vector<128x128xf32> -> vector<128x128xi32>
    %shift_left3A_1334 = arith.constant 16 : i32
    %shift_left3A_1335 = vector.broadcast %shift_left3A_1334 : i32 to vector<128x128xi32>
    %shift_left3A_1336 = arith.shli %bitcast_convert_type3A_1333, %shift_left3A_1335 : vector<128x128xi32>
    %bitcast_convert_type3A_1337 = tpu.bitcast %shift_left3A_1336 : vector<128x128xi32> -> vector<128x128xf32>
    %and3A_1338 = arith.constant -65536 : i32
    %and3A_1339 = vector.broadcast %and3A_1338 : i32 to vector<128x128xi32>
    %and3A_1340 = arith.andi %bitcast_convert_type3A_1333, %and3A_1339 : vector<128x128xi32>
    %bitcast_convert_type3A_1341 = tpu.bitcast %and3A_1340 : vector<128x128xi32> -> vector<128x128xf32>
    %slice3A_1342 = vector.extract_strided_slice %bitcast_convert_type3A_1337 {offsets = [0, 0], sizes = [96, 128], strides = [1, 1]} : vector<128x128xf32> to vector<96x128xf32>
    %swap3A_1343 = arith.constant 46 : index
    %swap3A_1344 = arith.constant 0 : index
    %swap3A_1345 = arith.constant 0 : index
    %swap3A_1346 = vector.load %arg2[%swap3A_1343, %swap3A_1344, %swap3A_1345] : memref<49x192x128xf32, #tpu.memory_space<vmem>>, vector<1x96x128xf32>
    %swap3A_1347 = vector.shape_cast %swap3A_1346 : vector<1x96x128xf32> to vector<96x128xf32>
    %swap3A_1348 = vector.shape_cast %slice3A_1342 : vector<96x128xf32> to vector<1x96x128xf32>
    tpu.vector_store %arg2[%swap3A_1343, %swap3A_1344, %swap3A_1345], %swap3A_1348 {strides = array<i32>} : memref<49x192x128xf32, #tpu.memory_space<vmem>>, vector<1x96x128xf32>,
    %slice3A_1349 = vector.extract_strided_slice %bitcast_convert_type3A_1341 {offsets = [0, 0], sizes = [96, 128], strides = [1, 1]} : vector<128x128xf32> to vector<96x128xf32>
    %swap3A_1350 = arith.constant 46 : index
    %swap3A_1351 = arith.constant 96 : index
    %swap3A_1352 = arith.constant 0 : index
    %swap3A_1353 = vector.load %arg2[%swap3A_1350, %swap3A_1351, %swap3A_1352] : memref<49x192x128xf32, #tpu.memory_space<vmem>>, vector<1x96x128xf32>
    %swap3A_1354 = vector.shape_cast %swap3A_1353 : vector<1x96x128xf32> to vector<96x128xf32>
    %swap3A_1355 = vector.shape_cast %slice3A_1349 : vector<96x128xf32> to vector<1x96x128xf32>
    tpu.vector_store %arg2[%swap3A_1350, %swap3A_1351, %swap3A_1352], %swap3A_1355 {strides = array<i32>} : memref<49x192x128xf32, #tpu.memory_space<vmem>>, vector<1x96x128xf32>,
    %get3A_1356 = arith.constant 0 : index
    %get3A_1357 = arith.constant 47 : index
    %get3A_1358 = arith.constant 0 : index
    %get3A_1359 = vector.load %arg1[%get3A_1356, %get3A_1357, %get3A_1358] : memref<128x49x128xf32, #tpu.memory_space<vmem>>, vector<128x1x128xf32>
    %get3A_1360 = vector.shape_cast %get3A_1359 : vector<128x1x128xf32> to vector<128x128xf32>
    %transpose3A_1361 = tpu.transpose %get3A_1360, [1, 0] : vector<128x128xf32> -> vector<128x128xf32>
    %bitcast_convert_type3A_1362 = tpu.bitcast %transpose3A_1361 : vector<128x128xf32> -> vector<128x128xi32>
    %shift_left3A_1363 = arith.constant 16 : i32
    %shift_left3A_1364 = vector.broadcast %shift_left3A_1363 : i32 to vector<128x128xi32>
    %shift_left3A_1365 = arith.shli %bitcast_convert_type3A_1362, %shift_left3A_1364 : vector<128x128xi32>
    %bitcast_convert_type3A_1366 = tpu.bitcast %shift_left3A_1365 : vector<128x128xi32> -> vector<128x128xf32>
    %and3A_1367 = arith.constant -65536 : i32
    %and3A_1368 = vector.broadcast %and3A_1367 : i32 to vector<128x128xi32>
    %and3A_1369 = arith.andi %bitcast_convert_type3A_1362, %and3A_1368 : vector<128x128xi32>
    %bitcast_convert_type3A_1370 = tpu.bitcast %and3A_1369 : vector<128x128xi32> -> vector<128x128xf32>
    %slice3A_1371 = vector.extract_strided_slice %bitcast_convert_type3A_1366 {offsets = [0, 0], sizes = [96, 128], strides = [1, 1]} : vector<128x128xf32> to vector<96x128xf32>
    %swap3A_1372 = arith.constant 47 : index
    %swap3A_1373 = arith.constant 0 : index
    %swap3A_1374 = arith.constant 0 : index
    %swap3A_1375 = vector.load %arg2[%swap3A_1372, %swap3A_1373, %swap3A_1374] : memref<49x192x128xf32, #tpu.memory_space<vmem>>, vector<1x96x128xf32>
    %swap3A_1376 = vector.shape_cast %swap3A_1375 : vector<1x96x128xf32> to vector<96x128xf32>
    %swap3A_1377 = vector.shape_cast %slice3A_1371 : vector<96x128xf32> to vector<1x96x128xf32>
    tpu.vector_store %arg2[%swap3A_1372, %swap3A_1373, %swap3A_1374], %swap3A_1377 {strides = array<i32>} : memref<49x192x128xf32, #tpu.memory_space<vmem>>, vector<1x96x128xf32>,
    %slice3A_1378 = vector.extract_strided_slice %bitcast_convert_type3A_1370 {offsets = [0, 0], sizes = [96, 128], strides = [1, 1]} : vector<128x128xf32> to vector<96x128xf32>
    %swap3A_1379 = arith.constant 47 : index
    %swap3A_1380 = arith.constant 96 : index
    %swap3A_1381 = arith.constant 0 : index
    %swap3A_1382 = vector.load %arg2[%swap3A_1379, %swap3A_1380, %swap3A_1381] : memref<49x192x128xf32, #tpu.memory_space<vmem>>, vector<1x96x128xf32>
    %swap3A_1383 = vector.shape_cast %swap3A_1382 : vector<1x96x128xf32> to vector<96x128xf32>
    %swap3A_1384 = vector.shape_cast %slice3A_1378 : vector<96x128xf32> to vector<1x96x128xf32>
    tpu.vector_store %arg2[%swap3A_1379, %swap3A_1380, %swap3A_1381], %swap3A_1384 {strides = array<i32>} : memref<49x192x128xf32, #tpu.memory_space<vmem>>, vector<1x96x128xf32>,
    %get3A_1385 = arith.constant 0 : index
    %get3A_1386 = arith.constant 48 : index
    %get3A_1387 = arith.constant 0 : index
    %get3A_1388 = vector.load %arg1[%get3A_1385, %get3A_1386, %get3A_1387] : memref<128x49x128xf32, #tpu.memory_space<vmem>>, vector<128x1x128xf32>
    %get3A_1389 = vector.shape_cast %get3A_1388 : vector<128x1x128xf32> to vector<128x128xf32>
    %transpose3A_1390 = tpu.transpose %get3A_1389, [1, 0] : vector<128x128xf32> -> vector<128x128xf32>
    %bitcast_convert_type3A_1391 = tpu.bitcast %transpose3A_1390 : vector<128x128xf32> -> vector<128x128xi32>
    %shift_left3A_1392 = arith.constant 16 : i32
    %shift_left3A_1393 = vector.broadcast %shift_left3A_1392 : i32 to vector<128x128xi32>
    %shift_left3A_1394 = arith.shli %bitcast_convert_type3A_1391, %shift_left3A_1393 : vector<128x128xi32>
    %bitcast_convert_type3A_1395 = tpu.bitcast %shift_left3A_1394 : vector<128x128xi32> -> vector<128x128xf32>
    %and3A_1396 = arith.constant -65536 : i32
    %and3A_1397 = vector.broadcast %and3A_1396 : i32 to vector<128x128xi32>
    %and3A_1398 = arith.andi %bitcast_convert_type3A_1391, %and3A_1397 : vector<128x128xi32>
    %bitcast_convert_type3A_1399 = tpu.bitcast %and3A_1398 : vector<128x128xi32> -> vector<128x128xf32>
    %slice3A_1400 = vector.extract_strided_slice %bitcast_convert_type3A_1395 {offsets = [0, 0], sizes = [96, 128], strides = [1, 1]} : vector<128x128xf32> to vector<96x128xf32>
    %swap3A_1401 = arith.constant 48 : index
    %swap3A_1402 = arith.constant 0 : index
    %swap3A_1403 = arith.constant 0 : index
    %swap3A_1404 = vector.load %arg2[%swap3A_1401, %swap3A_1402, %swap3A_1403] : memref<49x192x128xf32, #tpu.memory_space<vmem>>, vector<1x96x128xf32>
    %swap3A_1405 = vector.shape_cast %swap3A_1404 : vector<1x96x128xf32> to vector<96x128xf32>
    %swap3A_1406 = vector.shape_cast %slice3A_1400 : vector<96x128xf32> to vector<1x96x128xf32>
    tpu.vector_store %arg2[%swap3A_1401, %swap3A_1402, %swap3A_1403], %swap3A_1406 {strides = array<i32>} : memref<49x192x128xf32, #tpu.memory_space<vmem>>, vector<1x96x128xf32>,
    %slice3A_1407 = vector.extract_strided_slice %bitcast_convert_type3A_1399 {offsets = [0, 0], sizes = [96, 128], strides = [1, 1]} : vector<128x128xf32> to vector<96x128xf32>
    %swap3A_1408 = arith.constant 48 : index
    %swap3A_1409 = arith.constant 96 : index
    %swap3A_1410 = arith.constant 0 : index
    %swap3A_1411 = vector.load %arg2[%swap3A_1408, %swap3A_1409, %swap3A_1410] : memref<49x192x128xf32, #tpu.memory_space<vmem>>, vector<1x96x128xf32>
    %swap3A_1412 = vector.shape_cast %swap3A_1411 : vector<1x96x128xf32> to vector<96x128xf32>
    %swap3A_1413 = vector.shape_cast %slice3A_1407 : vector<96x128xf32> to vector<1x96x128xf32>
    tpu.vector_store %arg2[%swap3A_1408, %swap3A_1409, %swap3A_1410], %swap3A_1413 {strides = array<i32>} : memref<49x192x128xf32, #tpu.memory_space<vmem>>, vector<1x96x128xf32>,
    return
  }
  func.func @transform_0(%arg0: i32) -> (i32, i32, i32) {
    %c0_i32 = arith.constant 0 : i32
    %c0_i32_0 = arith.constant 0 : i32
    %c0_i32_1 = arith.constant 0 : i32
    return %arg0, %c0_i32, %c0_i32_0 : i32, i32, i32
  }
  func.func @transform_1(%arg0: i32) -> (i32, i32, i32) {
    %c0_i32 = arith.constant 0 : i32
    %c0_i32_0 = arith.constant 0 : i32
    %c0_i32_1 = arith.constant 0 : i32
    return %c0_i32, %c0_i32_0, %arg0 : i32, i32, i32
  }
}

</mosaic_0001>

<sc_bundles>
// kernel: kernel.5.cloned.1.call-start
scs
__scs_entry_jumppad:
0x0: {  	(pc) =	sbr.rel $0x88, $3  }
0x1: {  	(tag) =	ssettag $0x0;
	lr =	simm.s32 $0x1  }
0x2: {  	[smem:$0x3F9E] =	sst lr;
	_ =	strace $0xD0000000  }
0x3: {  	_ = 	snop  }
0x4: {  	_ = 	snop  }
0x5: {  	_ = 	snop  }
0x6: {  	_ = 	snop  }
0x7: {  	_ = 	snop  }
__scs_overlays_trampoline_lowered:
0x8: {  	[smem:$0x3FAD] =	sst s0  }
0x9: {  	[smem:$0x3FAE] =	sst s1  }
0xa: {  	[smem:$0x3FAF] =	sst s2  }
0xb: {  	[smem:$0x3FB0] =	sst s3  }
0xc: {  	[smem:$0x3FB1] =	sst s4  }
0xd: {  	[smem:$0x3FB2] =	sst s5  }
0xe: {  	[smem:$0x3FB3] =	sst s6  }
0xf: {  	[smem:$0x3FB4] =	sst s7  }
0x10: {  	[smem:$0x3FB5] =	sst s8  }
0x11: {  	[smem:$0x3FB6] =	sst s9;
	s0 =	simm.s32 @!p0 $0x0  }
0x12: {  	s1 =	sld [smem:$0x3F9C];
	s0 =	simm.s32 @p0 $0x1  }
0x13: {  	[smem:$0x3FB7] =	sst s0;
	s0 =	simm.s32 @!p1 $0x0  }
0x14: {  	s2 =	sld [smem:$0x3F9B];
	s0 =	simm.s32 @p1 $0x1  }
0x15: {  	[smem:$0x3FB8] =	sst s0;
	s0 =	simm.s32 @!p2 $0x0  }
0x16: {  	s3 =	sld [smem:$0x3FDB];
	s0 =	simm.s32 @p2 $0x1  }
0x17: {  	s4 =	simm.s32 $0x1BF5;
	[smem:$0x3FBA] =	sst s0  }
0x18: {  	s0 =	sld [smem:$0x3F9D];
	_ =	swait.ge [sflag:s4], $0x0  }
0x19: {  	s7 =	sld [smem:$0x3F9E]  }
0x1a: {  	s8 =	sadd.s32 $0xFFFFE003, lr  }
0x1b: {  	s9 =	sadd.s32 $0xFFFFFEF7, lr;
	s5 =	simm.s32 $0xFFFFFFFF;
	p2 =	slt.u32 s8, $0xFFFFF086  }
0x1c: {  	p1 =	slt.u32 s9, $0xF7A;
	s5 =	simm.s32 @!p2 $0x0  }
0x1d: {  	s5 =	simm.s32 @p1 $0x1;
	p0 =	seq.s32 s7, s2  }
0x1e: {  	s7 =	smul.u32 @!p0 $0xF7A, s2;
	p2 =	seq.s32 @!p0 s5, $0x0  }
0x1f: {  	s9 =	smul.u32 $0xF7A, s1;
	s8 =	simm.s32 @!p0 $0x1BF5;
	p2 =	por !p2, p0  }
0x20: {  	[sflag:s8] =	ssyncset.s32 @!p0 $0xFFFFF086;
	s6 =	sadd.s32 @!p0 s3, s7;
	s7 =	simm.s32 @!p0 $0x108  }
0x21: {  	s3 =	sadd.s32 s3, s9;
	s6 =	sadd.s32 @!p0 $0x88, s6;
	s7 =	simm.s32 @p2 $0x1082  }
0x22: {  	[simem:s7], [sflag:s8] =	dma.local @!p0 [hbm:s6], $0xF7A  }
0x23: {  	s9 =	sor.u32 $0xD0000000, s2;
	s6 =	simm.s32 $0x108;
	_ =	swait.ge @!p0 [sflag:s8], $0x0  }
0x24: {  	s3 =	sadd.s32 $0x88, s3;
	s6 =	simm.s32 @!p1 $0x1082;
	[sflag:s4] =	ssyncset.s32 $0xFFFFF086  }
0x25: {  	[simem:s6], [sflag:s4] =	dma.local [hbm:s3], $0xF7A  }
0x26: {  	[smem:$0x3F9E] =	sst s1;
	(tag) =	ssettag s2;
	_ =	strace s9  }
0x27: {  	s1 =	sld [smem:$0x3FAE]  }
0x28: {  	s2 =	sld [smem:$0x3FAF]  }
0x29: {  	s4 =	sld [smem:$0x3FB1]  }
0x2a: {  	p0 =	seq.s32 s5, $0x0;
	s5 =	sld [smem:$0x3FB2]  }
0x2b: {  	s6 =	sld [smem:$0x3FB3]  }
0x2c: {  	s7 =	sld [smem:$0x3FB4]  }
0x2d: {  	s3 =	simm.s32 $0x108;
	s8 =	sld [smem:$0x3FB5]  }
0x2e: {  	s3 =	simm.s32 @!p0 $0x1082;
	s9 =	sld [smem:$0x3FB6]  }
0x2f: {  	lr =	sadd.s32 s0, s3;
	s0 =	sld [smem:$0x3FAD]  }
0x30: {  	s3 =	sld [smem:$0x3FB0]  }
0x31: {  	[smem:$0x3FB9] =	sst s10  }
0x32: {  	s10 =	sld [smem:$0x3FB7];
	_ =	sdelay $0x3  }
0x33: {  	p0 =	seq.s32 s10, $0x1;
	s10 =	sld [smem:$0x3FB9];
	_ =	sdelay $0x3  }
0x34: {  	[smem:$0x3FB9] =	sst s10  }
0x35: {  	s10 =	sld [smem:$0x3FB8];
	_ =	sdelay $0x3  }
0x36: {  	p1 =	seq.s32 s10, $0x1;
	s10 =	sld [smem:$0x3FB9];
	_ =	sdelay $0x3  }
0x37: {  	[smem:$0x3FB9] =	sst s10  }
0x38: {  	s10 =	sld [smem:$0x3FBA]  }
0x39: {  	_ = 	snop;
	(pc) =	sbr.ind lr, $3  }
0x3a: {  	_ = 	snop  }
0x3b: {  	_ = 	snop  }
0x3c: {  	p2 =	seq.s32 s10, $0x1;
	s10 =	sld [smem:$0x3FB9]  }
0x3d: {  	_ =	shalt  }
0x3e: {  	_ =	shalt  }
0x3f: {  	_ =	shalt  }
0x40: {  	_ =	shalt  }
0x41: {  	_ =	shalt  }
0x42: {  	_ =	shalt  }
0x43: {  	_ =	shalt  }
0x44: {  	_ =	shalt  }
0x45: {  	_ =	shalt  }
0x46: {  	_ =	shalt  }
0x47: {  	_ =	shalt  }
0x48: {  	_ =	shalt  }
0x49: {  	_ =	shalt  }
0x4a: {  	_ =	shalt  }
0x4b: {  	_ =	shalt  }
0x4c: {  	_ =	shalt  }
0x4d: {  	_ =	shalt  }
0x4e: {  	_ =	shalt  }
0x4f: {  	_ =	shalt  }
0x50: {  	_ =	shalt  }
0x51: {  	_ =	shalt  }
0x52: {  	_ =	shalt  }
0x53: {  	_ =	shalt  }
0x54: {  	_ =	shalt  }
0x55: {  	_ =	shalt  }
0x56: {  	_ =	shalt  }
0x57: {  	_ =	shalt  }
0x58: {  	_ =	shalt  }
0x59: {  	_ =	shalt  }
0x5a: {  	_ =	shalt  }
0x5b: {  	_ =	shalt  }
0x5c: {  	_ =	shalt  }
0x5d: {  	_ =	shalt  }
0x5e: {  	_ =	shalt  }
0x5f: {  	_ =	shalt  }
0x60: {  	_ =	shalt  }
0x61: {  	_ =	shalt  }
0x62: {  	_ =	shalt  }
0x63: {  	_ =	shalt  }
0x64: {  	_ =	shalt  }
0x65: {  	_ =	shalt  }
0x66: {  	_ =	shalt  }
0x67: {  	_ =	shalt  }
0x68: {  	_ =	shalt  }
0x69: {  	_ =	shalt  }
0x6a: {  	_ =	shalt  }
0x6b: {  	_ =	shalt  }
0x6c: {  	_ =	shalt  }
0x6d: {  	_ =	shalt  }
0x6e: {  	_ =	shalt  }
0x6f: {  	_ =	shalt  }
0x70: {  	_ =	shalt  }
0x71: {  	_ =	shalt  }
0x72: {  	_ =	shalt  }
0x73: {  	_ =	shalt  }
0x74: {  	_ =	shalt  }
0x75: {  	_ =	shalt  }
0x76: {  	_ =	shalt  }
0x77: {  	_ =	shalt  }
0x78: {  	_ =	shalt  }
0x79: {  	_ =	shalt  }
0x7a: {  	_ =	shalt  }
0x7b: {  	_ =	shalt  }
0x7c: {  	_ =	shalt  }
0x7d: {  	_ =	shalt  }
0x7e: {  	_ =	shalt  }
0x7f: {  	_ =	shalt  }
0x80: {  	_ =	shalt  }
0x81: {  	_ =	shalt  }
0x82: {  	_ =	shalt  }
0x83: {  	_ =	shalt  }
0x84: {  	_ =	shalt  }
0x85: {  	_ =	shalt  }
0x86: {  	_ =	shalt  }
0x87: {  	_ =	shalt  }
.Lfunc_end0:
.L_simem_size_0:
called_computation_lowered:
.L_overlay_start_0:
0x88: {  	s2 =	sld [smem:$0x3FD9]  }
0x89: {  	s3 =	sld [smem:$0x3FFE];
	_ =	sdelay $0x1  }
0x8a: {  	s1 =	srdreg.scid  }
0x8b: {  	s0 =	sand.u32 $0x1, s1  }
0x8c: {  	s17 =	sshll.u32 s0, $0xA;
	s2 =	sadd.s32 s3, s2  }
0x8d: {  	s2 =	sadd.s32 s2, s17  }
0x8e: {  	[smem:$0x3FC5] =	sst s2  }
0x8f: {  	_ = 	snop  }
0x90: {  	s2 =	sld [smem:$0x3FD0];
	(tm) =	ssettm $0x1  }
0x91: {  	s18 =	sld [smem:$0x3FFB];
	_ =	sdelay $0x3  }
0x92: {  	_ =	strace s18  }
0x93: {  	s3 =	sld [smem:$0x3FFC];
	_ =	sdelay $0x3  }
0x94: {  	_ =	strace s3  }
0x95: {  	s3 =	sld [smem:$0x3FFD];
	_ =	sdelay $0x3  }
0x96: {  	_ =	strace s3  }
0x97: {  	_ =	strace $0x8FFFFFFF  }
0x98: {  	s19 =	sld [smem:$0x3FDB];
	_ =	sdelay $0x1  }
0x99: {  	s4 =	simm.s32 $_scs_section_size  }
0x9a: {  	s5 =	simm.s32 $_size__tile_overlayer_lowered;
	s6 =	simm.s32 $_tile_overlayer_lowered  }
0x9b: {  	s22 =	simm.s32 $0x1BFF;
	s21 =	sshll.u32 s6, $0x1;
	s3 =	sadd.s32 s4, s19  }
0x9c: {  	s7 =	simm.s32 $0x0;
	s20 =	sshll.u32 s5, $0x1;
	s5 =	sadd.s32 s21, s3  }
0x9d: {  	[timem:s7], [sflag:s22] =	dma.local [hbm:s5], s20  }
0x9e: {  	_ =	swait.ge [sflag:s22], s20  }
0x9f: {  	s4 =	ssub.s32 $0x0, s20;
	[sflag:s22] =	ssyncset.done $0x0  }
0xa0: {  	[sflag:s22] =	ssyncadd.s32 s4;
	_ =	sdelay $0x1  }
0xa1: {  	s23 =	simm.s32 $0x1B8B  }
0xa2: {  	_ =	swait.ge [sflag:s23], $0x1  }
0xa3: {  	[sflag:s23] =	ssyncset.done $0x0  }
0xa4: {  	s25 =	simm.s32 $0x1B8E;
	s24 =	sld [smem:$0x3FFE];
	[sflag:s23] =	ssyncadd.s32 $0xFFFFFFFF  }
0xa5: {  	s26 =	simm.s32 $execute0_lowered;
	[smem:$0x3FD2] =	sst s25  }
0xa6: {  	s5 =	sshll.u32 s26, $0x1;
	_ =	strace $0x80000046;
	[dreg:$0x1] =	wrdreg $0xFFFFFFFF  }
0xa7: {  	s28 =	simm.s32 $_size_execute0_lowered;
	s3 =	sadd.s32 s3, s5;
	[dreg:$0x0] =	wrdreg $0x0  }
0xa8: {  	s5 =	sshll.u32 s28, $0x1;
	[dreg:$0x2] =	wrdreg s3  }
0xa9: {  	[dreg:$0x3] =	wrdreg s5  }
0xaa: {  	[dreg:$0x4] =	wrdreg $0xC0  }
0xab: {  	_ =	task [dreg:s7], $0x5FFFF  }
0xac: {  	[dreg:$0x1] =	wrdreg $0xFFFFFFFF  }
0xad: {  	[dreg:$0x0] =	wrdreg $0x60  }
0xae: {  	[dreg:$0x2] =	wrdreg s2  }
0xaf: {  	[dreg:$0x3] =	wrdreg s24  }
0xb0: {  	[dreg:$0x4] =	wrdreg $0x9  }
0xb1: {  	_ =	task.clear_ibuf [dreg:s7], $0x5FFFF;
	_ =	strace $0x90000046  }
0xb2: {  	s29 =	simm.s32 $0x9;
	_ =	strace $0x80000048  }
0xb3: {  	_ =	swait.ge [sflag:s29], $0x1  }
0xb4: {  	[sflag:s29] =	ssyncadd.s32 $0xFFFFFFFF  }
0xb5: {  	_ =	strace $0x90000048  }
0xb6: {  	_ =	sfence  }
0xb7: {  	s30 =	sld [smem:$0x0];
	_ =	sdelay $0x2  }
0xb8: {  	s31 =	sshll.u32 s1, $0xD;
	s1 =	sshrl.u32 s1, $0x2  }
0xb9: {  	s3 =	sand.u32 $0x4000, s31;
	s1 =	sadd.s32 s1, s30  }
0xba: {  	s0 =	sor.u32 s3, s0;
	s1 =	sshll.u32 s1, $0x11  }
0xbb: {  	s0 =	sor.u32 s1, s0  }
0xbc: {  	s0 =	sadd.s32 $0x8F2B, s0  }
0xbd: {  	[sflag:s0] =	ssyncadd.remote.s32 $0x1  }
0xbe: {  	_ =	sfence.sel $0xFFFF  }
0xbf: {  	[dreg:$0x0] =	wrdreg $0xFFFFFFFF;
	(pc) =	sbr.abs _section_cstart, $3  }
0xc0: {  	[dreg:$0x1] =	wrdreg $0xFFFFFFFF  }
0xc1: {  	_ =	task.clear_ibuf [dreg:s7], $0x2FFFF;
	_ =	strace $0x9FFFFFFF  }
0xc2: {  	(tm) =	ssettm $0x7FFFFFFF  }
0xc3: {  	_ =	shalt  }
tec
execute0_lowered:
.L_overlay_start_1:
0x0: {  	(tag) =	ssettag $0x1  }
0x1: {  	s2 =	rddreg [dreg:$0x0]  }
0x2: {  	s0 =	srdreg.scid;
	s3 =	stileid.u32  }
0x3: {  	s1 =	rddreg [dreg:$0x1];
	s8 =	simm.s32 $0xA;
	s9 =	simm.s32 $0x68  }
0x4: {  	s19 =	simm.s32 $0x280;
	s20 =	simm.s32 $0x12500;
	s21 =	simm.s32 $0x1  }
0x5: {  	s22 =	simm.s32 $0x2;
	s23 =	simm.s32 $0x15900;
	s24 =	simm.s32 $0x3  }
0x6: {  	s25 =	simm.s32 $0x4;
	s28 =	simm.s32 $0x5;
	s29 =	simm.s32 $0x6  }
0x7: {  	s30 =	simm.s32 $0x19100;
	s31 =	simm.s32 $0x7;
	s10 =	simm.s32 $0x0  }
0x8: {  	s0 =	sand.u32 $0x1, s0;
	s4 =	sshll.u32 s3, $0x1;
	s3 =	simm.s32 $0x0  }
0x9: {  	s5 =	sor.u32 s0, s4;
	[smem:$0x7FF] =	sst s3;
	s0 =	ssub.s32 $0x2, s0  }
0xa: {  	s4 =	smul.u32 $0x420, s5;
	_ =	strace $0x80000047;
	s26 =	sshrl.u32 s0, $0x1  }
0xb: {  	s5 =	smul.u32 $0x21, s5;
	s0 =	ssub.s32 s0, s26;
	s26 =	simm.s32 $0x17500  }
0xc: {  	s6 =	sadd.s32 s4, s1;
	s4 =	sadd.s32 $0x9000, s1;
	s7 =	smax.u32 s0, $0x1  }
0xd: {  	s1 =	simm.s32 $0x8;
	s0 =	simm.s32 $0x9;
	s6 =	sadd.s32 $0xC00, s6  }
.LBB2_1:
0xe: {  	[tilespmem:s3], [sflag:$0xA] =	stream.linear.gather [hbm4b:s6+s3], $0x2100, $0x38;
	[tilespmem:$0x1AD00] =	vst v63  }
0xf: {  	_ =	swait.ge [sflag:s8], $0x2100  }
0x10: {  	[sflag:s8] =	ssyncset.done $0x0  }
0x11: {  	s11 =	simm.s32 $0x2100;
	[sflag:s8] =	ssyncadd.s32 $0xFFFFDF00  }
0x12: {  	[tilespmem:s11], [sflag:$0x1] =	stream.indirect.gather [hbm4b:s2+s9], $0x80, s3, s9, $0xb8;
	[tilespmem:$0x1AD00] =	vst v63  }
0x13: {  	s18 =	simm.s32 $0x80;
	s12 =	simm.s32 $0x5500  }
0x14: {  	[tilespmem:s12], [sflag:$0x2] =	stream.indirect.gather [hbm4b:s2+s9], $0x80, s18, s9, $0xb8;
	[tilespmem:$0x1AD00] =	vst v63  }
0x15: {  	s13 =	simm.s32 $0x100;
	s14 =	simm.s32 $0x8900  }
0x16: {  	[tilespmem:s14], [sflag:$0x3] =	stream.indirect.gather [hbm4b:s2+s9], $0x80, s13, s9, $0xb8;
	[tilespmem:$0x1AD00] =	vst v63  }
0x17: {  	s15 =	simm.s32 $0x180;
	s16 =	simm.s32 $0xBD00  }
0x18: {  	[tilespmem:s16], [sflag:$0x4] =	stream.indirect.gather [hbm4b:s2+s9], $0x80, s15, s9, $0xb8;
	[tilespmem:$0x1AD00] =	vst v63  }
0x19: {  	s17 =	simm.s32 $0x200;
	s18 =	simm.s32 $0xF100  }
0x1a: {  	[tilespmem:s18], [sflag:$0x5] =	stream.indirect.gather [hbm4b:s2+s9], $0x80, s17, s9, $0xb8;
	[tilespmem:$0x1AD00] =	vst v63  }
0x1b: {  	s11 =	simm.s32 $0x0  }
0x1c: {  	[tilespmem:s20], [sflag:$0x6] =	stream.indirect.gather [hbm4b:s2+s9], $0x80, s19, s9, $0xb8;
	[tilespmem:$0x1AD00] =	vst v63  }
.LBB2_2:
0x1d: {  	_ =	swait.ge [sflag:s21], $0x3400  }
0x1e: {  	p1 =	seq.s32 s11, $0x0;
	[sflag:s21] =	ssyncset.done $0x0  }
0x1f: {  	s12 =	simm.s32 @!p1 $0x7;
	[sflag:s21] =	ssyncadd.s32 $0xFFFFCC00  }
0x20: {  	_ =	swait.ge @!p1 [sflag:s12], $0x1880  }
0x21: {  	[sflag:s12] =	ssyncset.done @!p1 $0x0  }
0x22: {  	[sflag:s12] =	ssyncadd.s32 @!p1 $0xFFFFE780;
	s12 =	simm.s32 $0x2200  }
0x23: {  	v0 =	vld [tilespmem:s12+$0xFFFFFF00]  }
0x24: {  	v1 =	vld [tilespmem:s12+$0x80]  }
0x25: {  	v2 =	vld [tilespmem:s12+$0x0]  }
0x26: {  	v3 =	vld [tilespmem:s12+$0xFFFFFF80];
	_ =	sdelay $0x4  }
0x27: {  	v1 =	vmax.bf16 v2, v1;
	v0 =	vmax.bf16 v0, v3  }
0x28: {  	s13 =	simm.s32 $0x0;
	v0 =	vmax.bf16 v0, v1  }
0x29: {  	[tilespmem:s13+$0x15900] =	vst v0  }
0x2a: {  	v0 =	vld [tilespmem:s12+$0x90]  }
0x2b: {  	v1 =	vld [tilespmem:s12+$0xFFFFFF10]  }
0x2c: {  	v2 =	vld [tilespmem:s12+$0x10]  }
0x2d: {  	v3 =	vld [tilespmem:s12+$0xFFFFFF90];
	_ =	sdelay $0x4  }
0x2e: {  	v0 =	vmax.bf16 v2, v0;
	v1 =	vmax.bf16 v1, v3  }
0x2f: {  	v0 =	vmax.bf16 v1, v0  }
0x30: {  	[tilespmem:s13+$0x15910] =	vst v0  }
0x31: {  	v0 =	vld [tilespmem:s12+$0x20]  }
0x32: {  	v1 =	vld [tilespmem:s12+$0xFFFFFFA0]  }
0x33: {  	v2 =	vld [tilespmem:s12+$0xFFFFFF20]  }
0x34: {  	v3 =	vld [tilespmem:s12+$0xA0];
	_ =	sdelay $0x4  }
0x35: {  	v1 =	vmax.bf16 v2, v1;
	v0 =	vmax.bf16 v0, v3  }
0x36: {  	v0 =	vmax.bf16 v1, v0  }
0x37: {  	[tilespmem:s13+$0x15920] =	vst v0  }
0x38: {  	v0 =	vld [tilespmem:s12+$0xFFFFFFB0]  }
0x39: {  	v1 =	vld [tilespmem:s12+$0x30]  }
0x3a: {  	v2 =	vld [tilespmem:s12+$0xFFFFFF30]  }
0x3b: {  	v3 =	vld [tilespmem:s12+$0xB0];
	_ =	sdelay $0x4  }
0x3c: {  	v0 =	vmax.bf16 v2, v0;
	v1 =	vmax.bf16 v1, v3  }
0x3d: {  	v0 =	vmax.bf16 v0, v1  }
0x3e: {  	[tilespmem:s13+$0x15930] =	vst v0  }
0x3f: {  	v0 =	vld [tilespmem:s12+$0xC0]  }
0x40: {  	v1 =	vld [tilespmem:s12+$0xFFFFFFC0]  }
0x41: {  	v2 =	vld [tilespmem:s12+$0xFFFFFF40]  }
0x42: {  	s15 =	simm.s32 $0x200;
	s14 =	simm.s32 $0x2200;
	v3 =	vld [tilespmem:s12+$0x40]  }
.LBB2_3:
0x43: {  	_ = 	snop  }
0x44: {  	p0 =	sne.s32 s15, $0x3200  }
0x45: {  	s12 =	sadd.s32 $0x200, s12;
	s16 =	smov.u32 s15;
	s15 =	sadd.s32 $0x200, s15  }
0x46: {  	v1 =	vmax.bf16 v2, v1  }
0x47: {  	v0 =	vmax.bf16 v3, v0  }
0x48: {  	v0 =	vmax.bf16 v1, v0  }
0x49: {  	[tilespmem:s13+$0x15940] =	vst v0  }
0x4a: {  	v0 =	vld [tilespmem:s14+$0xFFFFFF50]  }
0x4b: {  	v1 =	vld [tilespmem:s14+$0xD0]  }
0x4c: {  	v2 =	vld [tilespmem:s14+$0xFFFFFFD0]  }
0x4d: {  	v3 =	vld [tilespmem:s14+$0x50];
	s14 =	smov.u32 s12;
	_ =	sdelay $0x3  }
0x4e: {  	v0 =	vmax.bf16 v0, v2  }
0x4f: {  	v1 =	vmax.bf16 v3, v1  }
0x50: {  	v0 =	vmax.bf16 v0, v1  }
0x51: {  	[tilespmem:s13+$0x15950] =	vst v0  }
0x52: {  	v0 =	vld [tilespmem:s12+$0xFFFFFF00]  }
0x53: {  	v1 =	vld [tilespmem:s12+$0x80]  }
0x54: {  	v2 =	vld [tilespmem:s12+$0x0]  }
0x55: {  	v3 =	vld [tilespmem:s12+$0xFFFFFF80];
	_ =	sdelay $0x3  }
0x56: {  	v1 =	vmax.bf16 v2, v1  }
0x57: {  	v0 =	vmax.bf16 v0, v3  }
0x58: {  	s13 =	sshra.s32 s16, $0x2;
	v0 =	vmax.bf16 v0, v1  }
0x59: {  	[tilespmem:s13+$0x15900] =	vst v0  }
0x5a: {  	v0 =	vld [tilespmem:s12+$0x90]  }
0x5b: {  	v1 =	vld [tilespmem:s12+$0xFFFFFF10]  }
0x5c: {  	v2 =	vld [tilespmem:s12+$0x10]  }
0x5d: {  	v3 =	vld [tilespmem:s12+$0xFFFFFF90];
	_ =	sdelay $0x3  }
0x5e: {  	v0 =	vmax.bf16 v2, v0  }
0x5f: {  	v1 =	vmax.bf16 v1, v3  }
0x60: {  	v0 =	vmax.bf16 v1, v0  }
0x61: {  	[tilespmem:s13+$0x15910] =	vst v0  }
0x62: {  	v0 =	vld [tilespmem:s12+$0x20]  }
0x63: {  	v1 =	vld [tilespmem:s12+$0xFFFFFFA0]  }
0x64: {  	v2 =	vld [tilespmem:s12+$0xFFFFFF20]  }
0x65: {  	v3 =	vld [tilespmem:s12+$0xA0];
	_ =	sdelay $0x3  }
0x66: {  	v1 =	vmax.bf16 v2, v1  }
0x67: {  	v0 =	vmax.bf16 v0, v3  }
0x68: {  	v0 =	vmax.bf16 v1, v0  }
0x69: {  	[tilespmem:s13+$0x15920] =	vst v0  }
0x6a: {  	v0 =	vld [tilespmem:s12+$0xFFFFFFB0]  }
0x6b: {  	v1 =	vld [tilespmem:s12+$0x30]  }
0x6c: {  	v2 =	vld [tilespmem:s12+$0xFFFFFF30]  }
0x6d: {  	v3 =	vld [tilespmem:s12+$0xB0];
	_ =	sdelay $0x3  }
0x6e: {  	v0 =	vmax.bf16 v2, v0  }
0x6f: {  	v1 =	vmax.bf16 v1, v3  }
0x70: {  	v0 =	vmax.bf16 v0, v1  }
.Ltmp0:
0x71: {  	[tilespmem:s13+$0x15930] =	vst v0;
	(pc) =	sbr.rel @p0 .LBB2_3-.Ltmp0, $4  }
0x72: {  	v0 =	vld [tilespmem:s12+$0xC0]  }
0x73: {  	v1 =	vld [tilespmem:s12+$0xFFFFFFC0]  }
0x74: {  	v2 =	vld [tilespmem:s12+$0xFFFFFF40]  }
0x75: {  	v3 =	vld [tilespmem:s12+$0x40]  }
0x76: {  	_ =	sdelay $0x3  }
0x77: {  	v1 =	vmax.bf16 v2, v1;
	v0 =	vmax.bf16 v3, v0  }
0x78: {  	v0 =	vmax.bf16 v1, v0  }
0x79: {  	[tilespmem:s13+$0x15940] =	vst v0  }
0x7a: {  	v0 =	vld [tilespmem:s14+$0xFFFFFF50]  }
0x7b: {  	v1 =	vld [tilespmem:s14+$0xD0]  }
0x7c: {  	v2 =	vld [tilespmem:s14+$0xFFFFFFD0]  }
0x7d: {  	v3 =	vld [tilespmem:s14+$0x50];
	_ =	sdelay $0x2  }
0x7e: {  	p0 =	seq.s32 s11, $0xA  }
0x7f: {  	s12 =	smul.u32 @!p0 $0xC00, s11  }
0x80: {  	v0 =	vmax.bf16 v0, v2;
	v1 =	vmax.bf16 v3, v1  }
0x81: {  	s12 =	sshra.s32 @!p0 s12, $0x2;
	v0 =	vmax.bf16 v0, v1  }
0x82: {  	s15 =	simm.s32 @!p0 $0x2100;
	s14 =	simm.s32 @!p0 $0x68;
	[tilespmem:s13+$0x15950] =	vst v0;
	s13 =	sadd.s32 @!p0 $0x300, s12  }
0x83: {  	[tilespmem:s15], [sflag:$0x1] =	stream.indirect.gather @!p0 [hbm4b:s2+s14], $0x80, s13, s14, $0xb8;
	[tilespmem:$0x1AD00] =	vst v63  }
0x84: {  	_ =	swait.ge [sflag:s22], $0x3400  }
0x85: {  	[sflag:s22] =	ssyncset.done $0x0  }
0x86: {  	s13 =	simm.s32 $0x5600;
	[sflag:s22] =	ssyncadd.s32 $0xFFFFCC00  }
0x87: {  	v0 =	vld [tilespmem:s13+$0xFFFFFF00]  }
0x88: {  	v1 =	vld [tilespmem:s13+$0x80]  }
0x89: {  	v2 =	vld [tilespmem:s13+$0x0]  }
0x8a: {  	v3 =	vld [tilespmem:s13+$0xFFFFFF80];
	_ =	sdelay $0x4  }
0x8b: {  	v1 =	vmax.bf16 v2, v1;
	v0 =	vmax.bf16 v0, v3  }
0x8c: {  	s14 =	simm.s32 $0x0;
	v0 =	vmax.bf16 v0, v1  }
0x8d: {  	[tilespmem:s14+$0x16600] =	vst v0  }
0x8e: {  	v0 =	vld [tilespmem:s13+$0x90]  }
0x8f: {  	v1 =	vld [tilespmem:s13+$0xFFFFFF10]  }
0x90: {  	v2 =	vld [tilespmem:s13+$0x10]  }
0x91: {  	v3 =	vld [tilespmem:s13+$0xFFFFFF90];
	_ =	sdelay $0x4  }
0x92: {  	v0 =	vmax.bf16 v2, v0;
	v1 =	vmax.bf16 v1, v3  }
0x93: {  	v0 =	vmax.bf16 v1, v0  }
0x94: {  	[tilespmem:s14+$0x16610] =	vst v0  }
0x95: {  	v0 =	vld [tilespmem:s13+$0x20]  }
0x96: {  	v1 =	vld [tilespmem:s13+$0xFFFFFFA0]  }
0x97: {  	v2 =	vld [tilespmem:s13+$0xFFFFFF20]  }
0x98: {  	v3 =	vld [tilespmem:s13+$0xA0];
	_ =	sdelay $0x4  }
0x99: {  	v1 =	vmax.bf16 v2, v1;
	v0 =	vmax.bf16 v0, v3  }
0x9a: {  	v0 =	vmax.bf16 v1, v0  }
0x9b: {  	[tilespmem:s14+$0x16620] =	vst v0  }
0x9c: {  	v0 =	vld [tilespmem:s13+$0xFFFFFFB0]  }
0x9d: {  	v1 =	vld [tilespmem:s13+$0x30]  }
0x9e: {  	v2 =	vld [tilespmem:s13+$0xFFFFFF30]  }
0x9f: {  	v3 =	vld [tilespmem:s13+$0xB0];
	_ =	sdelay $0x4  }
0xa0: {  	v0 =	vmax.bf16 v2, v0;
	v1 =	vmax.bf16 v1, v3  }
0xa1: {  	v0 =	vmax.bf16 v0, v1  }
0xa2: {  	[tilespmem:s14+$0x16630] =	vst v0  }
0xa3: {  	v0 =	vld [tilespmem:s13+$0xC0]  }
0xa4: {  	v1 =	vld [tilespmem:s13+$0xFFFFFFC0]  }
0xa5: {  	v2 =	vld [tilespmem:s13+$0xFFFFFF40]  }
0xa6: {  	s16 =	simm.s32 $0x200;
	s15 =	simm.s32 $0x5600;
	v3 =	vld [tilespmem:s13+$0x40]  }
.LBB2_5:
0xa7: {  	_ = 	snop  }
0xa8: {  	p2 =	sne.s32 s16, $0x2C00  }
0xa9: {  	s13 =	sadd.s32 $0x200, s13;
	s17 =	smov.u32 s16;
	s16 =	sadd.s32 $0x200, s16  }
0xaa: {  	v1 =	vmax.bf16 v2, v1  }
0xab: {  	v0 =	vmax.bf16 v3, v0  }
0xac: {  	v0 =	vmax.bf16 v1, v0  }
0xad: {  	[tilespmem:s14+$0x16640] =	vst v0  }
0xae: {  	v0 =	vld [tilespmem:s15+$0xFFFFFF50]  }
0xaf: {  	v1 =	vld [tilespmem:s15+$0xD0]  }
0xb0: {  	v2 =	vld [tilespmem:s15+$0xFFFFFFD0]  }
0xb1: {  	v3 =	vld [tilespmem:s15+$0x50];
	s15 =	smov.u32 s13;
	_ =	sdelay $0x3  }
0xb2: {  	v0 =	vmax.bf16 v0, v2  }
0xb3: {  	v1 =	vmax.bf16 v3, v1  }
0xb4: {  	v0 =	vmax.bf16 v0, v1  }
0xb5: {  	[tilespmem:s14+$0x16650] =	vst v0  }
0xb6: {  	v0 =	vld [tilespmem:s13+$0xFFFFFF00]  }
0xb7: {  	v1 =	vld [tilespmem:s13+$0x80]  }
0xb8: {  	v2 =	vld [tilespmem:s13+$0x0]  }
0xb9: {  	v3 =	vld [tilespmem:s13+$0xFFFFFF80];
	_ =	sdelay $0x3  }
0xba: {  	v1 =	vmax.bf16 v2, v1  }
0xbb: {  	v0 =	vmax.bf16 v0, v3  }
0xbc: {  	s14 =	sshra.s32 s17, $0x2;
	v0 =	vmax.bf16 v0, v1  }
0xbd: {  	[tilespmem:s14+$0x16600] =	vst v0  }
0xbe: {  	v0 =	vld [tilespmem:s13+$0x90]  }
0xbf: {  	v1 =	vld [tilespmem:s13+$0xFFFFFF10]  }
0xc0: {  	v2 =	vld [tilespmem:s13+$0x10]  }
0xc1: {  	v3 =	vld [tilespmem:s13+$0xFFFFFF90];
	_ =	sdelay $0x3  }
0xc2: {  	v0 =	vmax.bf16 v2, v0  }
0xc3: {  	v1 =	vmax.bf16 v1, v3  }
0xc4: {  	v0 =	vmax.bf16 v1, v0  }
0xc5: {  	[tilespmem:s14+$0x16610] =	vst v0  }
0xc6: {  	v0 =	vld [tilespmem:s13+$0x20]  }
0xc7: {  	v1 =	vld [tilespmem:s13+$0xFFFFFFA0]  }
0xc8: {  	v2 =	vld [tilespmem:s13+$0xFFFFFF20]  }
0xc9: {  	v3 =	vld [tilespmem:s13+$0xA0];
	_ =	sdelay $0x3  }
0xca: {  	v1 =	vmax.bf16 v2, v1  }
0xcb: {  	v0 =	vmax.bf16 v0, v3  }
0xcc: {  	v0 =	vmax.bf16 v1, v0  }
0xcd: {  	[tilespmem:s14+$0x16620] =	vst v0  }
0xce: {  	v0 =	vld [tilespmem:s13+$0xFFFFFFB0]  }
0xcf: {  	v1 =	vld [tilespmem:s13+$0x30]  }
0xd0: {  	v2 =	vld [tilespmem:s13+$0xFFFFFF30]  }
0xd1: {  	v3 =	vld [tilespmem:s13+$0xB0];
	_ =	sdelay $0x3  }
0xd2: {  	v0 =	vmax.bf16 v2, v0  }
0xd3: {  	v1 =	vmax.bf16 v1, v3  }
0xd4: {  	v0 =	vmax.bf16 v0, v1  }
.Ltmp1:
0xd5: {  	[tilespmem:s14+$0x16630] =	vst v0;
	(pc) =	sbr.rel @p2 .LBB2_5-.Ltmp1, $4  }
0xd6: {  	v0 =	vld [tilespmem:s13+$0xC0]  }
0xd7: {  	v1 =	vld [tilespmem:s13+$0xFFFFFFC0]  }
0xd8: {  	v2 =	vld [tilespmem:s13+$0xFFFFFF40]  }
0xd9: {  	v3 =	vld [tilespmem:s13+$0x40]  }
0xda: {  	_ =	sdelay $0x3  }
0xdb: {  	v1 =	vmax.bf16 v2, v1;
	v0 =	vmax.bf16 v3, v0  }
0xdc: {  	v0 =	vmax.bf16 v1, v0  }
0xdd: {  	[tilespmem:s14+$0x16640] =	vst v0  }
0xde: {  	v0 =	vld [tilespmem:s15+$0xFFFFFF50]  }
0xdf: {  	v1 =	vld [tilespmem:s15+$0xD0]  }
0xe0: {  	v2 =	vld [tilespmem:s15+$0xFFFFFFD0]  }
0xe1: {  	v3 =	vld [tilespmem:s15+$0x50];
	_ =	sdelay $0x3  }
0xe2: {  	s13 =	smul.u32 $0x3, s11  }
0xe3: {  	v0 =	vmax.bf16 v0, v2;
	v1 =	vmax.bf16 v3, v1  }
0xe4: {  	s16 =	simm.s32 @!p0 $0x5500;
	s13 =	sadd.s32 s5, s13;
	v0 =	vmax.bf16 v0, v1  }
0xe5: {  	s17 =	smul.u32 $0x380, s13;
	s15 =	sadd.s32 @!p0 $0x380, s12;
	[tilespmem:s14+$0x16650] =	vst v0;
	s14 =	simm.s32 @!p0 $0x68  }
0xe6: {  	[tilespmem:s16], [sflag:$0x2] =	stream.indirect.gather @!p0 [hbm4b:s2+s14], $0x80, s15, s14, $0xb8;
	[tilespmem:$0x1AD00] =	vst v63  }
0xe7: {  	s18 =	sadd.s32 s4, s17  }
0xe8: {  	[hbm4b:s18+s3] =	stream.linear.scatter [tilespmem:s23], [sflag:$0x7], $0x1880, $0x38;
	[tilespmem:$0x1AD00] =	vst v63  }
0xe9: {  	_ =	swait.ge [sflag:s24], $0x3400  }
0xea: {  	[sflag:s24] =	ssyncset.done $0x0  }
0xeb: {  	s14 =	simm.s32 @!p1 $0x8;
	[sflag:s24] =	ssyncadd.s32 $0xFFFFCC00  }
0xec: {  	_ =	swait.ge @!p1 [sflag:s14], $0x1880  }
0xed: {  	[sflag:s14] =	ssyncset.done @!p1 $0x0  }
0xee: {  	[sflag:s14] =	ssyncadd.s32 @!p1 $0xFFFFE780;
	s14 =	simm.s32 $0x8A00  }
0xef: {  	v0 =	vld [tilespmem:s14+$0xFFFFFF00]  }
0xf0: {  	v1 =	vld [tilespmem:s14+$0x80]  }
0xf1: {  	v2 =	vld [tilespmem:s14+$0x0]  }
0xf2: {  	v3 =	vld [tilespmem:s14+$0xFFFFFF80];
	_ =	sdelay $0x4  }
0xf3: {  	v1 =	vmax.bf16 v2, v1;
	v0 =	vmax.bf16 v0, v3  }
0xf4: {  	s15 =	simm.s32 $0x0;
	v0 =	vmax.bf16 v0, v1  }
0xf5: {  	[tilespmem:s15+$0x17500] =	vst v0  }
0xf6: {  	v0 =	vld [tilespmem:s14+$0x90]  }
0xf7: {  	v1 =	vld [tilespmem:s14+$0xFFFFFF10]  }
0xf8: {  	v2 =	vld [tilespmem:s14+$0x10]  }
0xf9: {  	v3 =	vld [tilespmem:s14+$0xFFFFFF90];
	_ =	sdelay $0x4  }
0xfa: {  	v0 =	vmax.bf16 v2, v0;
	v1 =	vmax.bf16 v1, v3  }
0xfb: {  	v0 =	vmax.bf16 v1, v0  }
0xfc: {  	[tilespmem:s15+$0x17510] =	vst v0  }
0xfd: {  	v0 =	vld [tilespmem:s14+$0x20]  }
0xfe: {  	v1 =	vld [tilespmem:s14+$0xFFFFFFA0]  }
0xff: {  	v2 =	vld [tilespmem:s14+$0xFFFFFF20]  }
0x100: {  	v3 =	vld [tilespmem:s14+$0xA0];
	_ =	sdelay $0x4  }
0x101: {  	v1 =	vmax.bf16 v2, v1;
	v0 =	vmax.bf16 v0, v3  }
0x102: {  	v0 =	vmax.bf16 v1, v0  }
0x103: {  	[tilespmem:s15+$0x17520] =	vst v0  }
0x104: {  	v0 =	vld [tilespmem:s14+$0xFFFFFFB0]  }
0x105: {  	v1 =	vld [tilespmem:s14+$0x30]  }
0x106: {  	v2 =	vld [tilespmem:s14+$0xFFFFFF30]  }
0x107: {  	v3 =	vld [tilespmem:s14+$0xB0];
	_ =	sdelay $0x4  }
0x108: {  	v0 =	vmax.bf16 v2, v0;
	v1 =	vmax.bf16 v1, v3  }
0x109: {  	v0 =	vmax.bf16 v0, v1  }
0x10a: {  	[tilespmem:s15+$0x17530] =	vst v0  }
0x10b: {  	v0 =	vld [tilespmem:s14+$0xC0]  }
0x10c: {  	v1 =	vld [tilespmem:s14+$0xFFFFFFC0]  }
0x10d: {  	v2 =	vld [tilespmem:s14+$0xFFFFFF40]  }
0x10e: {  	s17 =	simm.s32 $0x200;
	s16 =	simm.s32 $0x8A00;
	v3 =	vld [tilespmem:s14+$0x40]  }
.LBB2_7:
0x10f: {  	_ = 	snop  }
0x110: {  	p2 =	sne.s32 s17, $0x3200  }
0x111: {  	s14 =	sadd.s32 $0x200, s14;
	s18 =	smov.u32 s17;
	s17 =	sadd.s32 $0x200, s17  }
0x112: {  	v1 =	vmax.bf16 v2, v1  }
0x113: {  	v0 =	vmax.bf16 v3, v0  }
0x114: {  	v0 =	vmax.bf16 v1, v0  }
0x115: {  	[tilespmem:s15+$0x17540] =	vst v0  }
0x116: {  	v0 =	vld [tilespmem:s16+$0xFFFFFF50]  }
0x117: {  	v1 =	vld [tilespmem:s16+$0xD0]  }
0x118: {  	v2 =	vld [tilespmem:s16+$0xFFFFFFD0]  }
0x119: {  	v3 =	vld [tilespmem:s16+$0x50];
	s16 =	smov.u32 s14;
	_ =	sdelay $0x3  }
0x11a: {  	v0 =	vmax.bf16 v0, v2  }
0x11b: {  	v1 =	vmax.bf16 v3, v1  }
0x11c: {  	v0 =	vmax.bf16 v0, v1  }
0x11d: {  	[tilespmem:s15+$0x17550] =	vst v0  }
0x11e: {  	v0 =	vld [tilespmem:s14+$0xFFFFFF00]  }
0x11f: {  	v1 =	vld [tilespmem:s14+$0x80]  }
0x120: {  	v2 =	vld [tilespmem:s14+$0x0]  }
0x121: {  	v3 =	vld [tilespmem:s14+$0xFFFFFF80];
	_ =	sdelay $0x3  }
0x122: {  	v1 =	vmax.bf16 v2, v1  }
0x123: {  	v0 =	vmax.bf16 v0, v3  }
0x124: {  	s15 =	sshra.s32 s18, $0x2;
	v0 =	vmax.bf16 v0, v1  }
0x125: {  	[tilespmem:s15+$0x17500] =	vst v0  }
0x126: {  	v0 =	vld [tilespmem:s14+$0x90]  }
0x127: {  	v1 =	vld [tilespmem:s14+$0xFFFFFF10]  }
0x128: {  	v2 =	vld [tilespmem:s14+$0x10]  }
0x129: {  	v3 =	vld [tilespmem:s14+$0xFFFFFF90];
	_ =	sdelay $0x3  }
0x12a: {  	v0 =	vmax.bf16 v2, v0  }
0x12b: {  	v1 =	vmax.bf16 v1, v3  }
0x12c: {  	v0 =	vmax.bf16 v1, v0  }
0x12d: {  	[tilespmem:s15+$0x17510] =	vst v0  }
0x12e: {  	v0 =	vld [tilespmem:s14+$0x20]  }
0x12f: {  	v1 =	vld [tilespmem:s14+$0xFFFFFFA0]  }
0x130: {  	v2 =	vld [tilespmem:s14+$0xFFFFFF20]  }
0x131: {  	v3 =	vld [tilespmem:s14+$0xA0];
	_ =	sdelay $0x3  }
0x132: {  	v1 =	vmax.bf16 v2, v1  }
0x133: {  	v0 =	vmax.bf16 v0, v3  }
0x134: {  	v0 =	vmax.bf16 v1, v0  }
0x135: {  	[tilespmem:s15+$0x17520] =	vst v0  }
0x136: {  	v0 =	vld [tilespmem:s14+$0xFFFFFFB0]  }
0x137: {  	v1 =	vld [tilespmem:s14+$0x30]  }
0x138: {  	v2 =	vld [tilespmem:s14+$0xFFFFFF30]  }
0x139: {  	v3 =	vld [tilespmem:s14+$0xB0];
	_ =	sdelay $0x3  }
0x13a: {  	v0 =	vmax.bf16 v2, v0  }
0x13b: {  	v1 =	vmax.bf16 v1, v3  }
0x13c: {  	v0 =	vmax.bf16 v0, v1  }
.Ltmp2:
0x13d: {  	[tilespmem:s15+$0x17530] =	vst v0;
	(pc) =	sbr.rel @p2 .LBB2_7-.Ltmp2, $4  }
0x13e: {  	v0 =	vld [tilespmem:s14+$0xC0]  }
0x13f: {  	v1 =	vld [tilespmem:s14+$0xFFFFFFC0]  }
0x140: {  	v2 =	vld [tilespmem:s14+$0xFFFFFF40]  }
0x141: {  	v3 =	vld [tilespmem:s14+$0x40]  }
0x142: {  	_ =	sdelay $0x3  }
0x143: {  	v1 =	vmax.bf16 v2, v1;
	v0 =	vmax.bf16 v3, v0  }
0x144: {  	v0 =	vmax.bf16 v1, v0  }
0x145: {  	[tilespmem:s15+$0x17540] =	vst v0  }
0x146: {  	v0 =	vld [tilespmem:s16+$0xFFFFFF50]  }
0x147: {  	v1 =	vld [tilespmem:s16+$0xD0]  }
0x148: {  	v2 =	vld [tilespmem:s16+$0xFFFFFFD0]  }
0x149: {  	v3 =	vld [tilespmem:s16+$0x50];
	_ =	sdelay $0x4  }
0x14a: {  	v0 =	vmax.bf16 v0, v2;
	v1 =	vmax.bf16 v3, v1  }
0x14b: {  	v0 =	vmax.bf16 v0, v1  }
0x14c: {  	s14 =	sadd.s32 @!p0 $0x400, s12;
	s16 =	simm.s32 @!p0 $0x8900;
	[tilespmem:s15+$0x17550] =	vst v0;
	s15 =	simm.s32 @!p0 $0x68  }
0x14d: {  	[tilespmem:s16], [sflag:$0x3] =	stream.indirect.gather @!p0 [hbm4b:s2+s15], $0x80, s14, s15, $0xb8;
	[tilespmem:$0x1AD00] =	vst v63  }
0x14e: {  	_ =	swait.ge [sflag:s25], $0x3400  }
0x14f: {  	[sflag:s25] =	ssyncset.done $0x0  }
0x150: {  	s14 =	simm.s32 $0xBE00;
	[sflag:s25] =	ssyncadd.s32 $0xFFFFCC00  }
0x151: {  	v0 =	vld [tilespmem:s14+$0xFFFFFF00]  }
0x152: {  	v1 =	vld [tilespmem:s14+$0x80]  }
0x153: {  	v2 =	vld [tilespmem:s14+$0x0]  }
0x154: {  	v3 =	vld [tilespmem:s14+$0xFFFFFF80];
	_ =	sdelay $0x4  }
0x155: {  	v1 =	vmax.bf16 v2, v1;
	v0 =	vmax.bf16 v0, v3  }
0x156: {  	s15 =	simm.s32 $0x0;
	v0 =	vmax.bf16 v0, v1  }
0x157: {  	[tilespmem:s15+$0x18200] =	vst v0  }
0x158: {  	v0 =	vld [tilespmem:s14+$0x90]  }
0x159: {  	v1 =	vld [tilespmem:s14+$0xFFFFFF10]  }
0x15a: {  	v2 =	vld [tilespmem:s14+$0x10]  }
0x15b: {  	v3 =	vld [tilespmem:s14+$0xFFFFFF90];
	_ =	sdelay $0x4  }
0x15c: {  	v0 =	vmax.bf16 v2, v0;
	v1 =	vmax.bf16 v1, v3  }
0x15d: {  	v0 =	vmax.bf16 v1, v0  }
0x15e: {  	[tilespmem:s15+$0x18210] =	vst v0  }
0x15f: {  	v0 =	vld [tilespmem:s14+$0x20]  }
0x160: {  	v1 =	vld [tilespmem:s14+$0xFFFFFFA0]  }
0x161: {  	v2 =	vld [tilespmem:s14+$0xFFFFFF20]  }
0x162: {  	v3 =	vld [tilespmem:s14+$0xA0];
	_ =	sdelay $0x4  }
0x163: {  	v1 =	vmax.bf16 v2, v1;
	v0 =	vmax.bf16 v0, v3  }
0x164: {  	v0 =	vmax.bf16 v1, v0  }
0x165: {  	[tilespmem:s15+$0x18220] =	vst v0  }
0x166: {  	v0 =	vld [tilespmem:s14+$0xFFFFFFB0]  }
0x167: {  	v1 =	vld [tilespmem:s14+$0x30]  }
0x168: {  	v2 =	vld [tilespmem:s14+$0xFFFFFF30]  }
0x169: {  	v3 =	vld [tilespmem:s14+$0xB0];
	_ =	sdelay $0x4  }
0x16a: {  	v0 =	vmax.bf16 v2, v0;
	v1 =	vmax.bf16 v1, v3  }
0x16b: {  	v0 =	vmax.bf16 v0, v1  }
0x16c: {  	[tilespmem:s15+$0x18230] =	vst v0  }
0x16d: {  	v0 =	vld [tilespmem:s14+$0xC0]  }
0x16e: {  	v1 =	vld [tilespmem:s14+$0xFFFFFFC0]  }
0x16f: {  	v2 =	vld [tilespmem:s14+$0xFFFFFF40]  }
0x170: {  	s17 =	simm.s32 $0x200;
	s16 =	simm.s32 $0xBE00;
	v3 =	vld [tilespmem:s14+$0x40]  }
.LBB2_9:
0x171: {  	_ = 	snop  }
0x172: {  	p2 =	sne.s32 s17, $0x2C00  }
0x173: {  	s14 =	sadd.s32 $0x200, s14;
	s18 =	smov.u32 s17;
	s17 =	sadd.s32 $0x200, s17  }
0x174: {  	v1 =	vmax.bf16 v2, v1  }
0x175: {  	v0 =	vmax.bf16 v3, v0  }
0x176: {  	v0 =	vmax.bf16 v1, v0  }
0x177: {  	[tilespmem:s15+$0x18240] =	vst v0  }
0x178: {  	v0 =	vld [tilespmem:s16+$0xFFFFFF50]  }
0x179: {  	v1 =	vld [tilespmem:s16+$0xD0]  }
0x17a: {  	v2 =	vld [tilespmem:s16+$0xFFFFFFD0]  }
0x17b: {  	v3 =	vld [tilespmem:s16+$0x50];
	s16 =	smov.u32 s14;
	_ =	sdelay $0x3  }
0x17c: {  	v0 =	vmax.bf16 v0, v2  }
0x17d: {  	v1 =	vmax.bf16 v3, v1  }
0x17e: {  	v0 =	vmax.bf16 v0, v1  }
0x17f: {  	[tilespmem:s15+$0x18250] =	vst v0  }
0x180: {  	v0 =	vld [tilespmem:s14+$0xFFFFFF00]  }
0x181: {  	v1 =	vld [tilespmem:s14+$0x80]  }
0x182: {  	v2 =	vld [tilespmem:s14+$0x0]  }
0x183: {  	v3 =	vld [tilespmem:s14+$0xFFFFFF80];
	_ =	sdelay $0x3  }
0x184: {  	v1 =	vmax.bf16 v2, v1  }
0x185: {  	v0 =	vmax.bf16 v0, v3  }
0x186: {  	s15 =	sshra.s32 s18, $0x2;
	v0 =	vmax.bf16 v0, v1  }
0x187: {  	[tilespmem:s15+$0x18200] =	vst v0  }
0x188: {  	v0 =	vld [tilespmem:s14+$0x90]  }
0x189: {  	v1 =	vld [tilespmem:s14+$0xFFFFFF10]  }
0x18a: {  	v2 =	vld [tilespmem:s14+$0x10]  }
0x18b: {  	v3 =	vld [tilespmem:s14+$0xFFFFFF90];
	_ =	sdelay $0x3  }
0x18c: {  	v0 =	vmax.bf16 v2, v0  }
0x18d: {  	v1 =	vmax.bf16 v1, v3  }
0x18e: {  	v0 =	vmax.bf16 v1, v0  }
0x18f: {  	[tilespmem:s15+$0x18210] =	vst v0  }
0x190: {  	v0 =	vld [tilespmem:s14+$0x20]  }
0x191: {  	v1 =	vld [tilespmem:s14+$0xFFFFFFA0]  }
0x192: {  	v2 =	vld [tilespmem:s14+$0xFFFFFF20]  }
0x193: {  	v3 =	vld [tilespmem:s14+$0xA0];
	_ =	sdelay $0x3  }
0x194: {  	v1 =	vmax.bf16 v2, v1  }
0x195: {  	v0 =	vmax.bf16 v0, v3  }
0x196: {  	v0 =	vmax.bf16 v1, v0  }
0x197: {  	[tilespmem:s15+$0x18220] =	vst v0  }
0x198: {  	v0 =	vld [tilespmem:s14+$0xFFFFFFB0]  }
0x199: {  	v1 =	vld [tilespmem:s14+$0x30]  }
0x19a: {  	v2 =	vld [tilespmem:s14+$0xFFFFFF30]  }
0x19b: {  	v3 =	vld [tilespmem:s14+$0xB0];
	_ =	sdelay $0x3  }
0x19c: {  	v0 =	vmax.bf16 v2, v0  }
0x19d: {  	v1 =	vmax.bf16 v1, v3  }
0x19e: {  	v0 =	vmax.bf16 v0, v1  }
.Ltmp3:
0x19f: {  	[tilespmem:s15+$0x18230] =	vst v0;
	(pc) =	sbr.rel @p2 .LBB2_9-.Ltmp3, $4  }
0x1a0: {  	v0 =	vld [tilespmem:s14+$0xC0]  }
0x1a1: {  	v1 =	vld [tilespmem:s14+$0xFFFFFFC0]  }
0x1a2: {  	v2 =	vld [tilespmem:s14+$0xFFFFFF40]  }
0x1a3: {  	v3 =	vld [tilespmem:s14+$0x40]  }
0x1a4: {  	_ =	sdelay $0x3  }
0x1a5: {  	v1 =	vmax.bf16 v2, v1;
	v0 =	vmax.bf16 v3, v0  }
0x1a6: {  	v0 =	vmax.bf16 v1, v0  }
0x1a7: {  	[tilespmem:s15+$0x18240] =	vst v0  }
0x1a8: {  	v0 =	vld [tilespmem:s16+$0xFFFFFF50]  }
0x1a9: {  	v1 =	vld [tilespmem:s16+$0xD0]  }
0x1aa: {  	v2 =	vld [tilespmem:s16+$0xFFFFFFD0]  }
0x1ab: {  	v3 =	vld [tilespmem:s16+$0x50];
	_ =	sdelay $0x3  }
0x1ac: {  	s13 =	smul.u32 $0x1C00, s13  }
0x1ad: {  	v0 =	vmax.bf16 v0, v2;
	v1 =	vmax.bf16 v3, v1  }
0x1ae: {  	s14 =	sadd.s32 @!p0 $0x480, s12;
	s13 =	sshrl.u32 s13, $0x3;
	v0 =	vmax.bf16 v0, v1  }
0x1af: {  	s13 =	sadd.s32 s4, s13;
	s16 =	simm.s32 @!p0 $0xBD00;
	[tilespmem:s15+$0x18250] =	vst v0;
	s15 =	simm.s32 @!p0 $0x68  }
0x1b0: {  	[tilespmem:s16], [sflag:$0x4] =	stream.indirect.gather @!p0 [hbm4b:s2+s15], $0x80, s14, s15, $0xb8;
	[tilespmem:$0x1AD00] =	vst v63  }
0x1b1: {  	s18 =	sadd.s32 $0x380, s13  }
0x1b2: {  	[hbm4b:s18+s3] =	stream.linear.scatter [tilespmem:s26], [sflag:$0x8], $0x1880, $0x38;
	[tilespmem:$0x1AD00] =	vst v63  }
0x1b3: {  	_ =	swait.ge [sflag:s28], $0x3400  }
0x1b4: {  	[sflag:s28] =	ssyncset.done $0x0  }
0x1b5: {  	s14 =	simm.s32 @!p1 $0x9;
	[sflag:s28] =	ssyncadd.s32 $0xFFFFCC00  }
0x1b6: {  	_ =	swait.ge @!p1 [sflag:s14], $0x1880  }
0x1b7: {  	[sflag:s14] =	ssyncset.done @!p1 $0x0  }
0x1b8: {  	[sflag:s14] =	ssyncadd.s32 @!p1 $0xFFFFE780;
	s14 =	simm.s32 $0xF200  }
0x1b9: {  	v0 =	vld [tilespmem:s14+$0xFFFFFF00]  }
0x1ba: {  	v1 =	vld [tilespmem:s14+$0x80]  }
0x1bb: {  	v2 =	vld [tilespmem:s14+$0x0]  }
0x1bc: {  	v3 =	vld [tilespmem:s14+$0xFFFFFF80];
	_ =	sdelay $0x4  }
0x1bd: {  	v1 =	vmax.bf16 v2, v1;
	v0 =	vmax.bf16 v0, v3  }
0x1be: {  	s15 =	simm.s32 $0x0;
	v0 =	vmax.bf16 v0, v1  }
0x1bf: {  	[tilespmem:s15+$0x19100] =	vst v0  }
0x1c0: {  	v0 =	vld [tilespmem:s14+$0x90]  }
0x1c1: {  	v1 =	vld [tilespmem:s14+$0xFFFFFF10]  }
0x1c2: {  	v2 =	vld [tilespmem:s14+$0x10]  }
0x1c3: {  	v3 =	vld [tilespmem:s14+$0xFFFFFF90];
	_ =	sdelay $0x4  }
0x1c4: {  	v0 =	vmax.bf16 v2, v0;
	v1 =	vmax.bf16 v1, v3  }
0x1c5: {  	v0 =	vmax.bf16 v1, v0  }
0x1c6: {  	[tilespmem:s15+$0x19110] =	vst v0  }
0x1c7: {  	v0 =	vld [tilespmem:s14+$0x20]  }
0x1c8: {  	v1 =	vld [tilespmem:s14+$0xFFFFFFA0]  }
0x1c9: {  	v2 =	vld [tilespmem:s14+$0xFFFFFF20]  }
0x1ca: {  	v3 =	vld [tilespmem:s14+$0xA0];
	_ =	sdelay $0x4  }
0x1cb: {  	v1 =	vmax.bf16 v2, v1;
	v0 =	vmax.bf16 v0, v3  }
0x1cc: {  	v0 =	vmax.bf16 v1, v0  }
0x1cd: {  	[tilespmem:s15+$0x19120] =	vst v0  }
0x1ce: {  	v0 =	vld [tilespmem:s14+$0xFFFFFFB0]  }
0x1cf: {  	v1 =	vld [tilespmem:s14+$0x30]  }
0x1d0: {  	v2 =	vld [tilespmem:s14+$0xFFFFFF30]  }
0x1d1: {  	v3 =	vld [tilespmem:s14+$0xB0];
	_ =	sdelay $0x4  }
0x1d2: {  	v0 =	vmax.bf16 v2, v0;
	v1 =	vmax.bf16 v1, v3  }
0x1d3: {  	v0 =	vmax.bf16 v0, v1  }
0x1d4: {  	[tilespmem:s15+$0x19130] =	vst v0  }
0x1d5: {  	v0 =	vld [tilespmem:s14+$0xC0]  }
0x1d6: {  	v1 =	vld [tilespmem:s14+$0xFFFFFFC0]  }
0x1d7: {  	v2 =	vld [tilespmem:s14+$0xFFFFFF40]  }
0x1d8: {  	s17 =	simm.s32 $0x200;
	s16 =	simm.s32 $0xF200;
	v3 =	vld [tilespmem:s14+$0x40]  }
.LBB2_11:
0x1d9: {  	_ = 	snop  }
0x1da: {  	p1 =	sne.s32 s17, $0x3200  }
0x1db: {  	s14 =	sadd.s32 $0x200, s14;
	s18 =	smov.u32 s17;
	s17 =	sadd.s32 $0x200, s17  }
0x1dc: {  	v1 =	vmax.bf16 v2, v1  }
0x1dd: {  	v0 =	vmax.bf16 v3, v0  }
0x1de: {  	v0 =	vmax.bf16 v1, v0  }
0x1df: {  	[tilespmem:s15+$0x19140] =	vst v0  }
0x1e0: {  	v0 =	vld [tilespmem:s16+$0xFFFFFF50]  }
0x1e1: {  	v1 =	vld [tilespmem:s16+$0xD0]  }
0x1e2: {  	v2 =	vld [tilespmem:s16+$0xFFFFFFD0]  }
0x1e3: {  	v3 =	vld [tilespmem:s16+$0x50];
	s16 =	smov.u32 s14;
	_ =	sdelay $0x3  }
0x1e4: {  	v0 =	vmax.bf16 v0, v2  }
0x1e5: {  	v1 =	vmax.bf16 v3, v1  }
0x1e6: {  	v0 =	vmax.bf16 v0, v1  }
0x1e7: {  	[tilespmem:s15+$0x19150] =	vst v0  }
0x1e8: {  	v0 =	vld [tilespmem:s14+$0xFFFFFF00]  }
0x1e9: {  	v1 =	vld [tilespmem:s14+$0x80]  }
0x1ea: {  	v2 =	vld [tilespmem:s14+$0x0]  }
0x1eb: {  	v3 =	vld [tilespmem:s14+$0xFFFFFF80];
	_ =	sdelay $0x3  }
0x1ec: {  	v1 =	vmax.bf16 v2, v1  }
0x1ed: {  	v0 =	vmax.bf16 v0, v3  }
0x1ee: {  	s15 =	sshra.s32 s18, $0x2;
	v0 =	vmax.bf16 v0, v1  }
0x1ef: {  	[tilespmem:s15+$0x19100] =	vst v0  }
0x1f0: {  	v0 =	vld [tilespmem:s14+$0x90]  }
0x1f1: {  	v1 =	vld [tilespmem:s14+$0xFFFFFF10]  }
0x1f2: {  	v2 =	vld [tilespmem:s14+$0x10]  }
0x1f3: {  	v3 =	vld [tilespmem:s14+$0xFFFFFF90];
	_ =	sdelay $0x3  }
0x1f4: {  	v0 =	vmax.bf16 v2, v0  }
0x1f5: {  	v1 =	vmax.bf16 v1, v3  }
0x1f6: {  	v0 =	vmax.bf16 v1, v0  }
0x1f7: {  	[tilespmem:s15+$0x19110] =	vst v0  }
0x1f8: {  	v0 =	vld [tilespmem:s14+$0x20]  }
0x1f9: {  	v1 =	vld [tilespmem:s14+$0xFFFFFFA0]  }
0x1fa: {  	v2 =	vld [tilespmem:s14+$0xFFFFFF20]  }
0x1fb: {  	v3 =	vld [tilespmem:s14+$0xA0];
	_ =	sdelay $0x3  }
0x1fc: {  	v1 =	vmax.bf16 v2, v1  }
0x1fd: {  	v0 =	vmax.bf16 v0, v3  }
0x1fe: {  	v0 =	vmax.bf16 v1, v0  }
0x1ff: {  	[tilespmem:s15+$0x19120] =	vst v0  }
0x200: {  	v0 =	vld [tilespmem:s14+$0xFFFFFFB0]  }
0x201: {  	v1 =	vld [tilespmem:s14+$0x30]  }
0x202: {  	v2 =	vld [tilespmem:s14+$0xFFFFFF30]  }
0x203: {  	v3 =	vld [tilespmem:s14+$0xB0];
	_ =	sdelay $0x3  }
0x204: {  	v0 =	vmax.bf16 v2, v0  }
0x205: {  	v1 =	vmax.bf16 v1, v3  }
0x206: {  	v0 =	vmax.bf16 v0, v1  }
.Ltmp4:
0x207: {  	[tilespmem:s15+$0x19130] =	vst v0;
	(pc) =	sbr.rel @p1 .LBB2_11-.Ltmp4, $4  }
0x208: {  	v0 =	vld [tilespmem:s14+$0xC0]  }
0x209: {  	v1 =	vld [tilespmem:s14+$0xFFFFFFC0]  }
0x20a: {  	v2 =	vld [tilespmem:s14+$0xFFFFFF40]  }
0x20b: {  	v3 =	vld [tilespmem:s14+$0x40]  }
0x20c: {  	_ =	sdelay $0x3  }
0x20d: {  	v1 =	vmax.bf16 v2, v1;
	v0 =	vmax.bf16 v3, v0  }
0x20e: {  	v0 =	vmax.bf16 v1, v0  }
0x20f: {  	[tilespmem:s15+$0x19140] =	vst v0  }
0x210: {  	v0 =	vld [tilespmem:s16+$0xFFFFFF50]  }
0x211: {  	v1 =	vld [tilespmem:s16+$0xD0]  }
0x212: {  	v2 =	vld [tilespmem:s16+$0xFFFFFFD0]  }
0x213: {  	v3 =	vld [tilespmem:s16+$0x50];
	_ =	sdelay $0x4  }
0x214: {  	v0 =	vmax.bf16 v0, v2;
	v1 =	vmax.bf16 v3, v1  }
0x215: {  	v0 =	vmax.bf16 v0, v1  }
0x216: {  	s14 =	sadd.s32 @!p0 $0x500, s12;
	s16 =	simm.s32 @!p0 $0xF100;
	[tilespmem:s15+$0x19150] =	vst v0;
	s15 =	simm.s32 @!p0 $0x68  }
0x217: {  	[tilespmem:s16], [sflag:$0x5] =	stream.indirect.gather @!p0 [hbm4b:s2+s15], $0x80, s14, s15, $0xb8;
	[tilespmem:$0x1AD00] =	vst v63  }
0x218: {  	_ =	swait.ge [sflag:s29], $0x3400  }
0x219: {  	[sflag:s29] =	ssyncset.done $0x0  }
0x21a: {  	s14 =	simm.s32 $0x12600;
	[sflag:s29] =	ssyncadd.s32 $0xFFFFCC00  }
0x21b: {  	v0 =	vld [tilespmem:s14+$0xFFFFFF00]  }
0x21c: {  	v1 =	vld [tilespmem:s14+$0x80]  }
0x21d: {  	v2 =	vld [tilespmem:s14+$0x0]  }
0x21e: {  	v3 =	vld [tilespmem:s14+$0xFFFFFF80];
	_ =	sdelay $0x4  }
0x21f: {  	v1 =	vmax.bf16 v2, v1;
	v0 =	vmax.bf16 v0, v3  }
0x220: {  	s15 =	simm.s32 $0x0;
	v0 =	vmax.bf16 v0, v1  }
0x221: {  	[tilespmem:s15+$0x19E00] =	vst v0  }
0x222: {  	v0 =	vld [tilespmem:s14+$0x90]  }
0x223: {  	v1 =	vld [tilespmem:s14+$0xFFFFFF10]  }
0x224: {  	v2 =	vld [tilespmem:s14+$0x10]  }
0x225: {  	v3 =	vld [tilespmem:s14+$0xFFFFFF90];
	_ =	sdelay $0x4  }
0x226: {  	v0 =	vmax.bf16 v2, v0;
	v1 =	vmax.bf16 v1, v3  }
0x227: {  	v0 =	vmax.bf16 v1, v0  }
0x228: {  	[tilespmem:s15+$0x19E10] =	vst v0  }
0x229: {  	v0 =	vld [tilespmem:s14+$0x20]  }
0x22a: {  	v1 =	vld [tilespmem:s14+$0xFFFFFFA0]  }
0x22b: {  	v2 =	vld [tilespmem:s14+$0xFFFFFF20]  }
0x22c: {  	v3 =	vld [tilespmem:s14+$0xA0];
	_ =	sdelay $0x4  }
0x22d: {  	v1 =	vmax.bf16 v2, v1;
	v0 =	vmax.bf16 v0, v3  }
0x22e: {  	v0 =	vmax.bf16 v1, v0  }
0x22f: {  	[tilespmem:s15+$0x19E20] =	vst v0  }
0x230: {  	v0 =	vld [tilespmem:s14+$0xFFFFFFB0]  }
0x231: {  	v1 =	vld [tilespmem:s14+$0x30]  }
0x232: {  	v2 =	vld [tilespmem:s14+$0xFFFFFF30]  }
0x233: {  	v3 =	vld [tilespmem:s14+$0xB0];
	_ =	sdelay $0x4  }
0x234: {  	v0 =	vmax.bf16 v2, v0;
	v1 =	vmax.bf16 v1, v3  }
0x235: {  	v0 =	vmax.bf16 v0, v1  }
0x236: {  	[tilespmem:s15+$0x19E30] =	vst v0  }
0x237: {  	v0 =	vld [tilespmem:s14+$0xC0]  }
0x238: {  	v1 =	vld [tilespmem:s14+$0xFFFFFFC0]  }
0x239: {  	v2 =	vld [tilespmem:s14+$0xFFFFFF40]  }
0x23a: {  	s17 =	simm.s32 $0x200;
	s16 =	simm.s32 $0x12600;
	v3 =	vld [tilespmem:s14+$0x40]  }
.LBB2_13:
0x23b: {  	_ = 	snop  }
0x23c: {  	p1 =	sne.s32 s17, $0x2C00  }
0x23d: {  	s14 =	sadd.s32 $0x200, s14;
	s18 =	smov.u32 s17;
	s17 =	sadd.s32 $0x200, s17  }
0x23e: {  	v1 =	vmax.bf16 v2, v1  }
0x23f: {  	v0 =	vmax.bf16 v3, v0  }
0x240: {  	v0 =	vmax.bf16 v1, v0  }
0x241: {  	[tilespmem:s15+$0x19E40] =	vst v0  }
0x242: {  	v0 =	vld [tilespmem:s16+$0xFFFFFF50]  }
0x243: {  	v1 =	vld [tilespmem:s16+$0xD0]  }
0x244: {  	v2 =	vld [tilespmem:s16+$0xFFFFFFD0]  }
0x245: {  	v3 =	vld [tilespmem:s16+$0x50];
	s16 =	smov.u32 s14;
	_ =	sdelay $0x3  }
0x246: {  	v0 =	vmax.bf16 v0, v2  }
0x247: {  	v1 =	vmax.bf16 v3, v1  }
0x248: {  	v0 =	vmax.bf16 v0, v1  }
0x249: {  	[tilespmem:s15+$0x19E50] =	vst v0  }
0x24a: {  	v0 =	vld [tilespmem:s14+$0xFFFFFF00]  }
0x24b: {  	v1 =	vld [tilespmem:s14+$0x80]  }
0x24c: {  	v2 =	vld [tilespmem:s14+$0x0]  }
0x24d: {  	v3 =	vld [tilespmem:s14+$0xFFFFFF80];
	_ =	sdelay $0x3  }
0x24e: {  	v1 =	vmax.bf16 v2, v1  }
0x24f: {  	v0 =	vmax.bf16 v0, v3  }
0x250: {  	s15 =	sshra.s32 s18, $0x2;
	v0 =	vmax.bf16 v0, v1  }
0x251: {  	[tilespmem:s15+$0x19E00] =	vst v0  }
0x252: {  	v0 =	vld [tilespmem:s14+$0x90]  }
0x253: {  	v1 =	vld [tilespmem:s14+$0xFFFFFF10]  }
0x254: {  	v2 =	vld [tilespmem:s14+$0x10]  }
0x255: {  	v3 =	vld [tilespmem:s14+$0xFFFFFF90];
	_ =	sdelay $0x3  }
0x256: {  	v0 =	vmax.bf16 v2, v0  }
0x257: {  	v1 =	vmax.bf16 v1, v3  }
0x258: {  	v0 =	vmax.bf16 v1, v0  }
0x259: {  	[tilespmem:s15+$0x19E10] =	vst v0  }
0x25a: {  	v0 =	vld [tilespmem:s14+$0x20]  }
0x25b: {  	v1 =	vld [tilespmem:s14+$0xFFFFFFA0]  }
0x25c: {  	v2 =	vld [tilespmem:s14+$0xFFFFFF20]  }
0x25d: {  	v3 =	vld [tilespmem:s14+$0xA0];
	_ =	sdelay $0x3  }
0x25e: {  	v1 =	vmax.bf16 v2, v1  }
0x25f: {  	v0 =	vmax.bf16 v0, v3  }
0x260: {  	v0 =	vmax.bf16 v1, v0  }
0x261: {  	[tilespmem:s15+$0x19E20] =	vst v0  }
0x262: {  	v0 =	vld [tilespmem:s14+$0xFFFFFFB0]  }
0x263: {  	v1 =	vld [tilespmem:s14+$0x30]  }
0x264: {  	v2 =	vld [tilespmem:s14+$0xFFFFFF30]  }
0x265: {  	v3 =	vld [tilespmem:s14+$0xB0];
	_ =	sdelay $0x3  }
0x266: {  	v0 =	vmax.bf16 v2, v0  }
0x267: {  	v1 =	vmax.bf16 v1, v3  }
0x268: {  	v0 =	vmax.bf16 v0, v1  }
.Ltmp5:
0x269: {  	[tilespmem:s15+$0x19E30] =	vst v0;
	(pc) =	sbr.rel @p1 .LBB2_13-.Ltmp5, $4  }
0x26a: {  	v0 =	vld [tilespmem:s14+$0xC0]  }
0x26b: {  	v1 =	vld [tilespmem:s14+$0xFFFFFFC0]  }
0x26c: {  	v2 =	vld [tilespmem:s14+$0xFFFFFF40]  }
0x26d: {  	v3 =	vld [tilespmem:s14+$0x40]  }
0x26e: {  	_ =	sdelay $0x3  }
0x26f: {  	v1 =	vmax.bf16 v2, v1;
	v0 =	vmax.bf16 v3, v0  }
0x270: {  	v0 =	vmax.bf16 v1, v0  }
0x271: {  	[tilespmem:s15+$0x19E40] =	vst v0  }
0x272: {  	v0 =	vld [tilespmem:s16+$0xFFFFFF50]  }
0x273: {  	v61 =	vld [tilespmem:s16+$0xD0]  }
0x274: {  	v62 =	vld [tilespmem:s16+$0xFFFFFFD0]  }
0x275: {  	v63 =	vld [tilespmem:s16+$0x50];
	_ =	sdelay $0x4  }
0x276: {  	v0 =	vmax.bf16 v0, v62;
	v1 =	vmax.bf16 v63, v61  }
0x277: {  	s12 =	sadd.s32 @!p0 $0x580, s12;
	v0 =	vmax.bf16 v0, v1  }
0x278: {  	s14 =	simm.s32 @!p0 $0x68;
	s11 =	sadd.s32 $0x1, s11;
	[tilespmem:s15+$0x19E50] =	vst v0;
	s15 =	simm.s32 @!p0 $0x12500  }
0x279: {  	[tilespmem:s15], [sflag:$0x6] =	stream.indirect.gather @!p0 [hbm4b:s2+s14], $0x80, s12, s14, $0xb8;
	[tilespmem:$0x1AD00] =	vst v63  }
0x27a: {  	p0 =	sne.s32 s11, $0xB  }
.Ltmp6:
0x27b: {  	_ = 	snop;
	(pc) =	sbr.rel @p0 .LBB2_2-.Ltmp6, $3  }
0x27c: {  	_ =	sdelay $0x1  }
0x27d: {  	s18 =	sadd.s32 $0x700, s13  }
0x27e: {  	[hbm4b:s18+s3] =	stream.linear.scatter [tilespmem:s30], [sflag:$0x9], $0x1880, $0x38;
	[tilespmem:$0x1AD00] =	vst v63  }
0x27f: {  	_ =	swait.ge [sflag:s31], $0x1880  }
0x280: {  	[sflag:s31] =	ssyncset.done $0x0  }
0x281: {  	s10 =	sadd.s32 $0x1, s10;
	[sflag:s31] =	ssyncadd.s32 $0xFFFFE780  }
0x282: {  	p0 =	sne.s32 s10, s7;
	_ =	swait.ge [sflag:s1], $0x1880  }
.Ltmp7:
0x283: {  	[sflag:s1] =	ssyncset.done $0x0;
	(pc) =	sbr.rel @p0 .LBB2_1-.Ltmp7, $4  }
0x284: {  	[sflag:s1] =	ssyncadd.s32 $0xFFFFE780  }
0x285: {  	_ =	swait.ge [sflag:s0], $0x1880  }
0x286: {  	[sflag:s0] =	ssyncset.done $0x0  }
0x287: {  	[sflag:s0] =	ssyncadd.s32 $0xFFFFE780  }
0x288: {  	_ =	sfence.sel $0x180000  }
0x289: {  	[bflag:$0x0] =	sbarrier.arrive $0xFFFF  }
0x28a: {  	_ =	strace $0x90000047  }
0x28b: {  	s0 =	stileid.u32;
	[bflag:$0x2] =	sbarrier.arrive $0xFFFF  }
0x28c: {  	p0 =	sne.s32 s0, $0x0;
	s0 =	rddreg [dreg:$0x2]  }
0x28d: {  	s0 =	sadd.s32 @!p0 $0x100000, s0  }
0x28e: {  	[sflag:s0] =	ssyncadd.tile.s32 @!p0 $0x1;
	_ =	shalt  }
.Lfunc_end2:
_tile_overlayer_lowered:
.L_overlay_start_2:
0x28f: {  	(tag) =	ssettag $0x2  }
0x290: {  	s0 =	rddreg [dreg:$0x0];
	s2 =	stileid.u32  }
0x291: {  	s1 =	rddreg [dreg:$0x1];
	p0 =	sne.s32 s2, $0x0  }
0x292: {  	s3 =	rddreg [dreg:$0x2];
	[bflag:$0x3] =	sbarrier.arrive $0xFFFF;
	s2 =	simm.s32 @!p0 $0x1C0A  }
0x293: {  	[timem:s3], [sflag:s2] =	dma.local @!p0 [hbm:s0], s1  }
0x294: {  	s0 =	simm.s32 @!p0 $0xA  }
0x295: {  	_ =	swait.ge @!p0 [sflag:s0], s1  }
0x296: {  	s1 =	ssub.s32 @!p0 $0x0, s1;
	[sflag:s0] =	ssyncset.done @!p0 $0x0  }
0x297: {  	[sflag:s0] =	ssyncadd.s32 @!p0 s1  }
0x298: {  	[bflag:$0x3] =	sbarrier.arrive $0xFFFF  }
0x299: {  	_ =	shalt  }

</sc_bundles>
